<compile_context>
chip_gen: v7x
topology: tpu7x:2x2x1
jax: 0.10.2.dev20260603
libtpu: 0.0.44.dev20260713+nightly
codegen_flags: <defaults>
</compile_context>

<pallas_src>
import functools

import jax
import jax.numpy as jnp
from jax import lax
from jax.experimental import pallas as pl
from jax.experimental.pallas import tpu as pltpu
from jax.experimental.pallas import tpu_sc as plsc

NC = 2
NS = 16
CH = 128
GRP = 16
NBANK = 2


def _sc_mesh():
    return plsc.VectorSubcoreMesh(
        core_axis_name="c", subcore_axis_name="s", num_cores=NC, num_subcores=NS
    )


def _make_deg_kernel(Npad, K):
    rpt = Npad // NS
    Ksc = K // NC

    @functools.partial(
        pl.kernel,
        out_type=jax.ShapeDtypeStruct((NC * Npad, 16), jnp.float32),
        mesh=_sc_mesh(),
        compiler_params=pltpu.CompilerParams(use_tc_tiling_on_sc=False),
        scratch_types=[
            pltpu.VMEM_SHARED((Npad, 16), jnp.float32),
            pltpu.VMEM((K, CH), jnp.int32),
            pltpu.VMEM((CH, 16), jnp.float32),
            pltpu.SemaphoreType.DMA,
        ],
    )
    def deg_kernel(dst_hbm, ones_hbm, zeros_hbm, out_hbm, acc_sh, dst_v, ones_v,
                   ssem):
        c = lax.axis_index("c")
        s = lax.axis_index("s")
        base = s * rpt
        pltpu.sync_copy(zeros_hbm.at[pl.ds(base, rpt)], acc_sh.at[pl.ds(base, rpt)])
        pltpu.sync_copy(dst_hbm.at[s], dst_v)
        pltpu.sync_copy(ones_hbm, ones_v)
        plsc.subcore_barrier()

        @plsc.parallel_loop(0, Ksc, unroll=4)
        def _(j):
            jj = c * Ksc + j
            pltpu.async_copy(ones_v, acc_sh.at[dst_v.at[jj]], ssem, add=True)

        def drain(j, carry):
            pltpu.make_async_copy(ones_v, acc_sh.at[dst_v.at[0]], ssem).wait()
            return carry

        lax.fori_loop(0, Ksc, drain, 0)
        plsc.subcore_barrier()
        pltpu.sync_copy(
            acc_sh.at[pl.ds(base, rpt)],
            out_hbm.at[pl.ds(c * Npad + base, rpt)],
        )

    return deg_kernel


def _make_prop_kernel(B, Npad, K):
    rpt = Npad // NS
    BPC = B // NC
    per_b = [(GRP * i, sz) for i, sz in enumerate(
        [GRP] * (K // GRP) + ([K % GRP] if K % GRP else []))]
    groups = [(b, off, sz) for b in range(BPC) for off, sz in per_b]
    NG = len(groups)

    @functools.partial(
        pl.kernel,
        out_type=jax.ShapeDtypeStruct((B * Npad, 16), jnp.float32),
        mesh=_sc_mesh(),
        compiler_params=pltpu.CompilerParams(use_tc_tiling_on_sc=False),
        scratch_types=[
            pltpu.VMEM_SHARED((BPC, Npad, 16), jnp.float32),
            pltpu.VMEM((BPC, K, CH), jnp.int32),
            pltpu.VMEM((K, CH), jnp.int32),
            pltpu.VMEM((NBANK * GRP, CH, 16), jnp.float32),
            pltpu.SemaphoreType.DMA,
            pltpu.SemaphoreType.DMA,
            pltpu.SemaphoreType.DMA,
        ],
    )
    def prop_kernel(g_hbm, src_hbm, dst_hbm, out_hbm,
                    acc_sh, src_v, dst_v, bufs, gsem, ssem, stsem):
        c = lax.axis_index("c")
        s = lax.axis_index("s")
        base = s * rpt

        for b in range(BPC):
            bb = c * BPC + b
            pltpu.async_copy(
                g_hbm.at[pl.ds(bb * Npad + base, rpt)],
                acc_sh.at[b].at[pl.ds(base, rpt)],
                stsem,
            )
            pltpu.async_copy(src_hbm.at[bb * NS + s], src_v.at[b], stsem)
        pltpu.async_copy(dst_hbm.at[s], dst_v, stsem)
        for b in range(BPC):
            pltpu.make_async_copy(
                g_hbm.at[pl.ds(base, rpt)], acc_sh.at[b].at[pl.ds(base, rpt)],
                stsem).wait()
            pltpu.make_async_copy(src_hbm.at[s], src_v.at[b], stsem).wait()
        pltpu.make_async_copy(dst_hbm.at[s], dst_v, stsem).wait()
        plsc.subcore_barrier()

        def fire_gathers(g, bank):
            b, off, sz = groups[g]

            @plsc.parallel_loop(0, sz, unroll=4)
            def _(i):
                pltpu.async_copy(g_hbm.at[src_v.at[b].at[off + i]],
                                 bufs.at[bank * GRP + i], gsem)

        def drain_gathers(n):
            def drain(i, carry):
                pltpu.make_async_copy(g_hbm.at[src_v.at[0].at[0]], bufs.at[0],
                                      gsem).wait()
                return carry
            lax.fori_loop(0, n, drain, 0)

        def fire_scatters(g, bank):
            b, off, sz = groups[g]

            @plsc.parallel_loop(0, sz, unroll=4)
            def _(i):
                pltpu.async_copy(bufs.at[bank * GRP + i],
                                 acc_sh.at[b].at[dst_v.at[off + i]],
                                 ssem, add=True)

        def drain_scatters(n):
            def drain(i, carry):
                pltpu.make_async_copy(bufs.at[0], acc_sh.at[0].at[dst_v.at[0]],
                                      ssem).wait()
                return carry
            lax.fori_loop(0, n, drain, 0)

        fire_gathers(0, 0)
        for g in range(NG):
            drain_gathers(groups[g][2])
            fire_scatters(g, g % NBANK)
            if g + 1 < NG:
                if g >= NBANK - 1:
                    drain_scatters(groups[g - NBANK + 1][2])
                fire_gathers(g + 1, (g + 1) % NBANK)
        for t in range(max(0, NG - NBANK), NG):
            drain_scatters(groups[t][2])

        plsc.subcore_barrier()

        for b in range(BPC):
            bb = c * BPC + b
            pltpu.async_copy(
                acc_sh.at[b].at[pl.ds(base, rpt)],
                out_hbm.at[pl.ds(bb * Npad + base, rpt)],
                stsem,
            )
        for b in range(BPC):
            pltpu.make_async_copy(
                acc_sh.at[b].at[pl.ds(base, rpt)],
                out_hbm.at[pl.ds(base, rpt)], stsem).wait()

    return prop_kernel


def _dinv_from_deg(deg_ref, N):
    d = deg_ref[...]
    return lax.rsqrt(d[0, :N, :] + d[1, :N, :] + 1.0)


def _tc_first(x, W1, degr, Npad):
    B, N, F = x.shape
    H = W1.shape[1]

    def body(x_ref, w_ref, deg_ref, o_ref):
        dinv = _dinv_from_deg(deg_ref, N)
        h = jnp.dot(x_ref[0], w_ref[...], preferred_element_type=jnp.float32)
        g = dinv * h
        o_ref[0] = jnp.concatenate(
            [g, jnp.zeros((Npad - N, H), jnp.float32)], axis=0)

    return pl.pallas_call(
        body,
        grid=(B,),
        in_specs=[
            pl.BlockSpec((1, N, F), lambda b: (b, 0, 0)),
            pl.BlockSpec((F, H), lambda b: (0, 0)),
            pl.BlockSpec((NC, Npad, H), lambda b: (0, 0, 0)),
        ],
        out_specs=pl.BlockSpec((1, Npad, H), lambda b: (b, 0, 0)),
        out_shape=jax.ShapeDtypeStruct((B, Npad, H), jnp.float32),
    )(x, W1, degr)


def _tc_mid(s1, degr, W2, b1r, N):
    B, Npad, H = s1.shape

    def body(s_ref, deg_ref, w_ref, b_ref, o_ref):
        dinv = _dinv_from_deg(deg_ref, N)
        x1 = jnp.maximum(dinv * s_ref[0, :N, :] + b_ref[...], 0.0)
        h2 = jnp.dot(x1, w_ref[...], preferred_element_type=jnp.float32)
        g = dinv * h2
        o_ref[0] = jnp.concatenate(
            [g, jnp.zeros((Npad - N, H), jnp.float32)], axis=0)

    return pl.pallas_call(
        body,
        grid=(B,),
        in_specs=[
            pl.BlockSpec((1, Npad, H), lambda b: (b, 0, 0)),
            pl.BlockSpec((NC, Npad, H), lambda b: (0, 0, 0)),
            pl.BlockSpec((H, H), lambda b: (0, 0)),
            pl.BlockSpec((1, H), lambda b: (0, 0)),
        ],
        out_specs=pl.BlockSpec((1, Npad, H), lambda b: (b, 0, 0)),
        out_shape=jax.ShapeDtypeStruct((B, Npad, H), jnp.float32),
    )(s1, degr, W2, b1r)


def _tc_final(s2, degr, b2r, Wfc, bfcr, cft, wc1t, bc1t, wc2r, bc2r, N):
    B, Npad, H = s2.shape
    CF, CN = cft.shape

    def body(s_ref, deg_ref, b2_ref, wfc_ref, bfc_ref,
             cft_ref, wc1t_ref, bc1t_ref, wc2r_ref, bc2_ref, o_ref):
        dinv = _dinv_from_deg(deg_ref, N)
        x2 = jnp.maximum(dinv * s_ref[0, :N, :] + b2_ref[...], 0.0)
        nl = jnp.dot(x2, wfc_ref[...],
                     preferred_element_type=jnp.float32)
        hct = jnp.maximum(
            jnp.dot(wc1t_ref[...], cft_ref[...],
                    preferred_element_type=jnp.float32) + bc1t_ref[...],
            0.0,
        )
        clt = jnp.dot(wc2r_ref[...], hct,
                      preferred_element_type=jnp.float32)
        o_ref[0] = (nl + bfc_ref[0, 0]) + (clt + bc2_ref[0, 0])

    return pl.pallas_call(
        body,
        grid=(B,),
        in_specs=[
            pl.BlockSpec((1, Npad, H), lambda b: (b, 0, 0)),
            pl.BlockSpec((NC, Npad, H), lambda b: (0, 0, 0)),
            pl.BlockSpec((1, H), lambda b: (0, 0)),
            pl.BlockSpec((H, 1), lambda b: (0, 0)),
            pl.BlockSpec((1, 1), lambda b: (0, 0)),
            pl.BlockSpec((CF, CN), lambda b: (0, 0)),
            pl.BlockSpec((16, CF), lambda b: (0, 0)),
            pl.BlockSpec((16, 1), lambda b: (0, 0)),
            pl.BlockSpec((1, 16), lambda b: (0, 0)),
            pl.BlockSpec((1, 1), lambda b: (0, 0)),
        ],
        out_specs=pl.BlockSpec((1, N, CN), lambda b: (b, 0, 0)),
        out_shape=jax.ShapeDtypeStruct((B, N, CN), jnp.float32),
    )(s2, degr, b2r, Wfc, bfcr, cft, wc1t, bc1t, wc2r, bc2r)


def kernel(node_features, col_features, edge_index, W1, b1, W2, b2,
           Wfc, bfc, Wc1, bc1, Wc2, bc2):
    B, N, F = node_features.shape
    E = edge_index.shape[1]
    H = W1.shape[1]

    K = -(-E // (NS * CH))
    if K % NC:
        K += 1
    Ep = NS * K * CH
    Npad = (NS * 8) * (-(-(N + 1) // (NS * 8)))

    src = edge_index[0]
    dst = edge_index[1]
    srcp = jnp.concatenate([src, jnp.zeros((Ep - E,), jnp.int32)])
    dstp = jnp.concatenate([dst, jnp.full((Ep - E,), N, jnp.int32)])
    dstp = dstp.reshape(NS, K, CH)
    offs = (jnp.arange(B, dtype=jnp.int32) * Npad)[:, None]
    src_all = (srcp[None, :] + offs).reshape(B * NS, K, CH)

    ones_in = jnp.ones((CH, 16), jnp.float32)
    zeros_in = jnp.zeros((Npad, 16), jnp.float32)

    deg_k = _make_deg_kernel(Npad, K)
    prop_k = _make_prop_kernel(B, Npad, K)

    degp = deg_k(dstp, ones_in, zeros_in)
    degr = degp.reshape(NC, Npad, 16)

    b1r = b1.reshape(1, H)
    b2r = b2.reshape(1, H)
    bfcr = bfc.reshape(1, 1)
    cft = col_features.T
    wc1t = Wc1.T
    bc1t = bc1.reshape(16, 1)
    wc2r = Wc2.reshape(1, 16)
    bc2r = bc2.reshape(1, 1)

    g1 = _tc_first(node_features, W1, degr, Npad)
    s1 = prop_k(g1.reshape(B * Npad, H), src_all, dstp)
    g2 = _tc_mid(s1.reshape(B, Npad, H), degr, W2, b1r, N)
    s2 = prop_k(g2.reshape(B * Npad, H), src_all, dstp)
    out = _tc_final(s2.reshape(B, Npad, H), degr, b2r, Wfc, bfcr,
                    cft, wc1t, bc1t, wc2r, bc2r, N)
    return out.reshape(B, -1)

# --- scband reference (transcript-rebuilt; emitter-appended) ---
"""Pipeline reference for scband-actor-network-65721589563930 (READ-ONLY COPY).

The authoritative reference and input builder live on the scoring server;
editing this copy changes nothing except your own understanding.
"""

import jax, jax.numpy as jnp
import numpy as np


def gcn_conv(x, edge_index, W, b):
    N = x.shape[0]
    loops = jnp.arange(N, dtype=edge_index.dtype)
    src = jnp.concatenate([edge_index[0], loops])
    dst = jnp.concatenate([edge_index[1], loops])
    deg = jnp.zeros((N,), dtype=x.dtype).at[dst].add(1.0)
    dinv = jnp.where(deg > 0, 1.0 / jnp.sqrt(deg), 0.0)
    norm = dinv[src] * dinv[dst]
    h = x @ W
    msg = h[src] * norm[:, None]
    out = jnp.zeros((N, h.shape[1]), dtype=x.dtype).at[dst].add(msg)
    return out + b


def setup_inputs(seed: int = 0):
    key = jax.random.key(seed)
    ks = jax.random.split(key, 16)
    B, N, F = 4, 12500, 128
    E = 150000
    C, CF = 64, 32
    H = 16
    inp = {}
    inp["node_features"] = jax.random.normal(ks[0], (B, N, F), dtype=jnp.float32)
    inp["col_features"] = jax.random.normal(ks[1], (C, CF), dtype=jnp.float32)
    inp["edge_index"] = jax.random.randint(ks[2], (2, E), 0, N, dtype=jnp.int32)
    inp["W1"] = jax.random.normal(ks[3], (F, H), dtype=jnp.float32) / np.sqrt(F)
    inp["b1"] = jnp.zeros((H,), dtype=jnp.float32)
    inp["W2"] = jax.random.normal(ks[4], (H, H), dtype=jnp.float32) / np.sqrt(H)
    inp["b2"] = jnp.zeros((H,), dtype=jnp.float32)
    inp["Wfc"] = jax.random.normal(ks[5], (H, 1), dtype=jnp.float32) / np.sqrt(H)
    inp["bfc"] = jnp.zeros((1,), dtype=jnp.float32)
    inp["Wc1"] = jax.random.normal(ks[6], (CF, 16), dtype=jnp.float32) / np.sqrt(CF)
    inp["bc1"] = jnp.zeros((16,), dtype=jnp.float32)
    inp["Wc2"] = jax.random.normal(ks[7], (16, 1), dtype=jnp.float32) / np.sqrt(16)
    inp["bc2"] = jnp.zeros((1,), dtype=jnp.float32)
    return inp


def reference(node_features, col_features, edge_index, W1, b1, W2, b2, Wfc, bfc, Wc1, bc1, Wc2, bc2):
    B, N, F = node_features.shape
    x = node_features.reshape(-1, F)
    offsets = (jnp.arange(B, dtype=edge_index.dtype) * N)[:, None, None]
    eib = edge_index[None, :, :] + offsets
    eib = jnp.transpose(eib, (1, 0, 2)).reshape(2, -1)
    x = jax.nn.relu(gcn_conv(x, eib, W1, b1))
    x = jax.nn.relu(gcn_conv(x, eib, W2, b2))
    x = x.reshape(B, N, -1)
    node_logits = (x @ Wfc + bfc)[..., 0]
    h = jax.nn.relu(col_features @ Wc1 + bc1)
    col_logits = (h @ Wc2 + bc2)[..., 0]
    joint = node_logits[:, :, None] + col_logits
    logits = joint.reshape(B, -1)
    return logits

if __name__ == "__main__":
    import jax
    _d = setup_inputs()
    print(jax.jit(kernel)(*tuple(_d.values())))

</pallas_src>

<mosaic_0001>
#map = affine_map<(d0, d1) -> (0, 0, 0)>
#map1 = affine_map<(d0, d1) -> (0, 0)>
module attributes {stable_mosaic.version = 14 : i64} {
  func.func @deg_kernel(%arg0: i32, %arg1: i32, %arg2: memref<16x74x128xi32, #tpu.memory_space<hbm>>, %arg3: memref<128x16xf32, #tpu.memory_space<hbm>>, %arg4: memref<12544x16xf32, #tpu.memory_space<hbm>>, %arg5: memref<25088x16xf32, #tpu.memory_space<hbm>>, %arg6: memref<12544x16xf32, #tpu.memory_space<vmem_shared>>, %arg7: memref<74x128xi32, #tpu.memory_space<vmem>>, %arg8: memref<128x16xf32, #tpu.memory_space<vmem>>, %arg9: memref<!tpu.dma_semaphore, #tpu.memory_space<semaphore_mem>>) attributes {dimension_semantics = [#tpu.dimension_semantics<core_parallel>, #tpu.dimension_semantics<subcore_parallel>], iteration_bounds = array<i64: 2, 16>, scalar_prefetch = 0 : i64, scratch_operands = 4 : i64, tpu.core_type = #tpu.core_type<sc_vector_subcore>, window_params = [{transform_indices = #map}, {transform_indices = #map1}, {transform_indices = #map1}, {transform_indices = #map1}]} {
    %mul3A = arith.constant 784 : i32
    %mul3A_0 = arith.muli %arg1, %mul3A : i32
    "tpu.region"() ({
      %run_scoped3A = tpu.sem_alloc : memref<!tpu.dma_semaphore, #tpu.memory_space<semaphore_mem>>
      %dma_start3A = arith.constant 0 : i32
      %dma_start3A_11 = tpu.memref_slice %arg6[%mul3A_0, %dma_start3A] : memref<12544x16xf32, #tpu.memory_space<vmem_shared>> -> memref<784x16xf32, #tpu.memory_space<vmem_shared>>
      %dma_start3A_12 = arith.constant 0 : i32
      %dma_start3A_13 = tpu.memref_slice %arg4[%mul3A_0, %dma_start3A_12] : memref<12544x16xf32, #tpu.memory_space<hbm>> -> memref<784x16xf32, #tpu.memory_space<hbm>>
      tpu.enqueue_dma source(%dma_start3A_13 : memref<784x16xf32, #tpu.memory_space<hbm>>) target(%dma_start3A_11 : memref<784x16xf32, #tpu.memory_space<vmem_shared>>) target_semaphore(%run_scoped3A : memref<!tpu.dma_semaphore, #tpu.memory_space<semaphore_mem>>)
      %dma_wait3A = arith.constant 0 : i32
      %dma_wait3A_14 = tpu.memref_slice %arg6[%mul3A_0, %dma_wait3A] : memref<12544x16xf32, #tpu.memory_space<vmem_shared>> -> memref<784x16xf32, #tpu.memory_space<vmem_shared>>
      %dma_wait3A_15 = arith.constant 0 : i32
      %dma_wait3A_16 = tpu.memref_slice %arg4[%mul3A_0, %dma_wait3A_15] : memref<12544x16xf32, #tpu.memory_space<hbm>> -> memref<784x16xf32, #tpu.memory_space<hbm>>
      tpu.wait_dma2 semaphore(%run_scoped3A : memref<!tpu.dma_semaphore, #tpu.memory_space<semaphore_mem>>) src(%dma_wait3A_16 : memref<784x16xf32, #tpu.memory_space<hbm>>) dst(%dma_wait3A_14 : memref<784x16xf32, #tpu.memory_space<vmem_shared>>)
      tpu.yield
    }) : () -> ()
    "tpu.region"() ({
      %run_scoped3A = tpu.sem_alloc : memref<!tpu.dma_semaphore, #tpu.memory_space<semaphore_mem>>
      %dma_start3A = arith.constant 0 : i32
      %dma_start3A_11 = arith.constant 0 : i32
      %dma_start3A_12 = tpu.memref_slice %arg2[%arg1, %dma_start3A, %dma_start3A_11] : memref<16x74x128xi32, #tpu.memory_space<hbm>> -> memref<1x74x128xi32, #tpu.memory_space<hbm>>
      %dma_start3A_13 = tpu.memref_squeeze %dma_start3A_12 : memref<1x74x128xi32, #tpu.memory_space<hbm>> -> memref<74x128xi32, #tpu.memory_space<hbm>>
      %dma_start3A_14 = arith.constant 0 : i32
      %dma_start3A_15 = arith.constant 0 : i32
      %dma_start3A_16 = tpu.memref_slice %arg2[%arg1, %dma_start3A_14, %dma_start3A_15] : memref<16x74x128xi32, #tpu.memory_space<hbm>> -> memref<1x74x128xi32, #tpu.memory_space<hbm>>
      %dma_start3A_17 = tpu.memref_squeeze %dma_start3A_16 : memref<1x74x128xi32, #tpu.memory_space<hbm>> -> memref<74x128xi32, #tpu.memory_space<hbm>>
      tpu.enqueue_dma source(%dma_start3A_17 : memref<74x128xi32, #tpu.memory_space<hbm>>) target(%arg7 : memref<74x128xi32, #tpu.memory_space<vmem>>) target_semaphore(%run_scoped3A : memref<!tpu.dma_semaphore, #tpu.memory_space<semaphore_mem>>)
      %dma_wait3A = arith.constant 0 : i32
      %dma_wait3A_18 = arith.constant 0 : i32
      %dma_wait3A_19 = tpu.memref_slice %arg2[%arg1, %dma_wait3A, %dma_wait3A_18] : memref<16x74x128xi32, #tpu.memory_space<hbm>> -> memref<1x74x128xi32, #tpu.memory_space<hbm>>
      %dma_wait3A_20 = tpu.memref_squeeze %dma_wait3A_19 : memref<1x74x128xi32, #tpu.memory_space<hbm>> -> memref<74x128xi32, #tpu.memory_space<hbm>>
      %dma_wait3A_21 = arith.constant 0 : i32
      %dma_wait3A_22 = arith.constant 0 : i32
      %dma_wait3A_23 = tpu.memref_slice %arg2[%arg1, %dma_wait3A_21, %dma_wait3A_22] : memref<16x74x128xi32, #tpu.memory_space<hbm>> -> memref<1x74x128xi32, #tpu.memory_space<hbm>>
      %dma_wait3A_24 = tpu.memref_squeeze %dma_wait3A_23 : memref<1x74x128xi32, #tpu.memory_space<hbm>> -> memref<74x128xi32, #tpu.memory_space<hbm>>
      tpu.wait_dma2 semaphore(%run_scoped3A : memref<!tpu.dma_semaphore, #tpu.memory_space<semaphore_mem>>) src(%dma_wait3A_24 : memref<74x128xi32, #tpu.memory_space<hbm>>) dst(%arg7 : memref<74x128xi32, #tpu.memory_space<vmem>>)
      tpu.yield
    }) : () -> ()
    "tpu.region"() ({
      %run_scoped3A = tpu.sem_alloc : memref<!tpu.dma_semaphore, #tpu.memory_space<semaphore_mem>>
      tpu.enqueue_dma source(%arg3 : memref<128x16xf32, #tpu.memory_space<hbm>>) target(%arg8 : memref<128x16xf32, #tpu.memory_space<vmem>>) target_semaphore(%run_scoped3A : memref<!tpu.dma_semaphore, #tpu.memory_space<semaphore_mem>>)
      tpu.wait_dma2 semaphore(%run_scoped3A : memref<!tpu.dma_semaphore, #tpu.memory_space<semaphore_mem>>) src(%arg3 : memref<128x16xf32, #tpu.memory_space<hbm>>) dst(%arg8 : memref<128x16xf32, #tpu.memory_space<vmem>>)
      tpu.yield
    }) : () -> ()
    %barrier3A = arith.constant 0 : index
    tpu.barrier barrier_id(%barrier3A)
    %parallel_loop3A = arith.constant 0 : i32
    %parallel_loop3A_1 = arith.constant 37 : i32
    %parallel_loop3A_2 = arith.constant 1 : i32
    scf.for %parallel_loop3A_11 = %parallel_loop3A to %parallel_loop3A_1 step %parallel_loop3A_2  : i32 {
      %parallel_loop3A_12 = arith.constant 37 : i32
      %parallel_loop3A_13 = arith.muli %arg0, %parallel_loop3A_12 : i32
      %parallel_loop3A_14 = arith.addi %parallel_loop3A_13, %parallel_loop3A_11 : i32
      %parallel_loop3A_15 = arith.constant 0 : i32
      %parallel_loop3A_16 = tpu.memref_slice %arg7[%parallel_loop3A_14, %parallel_loop3A_15] : memref<74x128xi32, #tpu.memory_space<vmem>> -> memref<1x128xi32, #tpu.memory_space<vmem>>
      %parallel_loop3A_17 = tpu.memref_squeeze %parallel_loop3A_16 : memref<1x128xi32, #tpu.memory_space<vmem>> -> memref<128xi32, #tpu.memory_space<vmem>>
      %parallel_loop3A_18 = arith.constant 0 : i32
      %parallel_loop3A_19 = arith.constant 0 : i32
      %parallel_loop3A_20 = tpu.memref_slice %arg6[%parallel_loop3A_18, %parallel_loop3A_19] : memref<12544x16xf32, #tpu.memory_space<vmem_shared>> -> memref<12544x16xf32, #tpu.memory_space<vmem_shared>>
      tpu.enqueue_indirect_dma source(%arg8 : memref<128x16xf32, #tpu.memory_space<vmem>>) target(%parallel_loop3A_20 : memref<12544x16xf32, #tpu.memory_space<vmem_shared>>) offsets(%parallel_loop3A_17 : memref<128xi32, #tpu.memory_space<vmem>>) semaphore(%arg9 : memref<!tpu.dma_semaphore, #tpu.memory_space<semaphore_mem>>) {add = true}
    } {sc.loop_unroll_factor = 4 : i64, sc.parallel_access}
    %scan3A = arith.constant 0 : i32
    %scan3A_3 = arith.constant 0 : i32
    %scan3A_4 = arith.constant 37 : i32
    %scan3A_5 = arith.addi %scan3A_3, %scan3A_4 : i32
    %scan3A_6 = arith.constant 1 : i32
    scf.for %scan3A_11 = %scan3A_3 to %scan3A_5 step %scan3A_6  : i32 {
      %dma_wait3A = arith.constant 0 : i32
      %dma_wait3A_12 = arith.constant 0 : i32
      %dma_wait3A_13 = tpu.memref_slice %arg7[%dma_wait3A, %dma_wait3A_12] : memref<74x128xi32, #tpu.memory_space<vmem>> -> memref<1x128xi32, #tpu.memory_space<vmem>>
      %dma_wait3A_14 = tpu.memref_squeeze %dma_wait3A_13 : memref<1x128xi32, #tpu.memory_space<vmem>> -> memref<128xi32, #tpu.memory_space<vmem>>
      %dma_wait3A_15 = arith.constant 0 : i32
      %dma_wait3A_16 = arith.constant 0 : i32
      %dma_wait3A_17 = tpu.memref_slice %arg6[%dma_wait3A_15, %dma_wait3A_16] : memref<12544x16xf32, #tpu.memory_space<vmem_shared>> -> memref<12544x16xf32, #tpu.memory_space<vmem_shared>>
      tpu.wait_indirect_dma semaphore(%arg9 : memref<!tpu.dma_semaphore, #tpu.memory_space<semaphore_mem>>) src(%arg8 : memref<128x16xf32, #tpu.memory_space<vmem>>) dst(%dma_wait3A_17 : memref<12544x16xf32, #tpu.memory_space<vmem_shared>>)
    }
    %scan3A_7 = arith.constant 37 : i32
    %barrier3A_8 = arith.constant 0 : index
    tpu.barrier barrier_id(%barrier3A_8)
    %mul3A_9 = arith.constant 12544 : i32
    %mul3A_10 = arith.muli %arg0, %mul3A_9 : i32
    %add3A = arith.addi %mul3A_10, %mul3A_0 : i32
    "tpu.region"() ({
      %run_scoped3A = tpu.sem_alloc : memref<!tpu.dma_semaphore, #tpu.memory_space<semaphore_mem>>
      %dma_start3A = arith.constant 0 : i32
      %dma_start3A_11 = tpu.memref_slice %arg5[%add3A, %dma_start3A] : memref<25088x16xf32, #tpu.memory_space<hbm>> -> memref<784x16xf32, #tpu.memory_space<hbm>>
      %dma_start3A_12 = arith.constant 0 : i32
      %dma_start3A_13 = tpu.memref_slice %arg6[%mul3A_0, %dma_start3A_12] : memref<12544x16xf32, #tpu.memory_space<vmem_shared>> -> memref<784x16xf32, #tpu.memory_space<vmem_shared>>
      tpu.enqueue_dma source(%dma_start3A_13 : memref<784x16xf32, #tpu.memory_space<vmem_shared>>) target(%dma_start3A_11 : memref<784x16xf32, #tpu.memory_space<hbm>>) target_semaphore(%run_scoped3A : memref<!tpu.dma_semaphore, #tpu.memory_space<semaphore_mem>>)
      %dma_wait3A = arith.constant 0 : i32
      %dma_wait3A_14 = tpu.memref_slice %arg5[%add3A, %dma_wait3A] : memref<25088x16xf32, #tpu.memory_space<hbm>> -> memref<784x16xf32, #tpu.memory_space<hbm>>
      %dma_wait3A_15 = arith.constant 0 : i32
      %dma_wait3A_16 = tpu.memref_slice %arg6[%mul3A_0, %dma_wait3A_15] : memref<12544x16xf32, #tpu.memory_space<vmem_shared>> -> memref<784x16xf32, #tpu.memory_space<vmem_shared>>
      tpu.wait_dma2 semaphore(%run_scoped3A : memref<!tpu.dma_semaphore, #tpu.memory_space<semaphore_mem>>) src(%dma_wait3A_16 : memref<784x16xf32, #tpu.memory_space<vmem_shared>>) dst(%dma_wait3A_14 : memref<784x16xf32, #tpu.memory_space<hbm>>)
      tpu.yield
    }) : () -> ()
    return
  }
}

#map = affine_map<(d0, d1) -> (0, 0)>
#map1 = affine_map<(d0, d1) -> (0, 0, 0)>
module attributes {stable_mosaic.version = 14 : i64} {
  func.func @prop_kernel(%arg0: i32, %arg1: i32, %arg2: memref<50176x16xf32, #tpu.memory_space<hbm>>, %arg3: memref<64x74x128xi32, #tpu.memory_space<hbm>>, %arg4: memref<16x74x128xi32, #tpu.memory_space<hbm>>, %arg5: memref<50176x16xf32, #tpu.memory_space<hbm>>, %arg6: memref<2x12544x16xf32, #tpu.memory_space<vmem_shared>>, %arg7: memref<2x74x128xi32, #tpu.memory_space<vmem>>, %arg8: memref<74x128xi32, #tpu.memory_space<vmem>>, %arg9: memref<32x128x16xf32, #tpu.memory_space<vmem>>, %arg10: memref<!tpu.dma_semaphore, #tpu.memory_space<semaphore_mem>>, %arg11: memref<!tpu.dma_semaphore, #tpu.memory_space<semaphore_mem>>, %arg12: memref<!tpu.dma_semaphore, #tpu.memory_space<semaphore_mem>>) attributes {dimension_semantics = [#tpu.dimension_semantics<core_parallel>, #tpu.dimension_semantics<subcore_parallel>], iteration_bounds = array<i64: 2, 16>, scalar_prefetch = 0 : i64, scratch_operands = 7 : i64, tpu.core_type = #tpu.core_type<sc_vector_subcore>, window_params = [{transform_indices = #map}, {transform_indices = #map1}, {transform_indices = #map1}, {transform_indices = #map}]} {
    %mul3A = arith.constant 784 : i32
    %mul3A_0 = arith.muli %arg1, %mul3A : i32
    %mul3A_1 = arith.constant 2 : i32
    %mul3A_2 = arith.muli %arg0, %mul3A_1 : i32
    %add3A = arith.constant 0 : i32
    %add3A_3 = arith.addi %mul3A_2, %add3A : i32
    %mul3A_4 = arith.constant 12544 : i32
    %mul3A_5 = arith.muli %add3A_3, %mul3A_4 : i32
    %add3A_6 = arith.addi %mul3A_5, %mul3A_0 : i32
    %dma_start3A = arith.constant 0 : i32
    %dma_start3A_7 = arith.constant 0 : i32
    %dma_start3A_8 = arith.constant 0 : i32
    %dma_start3A_9 = tpu.memref_slice %arg6[%dma_start3A, %dma_start3A_7, %dma_start3A_8] : memref<2x12544x16xf32, #tpu.memory_space<vmem_shared>> -> memref<1x12544x16xf32, #tpu.memory_space<vmem_shared>>
    %dma_start3A_10 = tpu.memref_squeeze %dma_start3A_9 : memref<1x12544x16xf32, #tpu.memory_space<vmem_shared>> -> memref<12544x16xf32, #tpu.memory_space<vmem_shared>>
    %dma_start3A_11 = arith.constant 0 : i32
    %dma_start3A_12 = tpu.memref_slice %dma_start3A_10[%mul3A_0, %dma_start3A_11] : memref<12544x16xf32, #tpu.memory_space<vmem_shared>> -> memref<784x16xf32, #tpu.memory_space<vmem_shared>>
    %dma_start3A_13 = arith.constant 0 : i32
    %dma_start3A_14 = tpu.memref_slice %arg2[%add3A_6, %dma_start3A_13] : memref<50176x16xf32, #tpu.memory_space<hbm>> -> memref<784x16xf32, #tpu.memory_space<hbm>>
    tpu.enqueue_dma source(%dma_start3A_14 : memref<784x16xf32, #tpu.memory_space<hbm>>) target(%dma_start3A_12 : memref<784x16xf32, #tpu.memory_space<vmem_shared>>) target_semaphore(%arg12 : memref<!tpu.dma_semaphore, #tpu.memory_space<semaphore_mem>>)
    %mul3A_15 = arith.constant 16 : i32
    %mul3A_16 = arith.muli %add3A_3, %mul3A_15 : i32
    %add3A_17 = arith.addi %mul3A_16, %arg1 : i32
    %dma_start3A_18 = arith.constant 0 : i32
    %dma_start3A_19 = arith.constant 0 : i32
    %dma_start3A_20 = arith.constant 0 : i32
    %dma_start3A_21 = tpu.memref_slice %arg7[%dma_start3A_18, %dma_start3A_19, %dma_start3A_20] : memref<2x74x128xi32, #tpu.memory_space<vmem>> -> memref<1x74x128xi32, #tpu.memory_space<vmem>>
    %dma_start3A_22 = tpu.memref_squeeze %dma_start3A_21 : memref<1x74x128xi32, #tpu.memory_space<vmem>> -> memref<74x128xi32, #tpu.memory_space<vmem>>
    %dma_start3A_23 = arith.constant 0 : i32
    %dma_start3A_24 = arith.constant 0 : i32
    %dma_start3A_25 = tpu.memref_slice %arg3[%add3A_17, %dma_start3A_23, %dma_start3A_24] : memref<64x74x128xi32, #tpu.memory_space<hbm>> -> memref<1x74x128xi32, #tpu.memory_space<hbm>>
    %dma_start3A_26 = tpu.memref_squeeze %dma_start3A_25 : memref<1x74x128xi32, #tpu.memory_space<hbm>> -> memref<74x128xi32, #tpu.memory_space<hbm>>
    %dma_start3A_27 = arith.constant 0 : i32
    %dma_start3A_28 = arith.constant 0 : i32
    %dma_start3A_29 = tpu.memref_slice %arg7[%dma_start3A_18, %dma_start3A_27, %dma_start3A_28] : memref<2x74x128xi32, #tpu.memory_space<vmem>> -> memref<1x74x128xi32, #tpu.memory_space<vmem>>
    %dma_start3A_30 = tpu.memref_squeeze %dma_start3A_29 : memref<1x74x128xi32, #tpu.memory_space<vmem>> -> memref<74x128xi32, #tpu.memory_space<vmem>>
    %dma_start3A_31 = arith.constant 0 : i32
    %dma_start3A_32 = arith.constant 0 : i32
    %dma_start3A_33 = tpu.memref_slice %arg3[%add3A_17, %dma_start3A_31, %dma_start3A_32] : memref<64x74x128xi32, #tpu.memory_space<hbm>> -> memref<1x74x128xi32, #tpu.memory_space<hbm>>
    %dma_start3A_34 = tpu.memref_squeeze %dma_start3A_33 : memref<1x74x128xi32, #tpu.memory_space<hbm>> -> memref<74x128xi32, #tpu.memory_space<hbm>>
    tpu.enqueue_dma source(%dma_start3A_34 : memref<74x128xi32, #tpu.memory_space<hbm>>) target(%dma_start3A_30 : memref<74x128xi32, #tpu.memory_space<vmem>>) target_semaphore(%arg12 : memref<!tpu.dma_semaphore, #tpu.memory_space<semaphore_mem>>)
    %mul3A_35 = arith.constant 2 : i32
    %mul3A_36 = arith.muli %arg0, %mul3A_35 : i32
    %add3A_37 = arith.constant 1 : i32
    %add3A_38 = arith.addi %mul3A_36, %add3A_37 : i32
    %mul3A_39 = arith.constant 12544 : i32
    %mul3A_40 = arith.muli %add3A_38, %mul3A_39 : i32
    %add3A_41 = arith.addi %mul3A_40, %mul3A_0 : i32
    %dma_start3A_42 = arith.constant 1 : i32
    %dma_start3A_43 = arith.constant 0 : i32
    %dma_start3A_44 = arith.constant 0 : i32
    %dma_start3A_45 = tpu.memref_slice %arg6[%dma_start3A_42, %dma_start3A_43, %dma_start3A_44] : memref<2x12544x16xf32, #tpu.memory_space<vmem_shared>> -> memref<1x12544x16xf32, #tpu.memory_space<vmem_shared>>
    %dma_start3A_46 = tpu.memref_squeeze %dma_start3A_45 : memref<1x12544x16xf32, #tpu.memory_space<vmem_shared>> -> memref<12544x16xf32, #tpu.memory_space<vmem_shared>>
    %dma_start3A_47 = arith.constant 0 : i32
    %dma_start3A_48 = tpu.memref_slice %dma_start3A_46[%mul3A_0, %dma_start3A_47] : memref<12544x16xf32, #tpu.memory_space<vmem_shared>> -> memref<784x16xf32, #tpu.memory_space<vmem_shared>>
    %dma_start3A_49 = arith.constant 0 : i32
    %dma_start3A_50 = tpu.memref_slice %arg2[%add3A_41, %dma_start3A_49] : memref<50176x16xf32, #tpu.memory_space<hbm>> -> memref<784x16xf32, #tpu.memory_space<hbm>>
    tpu.enqueue_dma source(%dma_start3A_50 : memref<784x16xf32, #tpu.memory_space<hbm>>) target(%dma_start3A_48 : memref<784x16xf32, #tpu.memory_space<vmem_shared>>) target_semaphore(%arg12 : memref<!tpu.dma_semaphore, #tpu.memory_space<semaphore_mem>>)
    %mul3A_51 = arith.constant 16 : i32
    %mul3A_52 = arith.muli %add3A_38, %mul3A_51 : i32
    %add3A_53 = arith.addi %mul3A_52, %arg1 : i32
    %dma_start3A_54 = arith.constant 1 : i32
    %dma_start3A_55 = arith.constant 0 : i32
    %dma_start3A_56 = arith.constant 0 : i32
    %dma_start3A_57 = tpu.memref_slice %arg7[%dma_start3A_54, %dma_start3A_55, %dma_start3A_56] : memref<2x74x128xi32, #tpu.memory_space<vmem>> -> memref<1x74x128xi32, #tpu.memory_space<vmem>>
    %dma_start3A_58 = tpu.memref_squeeze %dma_start3A_57 : memref<1x74x128xi32, #tpu.memory_space<vmem>> -> memref<74x128xi32, #tpu.memory_space<vmem>>
    %dma_start3A_59 = arith.constant 0 : i32
    %dma_start3A_60 = arith.constant 0 : i32
    %dma_start3A_61 = tpu.memref_slice %arg3[%add3A_53, %dma_start3A_59, %dma_start3A_60] : memref<64x74x128xi32, #tpu.memory_space<hbm>> -> memref<1x74x128xi32, #tpu.memory_space<hbm>>
    %dma_start3A_62 = tpu.memref_squeeze %dma_start3A_61 : memref<1x74x128xi32, #tpu.memory_space<hbm>> -> memref<74x128xi32, #tpu.memory_space<hbm>>
    %dma_start3A_63 = arith.constant 0 : i32
    %dma_start3A_64 = arith.constant 0 : i32
    %dma_start3A_65 = tpu.memref_slice %arg7[%dma_start3A_54, %dma_start3A_63, %dma_start3A_64] : memref<2x74x128xi32, #tpu.memory_space<vmem>> -> memref<1x74x128xi32, #tpu.memory_space<vmem>>
    %dma_start3A_66 = tpu.memref_squeeze %dma_start3A_65 : memref<1x74x128xi32, #tpu.memory_space<vmem>> -> memref<74x128xi32, #tpu.memory_space<vmem>>
    %dma_start3A_67 = arith.constant 0 : i32
    %dma_start3A_68 = arith.constant 0 : i32
    %dma_start3A_69 = tpu.memref_slice %arg3[%add3A_53, %dma_start3A_67, %dma_start3A_68] : memref<64x74x128xi32, #tpu.memory_space<hbm>> -> memref<1x74x128xi32, #tpu.memory_space<hbm>>
    %dma_start3A_70 = tpu.memref_squeeze %dma_start3A_69 : memref<1x74x128xi32, #tpu.memory_space<hbm>> -> memref<74x128xi32, #tpu.memory_space<hbm>>
    tpu.enqueue_dma source(%dma_start3A_70 : memref<74x128xi32, #tpu.memory_space<hbm>>) target(%dma_start3A_66 : memref<74x128xi32, #tpu.memory_space<vmem>>) target_semaphore(%arg12 : memref<!tpu.dma_semaphore, #tpu.memory_space<semaphore_mem>>)
    %dma_start3A_71 = arith.constant 0 : i32
    %dma_start3A_72 = arith.constant 0 : i32
    %dma_start3A_73 = tpu.memref_slice %arg4[%arg1, %dma_start3A_71, %dma_start3A_72] : memref<16x74x128xi32, #tpu.memory_space<hbm>> -> memref<1x74x128xi32, #tpu.memory_space<hbm>>
    %dma_start3A_74 = tpu.memref_squeeze %dma_start3A_73 : memref<1x74x128xi32, #tpu.memory_space<hbm>> -> memref<74x128xi32, #tpu.memory_space<hbm>>
    %dma_start3A_75 = arith.constant 0 : i32
    %dma_start3A_76 = arith.constant 0 : i32
    %dma_start3A_77 = tpu.memref_slice %arg4[%arg1, %dma_start3A_75, %dma_start3A_76] : memref<16x74x128xi32, #tpu.memory_space<hbm>> -> memref<1x74x128xi32, #tpu.memory_space<hbm>>
    %dma_start3A_78 = tpu.memref_squeeze %dma_start3A_77 : memref<1x74x128xi32, #tpu.memory_space<hbm>> -> memref<74x128xi32, #tpu.memory_space<hbm>>
    tpu.enqueue_dma source(%dma_start3A_78 : memref<74x128xi32, #tpu.memory_space<hbm>>) target(%arg8 : memref<74x128xi32, #tpu.memory_space<vmem>>) target_semaphore(%arg12 : memref<!tpu.dma_semaphore, #tpu.memory_space<semaphore_mem>>)
    %dma_wait3A = arith.constant 0 : i32
    %dma_wait3A_79 = arith.constant 0 : i32
    %dma_wait3A_80 = arith.constant 0 : i32
    %dma_wait3A_81 = tpu.memref_slice %arg6[%dma_wait3A, %dma_wait3A_79, %dma_wait3A_80] : memref<2x12544x16xf32, #tpu.memory_space<vmem_shared>> -> memref<1x12544x16xf32, #tpu.memory_space<vmem_shared>>
    %dma_wait3A_82 = tpu.memref_squeeze %dma_wait3A_81 : memref<1x12544x16xf32, #tpu.memory_space<vmem_shared>> -> memref<12544x16xf32, #tpu.memory_space<vmem_shared>>
    %dma_wait3A_83 = arith.constant 0 : i32
    %dma_wait3A_84 = tpu.memref_slice %dma_wait3A_82[%mul3A_0, %dma_wait3A_83] : memref<12544x16xf32, #tpu.memory_space<vmem_shared>> -> memref<784x16xf32, #tpu.memory_space<vmem_shared>>
    %dma_wait3A_85 = arith.constant 0 : i32
    %dma_wait3A_86 = tpu.memref_slice %arg2[%mul3A_0, %dma_wait3A_85] : memref<50176x16xf32, #tpu.memory_space<hbm>> -> memref<784x16xf32, #tpu.memory_space<hbm>>
    tpu.wait_dma2 semaphore(%arg12 : memref<!tpu.dma_semaphore, #tpu.memory_space<semaphore_mem>>) src(%dma_wait3A_86 : memref<784x16xf32, #tpu.memory_space<hbm>>) dst(%dma_wait3A_84 : memref<784x16xf32, #tpu.memory_space<vmem_shared>>)
    %dma_wait3A_87 = arith.constant 0 : i32
    %dma_wait3A_88 = arith.constant 0 : i32
    %dma_wait3A_89 = arith.constant 0 : i32
    %dma_wait3A_90 = tpu.memref_slice %arg7[%dma_wait3A_87, %dma_wait3A_88, %dma_wait3A_89] : memref<2x74x128xi32, #tpu.memory_space<vmem>> -> memref<1x74x128xi32, #tpu.memory_space<vmem>>
    %dma_wait3A_91 = tpu.memref_squeeze %dma_wait3A_90 : memref<1x74x128xi32, #tpu.memory_space<vmem>> -> memref<74x128xi32, #tpu.memory_space<vmem>>
    %dma_wait3A_92 = arith.constant 0 : i32
    %dma_wait3A_93 = arith.constant 0 : i32
    %dma_wait3A_94 = tpu.memref_slice %arg3[%arg1, %dma_wait3A_92, %dma_wait3A_93] : memref<64x74x128xi32, #tpu.memory_space<hbm>> -> memref<1x74x128xi32, #tpu.memory_space<hbm>>
    %dma_wait3A_95 = tpu.memref_squeeze %dma_wait3A_94 : memref<1x74x128xi32, #tpu.memory_space<hbm>> -> memref<74x128xi32, #tpu.memory_space<hbm>>
    %dma_wait3A_96 = arith.constant 0 : i32
    %dma_wait3A_97 = arith.constant 0 : i32
    %dma_wait3A_98 = tpu.memref_slice %arg7[%dma_wait3A_87, %dma_wait3A_96, %dma_wait3A_97] : memref<2x74x128xi32, #tpu.memory_space<vmem>> -> memref<1x74x128xi32, #tpu.memory_space<vmem>>
    %dma_wait3A_99 = tpu.memref_squeeze %dma_wait3A_98 : memref<1x74x128xi32, #tpu.memory_space<vmem>> -> memref<74x128xi32, #tpu.memory_space<vmem>>
    %dma_wait3A_100 = arith.constant 0 : i32
    %dma_wait3A_101 = arith.constant 0 : i32
    %dma_wait3A_102 = tpu.memref_slice %arg3[%arg1, %dma_wait3A_100, %dma_wait3A_101] : memref<64x74x128xi32, #tpu.memory_space<hbm>> -> memref<1x74x128xi32, #tpu.memory_space<hbm>>
    %dma_wait3A_103 = tpu.memref_squeeze %dma_wait3A_102 : memref<1x74x128xi32, #tpu.memory_space<hbm>> -> memref<74x128xi32, #tpu.memory_space<hbm>>
    tpu.wait_dma2 semaphore(%arg12 : memref<!tpu.dma_semaphore, #tpu.memory_space<semaphore_mem>>) src(%dma_wait3A_103 : memref<74x128xi32, #tpu.memory_space<hbm>>) dst(%dma_wait3A_99 : memref<74x128xi32, #tpu.memory_space<vmem>>)
    %dma_wait3A_104 = arith.constant 1 : i32
    %dma_wait3A_105 = arith.constant 0 : i32
    %dma_wait3A_106 = arith.constant 0 : i32
    %dma_wait3A_107 = tpu.memref_slice %arg6[%dma_wait3A_104, %dma_wait3A_105, %dma_wait3A_106] : memref<2x12544x16xf32, #tpu.memory_space<vmem_shared>> -> memref<1x12544x16xf32, #tpu.memory_space<vmem_shared>>
    %dma_wait3A_108 = tpu.memref_squeeze %dma_wait3A_107 : memref<1x12544x16xf32, #tpu.memory_space<vmem_shared>> -> memref<12544x16xf32, #tpu.memory_space<vmem_shared>>
    %dma_wait3A_109 = arith.constant 0 : i32
    %dma_wait3A_110 = tpu.memref_slice %dma_wait3A_108[%mul3A_0, %dma_wait3A_109] : memref<12544x16xf32, #tpu.memory_space<vmem_shared>> -> memref<784x16xf32, #tpu.memory_space<vmem_shared>>
    %dma_wait3A_111 = arith.constant 0 : i32
    %dma_wait3A_112 = tpu.memref_slice %arg2[%mul3A_0, %dma_wait3A_111] : memref<50176x16xf32, #tpu.memory_space<hbm>> -> memref<784x16xf32, #tpu.memory_space<hbm>>
    tpu.wait_dma2 semaphore(%arg12 : memref<!tpu.dma_semaphore, #tpu.memory_space<semaphore_mem>>) src(%dma_wait3A_112 : memref<784x16xf32, #tpu.memory_space<hbm>>) dst(%dma_wait3A_110 : memref<784x16xf32, #tpu.memory_space<vmem_shared>>)
    %dma_wait3A_113 = arith.constant 1 : i32
    %dma_wait3A_114 = arith.constant 0 : i32
    %dma_wait3A_115 = arith.constant 0 : i32
    %dma_wait3A_116 = tpu.memref_slice %arg7[%dma_wait3A_113, %dma_wait3A_114, %dma_wait3A_115] : memref<2x74x128xi32, #tpu.memory_space<vmem>> -> memref<1x74x128xi32, #tpu.memory_space<vmem>>
    %dma_wait3A_117 = tpu.memref_squeeze %dma_wait3A_116 : memref<1x74x128xi32, #tpu.memory_space<vmem>> -> memref<74x128xi32, #tpu.memory_space<vmem>>
    %dma_wait3A_118 = arith.constant 0 : i32
    %dma_wait3A_119 = arith.constant 0 : i32
    %dma_wait3A_120 = tpu.memref_slice %arg3[%arg1, %dma_wait3A_118, %dma_wait3A_119] : memref<64x74x128xi32, #tpu.memory_space<hbm>> -> memref<1x74x128xi32, #tpu.memory_space<hbm>>
    %dma_wait3A_121 = tpu.memref_squeeze %dma_wait3A_120 : memref<1x74x128xi32, #tpu.memory_space<hbm>> -> memref<74x128xi32, #tpu.memory_space<hbm>>
    %dma_wait3A_122 = arith.constant 0 : i32
    %dma_wait3A_123 = arith.constant 0 : i32
    %dma_wait3A_124 = tpu.memref_slice %arg7[%dma_wait3A_113, %dma_wait3A_122, %dma_wait3A_123] : memref<2x74x128xi32, #tpu.memory_space<vmem>> -> memref<1x74x128xi32, #tpu.memory_space<vmem>>
    %dma_wait3A_125 = tpu.memref_squeeze %dma_wait3A_124 : memref<1x74x128xi32, #tpu.memory_space<vmem>> -> memref<74x128xi32, #tpu.memory_space<vmem>>
    %dma_wait3A_126 = arith.constant 0 : i32
    %dma_wait3A_127 = arith.constant 0 : i32
    %dma_wait3A_128 = tpu.memref_slice %arg3[%arg1, %dma_wait3A_126, %dma_wait3A_127] : memref<64x74x128xi32, #tpu.memory_space<hbm>> -> memref<1x74x128xi32, #tpu.memory_space<hbm>>
    %dma_wait3A_129 = tpu.memref_squeeze %dma_wait3A_128 : memref<1x74x128xi32, #tpu.memory_space<hbm>> -> memref<74x128xi32, #tpu.memory_space<hbm>>
    tpu.wait_dma2 semaphore(%arg12 : memref<!tpu.dma_semaphore, #tpu.memory_space<semaphore_mem>>) src(%dma_wait3A_129 : memref<74x128xi32, #tpu.memory_space<hbm>>) dst(%dma_wait3A_125 : memref<74x128xi32, #tpu.memory_space<vmem>>)
    %dma_wait3A_130 = arith.constant 0 : i32
    %dma_wait3A_131 = arith.constant 0 : i32
    %dma_wait3A_132 = tpu.memref_slice %arg4[%arg1, %dma_wait3A_130, %dma_wait3A_131] : memref<16x74x128xi32, #tpu.memory_space<hbm>> -> memref<1x74x128xi32, #tpu.memory_space<hbm>>
    %dma_wait3A_133 = tpu.memref_squeeze %dma_wait3A_132 : memref<1x74x128xi32, #tpu.memory_space<hbm>> -> memref<74x128xi32, #tpu.memory_space<hbm>>
    %dma_wait3A_134 = arith.constant 0 : i32
    %dma_wait3A_135 = arith.constant 0 : i32
    %dma_wait3A_136 = tpu.memref_slice %arg4[%arg1, %dma_wait3A_134, %dma_wait3A_135] : memref<16x74x128xi32, #tpu.memory_space<hbm>> -> memref<1x74x128xi32, #tpu.memory_space<hbm>>
    %dma_wait3A_137 = tpu.memref_squeeze %dma_wait3A_136 : memref<1x74x128xi32, #tpu.memory_space<hbm>> -> memref<74x128xi32, #tpu.memory_space<hbm>>
    tpu.wait_dma2 semaphore(%arg12 : memref<!tpu.dma_semaphore, #tpu.memory_space<semaphore_mem>>) src(%dma_wait3A_137 : memref<74x128xi32, #tpu.memory_space<hbm>>) dst(%arg8 : memref<74x128xi32, #tpu.memory_space<vmem>>)
    %barrier3A = arith.constant 0 : index
    tpu.barrier barrier_id(%barrier3A)
    %parallel_loop3A = arith.constant 0 : i32
    %parallel_loop3A_138 = arith.constant 16 : i32
    %parallel_loop3A_139 = arith.constant 1 : i32
    scf.for %parallel_loop3A_367 = %parallel_loop3A to %parallel_loop3A_138 step %parallel_loop3A_139  : i32 {
      %parallel_loop3A_368 = arith.constant 0 : i32
      %parallel_loop3A_369 = arith.addi %parallel_loop3A_368, %parallel_loop3A_367 : i32
      %parallel_loop3A_370 = arith.constant 0 : i32
      %parallel_loop3A_371 = arith.addi %parallel_loop3A_370, %parallel_loop3A_367 : i32
      %parallel_loop3A_372 = arith.constant 0 : i32
      %parallel_loop3A_373 = arith.constant 0 : i32
      %parallel_loop3A_374 = arith.constant 0 : i32
      %parallel_loop3A_375 = tpu.memref_slice %arg9[%parallel_loop3A_371, %parallel_loop3A_373, %parallel_loop3A_374] : memref<32x128x16xf32, #tpu.memory_space<vmem>> -> memref<1x128x16xf32, #tpu.memory_space<vmem>>
      %parallel_loop3A_376 = tpu.memref_squeeze %parallel_loop3A_375 : memref<1x128x16xf32, #tpu.memory_space<vmem>> -> memref<128x16xf32, #tpu.memory_space<vmem>>
      %parallel_loop3A_377 = arith.constant 0 : i32
      %parallel_loop3A_378 = arith.constant 0 : i32
      %parallel_loop3A_379 = tpu.memref_slice %arg7[%parallel_loop3A_372, %parallel_loop3A_377, %parallel_loop3A_378] : memref<2x74x128xi32, #tpu.memory_space<vmem>> -> memref<1x74x128xi32, #tpu.memory_space<vmem>>
      %parallel_loop3A_380 = tpu.memref_squeeze %parallel_loop3A_379 : memref<1x74x128xi32, #tpu.memory_space<vmem>> -> memref<74x128xi32, #tpu.memory_space<vmem>>
      %parallel_loop3A_381 = arith.constant 0 : i32
      %parallel_loop3A_382 = tpu.memref_slice %parallel_loop3A_380[%parallel_loop3A_369, %parallel_loop3A_381] : memref<74x128xi32, #tpu.memory_space<vmem>> -> memref<1x128xi32, #tpu.memory_space<vmem>>
      %parallel_loop3A_383 = tpu.memref_squeeze %parallel_loop3A_382 : memref<1x128xi32, #tpu.memory_space<vmem>> -> memref<128xi32, #tpu.memory_space<vmem>>
      %parallel_loop3A_384 = arith.constant 0 : i32
      %parallel_loop3A_385 = arith.constant 0 : i32
      %parallel_loop3A_386 = tpu.memref_slice %arg2[%parallel_loop3A_384, %parallel_loop3A_385] : memref<50176x16xf32, #tpu.memory_space<hbm>> -> memref<50176x16xf32, #tpu.memory_space<hbm>>
      tpu.enqueue_indirect_dma source(%parallel_loop3A_386 : memref<50176x16xf32, #tpu.memory_space<hbm>>) target(%parallel_loop3A_376 : memref<128x16xf32, #tpu.memory_space<vmem>>) offsets(%parallel_loop3A_383 : memref<128xi32, #tpu.memory_space<vmem>>) semaphore(%arg10 : memref<!tpu.dma_semaphore, #tpu.memory_space<semaphore_mem>>)
    } {sc.loop_unroll_factor = 4 : i64, sc.parallel_access}
    %scan3A = arith.constant 0 : i32
    %scan3A_140 = arith.constant 0 : i32
    %scan3A_141 = arith.constant 16 : i32
    %scan3A_142 = arith.addi %scan3A_140, %scan3A_141 : i32
    %scan3A_143 = arith.constant 1 : i32
    scf.for %scan3A_367 = %scan3A_140 to %scan3A_142 step %scan3A_143  : i32 {
      %dma_wait3A_368 = arith.constant 0 : i32
      %dma_wait3A_369 = arith.constant 0 : i32
      %dma_wait3A_370 = arith.constant 0 : i32
      %dma_wait3A_371 = arith.constant 0 : i32
      %dma_wait3A_372 = arith.constant 0 : i32
      %dma_wait3A_373 = tpu.memref_slice %arg9[%dma_wait3A_370, %dma_wait3A_371, %dma_wait3A_372] : memref<32x128x16xf32, #tpu.memory_space<vmem>> -> memref<1x128x16xf32, #tpu.memory_space<vmem>>
      %dma_wait3A_374 = tpu.memref_squeeze %dma_wait3A_373 : memref<1x128x16xf32, #tpu.memory_space<vmem>> -> memref<128x16xf32, #tpu.memory_space<vmem>>
      %dma_wait3A_375 = arith.constant 0 : i32
      %dma_wait3A_376 = arith.constant 0 : i32
      %dma_wait3A_377 = tpu.memref_slice %arg7[%dma_wait3A_368, %dma_wait3A_375, %dma_wait3A_376] : memref<2x74x128xi32, #tpu.memory_space<vmem>> -> memref<1x74x128xi32, #tpu.memory_space<vmem>>
      %dma_wait3A_378 = tpu.memref_squeeze %dma_wait3A_377 : memref<1x74x128xi32, #tpu.memory_space<vmem>> -> memref<74x128xi32, #tpu.memory_space<vmem>>
      %dma_wait3A_379 = arith.constant 0 : i32
      %dma_wait3A_380 = tpu.memref_slice %dma_wait3A_378[%dma_wait3A_369, %dma_wait3A_379] : memref<74x128xi32, #tpu.memory_space<vmem>> -> memref<1x128xi32, #tpu.memory_space<vmem>>
      %dma_wait3A_381 = tpu.memref_squeeze %dma_wait3A_380 : memref<1x128xi32, #tpu.memory_space<vmem>> -> memref<128xi32, #tpu.memory_space<vmem>>
      %dma_wait3A_382 = arith.constant 0 : i32
      %dma_wait3A_383 = arith.constant 0 : i32
      %dma_wait3A_384 = tpu.memref_slice %arg2[%dma_wait3A_382, %dma_wait3A_383] : memref<50176x16xf32, #tpu.memory_space<hbm>> -> memref<50176x16xf32, #tpu.memory_space<hbm>>
      tpu.wait_indirect_dma semaphore(%arg10 : memref<!tpu.dma_semaphore, #tpu.memory_space<semaphore_mem>>) src(%dma_wait3A_384 : memref<50176x16xf32, #tpu.memory_space<hbm>>) dst(%dma_wait3A_374 : memref<128x16xf32, #tpu.memory_space<vmem>>)
    }
    %scan3A_144 = arith.constant 16 : i32
    %parallel_loop3A_145 = arith.constant 0 : i32
    %parallel_loop3A_146 = arith.constant 16 : i32
    %parallel_loop3A_147 = arith.constant 1 : i32
    scf.for %parallel_loop3A_367 = %parallel_loop3A_145 to %parallel_loop3A_146 step %parallel_loop3A_147  : i32 {
      %parallel_loop3A_368 = arith.constant 0 : i32
      %parallel_loop3A_369 = arith.addi %parallel_loop3A_368, %parallel_loop3A_367 : i32
      %parallel_loop3A_370 = arith.constant 0 : i32
      %parallel_loop3A_371 = arith.addi %parallel_loop3A_370, %parallel_loop3A_367 : i32
      %parallel_loop3A_372 = arith.constant 0 : i32
      %parallel_loop3A_373 = arith.constant 0 : i32
      %parallel_loop3A_374 = arith.constant 0 : i32
      %parallel_loop3A_375 = tpu.memref_slice %arg9[%parallel_loop3A_369, %parallel_loop3A_373, %parallel_loop3A_374] : memref<32x128x16xf32, #tpu.memory_space<vmem>> -> memref<1x128x16xf32, #tpu.memory_space<vmem>>
      %parallel_loop3A_376 = tpu.memref_squeeze %parallel_loop3A_375 : memref<1x128x16xf32, #tpu.memory_space<vmem>> -> memref<128x16xf32, #tpu.memory_space<vmem>>
      %parallel_loop3A_377 = arith.constant 0 : i32
      %parallel_loop3A_378 = tpu.memref_slice %arg8[%parallel_loop3A_371, %parallel_loop3A_377] : memref<74x128xi32, #tpu.memory_space<vmem>> -> memref<1x128xi32, #tpu.memory_space<vmem>>
      %parallel_loop3A_379 = tpu.memref_squeeze %parallel_loop3A_378 : memref<1x128xi32, #tpu.memory_space<vmem>> -> memref<128xi32, #tpu.memory_space<vmem>>
      %parallel_loop3A_380 = arith.constant 0 : i32
      %parallel_loop3A_381 = arith.constant 0 : i32
      %parallel_loop3A_382 = tpu.memref_slice %arg6[%parallel_loop3A_372, %parallel_loop3A_380, %parallel_loop3A_381] : memref<2x12544x16xf32, #tpu.memory_space<vmem_shared>> -> memref<1x12544x16xf32, #tpu.memory_space<vmem_shared>>
      %parallel_loop3A_383 = tpu.memref_squeeze %parallel_loop3A_382 : memref<1x12544x16xf32, #tpu.memory_space<vmem_shared>> -> memref<12544x16xf32, #tpu.memory_space<vmem_shared>>
      %parallel_loop3A_384 = arith.constant 0 : i32
      %parallel_loop3A_385 = arith.constant 0 : i32
      %parallel_loop3A_386 = tpu.memref_slice %parallel_loop3A_383[%parallel_loop3A_384, %parallel_loop3A_385] : memref<12544x16xf32, #tpu.memory_space<vmem_shared>> -> memref<12544x16xf32, #tpu.memory_space<vmem_shared>>
      tpu.enqueue_indirect_dma source(%parallel_loop3A_376 : memref<128x16xf32, #tpu.memory_space<vmem>>) target(%parallel_loop3A_386 : memref<12544x16xf32, #tpu.memory_space<vmem_shared>>) offsets(%parallel_loop3A_379 : memref<128xi32, #tpu.memory_space<vmem>>) semaphore(%arg11 : memref<!tpu.dma_semaphore, #tpu.memory_space<semaphore_mem>>) {add = true}
    } {sc.loop_unroll_factor = 4 : i64, sc.parallel_access}
    %parallel_loop3A_148 = arith.constant 0 : i32
    %parallel_loop3A_149 = arith.constant 16 : i32
    %parallel_loop3A_150 = arith.constant 1 : i32
    scf.for %parallel_loop3A_367 = %parallel_loop3A_148 to %parallel_loop3A_149 step %parallel_loop3A_150  : i32 {
      %parallel_loop3A_368 = arith.constant 16 : i32
      %parallel_loop3A_369 = arith.addi %parallel_loop3A_368, %parallel_loop3A_367 : i32
      %parallel_loop3A_370 = arith.constant 16 : i32
      %parallel_loop3A_371 = arith.addi %parallel_loop3A_370, %parallel_loop3A_367 : i32
      %parallel_loop3A_372 = arith.constant 0 : i32
      %parallel_loop3A_373 = arith.constant 0 : i32
      %parallel_loop3A_374 = arith.constant 0 : i32
      %parallel_loop3A_375 = tpu.memref_slice %arg9[%parallel_loop3A_371, %parallel_loop3A_373, %parallel_loop3A_374] : memref<32x128x16xf32, #tpu.memory_space<vmem>> -> memref<1x128x16xf32, #tpu.memory_space<vmem>>
      %parallel_loop3A_376 = tpu.memref_squeeze %parallel_loop3A_375 : memref<1x128x16xf32, #tpu.memory_space<vmem>> -> memref<128x16xf32, #tpu.memory_space<vmem>>
      %parallel_loop3A_377 = arith.constant 0 : i32
      %parallel_loop3A_378 = arith.constant 0 : i32
      %parallel_loop3A_379 = tpu.memref_slice %arg7[%parallel_loop3A_372, %parallel_loop3A_377, %parallel_loop3A_378] : memref<2x74x128xi32, #tpu.memory_space<vmem>> -> memref<1x74x128xi32, #tpu.memory_space<vmem>>
      %parallel_loop3A_380 = tpu.memref_squeeze %parallel_loop3A_379 : memref<1x74x128xi32, #tpu.memory_space<vmem>> -> memref<74x128xi32, #tpu.memory_space<vmem>>
      %parallel_loop3A_381 = arith.constant 0 : i32
      %parallel_loop3A_382 = tpu.memref_slice %parallel_loop3A_380[%parallel_loop3A_369, %parallel_loop3A_381] : memref<74x128xi32, #tpu.memory_space<vmem>> -> memref<1x128xi32, #tpu.memory_space<vmem>>
      %parallel_loop3A_383 = tpu.memref_squeeze %parallel_loop3A_382 : memref<1x128xi32, #tpu.memory_space<vmem>> -> memref<128xi32, #tpu.memory_space<vmem>>
      %parallel_loop3A_384 = arith.constant 0 : i32
      %parallel_loop3A_385 = arith.constant 0 : i32
      %parallel_loop3A_386 = tpu.memref_slice %arg2[%parallel_loop3A_384, %parallel_loop3A_385] : memref<50176x16xf32, #tpu.memory_space<hbm>> -> memref<50176x16xf32, #tpu.memory_space<hbm>>
      tpu.enqueue_indirect_dma source(%parallel_loop3A_386 : memref<50176x16xf32, #tpu.memory_space<hbm>>) target(%parallel_loop3A_376 : memref<128x16xf32, #tpu.memory_space<vmem>>) offsets(%parallel_loop3A_383 : memref<128xi32, #tpu.memory_space<vmem>>) semaphore(%arg10 : memref<!tpu.dma_semaphore, #tpu.memory_space<semaphore_mem>>)
    } {sc.loop_unroll_factor = 4 : i64, sc.parallel_access}
    %scan3A_151 = arith.constant 0 : i32
    %scan3A_152 = arith.constant 0 : i32
    %scan3A_153 = arith.constant 16 : i32
    %scan3A_154 = arith.addi %scan3A_152, %scan3A_153 : i32
    %scan3A_155 = arith.constant 1 : i32
    scf.for %scan3A_367 = %scan3A_152 to %scan3A_154 step %scan3A_155  : i32 {
      %dma_wait3A_368 = arith.constant 0 : i32
      %dma_wait3A_369 = arith.constant 0 : i32
      %dma_wait3A_370 = arith.constant 0 : i32
      %dma_wait3A_371 = arith.constant 0 : i32
      %dma_wait3A_372 = arith.constant 0 : i32
      %dma_wait3A_373 = tpu.memref_slice %arg9[%dma_wait3A_370, %dma_wait3A_371, %dma_wait3A_372] : memref<32x128x16xf32, #tpu.memory_space<vmem>> -> memref<1x128x16xf32, #tpu.memory_space<vmem>>
      %dma_wait3A_374 = tpu.memref_squeeze %dma_wait3A_373 : memref<1x128x16xf32, #tpu.memory_space<vmem>> -> memref<128x16xf32, #tpu.memory_space<vmem>>
      %dma_wait3A_375 = arith.constant 0 : i32
      %dma_wait3A_376 = arith.constant 0 : i32
      %dma_wait3A_377 = tpu.memref_slice %arg7[%dma_wait3A_368, %dma_wait3A_375, %dma_wait3A_376] : memref<2x74x128xi32, #tpu.memory_space<vmem>> -> memref<1x74x128xi32, #tpu.memory_space<vmem>>
      %dma_wait3A_378 = tpu.memref_squeeze %dma_wait3A_377 : memref<1x74x128xi32, #tpu.memory_space<vmem>> -> memref<74x128xi32, #tpu.memory_space<vmem>>
      %dma_wait3A_379 = arith.constant 0 : i32
      %dma_wait3A_380 = tpu.memref_slice %dma_wait3A_378[%dma_wait3A_369, %dma_wait3A_379] : memref<74x128xi32, #tpu.memory_space<vmem>> -> memref<1x128xi32, #tpu.memory_space<vmem>>
      %dma_wait3A_381 = tpu.memref_squeeze %dma_wait3A_380 : memref<1x128xi32, #tpu.memory_space<vmem>> -> memref<128xi32, #tpu.memory_space<vmem>>
      %dma_wait3A_382 = arith.constant 0 : i32
      %dma_wait3A_383 = arith.constant 0 : i32
      %dma_wait3A_384 = tpu.memref_slice %arg2[%dma_wait3A_382, %dma_wait3A_383] : memref<50176x16xf32, #tpu.memory_space<hbm>> -> memref<50176x16xf32, #tpu.memory_space<hbm>>
      tpu.wait_indirect_dma semaphore(%arg10 : memref<!tpu.dma_semaphore, #tpu.memory_space<semaphore_mem>>) src(%dma_wait3A_384 : memref<50176x16xf32, #tpu.memory_space<hbm>>) dst(%dma_wait3A_374 : memref<128x16xf32, #tpu.memory_space<vmem>>)
    }
    %scan3A_156 = arith.constant 16 : i32
    %parallel_loop3A_157 = arith.constant 0 : i32
    %parallel_loop3A_158 = arith.constant 16 : i32
    %parallel_loop3A_159 = arith.constant 1 : i32
    scf.for %parallel_loop3A_367 = %parallel_loop3A_157 to %parallel_loop3A_158 step %parallel_loop3A_159  : i32 {
      %parallel_loop3A_368 = arith.constant 16 : i32
      %parallel_loop3A_369 = arith.addi %parallel_loop3A_368, %parallel_loop3A_367 : i32
      %parallel_loop3A_370 = arith.constant 16 : i32
      %parallel_loop3A_371 = arith.addi %parallel_loop3A_370, %parallel_loop3A_367 : i32
      %parallel_loop3A_372 = arith.constant 0 : i32
      %parallel_loop3A_373 = arith.constant 0 : i32
      %parallel_loop3A_374 = arith.constant 0 : i32
      %parallel_loop3A_375 = tpu.memref_slice %arg9[%parallel_loop3A_369, %parallel_loop3A_373, %parallel_loop3A_374] : memref<32x128x16xf32, #tpu.memory_space<vmem>> -> memref<1x128x16xf32, #tpu.memory_space<vmem>>
      %parallel_loop3A_376 = tpu.memref_squeeze %parallel_loop3A_375 : memref<1x128x16xf32, #tpu.memory_space<vmem>> -> memref<128x16xf32, #tpu.memory_space<vmem>>
      %parallel_loop3A_377 = arith.constant 0 : i32
      %parallel_loop3A_378 = tpu.memref_slice %arg8[%parallel_loop3A_371, %parallel_loop3A_377] : memref<74x128xi32, #tpu.memory_space<vmem>> -> memref<1x128xi32, #tpu.memory_space<vmem>>
      %parallel_loop3A_379 = tpu.memref_squeeze %parallel_loop3A_378 : memref<1x128xi32, #tpu.memory_space<vmem>> -> memref<128xi32, #tpu.memory_space<vmem>>
      %parallel_loop3A_380 = arith.constant 0 : i32
      %parallel_loop3A_381 = arith.constant 0 : i32
      %parallel_loop3A_382 = tpu.memref_slice %arg6[%parallel_loop3A_372, %parallel_loop3A_380, %parallel_loop3A_381] : memref<2x12544x16xf32, #tpu.memory_space<vmem_shared>> -> memref<1x12544x16xf32, #tpu.memory_space<vmem_shared>>
      %parallel_loop3A_383 = tpu.memref_squeeze %parallel_loop3A_382 : memref<1x12544x16xf32, #tpu.memory_space<vmem_shared>> -> memref<12544x16xf32, #tpu.memory_space<vmem_shared>>
      %parallel_loop3A_384 = arith.constant 0 : i32
      %parallel_loop3A_385 = arith.constant 0 : i32
      %parallel_loop3A_386 = tpu.memref_slice %parallel_loop3A_383[%parallel_loop3A_384, %parallel_loop3A_385] : memref<12544x16xf32, #tpu.memory_space<vmem_shared>> -> memref<12544x16xf32, #tpu.memory_space<vmem_shared>>
      tpu.enqueue_indirect_dma source(%parallel_loop3A_376 : memref<128x16xf32, #tpu.memory_space<vmem>>) target(%parallel_loop3A_386 : memref<12544x16xf32, #tpu.memory_space<vmem_shared>>) offsets(%parallel_loop3A_379 : memref<128xi32, #tpu.memory_space<vmem>>) semaphore(%arg11 : memref<!tpu.dma_semaphore, #tpu.memory_space<semaphore_mem>>) {add = true}
    } {sc.loop_unroll_factor = 4 : i64, sc.parallel_access}
    %scan3A_160 = arith.constant 0 : i32
    %scan3A_161 = arith.constant 0 : i32
    %scan3A_162 = arith.constant 16 : i32
    %scan3A_163 = arith.addi %scan3A_161, %scan3A_162 : i32
    %scan3A_164 = arith.constant 1 : i32
    scf.for %scan3A_367 = %scan3A_161 to %scan3A_163 step %scan3A_164  : i32 {
      %dma_wait3A_368 = arith.constant 0 : i32
      %dma_wait3A_369 = arith.constant 0 : i32
      %dma_wait3A_370 = arith.constant 0 : i32
      %dma_wait3A_371 = arith.constant 0 : i32
      %dma_wait3A_372 = arith.constant 0 : i32
      %dma_wait3A_373 = tpu.memref_slice %arg9[%dma_wait3A_368, %dma_wait3A_371, %dma_wait3A_372] : memref<32x128x16xf32, #tpu.memory_space<vmem>> -> memref<1x128x16xf32, #tpu.memory_space<vmem>>
      %dma_wait3A_374 = tpu.memref_squeeze %dma_wait3A_373 : memref<1x128x16xf32, #tpu.memory_space<vmem>> -> memref<128x16xf32, #tpu.memory_space<vmem>>
      %dma_wait3A_375 = arith.constant 0 : i32
      %dma_wait3A_376 = tpu.memref_slice %arg8[%dma_wait3A_370, %dma_wait3A_375] : memref<74x128xi32, #tpu.memory_space<vmem>> -> memref<1x128xi32, #tpu.memory_space<vmem>>
      %dma_wait3A_377 = tpu.memref_squeeze %dma_wait3A_376 : memref<1x128xi32, #tpu.memory_space<vmem>> -> memref<128xi32, #tpu.memory_space<vmem>>
      %dma_wait3A_378 = arith.constant 0 : i32
      %dma_wait3A_379 = arith.constant 0 : i32
      %dma_wait3A_380 = tpu.memref_slice %arg6[%dma_wait3A_369, %dma_wait3A_378, %dma_wait3A_379] : memref<2x12544x16xf32, #tpu.memory_space<vmem_shared>> -> memref<1x12544x16xf32, #tpu.memory_space<vmem_shared>>
      %dma_wait3A_381 = tpu.memref_squeeze %dma_wait3A_380 : memref<1x12544x16xf32, #tpu.memory_space<vmem_shared>> -> memref<12544x16xf32, #tpu.memory_space<vmem_shared>>
      %dma_wait3A_382 = arith.constant 0 : i32
      %dma_wait3A_383 = arith.constant 0 : i32
      %dma_wait3A_384 = tpu.memref_slice %dma_wait3A_381[%dma_wait3A_382, %dma_wait3A_383] : memref<12544x16xf32, #tpu.memory_space<vmem_shared>> -> memref<12544x16xf32, #tpu.memory_space<vmem_shared>>
      tpu.wait_indirect_dma semaphore(%arg11 : memref<!tpu.dma_semaphore, #tpu.memory_space<semaphore_mem>>) src(%dma_wait3A_374 : memref<128x16xf32, #tpu.memory_space<vmem>>) dst(%dma_wait3A_384 : memref<12544x16xf32, #tpu.memory_space<vmem_shared>>)
    }
    %scan3A_165 = arith.constant 16 : i32
    %parallel_loop3A_166 = arith.constant 0 : i32
    %parallel_loop3A_167 = arith.constant 16 : i32
    %parallel_loop3A_168 = arith.constant 1 : i32
    scf.for %parallel_loop3A_367 = %parallel_loop3A_166 to %parallel_loop3A_167 step %parallel_loop3A_168  : i32 {
      %parallel_loop3A_368 = arith.constant 32 : i32
      %parallel_loop3A_369 = arith.addi %parallel_loop3A_368, %parallel_loop3A_367 : i32
      %parallel_loop3A_370 = arith.constant 0 : i32
      %parallel_loop3A_371 = arith.addi %parallel_loop3A_370, %parallel_loop3A_367 : i32
      %parallel_loop3A_372 = arith.constant 0 : i32
      %parallel_loop3A_373 = arith.constant 0 : i32
      %parallel_loop3A_374 = arith.constant 0 : i32
      %parallel_loop3A_375 = tpu.memref_slice %arg9[%parallel_loop3A_371, %parallel_loop3A_373, %parallel_loop3A_374] : memref<32x128x16xf32, #tpu.memory_space<vmem>> -> memref<1x128x16xf32, #tpu.memory_space<vmem>>
      %parallel_loop3A_376 = tpu.memref_squeeze %parallel_loop3A_375 : memref<1x128x16xf32, #tpu.memory_space<vmem>> -> memref<128x16xf32, #tpu.memory_space<vmem>>
      %parallel_loop3A_377 = arith.constant 0 : i32
      %parallel_loop3A_378 = arith.constant 0 : i32
      %parallel_loop3A_379 = tpu.memref_slice %arg7[%parallel_loop3A_372, %parallel_loop3A_377, %parallel_loop3A_378] : memref<2x74x128xi32, #tpu.memory_space<vmem>> -> memref<1x74x128xi32, #tpu.memory_space<vmem>>
      %parallel_loop3A_380 = tpu.memref_squeeze %parallel_loop3A_379 : memref<1x74x128xi32, #tpu.memory_space<vmem>> -> memref<74x128xi32, #tpu.memory_space<vmem>>
      %parallel_loop3A_381 = arith.constant 0 : i32
      %parallel_loop3A_382 = tpu.memref_slice %parallel_loop3A_380[%parallel_loop3A_369, %parallel_loop3A_381] : memref<74x128xi32, #tpu.memory_space<vmem>> -> memref<1x128xi32, #tpu.memory_space<vmem>>
      %parallel_loop3A_383 = tpu.memref_squeeze %parallel_loop3A_382 : memref<1x128xi32, #tpu.memory_space<vmem>> -> memref<128xi32, #tpu.memory_space<vmem>>
      %parallel_loop3A_384 = arith.constant 0 : i32
      %parallel_loop3A_385 = arith.constant 0 : i32
      %parallel_loop3A_386 = tpu.memref_slice %arg2[%parallel_loop3A_384, %parallel_loop3A_385] : memref<50176x16xf32, #tpu.memory_space<hbm>> -> memref<50176x16xf32, #tpu.memory_space<hbm>>
      tpu.enqueue_indirect_dma source(%parallel_loop3A_386 : memref<50176x16xf32, #tpu.memory_space<hbm>>) target(%parallel_loop3A_376 : memref<128x16xf32, #tpu.memory_space<vmem>>) offsets(%parallel_loop3A_383 : memref<128xi32, #tpu.memory_space<vmem>>) semaphore(%arg10 : memref<!tpu.dma_semaphore, #tpu.memory_space<semaphore_mem>>)
    } {sc.loop_unroll_factor = 4 : i64, sc.parallel_access}
    %scan3A_169 = arith.constant 0 : i32
    %scan3A_170 = arith.constant 0 : i32
    %scan3A_171 = arith.constant 16 : i32
    %scan3A_172 = arith.addi %scan3A_170, %scan3A_171 : i32
    %scan3A_173 = arith.constant 1 : i32
    scf.for %scan3A_367 = %scan3A_170 to %scan3A_172 step %scan3A_173  : i32 {
      %dma_wait3A_368 = arith.constant 0 : i32
      %dma_wait3A_369 = arith.constant 0 : i32
      %dma_wait3A_370 = arith.constant 0 : i32
      %dma_wait3A_371 = arith.constant 0 : i32
      %dma_wait3A_372 = arith.constant 0 : i32
      %dma_wait3A_373 = tpu.memref_slice %arg9[%dma_wait3A_370, %dma_wait3A_371, %dma_wait3A_372] : memref<32x128x16xf32, #tpu.memory_space<vmem>> -> memref<1x128x16xf32, #tpu.memory_space<vmem>>
      %dma_wait3A_374 = tpu.memref_squeeze %dma_wait3A_373 : memref<1x128x16xf32, #tpu.memory_space<vmem>> -> memref<128x16xf32, #tpu.memory_space<vmem>>
      %dma_wait3A_375 = arith.constant 0 : i32
      %dma_wait3A_376 = arith.constant 0 : i32
      %dma_wait3A_377 = tpu.memref_slice %arg7[%dma_wait3A_368, %dma_wait3A_375, %dma_wait3A_376] : memref<2x74x128xi32, #tpu.memory_space<vmem>> -> memref<1x74x128xi32, #tpu.memory_space<vmem>>
      %dma_wait3A_378 = tpu.memref_squeeze %dma_wait3A_377 : memref<1x74x128xi32, #tpu.memory_space<vmem>> -> memref<74x128xi32, #tpu.memory_space<vmem>>
      %dma_wait3A_379 = arith.constant 0 : i32
      %dma_wait3A_380 = tpu.memref_slice %dma_wait3A_378[%dma_wait3A_369, %dma_wait3A_379] : memref<74x128xi32, #tpu.memory_space<vmem>> -> memref<1x128xi32, #tpu.memory_space<vmem>>
      %dma_wait3A_381 = tpu.memref_squeeze %dma_wait3A_380 : memref<1x128xi32, #tpu.memory_space<vmem>> -> memref<128xi32, #tpu.memory_space<vmem>>
      %dma_wait3A_382 = arith.constant 0 : i32
      %dma_wait3A_383 = arith.constant 0 : i32
      %dma_wait3A_384 = tpu.memref_slice %arg2[%dma_wait3A_382, %dma_wait3A_383] : memref<50176x16xf32, #tpu.memory_space<hbm>> -> memref<50176x16xf32, #tpu.memory_space<hbm>>
      tpu.wait_indirect_dma semaphore(%arg10 : memref<!tpu.dma_semaphore, #tpu.memory_space<semaphore_mem>>) src(%dma_wait3A_384 : memref<50176x16xf32, #tpu.memory_space<hbm>>) dst(%dma_wait3A_374 : memref<128x16xf32, #tpu.memory_space<vmem>>)
    }
    %scan3A_174 = arith.constant 16 : i32
    %parallel_loop3A_175 = arith.constant 0 : i32
    %parallel_loop3A_176 = arith.constant 16 : i32
    %parallel_loop3A_177 = arith.constant 1 : i32
    scf.for %parallel_loop3A_367 = %parallel_loop3A_175 to %parallel_loop3A_176 step %parallel_loop3A_177  : i32 {
      %parallel_loop3A_368 = arith.constant 0 : i32
      %parallel_loop3A_369 = arith.addi %parallel_loop3A_368, %parallel_loop3A_367 : i32
      %parallel_loop3A_370 = arith.constant 32 : i32
      %parallel_loop3A_371 = arith.addi %parallel_loop3A_370, %parallel_loop3A_367 : i32
      %parallel_loop3A_372 = arith.constant 0 : i32
      %parallel_loop3A_373 = arith.constant 0 : i32
      %parallel_loop3A_374 = arith.constant 0 : i32
      %parallel_loop3A_375 = tpu.memref_slice %arg9[%parallel_loop3A_369, %parallel_loop3A_373, %parallel_loop3A_374] : memref<32x128x16xf32, #tpu.memory_space<vmem>> -> memref<1x128x16xf32, #tpu.memory_space<vmem>>
      %parallel_loop3A_376 = tpu.memref_squeeze %parallel_loop3A_375 : memref<1x128x16xf32, #tpu.memory_space<vmem>> -> memref<128x16xf32, #tpu.memory_space<vmem>>
      %parallel_loop3A_377 = arith.constant 0 : i32
      %parallel_loop3A_378 = tpu.memref_slice %arg8[%parallel_loop3A_371, %parallel_loop3A_377] : memref<74x128xi32, #tpu.memory_space<vmem>> -> memref<1x128xi32, #tpu.memory_space<vmem>>
      %parallel_loop3A_379 = tpu.memref_squeeze %parallel_loop3A_378 : memref<1x128xi32, #tpu.memory_space<vmem>> -> memref<128xi32, #tpu.memory_space<vmem>>
      %parallel_loop3A_380 = arith.constant 0 : i32
      %parallel_loop3A_381 = arith.constant 0 : i32
      %parallel_loop3A_382 = tpu.memref_slice %arg6[%parallel_loop3A_372, %parallel_loop3A_380, %parallel_loop3A_381] : memref<2x12544x16xf32, #tpu.memory_space<vmem_shared>> -> memref<1x12544x16xf32, #tpu.memory_space<vmem_shared>>
      %parallel_loop3A_383 = tpu.memref_squeeze %parallel_loop3A_382 : memref<1x12544x16xf32, #tpu.memory_space<vmem_shared>> -> memref<12544x16xf32, #tpu.memory_space<vmem_shared>>
      %parallel_loop3A_384 = arith.constant 0 : i32
      %parallel_loop3A_385 = arith.constant 0 : i32
      %parallel_loop3A_386 = tpu.memref_slice %parallel_loop3A_383[%parallel_loop3A_384, %parallel_loop3A_385] : memref<12544x16xf32, #tpu.memory_space<vmem_shared>> -> memref<12544x16xf32, #tpu.memory_space<vmem_shared>>
      tpu.enqueue_indirect_dma source(%parallel_loop3A_376 : memref<128x16xf32, #tpu.memory_space<vmem>>) target(%parallel_loop3A_386 : memref<12544x16xf32, #tpu.memory_space<vmem_shared>>) offsets(%parallel_loop3A_379 : memref<128xi32, #tpu.memory_space<vmem>>) semaphore(%arg11 : memref<!tpu.dma_semaphore, #tpu.memory_space<semaphore_mem>>) {add = true}
    } {sc.loop_unroll_factor = 4 : i64, sc.parallel_access}
    %scan3A_178 = arith.constant 0 : i32
    %scan3A_179 = arith.constant 0 : i32
    %scan3A_180 = arith.constant 16 : i32
    %scan3A_181 = arith.addi %scan3A_179, %scan3A_180 : i32
    %scan3A_182 = arith.constant 1 : i32
    scf.for %scan3A_367 = %scan3A_179 to %scan3A_181 step %scan3A_182  : i32 {
      %dma_wait3A_368 = arith.constant 0 : i32
      %dma_wait3A_369 = arith.constant 0 : i32
      %dma_wait3A_370 = arith.constant 0 : i32
      %dma_wait3A_371 = arith.constant 0 : i32
      %dma_wait3A_372 = arith.constant 0 : i32
      %dma_wait3A_373 = tpu.memref_slice %arg9[%dma_wait3A_368, %dma_wait3A_371, %dma_wait3A_372] : memref<32x128x16xf32, #tpu.memory_space<vmem>> -> memref<1x128x16xf32, #tpu.memory_space<vmem>>
      %dma_wait3A_374 = tpu.memref_squeeze %dma_wait3A_373 : memref<1x128x16xf32, #tpu.memory_space<vmem>> -> memref<128x16xf32, #tpu.memory_space<vmem>>
      %dma_wait3A_375 = arith.constant 0 : i32
      %dma_wait3A_376 = tpu.memref_slice %arg8[%dma_wait3A_370, %dma_wait3A_375] : memref<74x128xi32, #tpu.memory_space<vmem>> -> memref<1x128xi32, #tpu.memory_space<vmem>>
      %dma_wait3A_377 = tpu.memref_squeeze %dma_wait3A_376 : memref<1x128xi32, #tpu.memory_space<vmem>> -> memref<128xi32, #tpu.memory_space<vmem>>
      %dma_wait3A_378 = arith.constant 0 : i32
      %dma_wait3A_379 = arith.constant 0 : i32
      %dma_wait3A_380 = tpu.memref_slice %arg6[%dma_wait3A_369, %dma_wait3A_378, %dma_wait3A_379] : memref<2x12544x16xf32, #tpu.memory_space<vmem_shared>> -> memref<1x12544x16xf32, #tpu.memory_space<vmem_shared>>
      %dma_wait3A_381 = tpu.memref_squeeze %dma_wait3A_380 : memref<1x12544x16xf32, #tpu.memory_space<vmem_shared>> -> memref<12544x16xf32, #tpu.memory_space<vmem_shared>>
      %dma_wait3A_382 = arith.constant 0 : i32
      %dma_wait3A_383 = arith.constant 0 : i32
      %dma_wait3A_384 = tpu.memref_slice %dma_wait3A_381[%dma_wait3A_382, %dma_wait3A_383] : memref<12544x16xf32, #tpu.memory_space<vmem_shared>> -> memref<12544x16xf32, #tpu.memory_space<vmem_shared>>
      tpu.wait_indirect_dma semaphore(%arg11 : memref<!tpu.dma_semaphore, #tpu.memory_space<semaphore_mem>>) src(%dma_wait3A_374 : memref<128x16xf32, #tpu.memory_space<vmem>>) dst(%dma_wait3A_384 : memref<12544x16xf32, #tpu.memory_space<vmem_shared>>)
    }
    %scan3A_183 = arith.constant 16 : i32
    %parallel_loop3A_184 = arith.constant 0 : i32
    %parallel_loop3A_185 = arith.constant 16 : i32
    %parallel_loop3A_186 = arith.constant 1 : i32
    scf.for %parallel_loop3A_367 = %parallel_loop3A_184 to %parallel_loop3A_185 step %parallel_loop3A_186  : i32 {
      %parallel_loop3A_368 = arith.constant 48 : i32
      %parallel_loop3A_369 = arith.addi %parallel_loop3A_368, %parallel_loop3A_367 : i32
      %parallel_loop3A_370 = arith.constant 16 : i32
      %parallel_loop3A_371 = arith.addi %parallel_loop3A_370, %parallel_loop3A_367 : i32
      %parallel_loop3A_372 = arith.constant 0 : i32
      %parallel_loop3A_373 = arith.constant 0 : i32
      %parallel_loop3A_374 = arith.constant 0 : i32
      %parallel_loop3A_375 = tpu.memref_slice %arg9[%parallel_loop3A_371, %parallel_loop3A_373, %parallel_loop3A_374] : memref<32x128x16xf32, #tpu.memory_space<vmem>> -> memref<1x128x16xf32, #tpu.memory_space<vmem>>
      %parallel_loop3A_376 = tpu.memref_squeeze %parallel_loop3A_375 : memref<1x128x16xf32, #tpu.memory_space<vmem>> -> memref<128x16xf32, #tpu.memory_space<vmem>>
      %parallel_loop3A_377 = arith.constant 0 : i32
      %parallel_loop3A_378 = arith.constant 0 : i32
      %parallel_loop3A_379 = tpu.memref_slice %arg7[%parallel_loop3A_372, %parallel_loop3A_377, %parallel_loop3A_378] : memref<2x74x128xi32, #tpu.memory_space<vmem>> -> memref<1x74x128xi32, #tpu.memory_space<vmem>>
      %parallel_loop3A_380 = tpu.memref_squeeze %parallel_loop3A_379 : memref<1x74x128xi32, #tpu.memory_space<vmem>> -> memref<74x128xi32, #tpu.memory_space<vmem>>
      %parallel_loop3A_381 = arith.constant 0 : i32
      %parallel_loop3A_382 = tpu.memref_slice %parallel_loop3A_380[%parallel_loop3A_369, %parallel_loop3A_381] : memref<74x128xi32, #tpu.memory_space<vmem>> -> memref<1x128xi32, #tpu.memory_space<vmem>>
      %parallel_loop3A_383 = tpu.memref_squeeze %parallel_loop3A_382 : memref<1x128xi32, #tpu.memory_space<vmem>> -> memref<128xi32, #tpu.memory_space<vmem>>
      %parallel_loop3A_384 = arith.constant 0 : i32
      %parallel_loop3A_385 = arith.constant 0 : i32
      %parallel_loop3A_386 = tpu.memref_slice %arg2[%parallel_loop3A_384, %parallel_loop3A_385] : memref<50176x16xf32, #tpu.memory_space<hbm>> -> memref<50176x16xf32, #tpu.memory_space<hbm>>
      tpu.enqueue_indirect_dma source(%parallel_loop3A_386 : memref<50176x16xf32, #tpu.memory_space<hbm>>) target(%parallel_loop3A_376 : memref<128x16xf32, #tpu.memory_space<vmem>>) offsets(%parallel_loop3A_383 : memref<128xi32, #tpu.memory_space<vmem>>) semaphore(%arg10 : memref<!tpu.dma_semaphore, #tpu.memory_space<semaphore_mem>>)
    } {sc.loop_unroll_factor = 4 : i64, sc.parallel_access}
    %scan3A_187 = arith.constant 0 : i32
    %scan3A_188 = arith.constant 0 : i32
    %scan3A_189 = arith.constant 16 : i32
    %scan3A_190 = arith.addi %scan3A_188, %scan3A_189 : i32
    %scan3A_191 = arith.constant 1 : i32
    scf.for %scan3A_367 = %scan3A_188 to %scan3A_190 step %scan3A_191  : i32 {
      %dma_wait3A_368 = arith.constant 0 : i32
      %dma_wait3A_369 = arith.constant 0 : i32
      %dma_wait3A_370 = arith.constant 0 : i32
      %dma_wait3A_371 = arith.constant 0 : i32
      %dma_wait3A_372 = arith.constant 0 : i32
      %dma_wait3A_373 = tpu.memref_slice %arg9[%dma_wait3A_370, %dma_wait3A_371, %dma_wait3A_372] : memref<32x128x16xf32, #tpu.memory_space<vmem>> -> memref<1x128x16xf32, #tpu.memory_space<vmem>>
      %dma_wait3A_374 = tpu.memref_squeeze %dma_wait3A_373 : memref<1x128x16xf32, #tpu.memory_space<vmem>> -> memref<128x16xf32, #tpu.memory_space<vmem>>
      %dma_wait3A_375 = arith.constant 0 : i32
      %dma_wait3A_376 = arith.constant 0 : i32
      %dma_wait3A_377 = tpu.memref_slice %arg7[%dma_wait3A_368, %dma_wait3A_375, %dma_wait3A_376] : memref<2x74x128xi32, #tpu.memory_space<vmem>> -> memref<1x74x128xi32, #tpu.memory_space<vmem>>
      %dma_wait3A_378 = tpu.memref_squeeze %dma_wait3A_377 : memref<1x74x128xi32, #tpu.memory_space<vmem>> -> memref<74x128xi32, #tpu.memory_space<vmem>>
      %dma_wait3A_379 = arith.constant 0 : i32
      %dma_wait3A_380 = tpu.memref_slice %dma_wait3A_378[%dma_wait3A_369, %dma_wait3A_379] : memref<74x128xi32, #tpu.memory_space<vmem>> -> memref<1x128xi32, #tpu.memory_space<vmem>>
      %dma_wait3A_381 = tpu.memref_squeeze %dma_wait3A_380 : memref<1x128xi32, #tpu.memory_space<vmem>> -> memref<128xi32, #tpu.memory_space<vmem>>
      %dma_wait3A_382 = arith.constant 0 : i32
      %dma_wait3A_383 = arith.constant 0 : i32
      %dma_wait3A_384 = tpu.memref_slice %arg2[%dma_wait3A_382, %dma_wait3A_383] : memref<50176x16xf32, #tpu.memory_space<hbm>> -> memref<50176x16xf32, #tpu.memory_space<hbm>>
      tpu.wait_indirect_dma semaphore(%arg10 : memref<!tpu.dma_semaphore, #tpu.memory_space<semaphore_mem>>) src(%dma_wait3A_384 : memref<50176x16xf32, #tpu.memory_space<hbm>>) dst(%dma_wait3A_374 : memref<128x16xf32, #tpu.memory_space<vmem>>)
    }
    %scan3A_192 = arith.constant 16 : i32
    %parallel_loop3A_193 = arith.constant 0 : i32
    %parallel_loop3A_194 = arith.constant 16 : i32
    %parallel_loop3A_195 = arith.constant 1 : i32
    scf.for %parallel_loop3A_367 = %parallel_loop3A_193 to %parallel_loop3A_194 step %parallel_loop3A_195  : i32 {
      %parallel_loop3A_368 = arith.constant 16 : i32
      %parallel_loop3A_369 = arith.addi %parallel_loop3A_368, %parallel_loop3A_367 : i32
      %parallel_loop3A_370 = arith.constant 48 : i32
      %parallel_loop3A_371 = arith.addi %parallel_loop3A_370, %parallel_loop3A_367 : i32
      %parallel_loop3A_372 = arith.constant 0 : i32
      %parallel_loop3A_373 = arith.constant 0 : i32
      %parallel_loop3A_374 = arith.constant 0 : i32
      %parallel_loop3A_375 = tpu.memref_slice %arg9[%parallel_loop3A_369, %parallel_loop3A_373, %parallel_loop3A_374] : memref<32x128x16xf32, #tpu.memory_space<vmem>> -> memref<1x128x16xf32, #tpu.memory_space<vmem>>
      %parallel_loop3A_376 = tpu.memref_squeeze %parallel_loop3A_375 : memref<1x128x16xf32, #tpu.memory_space<vmem>> -> memref<128x16xf32, #tpu.memory_space<vmem>>
      %parallel_loop3A_377 = arith.constant 0 : i32
      %parallel_loop3A_378 = tpu.memref_slice %arg8[%parallel_loop3A_371, %parallel_loop3A_377] : memref<74x128xi32, #tpu.memory_space<vmem>> -> memref<1x128xi32, #tpu.memory_space<vmem>>
      %parallel_loop3A_379 = tpu.memref_squeeze %parallel_loop3A_378 : memref<1x128xi32, #tpu.memory_space<vmem>> -> memref<128xi32, #tpu.memory_space<vmem>>
      %parallel_loop3A_380 = arith.constant 0 : i32
      %parallel_loop3A_381 = arith.constant 0 : i32
      %parallel_loop3A_382 = tpu.memref_slice %arg6[%parallel_loop3A_372, %parallel_loop3A_380, %parallel_loop3A_381] : memref<2x12544x16xf32, #tpu.memory_space<vmem_shared>> -> memref<1x12544x16xf32, #tpu.memory_space<vmem_shared>>
      %parallel_loop3A_383 = tpu.memref_squeeze %parallel_loop3A_382 : memref<1x12544x16xf32, #tpu.memory_space<vmem_shared>> -> memref<12544x16xf32, #tpu.memory_space<vmem_shared>>
      %parallel_loop3A_384 = arith.constant 0 : i32
      %parallel_loop3A_385 = arith.constant 0 : i32
      %parallel_loop3A_386 = tpu.memref_slice %parallel_loop3A_383[%parallel_loop3A_384, %parallel_loop3A_385] : memref<12544x16xf32, #tpu.memory_space<vmem_shared>> -> memref<12544x16xf32, #tpu.memory_space<vmem_shared>>
      tpu.enqueue_indirect_dma source(%parallel_loop3A_376 : memref<128x16xf32, #tpu.memory_space<vmem>>) target(%parallel_loop3A_386 : memref<12544x16xf32, #tpu.memory_space<vmem_shared>>) offsets(%parallel_loop3A_379 : memref<128xi32, #tpu.memory_space<vmem>>) semaphore(%arg11 : memref<!tpu.dma_semaphore, #tpu.memory_space<semaphore_mem>>) {add = true}
    } {sc.loop_unroll_factor = 4 : i64, sc.parallel_access}
    %scan3A_196 = arith.constant 0 : i32
    %scan3A_197 = arith.constant 0 : i32
    %scan3A_198 = arith.constant 16 : i32
    %scan3A_199 = arith.addi %scan3A_197, %scan3A_198 : i32
    %scan3A_200 = arith.constant 1 : i32
    scf.for %scan3A_367 = %scan3A_197 to %scan3A_199 step %scan3A_200  : i32 {
      %dma_wait3A_368 = arith.constant 0 : i32
      %dma_wait3A_369 = arith.constant 0 : i32
      %dma_wait3A_370 = arith.constant 0 : i32
      %dma_wait3A_371 = arith.constant 0 : i32
      %dma_wait3A_372 = arith.constant 0 : i32
      %dma_wait3A_373 = tpu.memref_slice %arg9[%dma_wait3A_368, %dma_wait3A_371, %dma_wait3A_372] : memref<32x128x16xf32, #tpu.memory_space<vmem>> -> memref<1x128x16xf32, #tpu.memory_space<vmem>>
      %dma_wait3A_374 = tpu.memref_squeeze %dma_wait3A_373 : memref<1x128x16xf32, #tpu.memory_space<vmem>> -> memref<128x16xf32, #tpu.memory_space<vmem>>
      %dma_wait3A_375 = arith.constant 0 : i32
      %dma_wait3A_376 = tpu.memref_slice %arg8[%dma_wait3A_370, %dma_wait3A_375] : memref<74x128xi32, #tpu.memory_space<vmem>> -> memref<1x128xi32, #tpu.memory_space<vmem>>
      %dma_wait3A_377 = tpu.memref_squeeze %dma_wait3A_376 : memref<1x128xi32, #tpu.memory_space<vmem>> -> memref<128xi32, #tpu.memory_space<vmem>>
      %dma_wait3A_378 = arith.constant 0 : i32
      %dma_wait3A_379 = arith.constant 0 : i32
      %dma_wait3A_380 = tpu.memref_slice %arg6[%dma_wait3A_369, %dma_wait3A_378, %dma_wait3A_379] : memref<2x12544x16xf32, #tpu.memory_space<vmem_shared>> -> memref<1x12544x16xf32, #tpu.memory_space<vmem_shared>>
      %dma_wait3A_381 = tpu.memref_squeeze %dma_wait3A_380 : memref<1x12544x16xf32, #tpu.memory_space<vmem_shared>> -> memref<12544x16xf32, #tpu.memory_space<vmem_shared>>
      %dma_wait3A_382 = arith.constant 0 : i32
      %dma_wait3A_383 = arith.constant 0 : i32
      %dma_wait3A_384 = tpu.memref_slice %dma_wait3A_381[%dma_wait3A_382, %dma_wait3A_383] : memref<12544x16xf32, #tpu.memory_space<vmem_shared>> -> memref<12544x16xf32, #tpu.memory_space<vmem_shared>>
      tpu.wait_indirect_dma semaphore(%arg11 : memref<!tpu.dma_semaphore, #tpu.memory_space<semaphore_mem>>) src(%dma_wait3A_374 : memref<128x16xf32, #tpu.memory_space<vmem>>) dst(%dma_wait3A_384 : memref<12544x16xf32, #tpu.memory_space<vmem_shared>>)
    }
    %scan3A_201 = arith.constant 16 : i32
    %parallel_loop3A_202 = arith.constant 0 : i32
    %parallel_loop3A_203 = arith.constant 10 : i32
    %parallel_loop3A_204 = arith.constant 1 : i32
    scf.for %parallel_loop3A_367 = %parallel_loop3A_202 to %parallel_loop3A_203 step %parallel_loop3A_204  : i32 {
      %parallel_loop3A_368 = arith.constant 64 : i32
      %parallel_loop3A_369 = arith.addi %parallel_loop3A_368, %parallel_loop3A_367 : i32
      %parallel_loop3A_370 = arith.constant 0 : i32
      %parallel_loop3A_371 = arith.addi %parallel_loop3A_370, %parallel_loop3A_367 : i32
      %parallel_loop3A_372 = arith.constant 0 : i32
      %parallel_loop3A_373 = arith.constant 0 : i32
      %parallel_loop3A_374 = arith.constant 0 : i32
      %parallel_loop3A_375 = tpu.memref_slice %arg9[%parallel_loop3A_371, %parallel_loop3A_373, %parallel_loop3A_374] : memref<32x128x16xf32, #tpu.memory_space<vmem>> -> memref<1x128x16xf32, #tpu.memory_space<vmem>>
      %parallel_loop3A_376 = tpu.memref_squeeze %parallel_loop3A_375 : memref<1x128x16xf32, #tpu.memory_space<vmem>> -> memref<128x16xf32, #tpu.memory_space<vmem>>
      %parallel_loop3A_377 = arith.constant 0 : i32
      %parallel_loop3A_378 = arith.constant 0 : i32
      %parallel_loop3A_379 = tpu.memref_slice %arg7[%parallel_loop3A_372, %parallel_loop3A_377, %parallel_loop3A_378] : memref<2x74x128xi32, #tpu.memory_space<vmem>> -> memref<1x74x128xi32, #tpu.memory_space<vmem>>
      %parallel_loop3A_380 = tpu.memref_squeeze %parallel_loop3A_379 : memref<1x74x128xi32, #tpu.memory_space<vmem>> -> memref<74x128xi32, #tpu.memory_space<vmem>>
      %parallel_loop3A_381 = arith.constant 0 : i32
      %parallel_loop3A_382 = tpu.memref_slice %parallel_loop3A_380[%parallel_loop3A_369, %parallel_loop3A_381] : memref<74x128xi32, #tpu.memory_space<vmem>> -> memref<1x128xi32, #tpu.memory_space<vmem>>
      %parallel_loop3A_383 = tpu.memref_squeeze %parallel_loop3A_382 : memref<1x128xi32, #tpu.memory_space<vmem>> -> memref<128xi32, #tpu.memory_space<vmem>>
      %parallel_loop3A_384 = arith.constant 0 : i32
      %parallel_loop3A_385 = arith.constant 0 : i32
      %parallel_loop3A_386 = tpu.memref_slice %arg2[%parallel_loop3A_384, %parallel_loop3A_385] : memref<50176x16xf32, #tpu.memory_space<hbm>> -> memref<50176x16xf32, #tpu.memory_space<hbm>>
      tpu.enqueue_indirect_dma source(%parallel_loop3A_386 : memref<50176x16xf32, #tpu.memory_space<hbm>>) target(%parallel_loop3A_376 : memref<128x16xf32, #tpu.memory_space<vmem>>) offsets(%parallel_loop3A_383 : memref<128xi32, #tpu.memory_space<vmem>>) semaphore(%arg10 : memref<!tpu.dma_semaphore, #tpu.memory_space<semaphore_mem>>)
    } {sc.loop_unroll_factor = 4 : i64, sc.parallel_access}
    %scan3A_205 = arith.constant 0 : i32
    %scan3A_206 = arith.constant 0 : i32
    %scan3A_207 = arith.constant 10 : i32
    %scan3A_208 = arith.addi %scan3A_206, %scan3A_207 : i32
    %scan3A_209 = arith.constant 1 : i32
    scf.for %scan3A_367 = %scan3A_206 to %scan3A_208 step %scan3A_209  : i32 {
      %dma_wait3A_368 = arith.constant 0 : i32
      %dma_wait3A_369 = arith.constant 0 : i32
      %dma_wait3A_370 = arith.constant 0 : i32
      %dma_wait3A_371 = arith.constant 0 : i32
      %dma_wait3A_372 = arith.constant 0 : i32
      %dma_wait3A_373 = tpu.memref_slice %arg9[%dma_wait3A_370, %dma_wait3A_371, %dma_wait3A_372] : memref<32x128x16xf32, #tpu.memory_space<vmem>> -> memref<1x128x16xf32, #tpu.memory_space<vmem>>
      %dma_wait3A_374 = tpu.memref_squeeze %dma_wait3A_373 : memref<1x128x16xf32, #tpu.memory_space<vmem>> -> memref<128x16xf32, #tpu.memory_space<vmem>>
      %dma_wait3A_375 = arith.constant 0 : i32
      %dma_wait3A_376 = arith.constant 0 : i32
      %dma_wait3A_377 = tpu.memref_slice %arg7[%dma_wait3A_368, %dma_wait3A_375, %dma_wait3A_376] : memref<2x74x128xi32, #tpu.memory_space<vmem>> -> memref<1x74x128xi32, #tpu.memory_space<vmem>>
      %dma_wait3A_378 = tpu.memref_squeeze %dma_wait3A_377 : memref<1x74x128xi32, #tpu.memory_space<vmem>> -> memref<74x128xi32, #tpu.memory_space<vmem>>
      %dma_wait3A_379 = arith.constant 0 : i32
      %dma_wait3A_380 = tpu.memref_slice %dma_wait3A_378[%dma_wait3A_369, %dma_wait3A_379] : memref<74x128xi32, #tpu.memory_space<vmem>> -> memref<1x128xi32, #tpu.memory_space<vmem>>
      %dma_wait3A_381 = tpu.memref_squeeze %dma_wait3A_380 : memref<1x128xi32, #tpu.memory_space<vmem>> -> memref<128xi32, #tpu.memory_space<vmem>>
      %dma_wait3A_382 = arith.constant 0 : i32
      %dma_wait3A_383 = arith.constant 0 : i32
      %dma_wait3A_384 = tpu.memref_slice %arg2[%dma_wait3A_382, %dma_wait3A_383] : memref<50176x16xf32, #tpu.memory_space<hbm>> -> memref<50176x16xf32, #tpu.memory_space<hbm>>
      tpu.wait_indirect_dma semaphore(%arg10 : memref<!tpu.dma_semaphore, #tpu.memory_space<semaphore_mem>>) src(%dma_wait3A_384 : memref<50176x16xf32, #tpu.memory_space<hbm>>) dst(%dma_wait3A_374 : memref<128x16xf32, #tpu.memory_space<vmem>>)
    }
    %scan3A_210 = arith.constant 10 : i32
    %parallel_loop3A_211 = arith.constant 0 : i32
    %parallel_loop3A_212 = arith.constant 10 : i32
    %parallel_loop3A_213 = arith.constant 1 : i32
    scf.for %parallel_loop3A_367 = %parallel_loop3A_211 to %parallel_loop3A_212 step %parallel_loop3A_213  : i32 {
      %parallel_loop3A_368 = arith.constant 0 : i32
      %parallel_loop3A_369 = arith.addi %parallel_loop3A_368, %parallel_loop3A_367 : i32
      %parallel_loop3A_370 = arith.constant 64 : i32
      %parallel_loop3A_371 = arith.addi %parallel_loop3A_370, %parallel_loop3A_367 : i32
      %parallel_loop3A_372 = arith.constant 0 : i32
      %parallel_loop3A_373 = arith.constant 0 : i32
      %parallel_loop3A_374 = arith.constant 0 : i32
      %parallel_loop3A_375 = tpu.memref_slice %arg9[%parallel_loop3A_369, %parallel_loop3A_373, %parallel_loop3A_374] : memref<32x128x16xf32, #tpu.memory_space<vmem>> -> memref<1x128x16xf32, #tpu.memory_space<vmem>>
      %parallel_loop3A_376 = tpu.memref_squeeze %parallel_loop3A_375 : memref<1x128x16xf32, #tpu.memory_space<vmem>> -> memref<128x16xf32, #tpu.memory_space<vmem>>
      %parallel_loop3A_377 = arith.constant 0 : i32
      %parallel_loop3A_378 = tpu.memref_slice %arg8[%parallel_loop3A_371, %parallel_loop3A_377] : memref<74x128xi32, #tpu.memory_space<vmem>> -> memref<1x128xi32, #tpu.memory_space<vmem>>
      %parallel_loop3A_379 = tpu.memref_squeeze %parallel_loop3A_378 : memref<1x128xi32, #tpu.memory_space<vmem>> -> memref<128xi32, #tpu.memory_space<vmem>>
      %parallel_loop3A_380 = arith.constant 0 : i32
      %parallel_loop3A_381 = arith.constant 0 : i32
      %parallel_loop3A_382 = tpu.memref_slice %arg6[%parallel_loop3A_372, %parallel_loop3A_380, %parallel_loop3A_381] : memref<2x12544x16xf32, #tpu.memory_space<vmem_shared>> -> memref<1x12544x16xf32, #tpu.memory_space<vmem_shared>>
      %parallel_loop3A_383 = tpu.memref_squeeze %parallel_loop3A_382 : memref<1x12544x16xf32, #tpu.memory_space<vmem_shared>> -> memref<12544x16xf32, #tpu.memory_space<vmem_shared>>
      %parallel_loop3A_384 = arith.constant 0 : i32
      %parallel_loop3A_385 = arith.constant 0 : i32
      %parallel_loop3A_386 = tpu.memref_slice %parallel_loop3A_383[%parallel_loop3A_384, %parallel_loop3A_385] : memref<12544x16xf32, #tpu.memory_space<vmem_shared>> -> memref<12544x16xf32, #tpu.memory_space<vmem_shared>>
      tpu.enqueue_indirect_dma source(%parallel_loop3A_376 : memref<128x16xf32, #tpu.memory_space<vmem>>) target(%parallel_loop3A_386 : memref<12544x16xf32, #tpu.memory_space<vmem_shared>>) offsets(%parallel_loop3A_379 : memref<128xi32, #tpu.memory_space<vmem>>) semaphore(%arg11 : memref<!tpu.dma_semaphore, #tpu.memory_space<semaphore_mem>>) {add = true}
    } {sc.loop_unroll_factor = 4 : i64, sc.parallel_access}
    %scan3A_214 = arith.constant 0 : i32
    %scan3A_215 = arith.constant 0 : i32
    %scan3A_216 = arith.constant 16 : i32
    %scan3A_217 = arith.addi %scan3A_215, %scan3A_216 : i32
    %scan3A_218 = arith.constant 1 : i32
    scf.for %scan3A_367 = %scan3A_215 to %scan3A_217 step %scan3A_218  : i32 {
      %dma_wait3A_368 = arith.constant 0 : i32
      %dma_wait3A_369 = arith.constant 0 : i32
      %dma_wait3A_370 = arith.constant 0 : i32
      %dma_wait3A_371 = arith.constant 0 : i32
      %dma_wait3A_372 = arith.constant 0 : i32
      %dma_wait3A_373 = tpu.memref_slice %arg9[%dma_wait3A_368, %dma_wait3A_371, %dma_wait3A_372] : memref<32x128x16xf32, #tpu.memory_space<vmem>> -> memref<1x128x16xf32, #tpu.memory_space<vmem>>
      %dma_wait3A_374 = tpu.memref_squeeze %dma_wait3A_373 : memref<1x128x16xf32, #tpu.memory_space<vmem>> -> memref<128x16xf32, #tpu.memory_space<vmem>>
      %dma_wait3A_375 = arith.constant 0 : i32
      %dma_wait3A_376 = tpu.memref_slice %arg8[%dma_wait3A_370, %dma_wait3A_375] : memref<74x128xi32, #tpu.memory_space<vmem>> -> memref<1x128xi32, #tpu.memory_space<vmem>>
      %dma_wait3A_377 = tpu.memref_squeeze %dma_wait3A_376 : memref<1x128xi32, #tpu.memory_space<vmem>> -> memref<128xi32, #tpu.memory_space<vmem>>
      %dma_wait3A_378 = arith.constant 0 : i32
      %dma_wait3A_379 = arith.constant 0 : i32
      %dma_wait3A_380 = tpu.memref_slice %arg6[%dma_wait3A_369, %dma_wait3A_378, %dma_wait3A_379] : memref<2x12544x16xf32, #tpu.memory_space<vmem_shared>> -> memref<1x12544x16xf32, #tpu.memory_space<vmem_shared>>
      %dma_wait3A_381 = tpu.memref_squeeze %dma_wait3A_380 : memref<1x12544x16xf32, #tpu.memory_space<vmem_shared>> -> memref<12544x16xf32, #tpu.memory_space<vmem_shared>>
      %dma_wait3A_382 = arith.constant 0 : i32
      %dma_wait3A_383 = arith.constant 0 : i32
      %dma_wait3A_384 = tpu.memref_slice %dma_wait3A_381[%dma_wait3A_382, %dma_wait3A_383] : memref<12544x16xf32, #tpu.memory_space<vmem_shared>> -> memref<12544x16xf32, #tpu.memory_space<vmem_shared>>
      tpu.wait_indirect_dma semaphore(%arg11 : memref<!tpu.dma_semaphore, #tpu.memory_space<semaphore_mem>>) src(%dma_wait3A_374 : memref<128x16xf32, #tpu.memory_space<vmem>>) dst(%dma_wait3A_384 : memref<12544x16xf32, #tpu.memory_space<vmem_shared>>)
    }
    %scan3A_219 = arith.constant 16 : i32
    %parallel_loop3A_220 = arith.constant 0 : i32
    %parallel_loop3A_221 = arith.constant 16 : i32
    %parallel_loop3A_222 = arith.constant 1 : i32
    scf.for %parallel_loop3A_367 = %parallel_loop3A_220 to %parallel_loop3A_221 step %parallel_loop3A_222  : i32 {
      %parallel_loop3A_368 = arith.constant 0 : i32
      %parallel_loop3A_369 = arith.addi %parallel_loop3A_368, %parallel_loop3A_367 : i32
      %parallel_loop3A_370 = arith.constant 16 : i32
      %parallel_loop3A_371 = arith.addi %parallel_loop3A_370, %parallel_loop3A_367 : i32
      %parallel_loop3A_372 = arith.constant 1 : i32
      %parallel_loop3A_373 = arith.constant 0 : i32
      %parallel_loop3A_374 = arith.constant 0 : i32
      %parallel_loop3A_375 = tpu.memref_slice %arg9[%parallel_loop3A_371, %parallel_loop3A_373, %parallel_loop3A_374] : memref<32x128x16xf32, #tpu.memory_space<vmem>> -> memref<1x128x16xf32, #tpu.memory_space<vmem>>
      %parallel_loop3A_376 = tpu.memref_squeeze %parallel_loop3A_375 : memref<1x128x16xf32, #tpu.memory_space<vmem>> -> memref<128x16xf32, #tpu.memory_space<vmem>>
      %parallel_loop3A_377 = arith.constant 0 : i32
      %parallel_loop3A_378 = arith.constant 0 : i32
      %parallel_loop3A_379 = tpu.memref_slice %arg7[%parallel_loop3A_372, %parallel_loop3A_377, %parallel_loop3A_378] : memref<2x74x128xi32, #tpu.memory_space<vmem>> -> memref<1x74x128xi32, #tpu.memory_space<vmem>>
      %parallel_loop3A_380 = tpu.memref_squeeze %parallel_loop3A_379 : memref<1x74x128xi32, #tpu.memory_space<vmem>> -> memref<74x128xi32, #tpu.memory_space<vmem>>
      %parallel_loop3A_381 = arith.constant 0 : i32
      %parallel_loop3A_382 = tpu.memref_slice %parallel_loop3A_380[%parallel_loop3A_369, %parallel_loop3A_381] : memref<74x128xi32, #tpu.memory_space<vmem>> -> memref<1x128xi32, #tpu.memory_space<vmem>>
      %parallel_loop3A_383 = tpu.memref_squeeze %parallel_loop3A_382 : memref<1x128xi32, #tpu.memory_space<vmem>> -> memref<128xi32, #tpu.memory_space<vmem>>
      %parallel_loop3A_384 = arith.constant 0 : i32
      %parallel_loop3A_385 = arith.constant 0 : i32
      %parallel_loop3A_386 = tpu.memref_slice %arg2[%parallel_loop3A_384, %parallel_loop3A_385] : memref<50176x16xf32, #tpu.memory_space<hbm>> -> memref<50176x16xf32, #tpu.memory_space<hbm>>
      tpu.enqueue_indirect_dma source(%parallel_loop3A_386 : memref<50176x16xf32, #tpu.memory_space<hbm>>) target(%parallel_loop3A_376 : memref<128x16xf32, #tpu.memory_space<vmem>>) offsets(%parallel_loop3A_383 : memref<128xi32, #tpu.memory_space<vmem>>) semaphore(%arg10 : memref<!tpu.dma_semaphore, #tpu.memory_space<semaphore_mem>>)
    } {sc.loop_unroll_factor = 4 : i64, sc.parallel_access}
    %scan3A_223 = arith.constant 0 : i32
    %scan3A_224 = arith.constant 0 : i32
    %scan3A_225 = arith.constant 16 : i32
    %scan3A_226 = arith.addi %scan3A_224, %scan3A_225 : i32
    %scan3A_227 = arith.constant 1 : i32
    scf.for %scan3A_367 = %scan3A_224 to %scan3A_226 step %scan3A_227  : i32 {
      %dma_wait3A_368 = arith.constant 0 : i32
      %dma_wait3A_369 = arith.constant 0 : i32
      %dma_wait3A_370 = arith.constant 0 : i32
      %dma_wait3A_371 = arith.constant 0 : i32
      %dma_wait3A_372 = arith.constant 0 : i32
      %dma_wait3A_373 = tpu.memref_slice %arg9[%dma_wait3A_370, %dma_wait3A_371, %dma_wait3A_372] : memref<32x128x16xf32, #tpu.memory_space<vmem>> -> memref<1x128x16xf32, #tpu.memory_space<vmem>>
      %dma_wait3A_374 = tpu.memref_squeeze %dma_wait3A_373 : memref<1x128x16xf32, #tpu.memory_space<vmem>> -> memref<128x16xf32, #tpu.memory_space<vmem>>
      %dma_wait3A_375 = arith.constant 0 : i32
      %dma_wait3A_376 = arith.constant 0 : i32
      %dma_wait3A_377 = tpu.memref_slice %arg7[%dma_wait3A_368, %dma_wait3A_375, %dma_wait3A_376] : memref<2x74x128xi32, #tpu.memory_space<vmem>> -> memref<1x74x128xi32, #tpu.memory_space<vmem>>
      %dma_wait3A_378 = tpu.memref_squeeze %dma_wait3A_377 : memref<1x74x128xi32, #tpu.memory_space<vmem>> -> memref<74x128xi32, #tpu.memory_space<vmem>>
      %dma_wait3A_379 = arith.constant 0 : i32
      %dma_wait3A_380 = tpu.memref_slice %dma_wait3A_378[%dma_wait3A_369, %dma_wait3A_379] : memref<74x128xi32, #tpu.memory_space<vmem>> -> memref<1x128xi32, #tpu.memory_space<vmem>>
      %dma_wait3A_381 = tpu.memref_squeeze %dma_wait3A_380 : memref<1x128xi32, #tpu.memory_space<vmem>> -> memref<128xi32, #tpu.memory_space<vmem>>
      %dma_wait3A_382 = arith.constant 0 : i32
      %dma_wait3A_383 = arith.constant 0 : i32
      %dma_wait3A_384 = tpu.memref_slice %arg2[%dma_wait3A_382, %dma_wait3A_383] : memref<50176x16xf32, #tpu.memory_space<hbm>> -> memref<50176x16xf32, #tpu.memory_space<hbm>>
      tpu.wait_indirect_dma semaphore(%arg10 : memref<!tpu.dma_semaphore, #tpu.memory_space<semaphore_mem>>) src(%dma_wait3A_384 : memref<50176x16xf32, #tpu.memory_space<hbm>>) dst(%dma_wait3A_374 : memref<128x16xf32, #tpu.memory_space<vmem>>)
    }
    %scan3A_228 = arith.constant 16 : i32
    %parallel_loop3A_229 = arith.constant 0 : i32
    %parallel_loop3A_230 = arith.constant 16 : i32
    %parallel_loop3A_231 = arith.constant 1 : i32
    scf.for %parallel_loop3A_367 = %parallel_loop3A_229 to %parallel_loop3A_230 step %parallel_loop3A_231  : i32 {
      %parallel_loop3A_368 = arith.constant 16 : i32
      %parallel_loop3A_369 = arith.addi %parallel_loop3A_368, %parallel_loop3A_367 : i32
      %parallel_loop3A_370 = arith.constant 0 : i32
      %parallel_loop3A_371 = arith.addi %parallel_loop3A_370, %parallel_loop3A_367 : i32
      %parallel_loop3A_372 = arith.constant 1 : i32
      %parallel_loop3A_373 = arith.constant 0 : i32
      %parallel_loop3A_374 = arith.constant 0 : i32
      %parallel_loop3A_375 = tpu.memref_slice %arg9[%parallel_loop3A_369, %parallel_loop3A_373, %parallel_loop3A_374] : memref<32x128x16xf32, #tpu.memory_space<vmem>> -> memref<1x128x16xf32, #tpu.memory_space<vmem>>
      %parallel_loop3A_376 = tpu.memref_squeeze %parallel_loop3A_375 : memref<1x128x16xf32, #tpu.memory_space<vmem>> -> memref<128x16xf32, #tpu.memory_space<vmem>>
      %parallel_loop3A_377 = arith.constant 0 : i32
      %parallel_loop3A_378 = tpu.memref_slice %arg8[%parallel_loop3A_371, %parallel_loop3A_377] : memref<74x128xi32, #tpu.memory_space<vmem>> -> memref<1x128xi32, #tpu.memory_space<vmem>>
      %parallel_loop3A_379 = tpu.memref_squeeze %parallel_loop3A_378 : memref<1x128xi32, #tpu.memory_space<vmem>> -> memref<128xi32, #tpu.memory_space<vmem>>
      %parallel_loop3A_380 = arith.constant 0 : i32
      %parallel_loop3A_381 = arith.constant 0 : i32
      %parallel_loop3A_382 = tpu.memref_slice %arg6[%parallel_loop3A_372, %parallel_loop3A_380, %parallel_loop3A_381] : memref<2x12544x16xf32, #tpu.memory_space<vmem_shared>> -> memref<1x12544x16xf32, #tpu.memory_space<vmem_shared>>
      %parallel_loop3A_383 = tpu.memref_squeeze %parallel_loop3A_382 : memref<1x12544x16xf32, #tpu.memory_space<vmem_shared>> -> memref<12544x16xf32, #tpu.memory_space<vmem_shared>>
      %parallel_loop3A_384 = arith.constant 0 : i32
      %parallel_loop3A_385 = arith.constant 0 : i32
      %parallel_loop3A_386 = tpu.memref_slice %parallel_loop3A_383[%parallel_loop3A_384, %parallel_loop3A_385] : memref<12544x16xf32, #tpu.memory_space<vmem_shared>> -> memref<12544x16xf32, #tpu.memory_space<vmem_shared>>
      tpu.enqueue_indirect_dma source(%parallel_loop3A_376 : memref<128x16xf32, #tpu.memory_space<vmem>>) target(%parallel_loop3A_386 : memref<12544x16xf32, #tpu.memory_space<vmem_shared>>) offsets(%parallel_loop3A_379 : memref<128xi32, #tpu.memory_space<vmem>>) semaphore(%arg11 : memref<!tpu.dma_semaphore, #tpu.memory_space<semaphore_mem>>) {add = true}
    } {sc.loop_unroll_factor = 4 : i64, sc.parallel_access}
    %scan3A_232 = arith.constant 0 : i32
    %scan3A_233 = arith.constant 0 : i32
    %scan3A_234 = arith.constant 10 : i32
    %scan3A_235 = arith.addi %scan3A_233, %scan3A_234 : i32
    %scan3A_236 = arith.constant 1 : i32
    scf.for %scan3A_367 = %scan3A_233 to %scan3A_235 step %scan3A_236  : i32 {
      %dma_wait3A_368 = arith.constant 0 : i32
      %dma_wait3A_369 = arith.constant 0 : i32
      %dma_wait3A_370 = arith.constant 0 : i32
      %dma_wait3A_371 = arith.constant 0 : i32
      %dma_wait3A_372 = arith.constant 0 : i32
      %dma_wait3A_373 = tpu.memref_slice %arg9[%dma_wait3A_368, %dma_wait3A_371, %dma_wait3A_372] : memref<32x128x16xf32, #tpu.memory_space<vmem>> -> memref<1x128x16xf32, #tpu.memory_space<vmem>>
      %dma_wait3A_374 = tpu.memref_squeeze %dma_wait3A_373 : memref<1x128x16xf32, #tpu.memory_space<vmem>> -> memref<128x16xf32, #tpu.memory_space<vmem>>
      %dma_wait3A_375 = arith.constant 0 : i32
      %dma_wait3A_376 = tpu.memref_slice %arg8[%dma_wait3A_370, %dma_wait3A_375] : memref<74x128xi32, #tpu.memory_space<vmem>> -> memref<1x128xi32, #tpu.memory_space<vmem>>
      %dma_wait3A_377 = tpu.memref_squeeze %dma_wait3A_376 : memref<1x128xi32, #tpu.memory_space<vmem>> -> memref<128xi32, #tpu.memory_space<vmem>>
      %dma_wait3A_378 = arith.constant 0 : i32
      %dma_wait3A_379 = arith.constant 0 : i32
      %dma_wait3A_380 = tpu.memref_slice %arg6[%dma_wait3A_369, %dma_wait3A_378, %dma_wait3A_379] : memref<2x12544x16xf32, #tpu.memory_space<vmem_shared>> -> memref<1x12544x16xf32, #tpu.memory_space<vmem_shared>>
      %dma_wait3A_381 = tpu.memref_squeeze %dma_wait3A_380 : memref<1x12544x16xf32, #tpu.memory_space<vmem_shared>> -> memref<12544x16xf32, #tpu.memory_space<vmem_shared>>
      %dma_wait3A_382 = arith.constant 0 : i32
      %dma_wait3A_383 = arith.constant 0 : i32
      %dma_wait3A_384 = tpu.memref_slice %dma_wait3A_381[%dma_wait3A_382, %dma_wait3A_383] : memref<12544x16xf32, #tpu.memory_space<vmem_shared>> -> memref<12544x16xf32, #tpu.memory_space<vmem_shared>>
      tpu.wait_indirect_dma semaphore(%arg11 : memref<!tpu.dma_semaphore, #tpu.memory_space<semaphore_mem>>) src(%dma_wait3A_374 : memref<128x16xf32, #tpu.memory_space<vmem>>) dst(%dma_wait3A_384 : memref<12544x16xf32, #tpu.memory_space<vmem_shared>>)
    }
    %scan3A_237 = arith.constant 10 : i32
    %parallel_loop3A_238 = arith.constant 0 : i32
    %parallel_loop3A_239 = arith.constant 16 : i32
    %parallel_loop3A_240 = arith.constant 1 : i32
    scf.for %parallel_loop3A_367 = %parallel_loop3A_238 to %parallel_loop3A_239 step %parallel_loop3A_240  : i32 {
      %parallel_loop3A_368 = arith.constant 16 : i32
      %parallel_loop3A_369 = arith.addi %parallel_loop3A_368, %parallel_loop3A_367 : i32
      %parallel_loop3A_370 = arith.constant 0 : i32
      %parallel_loop3A_371 = arith.addi %parallel_loop3A_370, %parallel_loop3A_367 : i32
      %parallel_loop3A_372 = arith.constant 1 : i32
      %parallel_loop3A_373 = arith.constant 0 : i32
      %parallel_loop3A_374 = arith.constant 0 : i32
      %parallel_loop3A_375 = tpu.memref_slice %arg9[%parallel_loop3A_371, %parallel_loop3A_373, %parallel_loop3A_374] : memref<32x128x16xf32, #tpu.memory_space<vmem>> -> memref<1x128x16xf32, #tpu.memory_space<vmem>>
      %parallel_loop3A_376 = tpu.memref_squeeze %parallel_loop3A_375 : memref<1x128x16xf32, #tpu.memory_space<vmem>> -> memref<128x16xf32, #tpu.memory_space<vmem>>
      %parallel_loop3A_377 = arith.constant 0 : i32
      %parallel_loop3A_378 = arith.constant 0 : i32
      %parallel_loop3A_379 = tpu.memref_slice %arg7[%parallel_loop3A_372, %parallel_loop3A_377, %parallel_loop3A_378] : memref<2x74x128xi32, #tpu.memory_space<vmem>> -> memref<1x74x128xi32, #tpu.memory_space<vmem>>
      %parallel_loop3A_380 = tpu.memref_squeeze %parallel_loop3A_379 : memref<1x74x128xi32, #tpu.memory_space<vmem>> -> memref<74x128xi32, #tpu.memory_space<vmem>>
      %parallel_loop3A_381 = arith.constant 0 : i32
      %parallel_loop3A_382 = tpu.memref_slice %parallel_loop3A_380[%parallel_loop3A_369, %parallel_loop3A_381] : memref<74x128xi32, #tpu.memory_space<vmem>> -> memref<1x128xi32, #tpu.memory_space<vmem>>
      %parallel_loop3A_383 = tpu.memref_squeeze %parallel_loop3A_382 : memref<1x128xi32, #tpu.memory_space<vmem>> -> memref<128xi32, #tpu.memory_space<vmem>>
      %parallel_loop3A_384 = arith.constant 0 : i32
      %parallel_loop3A_385 = arith.constant 0 : i32
      %parallel_loop3A_386 = tpu.memref_slice %arg2[%parallel_loop3A_384, %parallel_loop3A_385] : memref<50176x16xf32, #tpu.memory_space<hbm>> -> memref<50176x16xf32, #tpu.memory_space<hbm>>
      tpu.enqueue_indirect_dma source(%parallel_loop3A_386 : memref<50176x16xf32, #tpu.memory_space<hbm>>) target(%parallel_loop3A_376 : memref<128x16xf32, #tpu.memory_space<vmem>>) offsets(%parallel_loop3A_383 : memref<128xi32, #tpu.memory_space<vmem>>) semaphore(%arg10 : memref<!tpu.dma_semaphore, #tpu.memory_space<semaphore_mem>>)
    } {sc.loop_unroll_factor = 4 : i64, sc.parallel_access}
    %scan3A_241 = arith.constant 0 : i32
    %scan3A_242 = arith.constant 0 : i32
    %scan3A_243 = arith.constant 16 : i32
    %scan3A_244 = arith.addi %scan3A_242, %scan3A_243 : i32
    %scan3A_245 = arith.constant 1 : i32
    scf.for %scan3A_367 = %scan3A_242 to %scan3A_244 step %scan3A_245  : i32 {
      %dma_wait3A_368 = arith.constant 0 : i32
      %dma_wait3A_369 = arith.constant 0 : i32
      %dma_wait3A_370 = arith.constant 0 : i32
      %dma_wait3A_371 = arith.constant 0 : i32
      %dma_wait3A_372 = arith.constant 0 : i32
      %dma_wait3A_373 = tpu.memref_slice %arg9[%dma_wait3A_370, %dma_wait3A_371, %dma_wait3A_372] : memref<32x128x16xf32, #tpu.memory_space<vmem>> -> memref<1x128x16xf32, #tpu.memory_space<vmem>>
      %dma_wait3A_374 = tpu.memref_squeeze %dma_wait3A_373 : memref<1x128x16xf32, #tpu.memory_space<vmem>> -> memref<128x16xf32, #tpu.memory_space<vmem>>
      %dma_wait3A_375 = arith.constant 0 : i32
      %dma_wait3A_376 = arith.constant 0 : i32
      %dma_wait3A_377 = tpu.memref_slice %arg7[%dma_wait3A_368, %dma_wait3A_375, %dma_wait3A_376] : memref<2x74x128xi32, #tpu.memory_space<vmem>> -> memref<1x74x128xi32, #tpu.memory_space<vmem>>
      %dma_wait3A_378 = tpu.memref_squeeze %dma_wait3A_377 : memref<1x74x128xi32, #tpu.memory_space<vmem>> -> memref<74x128xi32, #tpu.memory_space<vmem>>
      %dma_wait3A_379 = arith.constant 0 : i32
      %dma_wait3A_380 = tpu.memref_slice %dma_wait3A_378[%dma_wait3A_369, %dma_wait3A_379] : memref<74x128xi32, #tpu.memory_space<vmem>> -> memref<1x128xi32, #tpu.memory_space<vmem>>
      %dma_wait3A_381 = tpu.memref_squeeze %dma_wait3A_380 : memref<1x128xi32, #tpu.memory_space<vmem>> -> memref<128xi32, #tpu.memory_space<vmem>>
      %dma_wait3A_382 = arith.constant 0 : i32
      %dma_wait3A_383 = arith.constant 0 : i32
      %dma_wait3A_384 = tpu.memref_slice %arg2[%dma_wait3A_382, %dma_wait3A_383] : memref<50176x16xf32, #tpu.memory_space<hbm>> -> memref<50176x16xf32, #tpu.memory_space<hbm>>
      tpu.wait_indirect_dma semaphore(%arg10 : memref<!tpu.dma_semaphore, #tpu.memory_space<semaphore_mem>>) src(%dma_wait3A_384 : memref<50176x16xf32, #tpu.memory_space<hbm>>) dst(%dma_wait3A_374 : memref<128x16xf32, #tpu.memory_space<vmem>>)
    }
    %scan3A_246 = arith.constant 16 : i32
    %parallel_loop3A_247 = arith.constant 0 : i32
    %parallel_loop3A_248 = arith.constant 16 : i32
    %parallel_loop3A_249 = arith.constant 1 : i32
    scf.for %parallel_loop3A_367 = %parallel_loop3A_247 to %parallel_loop3A_248 step %parallel_loop3A_249  : i32 {
      %parallel_loop3A_368 = arith.constant 0 : i32
      %parallel_loop3A_369 = arith.addi %parallel_loop3A_368, %parallel_loop3A_367 : i32
      %parallel_loop3A_370 = arith.constant 16 : i32
      %parallel_loop3A_371 = arith.addi %parallel_loop3A_370, %parallel_loop3A_367 : i32
      %parallel_loop3A_372 = arith.constant 1 : i32
      %parallel_loop3A_373 = arith.constant 0 : i32
      %parallel_loop3A_374 = arith.constant 0 : i32
      %parallel_loop3A_375 = tpu.memref_slice %arg9[%parallel_loop3A_369, %parallel_loop3A_373, %parallel_loop3A_374] : memref<32x128x16xf32, #tpu.memory_space<vmem>> -> memref<1x128x16xf32, #tpu.memory_space<vmem>>
      %parallel_loop3A_376 = tpu.memref_squeeze %parallel_loop3A_375 : memref<1x128x16xf32, #tpu.memory_space<vmem>> -> memref<128x16xf32, #tpu.memory_space<vmem>>
      %parallel_loop3A_377 = arith.constant 0 : i32
      %parallel_loop3A_378 = tpu.memref_slice %arg8[%parallel_loop3A_371, %parallel_loop3A_377] : memref<74x128xi32, #tpu.memory_space<vmem>> -> memref<1x128xi32, #tpu.memory_space<vmem>>
      %parallel_loop3A_379 = tpu.memref_squeeze %parallel_loop3A_378 : memref<1x128xi32, #tpu.memory_space<vmem>> -> memref<128xi32, #tpu.memory_space<vmem>>
      %parallel_loop3A_380 = arith.constant 0 : i32
      %parallel_loop3A_381 = arith.constant 0 : i32
      %parallel_loop3A_382 = tpu.memref_slice %arg6[%parallel_loop3A_372, %parallel_loop3A_380, %parallel_loop3A_381] : memref<2x12544x16xf32, #tpu.memory_space<vmem_shared>> -> memref<1x12544x16xf32, #tpu.memory_space<vmem_shared>>
      %parallel_loop3A_383 = tpu.memref_squeeze %parallel_loop3A_382 : memref<1x12544x16xf32, #tpu.memory_space<vmem_shared>> -> memref<12544x16xf32, #tpu.memory_space<vmem_shared>>
      %parallel_loop3A_384 = arith.constant 0 : i32
      %parallel_loop3A_385 = arith.constant 0 : i32
      %parallel_loop3A_386 = tpu.memref_slice %parallel_loop3A_383[%parallel_loop3A_384, %parallel_loop3A_385] : memref<12544x16xf32, #tpu.memory_space<vmem_shared>> -> memref<12544x16xf32, #tpu.memory_space<vmem_shared>>
      tpu.enqueue_indirect_dma source(%parallel_loop3A_376 : memref<128x16xf32, #tpu.memory_space<vmem>>) target(%parallel_loop3A_386 : memref<12544x16xf32, #tpu.memory_space<vmem_shared>>) offsets(%parallel_loop3A_379 : memref<128xi32, #tpu.memory_space<vmem>>) semaphore(%arg11 : memref<!tpu.dma_semaphore, #tpu.memory_space<semaphore_mem>>) {add = true}
    } {sc.loop_unroll_factor = 4 : i64, sc.parallel_access}
    %scan3A_250 = arith.constant 0 : i32
    %scan3A_251 = arith.constant 0 : i32
    %scan3A_252 = arith.constant 16 : i32
    %scan3A_253 = arith.addi %scan3A_251, %scan3A_252 : i32
    %scan3A_254 = arith.constant 1 : i32
    scf.for %scan3A_367 = %scan3A_251 to %scan3A_253 step %scan3A_254  : i32 {
      %dma_wait3A_368 = arith.constant 0 : i32
      %dma_wait3A_369 = arith.constant 0 : i32
      %dma_wait3A_370 = arith.constant 0 : i32
      %dma_wait3A_371 = arith.constant 0 : i32
      %dma_wait3A_372 = arith.constant 0 : i32
      %dma_wait3A_373 = tpu.memref_slice %arg9[%dma_wait3A_368, %dma_wait3A_371, %dma_wait3A_372] : memref<32x128x16xf32, #tpu.memory_space<vmem>> -> memref<1x128x16xf32, #tpu.memory_space<vmem>>
      %dma_wait3A_374 = tpu.memref_squeeze %dma_wait3A_373 : memref<1x128x16xf32, #tpu.memory_space<vmem>> -> memref<128x16xf32, #tpu.memory_space<vmem>>
      %dma_wait3A_375 = arith.constant 0 : i32
      %dma_wait3A_376 = tpu.memref_slice %arg8[%dma_wait3A_370, %dma_wait3A_375] : memref<74x128xi32, #tpu.memory_space<vmem>> -> memref<1x128xi32, #tpu.memory_space<vmem>>
      %dma_wait3A_377 = tpu.memref_squeeze %dma_wait3A_376 : memref<1x128xi32, #tpu.memory_space<vmem>> -> memref<128xi32, #tpu.memory_space<vmem>>
      %dma_wait3A_378 = arith.constant 0 : i32
      %dma_wait3A_379 = arith.constant 0 : i32
      %dma_wait3A_380 = tpu.memref_slice %arg6[%dma_wait3A_369, %dma_wait3A_378, %dma_wait3A_379] : memref<2x12544x16xf32, #tpu.memory_space<vmem_shared>> -> memref<1x12544x16xf32, #tpu.memory_space<vmem_shared>>
      %dma_wait3A_381 = tpu.memref_squeeze %dma_wait3A_380 : memref<1x12544x16xf32, #tpu.memory_space<vmem_shared>> -> memref<12544x16xf32, #tpu.memory_space<vmem_shared>>
      %dma_wait3A_382 = arith.constant 0 : i32
      %dma_wait3A_383 = arith.constant 0 : i32
      %dma_wait3A_384 = tpu.memref_slice %dma_wait3A_381[%dma_wait3A_382, %dma_wait3A_383] : memref<12544x16xf32, #tpu.memory_space<vmem_shared>> -> memref<12544x16xf32, #tpu.memory_space<vmem_shared>>
      tpu.wait_indirect_dma semaphore(%arg11 : memref<!tpu.dma_semaphore, #tpu.memory_space<semaphore_mem>>) src(%dma_wait3A_374 : memref<128x16xf32, #tpu.memory_space<vmem>>) dst(%dma_wait3A_384 : memref<12544x16xf32, #tpu.memory_space<vmem_shared>>)
    }
    %scan3A_255 = arith.constant 16 : i32
    %parallel_loop3A_256 = arith.constant 0 : i32
    %parallel_loop3A_257 = arith.constant 16 : i32
    %parallel_loop3A_258 = arith.constant 1 : i32
    scf.for %parallel_loop3A_367 = %parallel_loop3A_256 to %parallel_loop3A_257 step %parallel_loop3A_258  : i32 {
      %parallel_loop3A_368 = arith.constant 32 : i32
      %parallel_loop3A_369 = arith.addi %parallel_loop3A_368, %parallel_loop3A_367 : i32
      %parallel_loop3A_370 = arith.constant 16 : i32
      %parallel_loop3A_371 = arith.addi %parallel_loop3A_370, %parallel_loop3A_367 : i32
      %parallel_loop3A_372 = arith.constant 1 : i32
      %parallel_loop3A_373 = arith.constant 0 : i32
      %parallel_loop3A_374 = arith.constant 0 : i32
      %parallel_loop3A_375 = tpu.memref_slice %arg9[%parallel_loop3A_371, %parallel_loop3A_373, %parallel_loop3A_374] : memref<32x128x16xf32, #tpu.memory_space<vmem>> -> memref<1x128x16xf32, #tpu.memory_space<vmem>>
      %parallel_loop3A_376 = tpu.memref_squeeze %parallel_loop3A_375 : memref<1x128x16xf32, #tpu.memory_space<vmem>> -> memref<128x16xf32, #tpu.memory_space<vmem>>
      %parallel_loop3A_377 = arith.constant 0 : i32
      %parallel_loop3A_378 = arith.constant 0 : i32
      %parallel_loop3A_379 = tpu.memref_slice %arg7[%parallel_loop3A_372, %parallel_loop3A_377, %parallel_loop3A_378] : memref<2x74x128xi32, #tpu.memory_space<vmem>> -> memref<1x74x128xi32, #tpu.memory_space<vmem>>
      %parallel_loop3A_380 = tpu.memref_squeeze %parallel_loop3A_379 : memref<1x74x128xi32, #tpu.memory_space<vmem>> -> memref<74x128xi32, #tpu.memory_space<vmem>>
      %parallel_loop3A_381 = arith.constant 0 : i32
      %parallel_loop3A_382 = tpu.memref_slice %parallel_loop3A_380[%parallel_loop3A_369, %parallel_loop3A_381] : memref<74x128xi32, #tpu.memory_space<vmem>> -> memref<1x128xi32, #tpu.memory_space<vmem>>
      %parallel_loop3A_383 = tpu.memref_squeeze %parallel_loop3A_382 : memref<1x128xi32, #tpu.memory_space<vmem>> -> memref<128xi32, #tpu.memory_space<vmem>>
      %parallel_loop3A_384 = arith.constant 0 : i32
      %parallel_loop3A_385 = arith.constant 0 : i32
      %parallel_loop3A_386 = tpu.memref_slice %arg2[%parallel_loop3A_384, %parallel_loop3A_385] : memref<50176x16xf32, #tpu.memory_space<hbm>> -> memref<50176x16xf32, #tpu.memory_space<hbm>>
      tpu.enqueue_indirect_dma source(%parallel_loop3A_386 : memref<50176x16xf32, #tpu.memory_space<hbm>>) target(%parallel_loop3A_376 : memref<128x16xf32, #tpu.memory_space<vmem>>) offsets(%parallel_loop3A_383 : memref<128xi32, #tpu.memory_space<vmem>>) semaphore(%arg10 : memref<!tpu.dma_semaphore, #tpu.memory_space<semaphore_mem>>)
    } {sc.loop_unroll_factor = 4 : i64, sc.parallel_access}
    %scan3A_259 = arith.constant 0 : i32
    %scan3A_260 = arith.constant 0 : i32
    %scan3A_261 = arith.constant 16 : i32
    %scan3A_262 = arith.addi %scan3A_260, %scan3A_261 : i32
    %scan3A_263 = arith.constant 1 : i32
    scf.for %scan3A_367 = %scan3A_260 to %scan3A_262 step %scan3A_263  : i32 {
      %dma_wait3A_368 = arith.constant 0 : i32
      %dma_wait3A_369 = arith.constant 0 : i32
      %dma_wait3A_370 = arith.constant 0 : i32
      %dma_wait3A_371 = arith.constant 0 : i32
      %dma_wait3A_372 = arith.constant 0 : i32
      %dma_wait3A_373 = tpu.memref_slice %arg9[%dma_wait3A_370, %dma_wait3A_371, %dma_wait3A_372] : memref<32x128x16xf32, #tpu.memory_space<vmem>> -> memref<1x128x16xf32, #tpu.memory_space<vmem>>
      %dma_wait3A_374 = tpu.memref_squeeze %dma_wait3A_373 : memref<1x128x16xf32, #tpu.memory_space<vmem>> -> memref<128x16xf32, #tpu.memory_space<vmem>>
      %dma_wait3A_375 = arith.constant 0 : i32
      %dma_wait3A_376 = arith.constant 0 : i32
      %dma_wait3A_377 = tpu.memref_slice %arg7[%dma_wait3A_368, %dma_wait3A_375, %dma_wait3A_376] : memref<2x74x128xi32, #tpu.memory_space<vmem>> -> memref<1x74x128xi32, #tpu.memory_space<vmem>>
      %dma_wait3A_378 = tpu.memref_squeeze %dma_wait3A_377 : memref<1x74x128xi32, #tpu.memory_space<vmem>> -> memref<74x128xi32, #tpu.memory_space<vmem>>
      %dma_wait3A_379 = arith.constant 0 : i32
      %dma_wait3A_380 = tpu.memref_slice %dma_wait3A_378[%dma_wait3A_369, %dma_wait3A_379] : memref<74x128xi32, #tpu.memory_space<vmem>> -> memref<1x128xi32, #tpu.memory_space<vmem>>
      %dma_wait3A_381 = tpu.memref_squeeze %dma_wait3A_380 : memref<1x128xi32, #tpu.memory_space<vmem>> -> memref<128xi32, #tpu.memory_space<vmem>>
      %dma_wait3A_382 = arith.constant 0 : i32
      %dma_wait3A_383 = arith.constant 0 : i32
      %dma_wait3A_384 = tpu.memref_slice %arg2[%dma_wait3A_382, %dma_wait3A_383] : memref<50176x16xf32, #tpu.memory_space<hbm>> -> memref<50176x16xf32, #tpu.memory_space<hbm>>
      tpu.wait_indirect_dma semaphore(%arg10 : memref<!tpu.dma_semaphore, #tpu.memory_space<semaphore_mem>>) src(%dma_wait3A_384 : memref<50176x16xf32, #tpu.memory_space<hbm>>) dst(%dma_wait3A_374 : memref<128x16xf32, #tpu.memory_space<vmem>>)
    }
    %scan3A_264 = arith.constant 16 : i32
    %parallel_loop3A_265 = arith.constant 0 : i32
    %parallel_loop3A_266 = arith.constant 16 : i32
    %parallel_loop3A_267 = arith.constant 1 : i32
    scf.for %parallel_loop3A_367 = %parallel_loop3A_265 to %parallel_loop3A_266 step %parallel_loop3A_267  : i32 {
      %parallel_loop3A_368 = arith.constant 16 : i32
      %parallel_loop3A_369 = arith.addi %parallel_loop3A_368, %parallel_loop3A_367 : i32
      %parallel_loop3A_370 = arith.constant 32 : i32
      %parallel_loop3A_371 = arith.addi %parallel_loop3A_370, %parallel_loop3A_367 : i32
      %parallel_loop3A_372 = arith.constant 1 : i32
      %parallel_loop3A_373 = arith.constant 0 : i32
      %parallel_loop3A_374 = arith.constant 0 : i32
      %parallel_loop3A_375 = tpu.memref_slice %arg9[%parallel_loop3A_369, %parallel_loop3A_373, %parallel_loop3A_374] : memref<32x128x16xf32, #tpu.memory_space<vmem>> -> memref<1x128x16xf32, #tpu.memory_space<vmem>>
      %parallel_loop3A_376 = tpu.memref_squeeze %parallel_loop3A_375 : memref<1x128x16xf32, #tpu.memory_space<vmem>> -> memref<128x16xf32, #tpu.memory_space<vmem>>
      %parallel_loop3A_377 = arith.constant 0 : i32
      %parallel_loop3A_378 = tpu.memref_slice %arg8[%parallel_loop3A_371, %parallel_loop3A_377] : memref<74x128xi32, #tpu.memory_space<vmem>> -> memref<1x128xi32, #tpu.memory_space<vmem>>
      %parallel_loop3A_379 = tpu.memref_squeeze %parallel_loop3A_378 : memref<1x128xi32, #tpu.memory_space<vmem>> -> memref<128xi32, #tpu.memory_space<vmem>>
      %parallel_loop3A_380 = arith.constant 0 : i32
      %parallel_loop3A_381 = arith.constant 0 : i32
      %parallel_loop3A_382 = tpu.memref_slice %arg6[%parallel_loop3A_372, %parallel_loop3A_380, %parallel_loop3A_381] : memref<2x12544x16xf32, #tpu.memory_space<vmem_shared>> -> memref<1x12544x16xf32, #tpu.memory_space<vmem_shared>>
      %parallel_loop3A_383 = tpu.memref_squeeze %parallel_loop3A_382 : memref<1x12544x16xf32, #tpu.memory_space<vmem_shared>> -> memref<12544x16xf32, #tpu.memory_space<vmem_shared>>
      %parallel_loop3A_384 = arith.constant 0 : i32
      %parallel_loop3A_385 = arith.constant 0 : i32
      %parallel_loop3A_386 = tpu.memref_slice %parallel_loop3A_383[%parallel_loop3A_384, %parallel_loop3A_385] : memref<12544x16xf32, #tpu.memory_space<vmem_shared>> -> memref<12544x16xf32, #tpu.memory_space<vmem_shared>>
      tpu.enqueue_indirect_dma source(%parallel_loop3A_376 : memref<128x16xf32, #tpu.memory_space<vmem>>) target(%parallel_loop3A_386 : memref<12544x16xf32, #tpu.memory_space<vmem_shared>>) offsets(%parallel_loop3A_379 : memref<128xi32, #tpu.memory_space<vmem>>) semaphore(%arg11 : memref<!tpu.dma_semaphore, #tpu.memory_space<semaphore_mem>>) {add = true}
    } {sc.loop_unroll_factor = 4 : i64, sc.parallel_access}
    %scan3A_268 = arith.constant 0 : i32
    %scan3A_269 = arith.constant 0 : i32
    %scan3A_270 = arith.constant 16 : i32
    %scan3A_271 = arith.addi %scan3A_269, %scan3A_270 : i32
    %scan3A_272 = arith.constant 1 : i32
    scf.for %scan3A_367 = %scan3A_269 to %scan3A_271 step %scan3A_272  : i32 {
      %dma_wait3A_368 = arith.constant 0 : i32
      %dma_wait3A_369 = arith.constant 0 : i32
      %dma_wait3A_370 = arith.constant 0 : i32
      %dma_wait3A_371 = arith.constant 0 : i32
      %dma_wait3A_372 = arith.constant 0 : i32
      %dma_wait3A_373 = tpu.memref_slice %arg9[%dma_wait3A_368, %dma_wait3A_371, %dma_wait3A_372] : memref<32x128x16xf32, #tpu.memory_space<vmem>> -> memref<1x128x16xf32, #tpu.memory_space<vmem>>
      %dma_wait3A_374 = tpu.memref_squeeze %dma_wait3A_373 : memref<1x128x16xf32, #tpu.memory_space<vmem>> -> memref<128x16xf32, #tpu.memory_space<vmem>>
      %dma_wait3A_375 = arith.constant 0 : i32
      %dma_wait3A_376 = tpu.memref_slice %arg8[%dma_wait3A_370, %dma_wait3A_375] : memref<74x128xi32, #tpu.memory_space<vmem>> -> memref<1x128xi32, #tpu.memory_space<vmem>>
      %dma_wait3A_377 = tpu.memref_squeeze %dma_wait3A_376 : memref<1x128xi32, #tpu.memory_space<vmem>> -> memref<128xi32, #tpu.memory_space<vmem>>
      %dma_wait3A_378 = arith.constant 0 : i32
      %dma_wait3A_379 = arith.constant 0 : i32
      %dma_wait3A_380 = tpu.memref_slice %arg6[%dma_wait3A_369, %dma_wait3A_378, %dma_wait3A_379] : memref<2x12544x16xf32, #tpu.memory_space<vmem_shared>> -> memref<1x12544x16xf32, #tpu.memory_space<vmem_shared>>
      %dma_wait3A_381 = tpu.memref_squeeze %dma_wait3A_380 : memref<1x12544x16xf32, #tpu.memory_space<vmem_shared>> -> memref<12544x16xf32, #tpu.memory_space<vmem_shared>>
      %dma_wait3A_382 = arith.constant 0 : i32
      %dma_wait3A_383 = arith.constant 0 : i32
      %dma_wait3A_384 = tpu.memref_slice %dma_wait3A_381[%dma_wait3A_382, %dma_wait3A_383] : memref<12544x16xf32, #tpu.memory_space<vmem_shared>> -> memref<12544x16xf32, #tpu.memory_space<vmem_shared>>
      tpu.wait_indirect_dma semaphore(%arg11 : memref<!tpu.dma_semaphore, #tpu.memory_space<semaphore_mem>>) src(%dma_wait3A_374 : memref<128x16xf32, #tpu.memory_space<vmem>>) dst(%dma_wait3A_384 : memref<12544x16xf32, #tpu.memory_space<vmem_shared>>)
    }
    %scan3A_273 = arith.constant 16 : i32
    %parallel_loop3A_274 = arith.constant 0 : i32
    %parallel_loop3A_275 = arith.constant 16 : i32
    %parallel_loop3A_276 = arith.constant 1 : i32
    scf.for %parallel_loop3A_367 = %parallel_loop3A_274 to %parallel_loop3A_275 step %parallel_loop3A_276  : i32 {
      %parallel_loop3A_368 = arith.constant 48 : i32
      %parallel_loop3A_369 = arith.addi %parallel_loop3A_368, %parallel_loop3A_367 : i32
      %parallel_loop3A_370 = arith.constant 0 : i32
      %parallel_loop3A_371 = arith.addi %parallel_loop3A_370, %parallel_loop3A_367 : i32
      %parallel_loop3A_372 = arith.constant 1 : i32
      %parallel_loop3A_373 = arith.constant 0 : i32
      %parallel_loop3A_374 = arith.constant 0 : i32
      %parallel_loop3A_375 = tpu.memref_slice %arg9[%parallel_loop3A_371, %parallel_loop3A_373, %parallel_loop3A_374] : memref<32x128x16xf32, #tpu.memory_space<vmem>> -> memref<1x128x16xf32, #tpu.memory_space<vmem>>
      %parallel_loop3A_376 = tpu.memref_squeeze %parallel_loop3A_375 : memref<1x128x16xf32, #tpu.memory_space<vmem>> -> memref<128x16xf32, #tpu.memory_space<vmem>>
      %parallel_loop3A_377 = arith.constant 0 : i32
      %parallel_loop3A_378 = arith.constant 0 : i32
      %parallel_loop3A_379 = tpu.memref_slice %arg7[%parallel_loop3A_372, %parallel_loop3A_377, %parallel_loop3A_378] : memref<2x74x128xi32, #tpu.memory_space<vmem>> -> memref<1x74x128xi32, #tpu.memory_space<vmem>>
      %parallel_loop3A_380 = tpu.memref_squeeze %parallel_loop3A_379 : memref<1x74x128xi32, #tpu.memory_space<vmem>> -> memref<74x128xi32, #tpu.memory_space<vmem>>
      %parallel_loop3A_381 = arith.constant 0 : i32
      %parallel_loop3A_382 = tpu.memref_slice %parallel_loop3A_380[%parallel_loop3A_369, %parallel_loop3A_381] : memref<74x128xi32, #tpu.memory_space<vmem>> -> memref<1x128xi32, #tpu.memory_space<vmem>>
      %parallel_loop3A_383 = tpu.memref_squeeze %parallel_loop3A_382 : memref<1x128xi32, #tpu.memory_space<vmem>> -> memref<128xi32, #tpu.memory_space<vmem>>
      %parallel_loop3A_384 = arith.constant 0 : i32
      %parallel_loop3A_385 = arith.constant 0 : i32
      %parallel_loop3A_386 = tpu.memref_slice %arg2[%parallel_loop3A_384, %parallel_loop3A_385] : memref<50176x16xf32, #tpu.memory_space<hbm>> -> memref<50176x16xf32, #tpu.memory_space<hbm>>
      tpu.enqueue_indirect_dma source(%parallel_loop3A_386 : memref<50176x16xf32, #tpu.memory_space<hbm>>) target(%parallel_loop3A_376 : memref<128x16xf32, #tpu.memory_space<vmem>>) offsets(%parallel_loop3A_383 : memref<128xi32, #tpu.memory_space<vmem>>) semaphore(%arg10 : memref<!tpu.dma_semaphore, #tpu.memory_space<semaphore_mem>>)
    } {sc.loop_unroll_factor = 4 : i64, sc.parallel_access}
    %scan3A_277 = arith.constant 0 : i32
    %scan3A_278 = arith.constant 0 : i32
    %scan3A_279 = arith.constant 16 : i32
    %scan3A_280 = arith.addi %scan3A_278, %scan3A_279 : i32
    %scan3A_281 = arith.constant 1 : i32
    scf.for %scan3A_367 = %scan3A_278 to %scan3A_280 step %scan3A_281  : i32 {
      %dma_wait3A_368 = arith.constant 0 : i32
      %dma_wait3A_369 = arith.constant 0 : i32
      %dma_wait3A_370 = arith.constant 0 : i32
      %dma_wait3A_371 = arith.constant 0 : i32
      %dma_wait3A_372 = arith.constant 0 : i32
      %dma_wait3A_373 = tpu.memref_slice %arg9[%dma_wait3A_370, %dma_wait3A_371, %dma_wait3A_372] : memref<32x128x16xf32, #tpu.memory_space<vmem>> -> memref<1x128x16xf32, #tpu.memory_space<vmem>>
      %dma_wait3A_374 = tpu.memref_squeeze %dma_wait3A_373 : memref<1x128x16xf32, #tpu.memory_space<vmem>> -> memref<128x16xf32, #tpu.memory_space<vmem>>
      %dma_wait3A_375 = arith.constant 0 : i32
      %dma_wait3A_376 = arith.constant 0 : i32
      %dma_wait3A_377 = tpu.memref_slice %arg7[%dma_wait3A_368, %dma_wait3A_375, %dma_wait3A_376] : memref<2x74x128xi32, #tpu.memory_space<vmem>> -> memref<1x74x128xi32, #tpu.memory_space<vmem>>
      %dma_wait3A_378 = tpu.memref_squeeze %dma_wait3A_377 : memref<1x74x128xi32, #tpu.memory_space<vmem>> -> memref<74x128xi32, #tpu.memory_space<vmem>>
      %dma_wait3A_379 = arith.constant 0 : i32
      %dma_wait3A_380 = tpu.memref_slice %dma_wait3A_378[%dma_wait3A_369, %dma_wait3A_379] : memref<74x128xi32, #tpu.memory_space<vmem>> -> memref<1x128xi32, #tpu.memory_space<vmem>>
      %dma_wait3A_381 = tpu.memref_squeeze %dma_wait3A_380 : memref<1x128xi32, #tpu.memory_space<vmem>> -> memref<128xi32, #tpu.memory_space<vmem>>
      %dma_wait3A_382 = arith.constant 0 : i32
      %dma_wait3A_383 = arith.constant 0 : i32
      %dma_wait3A_384 = tpu.memref_slice %arg2[%dma_wait3A_382, %dma_wait3A_383] : memref<50176x16xf32, #tpu.memory_space<hbm>> -> memref<50176x16xf32, #tpu.memory_space<hbm>>
      tpu.wait_indirect_dma semaphore(%arg10 : memref<!tpu.dma_semaphore, #tpu.memory_space<semaphore_mem>>) src(%dma_wait3A_384 : memref<50176x16xf32, #tpu.memory_space<hbm>>) dst(%dma_wait3A_374 : memref<128x16xf32, #tpu.memory_space<vmem>>)
    }
    %scan3A_282 = arith.constant 16 : i32
    %parallel_loop3A_283 = arith.constant 0 : i32
    %parallel_loop3A_284 = arith.constant 16 : i32
    %parallel_loop3A_285 = arith.constant 1 : i32
    scf.for %parallel_loop3A_367 = %parallel_loop3A_283 to %parallel_loop3A_284 step %parallel_loop3A_285  : i32 {
      %parallel_loop3A_368 = arith.constant 0 : i32
      %parallel_loop3A_369 = arith.addi %parallel_loop3A_368, %parallel_loop3A_367 : i32
      %parallel_loop3A_370 = arith.constant 48 : i32
      %parallel_loop3A_371 = arith.addi %parallel_loop3A_370, %parallel_loop3A_367 : i32
      %parallel_loop3A_372 = arith.constant 1 : i32
      %parallel_loop3A_373 = arith.constant 0 : i32
      %parallel_loop3A_374 = arith.constant 0 : i32
      %parallel_loop3A_375 = tpu.memref_slice %arg9[%parallel_loop3A_369, %parallel_loop3A_373, %parallel_loop3A_374] : memref<32x128x16xf32, #tpu.memory_space<vmem>> -> memref<1x128x16xf32, #tpu.memory_space<vmem>>
      %parallel_loop3A_376 = tpu.memref_squeeze %parallel_loop3A_375 : memref<1x128x16xf32, #tpu.memory_space<vmem>> -> memref<128x16xf32, #tpu.memory_space<vmem>>
      %parallel_loop3A_377 = arith.constant 0 : i32
      %parallel_loop3A_378 = tpu.memref_slice %arg8[%parallel_loop3A_371, %parallel_loop3A_377] : memref<74x128xi32, #tpu.memory_space<vmem>> -> memref<1x128xi32, #tpu.memory_space<vmem>>
      %parallel_loop3A_379 = tpu.memref_squeeze %parallel_loop3A_378 : memref<1x128xi32, #tpu.memory_space<vmem>> -> memref<128xi32, #tpu.memory_space<vmem>>
      %parallel_loop3A_380 = arith.constant 0 : i32
      %parallel_loop3A_381 = arith.constant 0 : i32
      %parallel_loop3A_382 = tpu.memref_slice %arg6[%parallel_loop3A_372, %parallel_loop3A_380, %parallel_loop3A_381] : memref<2x12544x16xf32, #tpu.memory_space<vmem_shared>> -> memref<1x12544x16xf32, #tpu.memory_space<vmem_shared>>
      %parallel_loop3A_383 = tpu.memref_squeeze %parallel_loop3A_382 : memref<1x12544x16xf32, #tpu.memory_space<vmem_shared>> -> memref<12544x16xf32, #tpu.memory_space<vmem_shared>>
      %parallel_loop3A_384 = arith.constant 0 : i32
      %parallel_loop3A_385 = arith.constant 0 : i32
      %parallel_loop3A_386 = tpu.memref_slice %parallel_loop3A_383[%parallel_loop3A_384, %parallel_loop3A_385] : memref<12544x16xf32, #tpu.memory_space<vmem_shared>> -> memref<12544x16xf32, #tpu.memory_space<vmem_shared>>
      tpu.enqueue_indirect_dma source(%parallel_loop3A_376 : memref<128x16xf32, #tpu.memory_space<vmem>>) target(%parallel_loop3A_386 : memref<12544x16xf32, #tpu.memory_space<vmem_shared>>) offsets(%parallel_loop3A_379 : memref<128xi32, #tpu.memory_space<vmem>>) semaphore(%arg11 : memref<!tpu.dma_semaphore, #tpu.memory_space<semaphore_mem>>) {add = true}
    } {sc.loop_unroll_factor = 4 : i64, sc.parallel_access}
    %scan3A_286 = arith.constant 0 : i32
    %scan3A_287 = arith.constant 0 : i32
    %scan3A_288 = arith.constant 16 : i32
    %scan3A_289 = arith.addi %scan3A_287, %scan3A_288 : i32
    %scan3A_290 = arith.constant 1 : i32
    scf.for %scan3A_367 = %scan3A_287 to %scan3A_289 step %scan3A_290  : i32 {
      %dma_wait3A_368 = arith.constant 0 : i32
      %dma_wait3A_369 = arith.constant 0 : i32
      %dma_wait3A_370 = arith.constant 0 : i32
      %dma_wait3A_371 = arith.constant 0 : i32
      %dma_wait3A_372 = arith.constant 0 : i32
      %dma_wait3A_373 = tpu.memref_slice %arg9[%dma_wait3A_368, %dma_wait3A_371, %dma_wait3A_372] : memref<32x128x16xf32, #tpu.memory_space<vmem>> -> memref<1x128x16xf32, #tpu.memory_space<vmem>>
      %dma_wait3A_374 = tpu.memref_squeeze %dma_wait3A_373 : memref<1x128x16xf32, #tpu.memory_space<vmem>> -> memref<128x16xf32, #tpu.memory_space<vmem>>
      %dma_wait3A_375 = arith.constant 0 : i32
      %dma_wait3A_376 = tpu.memref_slice %arg8[%dma_wait3A_370, %dma_wait3A_375] : memref<74x128xi32, #tpu.memory_space<vmem>> -> memref<1x128xi32, #tpu.memory_space<vmem>>
      %dma_wait3A_377 = tpu.memref_squeeze %dma_wait3A_376 : memref<1x128xi32, #tpu.memory_space<vmem>> -> memref<128xi32, #tpu.memory_space<vmem>>
      %dma_wait3A_378 = arith.constant 0 : i32
      %dma_wait3A_379 = arith.constant 0 : i32
      %dma_wait3A_380 = tpu.memref_slice %arg6[%dma_wait3A_369, %dma_wait3A_378, %dma_wait3A_379] : memref<2x12544x16xf32, #tpu.memory_space<vmem_shared>> -> memref<1x12544x16xf32, #tpu.memory_space<vmem_shared>>
      %dma_wait3A_381 = tpu.memref_squeeze %dma_wait3A_380 : memref<1x12544x16xf32, #tpu.memory_space<vmem_shared>> -> memref<12544x16xf32, #tpu.memory_space<vmem_shared>>
      %dma_wait3A_382 = arith.constant 0 : i32
      %dma_wait3A_383 = arith.constant 0 : i32
      %dma_wait3A_384 = tpu.memref_slice %dma_wait3A_381[%dma_wait3A_382, %dma_wait3A_383] : memref<12544x16xf32, #tpu.memory_space<vmem_shared>> -> memref<12544x16xf32, #tpu.memory_space<vmem_shared>>
      tpu.wait_indirect_dma semaphore(%arg11 : memref<!tpu.dma_semaphore, #tpu.memory_space<semaphore_mem>>) src(%dma_wait3A_374 : memref<128x16xf32, #tpu.memory_space<vmem>>) dst(%dma_wait3A_384 : memref<12544x16xf32, #tpu.memory_space<vmem_shared>>)
    }
    %scan3A_291 = arith.constant 16 : i32
    %parallel_loop3A_292 = arith.constant 0 : i32
    %parallel_loop3A_293 = arith.constant 10 : i32
    %parallel_loop3A_294 = arith.constant 1 : i32
    scf.for %parallel_loop3A_367 = %parallel_loop3A_292 to %parallel_loop3A_293 step %parallel_loop3A_294  : i32 {
      %parallel_loop3A_368 = arith.constant 64 : i32
      %parallel_loop3A_369 = arith.addi %parallel_loop3A_368, %parallel_loop3A_367 : i32
      %parallel_loop3A_370 = arith.constant 16 : i32
      %parallel_loop3A_371 = arith.addi %parallel_loop3A_370, %parallel_loop3A_367 : i32
      %parallel_loop3A_372 = arith.constant 1 : i32
      %parallel_loop3A_373 = arith.constant 0 : i32
      %parallel_loop3A_374 = arith.constant 0 : i32
      %parallel_loop3A_375 = tpu.memref_slice %arg9[%parallel_loop3A_371, %parallel_loop3A_373, %parallel_loop3A_374] : memref<32x128x16xf32, #tpu.memory_space<vmem>> -> memref<1x128x16xf32, #tpu.memory_space<vmem>>
      %parallel_loop3A_376 = tpu.memref_squeeze %parallel_loop3A_375 : memref<1x128x16xf32, #tpu.memory_space<vmem>> -> memref<128x16xf32, #tpu.memory_space<vmem>>
      %parallel_loop3A_377 = arith.constant 0 : i32
      %parallel_loop3A_378 = arith.constant 0 : i32
      %parallel_loop3A_379 = tpu.memref_slice %arg7[%parallel_loop3A_372, %parallel_loop3A_377, %parallel_loop3A_378] : memref<2x74x128xi32, #tpu.memory_space<vmem>> -> memref<1x74x128xi32, #tpu.memory_space<vmem>>
      %parallel_loop3A_380 = tpu.memref_squeeze %parallel_loop3A_379 : memref<1x74x128xi32, #tpu.memory_space<vmem>> -> memref<74x128xi32, #tpu.memory_space<vmem>>
      %parallel_loop3A_381 = arith.constant 0 : i32
      %parallel_loop3A_382 = tpu.memref_slice %parallel_loop3A_380[%parallel_loop3A_369, %parallel_loop3A_381] : memref<74x128xi32, #tpu.memory_space<vmem>> -> memref<1x128xi32, #tpu.memory_space<vmem>>
      %parallel_loop3A_383 = tpu.memref_squeeze %parallel_loop3A_382 : memref<1x128xi32, #tpu.memory_space<vmem>> -> memref<128xi32, #tpu.memory_space<vmem>>
      %parallel_loop3A_384 = arith.constant 0 : i32
      %parallel_loop3A_385 = arith.constant 0 : i32
      %parallel_loop3A_386 = tpu.memref_slice %arg2[%parallel_loop3A_384, %parallel_loop3A_385] : memref<50176x16xf32, #tpu.memory_space<hbm>> -> memref<50176x16xf32, #tpu.memory_space<hbm>>
      tpu.enqueue_indirect_dma source(%parallel_loop3A_386 : memref<50176x16xf32, #tpu.memory_space<hbm>>) target(%parallel_loop3A_376 : memref<128x16xf32, #tpu.memory_space<vmem>>) offsets(%parallel_loop3A_383 : memref<128xi32, #tpu.memory_space<vmem>>) semaphore(%arg10 : memref<!tpu.dma_semaphore, #tpu.memory_space<semaphore_mem>>)
    } {sc.loop_unroll_factor = 4 : i64, sc.parallel_access}
    %scan3A_295 = arith.constant 0 : i32
    %scan3A_296 = arith.constant 0 : i32
    %scan3A_297 = arith.constant 10 : i32
    %scan3A_298 = arith.addi %scan3A_296, %scan3A_297 : i32
    %scan3A_299 = arith.constant 1 : i32
    scf.for %scan3A_367 = %scan3A_296 to %scan3A_298 step %scan3A_299  : i32 {
      %dma_wait3A_368 = arith.constant 0 : i32
      %dma_wait3A_369 = arith.constant 0 : i32
      %dma_wait3A_370 = arith.constant 0 : i32
      %dma_wait3A_371 = arith.constant 0 : i32
      %dma_wait3A_372 = arith.constant 0 : i32
      %dma_wait3A_373 = tpu.memref_slice %arg9[%dma_wait3A_370, %dma_wait3A_371, %dma_wait3A_372] : memref<32x128x16xf32, #tpu.memory_space<vmem>> -> memref<1x128x16xf32, #tpu.memory_space<vmem>>
      %dma_wait3A_374 = tpu.memref_squeeze %dma_wait3A_373 : memref<1x128x16xf32, #tpu.memory_space<vmem>> -> memref<128x16xf32, #tpu.memory_space<vmem>>
      %dma_wait3A_375 = arith.constant 0 : i32
      %dma_wait3A_376 = arith.constant 0 : i32
      %dma_wait3A_377 = tpu.memref_slice %arg7[%dma_wait3A_368, %dma_wait3A_375, %dma_wait3A_376] : memref<2x74x128xi32, #tpu.memory_space<vmem>> -> memref<1x74x128xi32, #tpu.memory_space<vmem>>
      %dma_wait3A_378 = tpu.memref_squeeze %dma_wait3A_377 : memref<1x74x128xi32, #tpu.memory_space<vmem>> -> memref<74x128xi32, #tpu.memory_space<vmem>>
      %dma_wait3A_379 = arith.constant 0 : i32
      %dma_wait3A_380 = tpu.memref_slice %dma_wait3A_378[%dma_wait3A_369, %dma_wait3A_379] : memref<74x128xi32, #tpu.memory_space<vmem>> -> memref<1x128xi32, #tpu.memory_space<vmem>>
      %dma_wait3A_381 = tpu.memref_squeeze %dma_wait3A_380 : memref<1x128xi32, #tpu.memory_space<vmem>> -> memref<128xi32, #tpu.memory_space<vmem>>
      %dma_wait3A_382 = arith.constant 0 : i32
      %dma_wait3A_383 = arith.constant 0 : i32
      %dma_wait3A_384 = tpu.memref_slice %arg2[%dma_wait3A_382, %dma_wait3A_383] : memref<50176x16xf32, #tpu.memory_space<hbm>> -> memref<50176x16xf32, #tpu.memory_space<hbm>>
      tpu.wait_indirect_dma semaphore(%arg10 : memref<!tpu.dma_semaphore, #tpu.memory_space<semaphore_mem>>) src(%dma_wait3A_384 : memref<50176x16xf32, #tpu.memory_space<hbm>>) dst(%dma_wait3A_374 : memref<128x16xf32, #tpu.memory_space<vmem>>)
    }
    %scan3A_300 = arith.constant 10 : i32
    %parallel_loop3A_301 = arith.constant 0 : i32
    %parallel_loop3A_302 = arith.constant 10 : i32
    %parallel_loop3A_303 = arith.constant 1 : i32
    scf.for %parallel_loop3A_367 = %parallel_loop3A_301 to %parallel_loop3A_302 step %parallel_loop3A_303  : i32 {
      %parallel_loop3A_368 = arith.constant 16 : i32
      %parallel_loop3A_369 = arith.addi %parallel_loop3A_368, %parallel_loop3A_367 : i32
      %parallel_loop3A_370 = arith.constant 64 : i32
      %parallel_loop3A_371 = arith.addi %parallel_loop3A_370, %parallel_loop3A_367 : i32
      %parallel_loop3A_372 = arith.constant 1 : i32
      %parallel_loop3A_373 = arith.constant 0 : i32
      %parallel_loop3A_374 = arith.constant 0 : i32
      %parallel_loop3A_375 = tpu.memref_slice %arg9[%parallel_loop3A_369, %parallel_loop3A_373, %parallel_loop3A_374] : memref<32x128x16xf32, #tpu.memory_space<vmem>> -> memref<1x128x16xf32, #tpu.memory_space<vmem>>
      %parallel_loop3A_376 = tpu.memref_squeeze %parallel_loop3A_375 : memref<1x128x16xf32, #tpu.memory_space<vmem>> -> memref<128x16xf32, #tpu.memory_space<vmem>>
      %parallel_loop3A_377 = arith.constant 0 : i32
      %parallel_loop3A_378 = tpu.memref_slice %arg8[%parallel_loop3A_371, %parallel_loop3A_377] : memref<74x128xi32, #tpu.memory_space<vmem>> -> memref<1x128xi32, #tpu.memory_space<vmem>>
      %parallel_loop3A_379 = tpu.memref_squeeze %parallel_loop3A_378 : memref<1x128xi32, #tpu.memory_space<vmem>> -> memref<128xi32, #tpu.memory_space<vmem>>
      %parallel_loop3A_380 = arith.constant 0 : i32
      %parallel_loop3A_381 = arith.constant 0 : i32
      %parallel_loop3A_382 = tpu.memref_slice %arg6[%parallel_loop3A_372, %parallel_loop3A_380, %parallel_loop3A_381] : memref<2x12544x16xf32, #tpu.memory_space<vmem_shared>> -> memref<1x12544x16xf32, #tpu.memory_space<vmem_shared>>
      %parallel_loop3A_383 = tpu.memref_squeeze %parallel_loop3A_382 : memref<1x12544x16xf32, #tpu.memory_space<vmem_shared>> -> memref<12544x16xf32, #tpu.memory_space<vmem_shared>>
      %parallel_loop3A_384 = arith.constant 0 : i32
      %parallel_loop3A_385 = arith.constant 0 : i32
      %parallel_loop3A_386 = tpu.memref_slice %parallel_loop3A_383[%parallel_loop3A_384, %parallel_loop3A_385] : memref<12544x16xf32, #tpu.memory_space<vmem_shared>> -> memref<12544x16xf32, #tpu.memory_space<vmem_shared>>
      tpu.enqueue_indirect_dma source(%parallel_loop3A_376 : memref<128x16xf32, #tpu.memory_space<vmem>>) target(%parallel_loop3A_386 : memref<12544x16xf32, #tpu.memory_space<vmem_shared>>) offsets(%parallel_loop3A_379 : memref<128xi32, #tpu.memory_space<vmem>>) semaphore(%arg11 : memref<!tpu.dma_semaphore, #tpu.memory_space<semaphore_mem>>) {add = true}
    } {sc.loop_unroll_factor = 4 : i64, sc.parallel_access}
    %scan3A_304 = arith.constant 0 : i32
    %scan3A_305 = arith.constant 0 : i32
    %scan3A_306 = arith.constant 16 : i32
    %scan3A_307 = arith.addi %scan3A_305, %scan3A_306 : i32
    %scan3A_308 = arith.constant 1 : i32
    scf.for %scan3A_367 = %scan3A_305 to %scan3A_307 step %scan3A_308  : i32 {
      %dma_wait3A_368 = arith.constant 0 : i32
      %dma_wait3A_369 = arith.constant 0 : i32
      %dma_wait3A_370 = arith.constant 0 : i32
      %dma_wait3A_371 = arith.constant 0 : i32
      %dma_wait3A_372 = arith.constant 0 : i32
      %dma_wait3A_373 = tpu.memref_slice %arg9[%dma_wait3A_368, %dma_wait3A_371, %dma_wait3A_372] : memref<32x128x16xf32, #tpu.memory_space<vmem>> -> memref<1x128x16xf32, #tpu.memory_space<vmem>>
      %dma_wait3A_374 = tpu.memref_squeeze %dma_wait3A_373 : memref<1x128x16xf32, #tpu.memory_space<vmem>> -> memref<128x16xf32, #tpu.memory_space<vmem>>
      %dma_wait3A_375 = arith.constant 0 : i32
      %dma_wait3A_376 = tpu.memref_slice %arg8[%dma_wait3A_370, %dma_wait3A_375] : memref<74x128xi32, #tpu.memory_space<vmem>> -> memref<1x128xi32, #tpu.memory_space<vmem>>
      %dma_wait3A_377 = tpu.memref_squeeze %dma_wait3A_376 : memref<1x128xi32, #tpu.memory_space<vmem>> -> memref<128xi32, #tpu.memory_space<vmem>>
      %dma_wait3A_378 = arith.constant 0 : i32
      %dma_wait3A_379 = arith.constant 0 : i32
      %dma_wait3A_380 = tpu.memref_slice %arg6[%dma_wait3A_369, %dma_wait3A_378, %dma_wait3A_379] : memref<2x12544x16xf32, #tpu.memory_space<vmem_shared>> -> memref<1x12544x16xf32, #tpu.memory_space<vmem_shared>>
      %dma_wait3A_381 = tpu.memref_squeeze %dma_wait3A_380 : memref<1x12544x16xf32, #tpu.memory_space<vmem_shared>> -> memref<12544x16xf32, #tpu.memory_space<vmem_shared>>
      %dma_wait3A_382 = arith.constant 0 : i32
      %dma_wait3A_383 = arith.constant 0 : i32
      %dma_wait3A_384 = tpu.memref_slice %dma_wait3A_381[%dma_wait3A_382, %dma_wait3A_383] : memref<12544x16xf32, #tpu.memory_space<vmem_shared>> -> memref<12544x16xf32, #tpu.memory_space<vmem_shared>>
      tpu.wait_indirect_dma semaphore(%arg11 : memref<!tpu.dma_semaphore, #tpu.memory_space<semaphore_mem>>) src(%dma_wait3A_374 : memref<128x16xf32, #tpu.memory_space<vmem>>) dst(%dma_wait3A_384 : memref<12544x16xf32, #tpu.memory_space<vmem_shared>>)
    }
    %scan3A_309 = arith.constant 16 : i32
    %scan3A_310 = arith.constant 0 : i32
    %scan3A_311 = arith.constant 0 : i32
    %scan3A_312 = arith.constant 10 : i32
    %scan3A_313 = arith.addi %scan3A_311, %scan3A_312 : i32
    %scan3A_314 = arith.constant 1 : i32
    scf.for %scan3A_367 = %scan3A_311 to %scan3A_313 step %scan3A_314  : i32 {
      %dma_wait3A_368 = arith.constant 0 : i32
      %dma_wait3A_369 = arith.constant 0 : i32
      %dma_wait3A_370 = arith.constant 0 : i32
      %dma_wait3A_371 = arith.constant 0 : i32
      %dma_wait3A_372 = arith.constant 0 : i32
      %dma_wait3A_373 = tpu.memref_slice %arg9[%dma_wait3A_368, %dma_wait3A_371, %dma_wait3A_372] : memref<32x128x16xf32, #tpu.memory_space<vmem>> -> memref<1x128x16xf32, #tpu.memory_space<vmem>>
      %dma_wait3A_374 = tpu.memref_squeeze %dma_wait3A_373 : memref<1x128x16xf32, #tpu.memory_space<vmem>> -> memref<128x16xf32, #tpu.memory_space<vmem>>
      %dma_wait3A_375 = arith.constant 0 : i32
      %dma_wait3A_376 = tpu.memref_slice %arg8[%dma_wait3A_370, %dma_wait3A_375] : memref<74x128xi32, #tpu.memory_space<vmem>> -> memref<1x128xi32, #tpu.memory_space<vmem>>
      %dma_wait3A_377 = tpu.memref_squeeze %dma_wait3A_376 : memref<1x128xi32, #tpu.memory_space<vmem>> -> memref<128xi32, #tpu.memory_space<vmem>>
      %dma_wait3A_378 = arith.constant 0 : i32
      %dma_wait3A_379 = arith.constant 0 : i32
      %dma_wait3A_380 = tpu.memref_slice %arg6[%dma_wait3A_369, %dma_wait3A_378, %dma_wait3A_379] : memref<2x12544x16xf32, #tpu.memory_space<vmem_shared>> -> memref<1x12544x16xf32, #tpu.memory_space<vmem_shared>>
      %dma_wait3A_381 = tpu.memref_squeeze %dma_wait3A_380 : memref<1x12544x16xf32, #tpu.memory_space<vmem_shared>> -> memref<12544x16xf32, #tpu.memory_space<vmem_shared>>
      %dma_wait3A_382 = arith.constant 0 : i32
      %dma_wait3A_383 = arith.constant 0 : i32
      %dma_wait3A_384 = tpu.memref_slice %dma_wait3A_381[%dma_wait3A_382, %dma_wait3A_383] : memref<12544x16xf32, #tpu.memory_space<vmem_shared>> -> memref<12544x16xf32, #tpu.memory_space<vmem_shared>>
      tpu.wait_indirect_dma semaphore(%arg11 : memref<!tpu.dma_semaphore, #tpu.memory_space<semaphore_mem>>) src(%dma_wait3A_374 : memref<128x16xf32, #tpu.memory_space<vmem>>) dst(%dma_wait3A_384 : memref<12544x16xf32, #tpu.memory_space<vmem_shared>>)
    }
    %scan3A_315 = arith.constant 10 : i32
    %barrier3A_316 = arith.constant 0 : index
    tpu.barrier barrier_id(%barrier3A_316)
    %mul3A_317 = arith.constant 2 : i32
    %mul3A_318 = arith.muli %arg0, %mul3A_317 : i32
    %add3A_319 = arith.constant 0 : i32
    %add3A_320 = arith.addi %mul3A_318, %add3A_319 : i32
    %mul3A_321 = arith.constant 12544 : i32
    %mul3A_322 = arith.muli %add3A_320, %mul3A_321 : i32
    %add3A_323 = arith.addi %mul3A_322, %mul3A_0 : i32
    %dma_start3A_324 = arith.constant 0 : i32
    %dma_start3A_325 = arith.constant 0 : i32
    %dma_start3A_326 = tpu.memref_slice %arg5[%add3A_323, %dma_start3A_325] : memref<50176x16xf32, #tpu.memory_space<hbm>> -> memref<784x16xf32, #tpu.memory_space<hbm>>
    %dma_start3A_327 = arith.constant 0 : i32
    %dma_start3A_328 = arith.constant 0 : i32
    %dma_start3A_329 = tpu.memref_slice %arg6[%dma_start3A_324, %dma_start3A_327, %dma_start3A_328] : memref<2x12544x16xf32, #tpu.memory_space<vmem_shared>> -> memref<1x12544x16xf32, #tpu.memory_space<vmem_shared>>
    %dma_start3A_330 = tpu.memref_squeeze %dma_start3A_329 : memref<1x12544x16xf32, #tpu.memory_space<vmem_shared>> -> memref<12544x16xf32, #tpu.memory_space<vmem_shared>>
    %dma_start3A_331 = arith.constant 0 : i32
    %dma_start3A_332 = tpu.memref_slice %dma_start3A_330[%mul3A_0, %dma_start3A_331] : memref<12544x16xf32, #tpu.memory_space<vmem_shared>> -> memref<784x16xf32, #tpu.memory_space<vmem_shared>>
    tpu.enqueue_dma source(%dma_start3A_332 : memref<784x16xf32, #tpu.memory_space<vmem_shared>>) target(%dma_start3A_326 : memref<784x16xf32, #tpu.memory_space<hbm>>) target_semaphore(%arg12 : memref<!tpu.dma_semaphore, #tpu.memory_space<semaphore_mem>>)
    %mul3A_333 = arith.constant 2 : i32
    %mul3A_334 = arith.muli %arg0, %mul3A_333 : i32
    %add3A_335 = arith.constant 1 : i32
    %add3A_336 = arith.addi %mul3A_334, %add3A_335 : i32
    %mul3A_337 = arith.constant 12544 : i32
    %mul3A_338 = arith.muli %add3A_336, %mul3A_337 : i32
    %add3A_339 = arith.addi %mul3A_338, %mul3A_0 : i32
    %dma_start3A_340 = arith.constant 1 : i32
    %dma_start3A_341 = arith.constant 0 : i32
    %dma_start3A_342 = tpu.memref_slice %arg5[%add3A_339, %dma_start3A_341] : memref<50176x16xf32, #tpu.memory_space<hbm>> -> memref<784x16xf32, #tpu.memory_space<hbm>>
    %dma_start3A_343 = arith.constant 0 : i32
    %dma_start3A_344 = arith.constant 0 : i32
    %dma_start3A_345 = tpu.memref_slice %arg6[%dma_start3A_340, %dma_start3A_343, %dma_start3A_344] : memref<2x12544x16xf32, #tpu.memory_space<vmem_shared>> -> memref<1x12544x16xf32, #tpu.memory_space<vmem_shared>>
    %dma_start3A_346 = tpu.memref_squeeze %dma_start3A_345 : memref<1x12544x16xf32, #tpu.memory_space<vmem_shared>> -> memref<12544x16xf32, #tpu.memory_space<vmem_shared>>
    %dma_start3A_347 = arith.constant 0 : i32
    %dma_start3A_348 = tpu.memref_slice %dma_start3A_346[%mul3A_0, %dma_start3A_347] : memref<12544x16xf32, #tpu.memory_space<vmem_shared>> -> memref<784x16xf32, #tpu.memory_space<vmem_shared>>
    tpu.enqueue_dma source(%dma_start3A_348 : memref<784x16xf32, #tpu.memory_space<vmem_shared>>) target(%dma_start3A_342 : memref<784x16xf32, #tpu.memory_space<hbm>>) target_semaphore(%arg12 : memref<!tpu.dma_semaphore, #tpu.memory_space<semaphore_mem>>)
    %dma_wait3A_349 = arith.constant 0 : i32
    %dma_wait3A_350 = arith.constant 0 : i32
    %dma_wait3A_351 = tpu.memref_slice %arg5[%mul3A_0, %dma_wait3A_350] : memref<50176x16xf32, #tpu.memory_space<hbm>> -> memref<784x16xf32, #tpu.memory_space<hbm>>
    %dma_wait3A_352 = arith.constant 0 : i32
    %dma_wait3A_353 = arith.constant 0 : i32
    %dma_wait3A_354 = tpu.memref_slice %arg6[%dma_wait3A_349, %dma_wait3A_352, %dma_wait3A_353] : memref<2x12544x16xf32, #tpu.memory_space<vmem_shared>> -> memref<1x12544x16xf32, #tpu.memory_space<vmem_shared>>
    %dma_wait3A_355 = tpu.memref_squeeze %dma_wait3A_354 : memref<1x12544x16xf32, #tpu.memory_space<vmem_shared>> -> memref<12544x16xf32, #tpu.memory_space<vmem_shared>>
    %dma_wait3A_356 = arith.constant 0 : i32
    %dma_wait3A_357 = tpu.memref_slice %dma_wait3A_355[%mul3A_0, %dma_wait3A_356] : memref<12544x16xf32, #tpu.memory_space<vmem_shared>> -> memref<784x16xf32, #tpu.memory_space<vmem_shared>>
    tpu.wait_dma2 semaphore(%arg12 : memref<!tpu.dma_semaphore, #tpu.memory_space<semaphore_mem>>) src(%dma_wait3A_357 : memref<784x16xf32, #tpu.memory_space<vmem_shared>>) dst(%dma_wait3A_351 : memref<784x16xf32, #tpu.memory_space<hbm>>)
    %dma_wait3A_358 = arith.constant 1 : i32
    %dma_wait3A_359 = arith.constant 0 : i32
    %dma_wait3A_360 = tpu.memref_slice %arg5[%mul3A_0, %dma_wait3A_359] : memref<50176x16xf32, #tpu.memory_space<hbm>> -> memref<784x16xf32, #tpu.memory_space<hbm>>
    %dma_wait3A_361 = arith.constant 0 : i32
    %dma_wait3A_362 = arith.constant 0 : i32
    %dma_wait3A_363 = tpu.memref_slice %arg6[%dma_wait3A_358, %dma_wait3A_361, %dma_wait3A_362] : memref<2x12544x16xf32, #tpu.memory_space<vmem_shared>> -> memref<1x12544x16xf32, #tpu.memory_space<vmem_shared>>
    %dma_wait3A_364 = tpu.memref_squeeze %dma_wait3A_363 : memref<1x12544x16xf32, #tpu.memory_space<vmem_shared>> -> memref<12544x16xf32, #tpu.memory_space<vmem_shared>>
    %dma_wait3A_365 = arith.constant 0 : i32
    %dma_wait3A_366 = tpu.memref_slice %dma_wait3A_364[%mul3A_0, %dma_wait3A_365] : memref<12544x16xf32, #tpu.memory_space<vmem_shared>> -> memref<784x16xf32, #tpu.memory_space<vmem_shared>>
    tpu.wait_dma2 semaphore(%arg12 : memref<!tpu.dma_semaphore, #tpu.memory_space<semaphore_mem>>) src(%dma_wait3A_366 : memref<784x16xf32, #tpu.memory_space<vmem_shared>>) dst(%dma_wait3A_360 : memref<784x16xf32, #tpu.memory_space<hbm>>)
    return
  }
}

#map = affine_map<(d0, d1) -> (0, 0)>
#map1 = affine_map<(d0, d1) -> (0, 0, 0)>
module attributes {stable_mosaic.version = 14 : i64} {
  func.func @prop_kernel(%arg0: i32, %arg1: i32, %arg2: memref<50176x16xf32, #tpu.memory_space<hbm>>, %arg3: memref<64x74x128xi32, #tpu.memory_space<hbm>>, %arg4: memref<16x74x128xi32, #tpu.memory_space<hbm>>, %arg5: memref<50176x16xf32, #tpu.memory_space<hbm>>, %arg6: memref<2x12544x16xf32, #tpu.memory_space<vmem_shared>>, %arg7: memref<2x74x128xi32, #tpu.memory_space<vmem>>, %arg8: memref<74x128xi32, #tpu.memory_space<vmem>>, %arg9: memref<32x128x16xf32, #tpu.memory_space<vmem>>, %arg10: memref<!tpu.dma_semaphore, #tpu.memory_space<semaphore_mem>>, %arg11: memref<!tpu.dma_semaphore, #tpu.memory_space<semaphore_mem>>, %arg12: memref<!tpu.dma_semaphore, #tpu.memory_space<semaphore_mem>>) attributes {dimension_semantics = [#tpu.dimension_semantics<core_parallel>, #tpu.dimension_semantics<subcore_parallel>], iteration_bounds = array<i64: 2, 16>, scalar_prefetch = 0 : i64, scratch_operands = 7 : i64, tpu.core_type = #tpu.core_type<sc_vector_subcore>, window_params = [{transform_indices = #map}, {transform_indices = #map1}, {transform_indices = #map1}, {transform_indices = #map}]} {
    %mul3A = arith.constant 784 : i32
    %mul3A_0 = arith.muli %arg1, %mul3A : i32
    %mul3A_1 = arith.constant 2 : i32
    %mul3A_2 = arith.muli %arg0, %mul3A_1 : i32
    %add3A = arith.constant 0 : i32
    %add3A_3 = arith.addi %mul3A_2, %add3A : i32
    %mul3A_4 = arith.constant 12544 : i32
    %mul3A_5 = arith.muli %add3A_3, %mul3A_4 : i32
    %add3A_6 = arith.addi %mul3A_5, %mul3A_0 : i32
    %dma_start3A = arith.constant 0 : i32
    %dma_start3A_7 = arith.constant 0 : i32
    %dma_start3A_8 = arith.constant 0 : i32
    %dma_start3A_9 = tpu.memref_slice %arg6[%dma_start3A, %dma_start3A_7, %dma_start3A_8] : memref<2x12544x16xf32, #tpu.memory_space<vmem_shared>> -> memref<1x12544x16xf32, #tpu.memory_space<vmem_shared>>
    %dma_start3A_10 = tpu.memref_squeeze %dma_start3A_9 : memref<1x12544x16xf32, #tpu.memory_space<vmem_shared>> -> memref<12544x16xf32, #tpu.memory_space<vmem_shared>>
    %dma_start3A_11 = arith.constant 0 : i32
    %dma_start3A_12 = tpu.memref_slice %dma_start3A_10[%mul3A_0, %dma_start3A_11] : memref<12544x16xf32, #tpu.memory_space<vmem_shared>> -> memref<784x16xf32, #tpu.memory_space<vmem_shared>>
    %dma_start3A_13 = arith.constant 0 : i32
    %dma_start3A_14 = tpu.memref_slice %arg2[%add3A_6, %dma_start3A_13] : memref<50176x16xf32, #tpu.memory_space<hbm>> -> memref<784x16xf32, #tpu.memory_space<hbm>>
    tpu.enqueue_dma source(%dma_start3A_14 : memref<784x16xf32, #tpu.memory_space<hbm>>) target(%dma_start3A_12 : memref<784x16xf32, #tpu.memory_space<vmem_shared>>) target_semaphore(%arg12 : memref<!tpu.dma_semaphore, #tpu.memory_space<semaphore_mem>>)
    %mul3A_15 = arith.constant 16 : i32
    %mul3A_16 = arith.muli %add3A_3, %mul3A_15 : i32
    %add3A_17 = arith.addi %mul3A_16, %arg1 : i32
    %dma_start3A_18 = arith.constant 0 : i32
    %dma_start3A_19 = arith.constant 0 : i32
    %dma_start3A_20 = arith.constant 0 : i32
    %dma_start3A_21 = tpu.memref_slice %arg7[%dma_start3A_18, %dma_start3A_19, %dma_start3A_20] : memref<2x74x128xi32, #tpu.memory_space<vmem>> -> memref<1x74x128xi32, #tpu.memory_space<vmem>>
    %dma_start3A_22 = tpu.memref_squeeze %dma_start3A_21 : memref<1x74x128xi32, #tpu.memory_space<vmem>> -> memref<74x128xi32, #tpu.memory_space<vmem>>
    %dma_start3A_23 = arith.constant 0 : i32
    %dma_start3A_24 = arith.constant 0 : i32
    %dma_start3A_25 = tpu.memref_slice %arg3[%add3A_17, %dma_start3A_23, %dma_start3A_24] : memref<64x74x128xi32, #tpu.memory_space<hbm>> -> memref<1x74x128xi32, #tpu.memory_space<hbm>>
    %dma_start3A_26 = tpu.memref_squeeze %dma_start3A_25 : memref<1x74x128xi32, #tpu.memory_space<hbm>> -> memref<74x128xi32, #tpu.memory_space<hbm>>
    %dma_start3A_27 = arith.constant 0 : i32
    %dma_start3A_28 = arith.constant 0 : i32
    %dma_start3A_29 = tpu.memref_slice %arg7[%dma_start3A_18, %dma_start3A_27, %dma_start3A_28] : memref<2x74x128xi32, #tpu.memory_space<vmem>> -> memref<1x74x128xi32, #tpu.memory_space<vmem>>
    %dma_start3A_30 = tpu.memref_squeeze %dma_start3A_29 : memref<1x74x128xi32, #tpu.memory_space<vmem>> -> memref<74x128xi32, #tpu.memory_space<vmem>>
    %dma_start3A_31 = arith.constant 0 : i32
    %dma_start3A_32 = arith.constant 0 : i32
    %dma_start3A_33 = tpu.memref_slice %arg3[%add3A_17, %dma_start3A_31, %dma_start3A_32] : memref<64x74x128xi32, #tpu.memory_space<hbm>> -> memref<1x74x128xi32, #tpu.memory_space<hbm>>
    %dma_start3A_34 = tpu.memref_squeeze %dma_start3A_33 : memref<1x74x128xi32, #tpu.memory_space<hbm>> -> memref<74x128xi32, #tpu.memory_space<hbm>>
    tpu.enqueue_dma source(%dma_start3A_34 : memref<74x128xi32, #tpu.memory_space<hbm>>) target(%dma_start3A_30 : memref<74x128xi32, #tpu.memory_space<vmem>>) target_semaphore(%arg12 : memref<!tpu.dma_semaphore, #tpu.memory_space<semaphore_mem>>)
    %mul3A_35 = arith.constant 2 : i32
    %mul3A_36 = arith.muli %arg0, %mul3A_35 : i32
    %add3A_37 = arith.constant 1 : i32
    %add3A_38 = arith.addi %mul3A_36, %add3A_37 : i32
    %mul3A_39 = arith.constant 12544 : i32
    %mul3A_40 = arith.muli %add3A_38, %mul3A_39 : i32
    %add3A_41 = arith.addi %mul3A_40, %mul3A_0 : i32
    %dma_start3A_42 = arith.constant 1 : i32
    %dma_start3A_43 = arith.constant 0 : i32
    %dma_start3A_44 = arith.constant 0 : i32
    %dma_start3A_45 = tpu.memref_slice %arg6[%dma_start3A_42, %dma_start3A_43, %dma_start3A_44] : memref<2x12544x16xf32, #tpu.memory_space<vmem_shared>> -> memref<1x12544x16xf32, #tpu.memory_space<vmem_shared>>
    %dma_start3A_46 = tpu.memref_squeeze %dma_start3A_45 : memref<1x12544x16xf32, #tpu.memory_space<vmem_shared>> -> memref<12544x16xf32, #tpu.memory_space<vmem_shared>>
    %dma_start3A_47 = arith.constant 0 : i32
    %dma_start3A_48 = tpu.memref_slice %dma_start3A_46[%mul3A_0, %dma_start3A_47] : memref<12544x16xf32, #tpu.memory_space<vmem_shared>> -> memref<784x16xf32, #tpu.memory_space<vmem_shared>>
    %dma_start3A_49 = arith.constant 0 : i32
    %dma_start3A_50 = tpu.memref_slice %arg2[%add3A_41, %dma_start3A_49] : memref<50176x16xf32, #tpu.memory_space<hbm>> -> memref<784x16xf32, #tpu.memory_space<hbm>>
    tpu.enqueue_dma source(%dma_start3A_50 : memref<784x16xf32, #tpu.memory_space<hbm>>) target(%dma_start3A_48 : memref<784x16xf32, #tpu.memory_space<vmem_shared>>) target_semaphore(%arg12 : memref<!tpu.dma_semaphore, #tpu.memory_space<semaphore_mem>>)
    %mul3A_51 = arith.constant 16 : i32
    %mul3A_52 = arith.muli %add3A_38, %mul3A_51 : i32
    %add3A_53 = arith.addi %mul3A_52, %arg1 : i32
    %dma_start3A_54 = arith.constant 1 : i32
    %dma_start3A_55 = arith.constant 0 : i32
    %dma_start3A_56 = arith.constant 0 : i32
    %dma_start3A_57 = tpu.memref_slice %arg7[%dma_start3A_54, %dma_start3A_55, %dma_start3A_56] : memref<2x74x128xi32, #tpu.memory_space<vmem>> -> memref<1x74x128xi32, #tpu.memory_space<vmem>>
    %dma_start3A_58 = tpu.memref_squeeze %dma_start3A_57 : memref<1x74x128xi32, #tpu.memory_space<vmem>> -> memref<74x128xi32, #tpu.memory_space<vmem>>
    %dma_start3A_59 = arith.constant 0 : i32
    %dma_start3A_60 = arith.constant 0 : i32
    %dma_start3A_61 = tpu.memref_slice %arg3[%add3A_53, %dma_start3A_59, %dma_start3A_60] : memref<64x74x128xi32, #tpu.memory_space<hbm>> -> memref<1x74x128xi32, #tpu.memory_space<hbm>>
    %dma_start3A_62 = tpu.memref_squeeze %dma_start3A_61 : memref<1x74x128xi32, #tpu.memory_space<hbm>> -> memref<74x128xi32, #tpu.memory_space<hbm>>
    %dma_start3A_63 = arith.constant 0 : i32
    %dma_start3A_64 = arith.constant 0 : i32
    %dma_start3A_65 = tpu.memref_slice %arg7[%dma_start3A_54, %dma_start3A_63, %dma_start3A_64] : memref<2x74x128xi32, #tpu.memory_space<vmem>> -> memref<1x74x128xi32, #tpu.memory_space<vmem>>
    %dma_start3A_66 = tpu.memref_squeeze %dma_start3A_65 : memref<1x74x128xi32, #tpu.memory_space<vmem>> -> memref<74x128xi32, #tpu.memory_space<vmem>>
    %dma_start3A_67 = arith.constant 0 : i32
    %dma_start3A_68 = arith.constant 0 : i32
    %dma_start3A_69 = tpu.memref_slice %arg3[%add3A_53, %dma_start3A_67, %dma_start3A_68] : memref<64x74x128xi32, #tpu.memory_space<hbm>> -> memref<1x74x128xi32, #tpu.memory_space<hbm>>
    %dma_start3A_70 = tpu.memref_squeeze %dma_start3A_69 : memref<1x74x128xi32, #tpu.memory_space<hbm>> -> memref<74x128xi32, #tpu.memory_space<hbm>>
    tpu.enqueue_dma source(%dma_start3A_70 : memref<74x128xi32, #tpu.memory_space<hbm>>) target(%dma_start3A_66 : memref<74x128xi32, #tpu.memory_space<vmem>>) target_semaphore(%arg12 : memref<!tpu.dma_semaphore, #tpu.memory_space<semaphore_mem>>)
    %dma_start3A_71 = arith.constant 0 : i32
    %dma_start3A_72 = arith.constant 0 : i32
    %dma_start3A_73 = tpu.memref_slice %arg4[%arg1, %dma_start3A_71, %dma_start3A_72] : memref<16x74x128xi32, #tpu.memory_space<hbm>> -> memref<1x74x128xi32, #tpu.memory_space<hbm>>
    %dma_start3A_74 = tpu.memref_squeeze %dma_start3A_73 : memref<1x74x128xi32, #tpu.memory_space<hbm>> -> memref<74x128xi32, #tpu.memory_space<hbm>>
    %dma_start3A_75 = arith.constant 0 : i32
    %dma_start3A_76 = arith.constant 0 : i32
    %dma_start3A_77 = tpu.memref_slice %arg4[%arg1, %dma_start3A_75, %dma_start3A_76] : memref<16x74x128xi32, #tpu.memory_space<hbm>> -> memref<1x74x128xi32, #tpu.memory_space<hbm>>
    %dma_start3A_78 = tpu.memref_squeeze %dma_start3A_77 : memref<1x74x128xi32, #tpu.memory_space<hbm>> -> memref<74x128xi32, #tpu.memory_space<hbm>>
    tpu.enqueue_dma source(%dma_start3A_78 : memref<74x128xi32, #tpu.memory_space<hbm>>) target(%arg8 : memref<74x128xi32, #tpu.memory_space<vmem>>) target_semaphore(%arg12 : memref<!tpu.dma_semaphore, #tpu.memory_space<semaphore_mem>>)
    %dma_wait3A = arith.constant 0 : i32
    %dma_wait3A_79 = arith.constant 0 : i32
    %dma_wait3A_80 = arith.constant 0 : i32
    %dma_wait3A_81 = tpu.memref_slice %arg6[%dma_wait3A, %dma_wait3A_79, %dma_wait3A_80] : memref<2x12544x16xf32, #tpu.memory_space<vmem_shared>> -> memref<1x12544x16xf32, #tpu.memory_space<vmem_shared>>
    %dma_wait3A_82 = tpu.memref_squeeze %dma_wait3A_81 : memref<1x12544x16xf32, #tpu.memory_space<vmem_shared>> -> memref<12544x16xf32, #tpu.memory_space<vmem_shared>>
    %dma_wait3A_83 = arith.constant 0 : i32
    %dma_wait3A_84 = tpu.memref_slice %dma_wait3A_82[%mul3A_0, %dma_wait3A_83] : memref<12544x16xf32, #tpu.memory_space<vmem_shared>> -> memref<784x16xf32, #tpu.memory_space<vmem_shared>>
    %dma_wait3A_85 = arith.constant 0 : i32
    %dma_wait3A_86 = tpu.memref_slice %arg2[%mul3A_0, %dma_wait3A_85] : memref<50176x16xf32, #tpu.memory_space<hbm>> -> memref<784x16xf32, #tpu.memory_space<hbm>>
    tpu.wait_dma2 semaphore(%arg12 : memref<!tpu.dma_semaphore, #tpu.memory_space<semaphore_mem>>) src(%dma_wait3A_86 : memref<784x16xf32, #tpu.memory_space<hbm>>) dst(%dma_wait3A_84 : memref<784x16xf32, #tpu.memory_space<vmem_shared>>)
    %dma_wait3A_87 = arith.constant 0 : i32
    %dma_wait3A_88 = arith.constant 0 : i32
    %dma_wait3A_89 = arith.constant 0 : i32
    %dma_wait3A_90 = tpu.memref_slice %arg7[%dma_wait3A_87, %dma_wait3A_88, %dma_wait3A_89] : memref<2x74x128xi32, #tpu.memory_space<vmem>> -> memref<1x74x128xi32, #tpu.memory_space<vmem>>
    %dma_wait3A_91 = tpu.memref_squeeze %dma_wait3A_90 : memref<1x74x128xi32, #tpu.memory_space<vmem>> -> memref<74x128xi32, #tpu.memory_space<vmem>>
    %dma_wait3A_92 = arith.constant 0 : i32
    %dma_wait3A_93 = arith.constant 0 : i32
    %dma_wait3A_94 = tpu.memref_slice %arg3[%arg1, %dma_wait3A_92, %dma_wait3A_93] : memref<64x74x128xi32, #tpu.memory_space<hbm>> -> memref<1x74x128xi32, #tpu.memory_space<hbm>>
    %dma_wait3A_95 = tpu.memref_squeeze %dma_wait3A_94 : memref<1x74x128xi32, #tpu.memory_space<hbm>> -> memref<74x128xi32, #tpu.memory_space<hbm>>
    %dma_wait3A_96 = arith.constant 0 : i32
    %dma_wait3A_97 = arith.constant 0 : i32
    %dma_wait3A_98 = tpu.memref_slice %arg7[%dma_wait3A_87, %dma_wait3A_96, %dma_wait3A_97] : memref<2x74x128xi32, #tpu.memory_space<vmem>> -> memref<1x74x128xi32, #tpu.memory_space<vmem>>
    %dma_wait3A_99 = tpu.memref_squeeze %dma_wait3A_98 : memref<1x74x128xi32, #tpu.memory_space<vmem>> -> memref<74x128xi32, #tpu.memory_space<vmem>>
    %dma_wait3A_100 = arith.constant 0 : i32
    %dma_wait3A_101 = arith.constant 0 : i32
    %dma_wait3A_102 = tpu.memref_slice %arg3[%arg1, %dma_wait3A_100, %dma_wait3A_101] : memref<64x74x128xi32, #tpu.memory_space<hbm>> -> memref<1x74x128xi32, #tpu.memory_space<hbm>>
    %dma_wait3A_103 = tpu.memref_squeeze %dma_wait3A_102 : memref<1x74x128xi32, #tpu.memory_space<hbm>> -> memref<74x128xi32, #tpu.memory_space<hbm>>
    tpu.wait_dma2 semaphore(%arg12 : memref<!tpu.dma_semaphore, #tpu.memory_space<semaphore_mem>>) src(%dma_wait3A_103 : memref<74x128xi32, #tpu.memory_space<hbm>>) dst(%dma_wait3A_99 : memref<74x128xi32, #tpu.memory_space<vmem>>)
    %dma_wait3A_104 = arith.constant 1 : i32
    %dma_wait3A_105 = arith.constant 0 : i32
    %dma_wait3A_106 = arith.constant 0 : i32
    %dma_wait3A_107 = tpu.memref_slice %arg6[%dma_wait3A_104, %dma_wait3A_105, %dma_wait3A_106] : memref<2x12544x16xf32, #tpu.memory_space<vmem_shared>> -> memref<1x12544x16xf32, #tpu.memory_space<vmem_shared>>
    %dma_wait3A_108 = tpu.memref_squeeze %dma_wait3A_107 : memref<1x12544x16xf32, #tpu.memory_space<vmem_shared>> -> memref<12544x16xf32, #tpu.memory_space<vmem_shared>>
    %dma_wait3A_109 = arith.constant 0 : i32
    %dma_wait3A_110 = tpu.memref_slice %dma_wait3A_108[%mul3A_0, %dma_wait3A_109] : memref<12544x16xf32, #tpu.memory_space<vmem_shared>> -> memref<784x16xf32, #tpu.memory_space<vmem_shared>>
    %dma_wait3A_111 = arith.constant 0 : i32
    %dma_wait3A_112 = tpu.memref_slice %arg2[%mul3A_0, %dma_wait3A_111] : memref<50176x16xf32, #tpu.memory_space<hbm>> -> memref<784x16xf32, #tpu.memory_space<hbm>>
    tpu.wait_dma2 semaphore(%arg12 : memref<!tpu.dma_semaphore, #tpu.memory_space<semaphore_mem>>) src(%dma_wait3A_112 : memref<784x16xf32, #tpu.memory_space<hbm>>) dst(%dma_wait3A_110 : memref<784x16xf32, #tpu.memory_space<vmem_shared>>)
    %dma_wait3A_113 = arith.constant 1 : i32
    %dma_wait3A_114 = arith.constant 0 : i32
    %dma_wait3A_115 = arith.constant 0 : i32
    %dma_wait3A_116 = tpu.memref_slice %arg7[%dma_wait3A_113, %dma_wait3A_114, %dma_wait3A_115] : memref<2x74x128xi32, #tpu.memory_space<vmem>> -> memref<1x74x128xi32, #tpu.memory_space<vmem>>
    %dma_wait3A_117 = tpu.memref_squeeze %dma_wait3A_116 : memref<1x74x128xi32, #tpu.memory_space<vmem>> -> memref<74x128xi32, #tpu.memory_space<vmem>>
    %dma_wait3A_118 = arith.constant 0 : i32
    %dma_wait3A_119 = arith.constant 0 : i32
    %dma_wait3A_120 = tpu.memref_slice %arg3[%arg1, %dma_wait3A_118, %dma_wait3A_119] : memref<64x74x128xi32, #tpu.memory_space<hbm>> -> memref<1x74x128xi32, #tpu.memory_space<hbm>>
    %dma_wait3A_121 = tpu.memref_squeeze %dma_wait3A_120 : memref<1x74x128xi32, #tpu.memory_space<hbm>> -> memref<74x128xi32, #tpu.memory_space<hbm>>
    %dma_wait3A_122 = arith.constant 0 : i32
    %dma_wait3A_123 = arith.constant 0 : i32
    %dma_wait3A_124 = tpu.memref_slice %arg7[%dma_wait3A_113, %dma_wait3A_122, %dma_wait3A_123] : memref<2x74x128xi32, #tpu.memory_space<vmem>> -> memref<1x74x128xi32, #tpu.memory_space<vmem>>
    %dma_wait3A_125 = tpu.memref_squeeze %dma_wait3A_124 : memref<1x74x128xi32, #tpu.memory_space<vmem>> -> memref<74x128xi32, #tpu.memory_space<vmem>>
    %dma_wait3A_126 = arith.constant 0 : i32
    %dma_wait3A_127 = arith.constant 0 : i32
    %dma_wait3A_128 = tpu.memref_slice %arg3[%arg1, %dma_wait3A_126, %dma_wait3A_127] : memref<64x74x128xi32, #tpu.memory_space<hbm>> -> memref<1x74x128xi32, #tpu.memory_space<hbm>>
    %dma_wait3A_129 = tpu.memref_squeeze %dma_wait3A_128 : memref<1x74x128xi32, #tpu.memory_space<hbm>> -> memref<74x128xi32, #tpu.memory_space<hbm>>
    tpu.wait_dma2 semaphore(%arg12 : memref<!tpu.dma_semaphore, #tpu.memory_space<semaphore_mem>>) src(%dma_wait3A_129 : memref<74x128xi32, #tpu.memory_space<hbm>>) dst(%dma_wait3A_125 : memref<74x128xi32, #tpu.memory_space<vmem>>)
    %dma_wait3A_130 = arith.constant 0 : i32
    %dma_wait3A_131 = arith.constant 0 : i32
    %dma_wait3A_132 = tpu.memref_slice %arg4[%arg1, %dma_wait3A_130, %dma_wait3A_131] : memref<16x74x128xi32, #tpu.memory_space<hbm>> -> memref<1x74x128xi32, #tpu.memory_space<hbm>>
    %dma_wait3A_133 = tpu.memref_squeeze %dma_wait3A_132 : memref<1x74x128xi32, #tpu.memory_space<hbm>> -> memref<74x128xi32, #tpu.memory_space<hbm>>
    %dma_wait3A_134 = arith.constant 0 : i32
    %dma_wait3A_135 = arith.constant 0 : i32
    %dma_wait3A_136 = tpu.memref_slice %arg4[%arg1, %dma_wait3A_134, %dma_wait3A_135] : memref<16x74x128xi32, #tpu.memory_space<hbm>> -> memref<1x74x128xi32, #tpu.memory_space<hbm>>
    %dma_wait3A_137 = tpu.memref_squeeze %dma_wait3A_136 : memref<1x74x128xi32, #tpu.memory_space<hbm>> -> memref<74x128xi32, #tpu.memory_space<hbm>>
    tpu.wait_dma2 semaphore(%arg12 : memref<!tpu.dma_semaphore, #tpu.memory_space<semaphore_mem>>) src(%dma_wait3A_137 : memref<74x128xi32, #tpu.memory_space<hbm>>) dst(%arg8 : memref<74x128xi32, #tpu.memory_space<vmem>>)
    %barrier3A = arith.constant 0 : index
    tpu.barrier barrier_id(%barrier3A)
    %parallel_loop3A = arith.constant 0 : i32
    %parallel_loop3A_138 = arith.constant 16 : i32
    %parallel_loop3A_139 = arith.constant 1 : i32
    scf.for %parallel_loop3A_367 = %parallel_loop3A to %parallel_loop3A_138 step %parallel_loop3A_139  : i32 {
      %parallel_loop3A_368 = arith.constant 0 : i32
      %parallel_loop3A_369 = arith.addi %parallel_loop3A_368, %parallel_loop3A_367 : i32
      %parallel_loop3A_370 = arith.constant 0 : i32
      %parallel_loop3A_371 = arith.addi %parallel_loop3A_370, %parallel_loop3A_367 : i32
      %parallel_loop3A_372 = arith.constant 0 : i32
      %parallel_loop3A_373 = arith.constant 0 : i32
      %parallel_loop3A_374 = arith.constant 0 : i32
      %parallel_loop3A_375 = tpu.memref_slice %arg9[%parallel_loop3A_371, %parallel_loop3A_373, %parallel_loop3A_374] : memref<32x128x16xf32, #tpu.memory_space<vmem>> -> memref<1x128x16xf32, #tpu.memory_space<vmem>>
      %parallel_loop3A_376 = tpu.memref_squeeze %parallel_loop3A_375 : memref<1x128x16xf32, #tpu.memory_space<vmem>> -> memref<128x16xf32, #tpu.memory_space<vmem>>
      %parallel_loop3A_377 = arith.constant 0 : i32
      %parallel_loop3A_378 = arith.constant 0 : i32
      %parallel_loop3A_379 = tpu.memref_slice %arg7[%parallel_loop3A_372, %parallel_loop3A_377, %parallel_loop3A_378] : memref<2x74x128xi32, #tpu.memory_space<vmem>> -> memref<1x74x128xi32, #tpu.memory_space<vmem>>
      %parallel_loop3A_380 = tpu.memref_squeeze %parallel_loop3A_379 : memref<1x74x128xi32, #tpu.memory_space<vmem>> -> memref<74x128xi32, #tpu.memory_space<vmem>>
      %parallel_loop3A_381 = arith.constant 0 : i32
      %parallel_loop3A_382 = tpu.memref_slice %parallel_loop3A_380[%parallel_loop3A_369, %parallel_loop3A_381] : memref<74x128xi32, #tpu.memory_space<vmem>> -> memref<1x128xi32, #tpu.memory_space<vmem>>
      %parallel_loop3A_383 = tpu.memref_squeeze %parallel_loop3A_382 : memref<1x128xi32, #tpu.memory_space<vmem>> -> memref<128xi32, #tpu.memory_space<vmem>>
      %parallel_loop3A_384 = arith.constant 0 : i32
      %parallel_loop3A_385 = arith.constant 0 : i32
      %parallel_loop3A_386 = tpu.memref_slice %arg2[%parallel_loop3A_384, %parallel_loop3A_385] : memref<50176x16xf32, #tpu.memory_space<hbm>> -> memref<50176x16xf32, #tpu.memory_space<hbm>>
      tpu.enqueue_indirect_dma source(%parallel_loop3A_386 : memref<50176x16xf32, #tpu.memory_space<hbm>>) target(%parallel_loop3A_376 : memref<128x16xf32, #tpu.memory_space<vmem>>) offsets(%parallel_loop3A_383 : memref<128xi32, #tpu.memory_space<vmem>>) semaphore(%arg10 : memref<!tpu.dma_semaphore, #tpu.memory_space<semaphore_mem>>)
    } {sc.loop_unroll_factor = 4 : i64, sc.parallel_access}
    %scan3A = arith.constant 0 : i32
    %scan3A_140 = arith.constant 0 : i32
    %scan3A_141 = arith.constant 16 : i32
    %scan3A_142 = arith.addi %scan3A_140, %scan3A_141 : i32
    %scan3A_143 = arith.constant 1 : i32
    scf.for %scan3A_367 = %scan3A_140 to %scan3A_142 step %scan3A_143  : i32 {
      %dma_wait3A_368 = arith.constant 0 : i32
      %dma_wait3A_369 = arith.constant 0 : i32
      %dma_wait3A_370 = arith.constant 0 : i32
      %dma_wait3A_371 = arith.constant 0 : i32
      %dma_wait3A_372 = arith.constant 0 : i32
      %dma_wait3A_373 = tpu.memref_slice %arg9[%dma_wait3A_370, %dma_wait3A_371, %dma_wait3A_372] : memref<32x128x16xf32, #tpu.memory_space<vmem>> -> memref<1x128x16xf32, #tpu.memory_space<vmem>>
      %dma_wait3A_374 = tpu.memref_squeeze %dma_wait3A_373 : memref<1x128x16xf32, #tpu.memory_space<vmem>> -> memref<128x16xf32, #tpu.memory_space<vmem>>
      %dma_wait3A_375 = arith.constant 0 : i32
      %dma_wait3A_376 = arith.constant 0 : i32
      %dma_wait3A_377 = tpu.memref_slice %arg7[%dma_wait3A_368, %dma_wait3A_375, %dma_wait3A_376] : memref<2x74x128xi32, #tpu.memory_space<vmem>> -> memref<1x74x128xi32, #tpu.memory_space<vmem>>
      %dma_wait3A_378 = tpu.memref_squeeze %dma_wait3A_377 : memref<1x74x128xi32, #tpu.memory_space<vmem>> -> memref<74x128xi32, #tpu.memory_space<vmem>>
      %dma_wait3A_379 = arith.constant 0 : i32
      %dma_wait3A_380 = tpu.memref_slice %dma_wait3A_378[%dma_wait3A_369, %dma_wait3A_379] : memref<74x128xi32, #tpu.memory_space<vmem>> -> memref<1x128xi32, #tpu.memory_space<vmem>>
      %dma_wait3A_381 = tpu.memref_squeeze %dma_wait3A_380 : memref<1x128xi32, #tpu.memory_space<vmem>> -> memref<128xi32, #tpu.memory_space<vmem>>
      %dma_wait3A_382 = arith.constant 0 : i32
      %dma_wait3A_383 = arith.constant 0 : i32
      %dma_wait3A_384 = tpu.memref_slice %arg2[%dma_wait3A_382, %dma_wait3A_383] : memref<50176x16xf32, #tpu.memory_space<hbm>> -> memref<50176x16xf32, #tpu.memory_space<hbm>>
      tpu.wait_indirect_dma semaphore(%arg10 : memref<!tpu.dma_semaphore, #tpu.memory_space<semaphore_mem>>) src(%dma_wait3A_384 : memref<50176x16xf32, #tpu.memory_space<hbm>>) dst(%dma_wait3A_374 : memref<128x16xf32, #tpu.memory_space<vmem>>)
    }
    %scan3A_144 = arith.constant 16 : i32
    %parallel_loop3A_145 = arith.constant 0 : i32
    %parallel_loop3A_146 = arith.constant 16 : i32
    %parallel_loop3A_147 = arith.constant 1 : i32
    scf.for %parallel_loop3A_367 = %parallel_loop3A_145 to %parallel_loop3A_146 step %parallel_loop3A_147  : i32 {
      %parallel_loop3A_368 = arith.constant 0 : i32
      %parallel_loop3A_369 = arith.addi %parallel_loop3A_368, %parallel_loop3A_367 : i32
      %parallel_loop3A_370 = arith.constant 0 : i32
      %parallel_loop3A_371 = arith.addi %parallel_loop3A_370, %parallel_loop3A_367 : i32
      %parallel_loop3A_372 = arith.constant 0 : i32
      %parallel_loop3A_373 = arith.constant 0 : i32
      %parallel_loop3A_374 = arith.constant 0 : i32
      %parallel_loop3A_375 = tpu.memref_slice %arg9[%parallel_loop3A_369, %parallel_loop3A_373, %parallel_loop3A_374] : memref<32x128x16xf32, #tpu.memory_space<vmem>> -> memref<1x128x16xf32, #tpu.memory_space<vmem>>
      %parallel_loop3A_376 = tpu.memref_squeeze %parallel_loop3A_375 : memref<1x128x16xf32, #tpu.memory_space<vmem>> -> memref<128x16xf32, #tpu.memory_space<vmem>>
      %parallel_loop3A_377 = arith.constant 0 : i32
      %parallel_loop3A_378 = tpu.memref_slice %arg8[%parallel_loop3A_371, %parallel_loop3A_377] : memref<74x128xi32, #tpu.memory_space<vmem>> -> memref<1x128xi32, #tpu.memory_space<vmem>>
      %parallel_loop3A_379 = tpu.memref_squeeze %parallel_loop3A_378 : memref<1x128xi32, #tpu.memory_space<vmem>> -> memref<128xi32, #tpu.memory_space<vmem>>
      %parallel_loop3A_380 = arith.constant 0 : i32
      %parallel_loop3A_381 = arith.constant 0 : i32
      %parallel_loop3A_382 = tpu.memref_slice %arg6[%parallel_loop3A_372, %parallel_loop3A_380, %parallel_loop3A_381] : memref<2x12544x16xf32, #tpu.memory_space<vmem_shared>> -> memref<1x12544x16xf32, #tpu.memory_space<vmem_shared>>
      %parallel_loop3A_383 = tpu.memref_squeeze %parallel_loop3A_382 : memref<1x12544x16xf32, #tpu.memory_space<vmem_shared>> -> memref<12544x16xf32, #tpu.memory_space<vmem_shared>>
      %parallel_loop3A_384 = arith.constant 0 : i32
      %parallel_loop3A_385 = arith.constant 0 : i32
      %parallel_loop3A_386 = tpu.memref_slice %parallel_loop3A_383[%parallel_loop3A_384, %parallel_loop3A_385] : memref<12544x16xf32, #tpu.memory_space<vmem_shared>> -> memref<12544x16xf32, #tpu.memory_space<vmem_shared>>
      tpu.enqueue_indirect_dma source(%parallel_loop3A_376 : memref<128x16xf32, #tpu.memory_space<vmem>>) target(%parallel_loop3A_386 : memref<12544x16xf32, #tpu.memory_space<vmem_shared>>) offsets(%parallel_loop3A_379 : memref<128xi32, #tpu.memory_space<vmem>>) semaphore(%arg11 : memref<!tpu.dma_semaphore, #tpu.memory_space<semaphore_mem>>) {add = true}
    } {sc.loop_unroll_factor = 4 : i64, sc.parallel_access}
    %parallel_loop3A_148 = arith.constant 0 : i32
    %parallel_loop3A_149 = arith.constant 16 : i32
    %parallel_loop3A_150 = arith.constant 1 : i32
    scf.for %parallel_loop3A_367 = %parallel_loop3A_148 to %parallel_loop3A_149 step %parallel_loop3A_150  : i32 {
      %parallel_loop3A_368 = arith.constant 16 : i32
      %parallel_loop3A_369 = arith.addi %parallel_loop3A_368, %parallel_loop3A_367 : i32
      %parallel_loop3A_370 = arith.constant 16 : i32
      %parallel_loop3A_371 = arith.addi %parallel_loop3A_370, %parallel_loop3A_367 : i32
      %parallel_loop3A_372 = arith.constant 0 : i32
      %parallel_loop3A_373 = arith.constant 0 : i32
      %parallel_loop3A_374 = arith.constant 0 : i32
      %parallel_loop3A_375 = tpu.memref_slice %arg9[%parallel_loop3A_371, %parallel_loop3A_373, %parallel_loop3A_374] : memref<32x128x16xf32, #tpu.memory_space<vmem>> -> memref<1x128x16xf32, #tpu.memory_space<vmem>>
      %parallel_loop3A_376 = tpu.memref_squeeze %parallel_loop3A_375 : memref<1x128x16xf32, #tpu.memory_space<vmem>> -> memref<128x16xf32, #tpu.memory_space<vmem>>
      %parallel_loop3A_377 = arith.constant 0 : i32
      %parallel_loop3A_378 = arith.constant 0 : i32
      %parallel_loop3A_379 = tpu.memref_slice %arg7[%parallel_loop3A_372, %parallel_loop3A_377, %parallel_loop3A_378] : memref<2x74x128xi32, #tpu.memory_space<vmem>> -> memref<1x74x128xi32, #tpu.memory_space<vmem>>
      %parallel_loop3A_380 = tpu.memref_squeeze %parallel_loop3A_379 : memref<1x74x128xi32, #tpu.memory_space<vmem>> -> memref<74x128xi32, #tpu.memory_space<vmem>>
      %parallel_loop3A_381 = arith.constant 0 : i32
      %parallel_loop3A_382 = tpu.memref_slice %parallel_loop3A_380[%parallel_loop3A_369, %parallel_loop3A_381] : memref<74x128xi32, #tpu.memory_space<vmem>> -> memref<1x128xi32, #tpu.memory_space<vmem>>
      %parallel_loop3A_383 = tpu.memref_squeeze %parallel_loop3A_382 : memref<1x128xi32, #tpu.memory_space<vmem>> -> memref<128xi32, #tpu.memory_space<vmem>>
      %parallel_loop3A_384 = arith.constant 0 : i32
      %parallel_loop3A_385 = arith.constant 0 : i32
      %parallel_loop3A_386 = tpu.memref_slice %arg2[%parallel_loop3A_384, %parallel_loop3A_385] : memref<50176x16xf32, #tpu.memory_space<hbm>> -> memref<50176x16xf32, #tpu.memory_space<hbm>>
      tpu.enqueue_indirect_dma source(%parallel_loop3A_386 : memref<50176x16xf32, #tpu.memory_space<hbm>>) target(%parallel_loop3A_376 : memref<128x16xf32, #tpu.memory_space<vmem>>) offsets(%parallel_loop3A_383 : memref<128xi32, #tpu.memory_space<vmem>>) semaphore(%arg10 : memref<!tpu.dma_semaphore, #tpu.memory_space<semaphore_mem>>)
    } {sc.loop_unroll_factor = 4 : i64, sc.parallel_access}
    %scan3A_151 = arith.constant 0 : i32
    %scan3A_152 = arith.constant 0 : i32
    %scan3A_153 = arith.constant 16 : i32
    %scan3A_154 = arith.addi %scan3A_152, %scan3A_153 : i32
    %scan3A_155 = arith.constant 1 : i32
    scf.for %scan3A_367 = %scan3A_152 to %scan3A_154 step %scan3A_155  : i32 {
      %dma_wait3A_368 = arith.constant 0 : i32
      %dma_wait3A_369 = arith.constant 0 : i32
      %dma_wait3A_370 = arith.constant 0 : i32
      %dma_wait3A_371 = arith.constant 0 : i32
      %dma_wait3A_372 = arith.constant 0 : i32
      %dma_wait3A_373 = tpu.memref_slice %arg9[%dma_wait3A_370, %dma_wait3A_371, %dma_wait3A_372] : memref<32x128x16xf32, #tpu.memory_space<vmem>> -> memref<1x128x16xf32, #tpu.memory_space<vmem>>
      %dma_wait3A_374 = tpu.memref_squeeze %dma_wait3A_373 : memref<1x128x16xf32, #tpu.memory_space<vmem>> -> memref<128x16xf32, #tpu.memory_space<vmem>>
      %dma_wait3A_375 = arith.constant 0 : i32
      %dma_wait3A_376 = arith.constant 0 : i32
      %dma_wait3A_377 = tpu.memref_slice %arg7[%dma_wait3A_368, %dma_wait3A_375, %dma_wait3A_376] : memref<2x74x128xi32, #tpu.memory_space<vmem>> -> memref<1x74x128xi32, #tpu.memory_space<vmem>>
      %dma_wait3A_378 = tpu.memref_squeeze %dma_wait3A_377 : memref<1x74x128xi32, #tpu.memory_space<vmem>> -> memref<74x128xi32, #tpu.memory_space<vmem>>
      %dma_wait3A_379 = arith.constant 0 : i32
      %dma_wait3A_380 = tpu.memref_slice %dma_wait3A_378[%dma_wait3A_369, %dma_wait3A_379] : memref<74x128xi32, #tpu.memory_space<vmem>> -> memref<1x128xi32, #tpu.memory_space<vmem>>
      %dma_wait3A_381 = tpu.memref_squeeze %dma_wait3A_380 : memref<1x128xi32, #tpu.memory_space<vmem>> -> memref<128xi32, #tpu.memory_space<vmem>>
      %dma_wait3A_382 = arith.constant 0 : i32
      %dma_wait3A_383 = arith.constant 0 : i32
      %dma_wait3A_384 = tpu.memref_slice %arg2[%dma_wait3A_382, %dma_wait3A_383] : memref<50176x16xf32, #tpu.memory_space<hbm>> -> memref<50176x16xf32, #tpu.memory_space<hbm>>
      tpu.wait_indirect_dma semaphore(%arg10 : memref<!tpu.dma_semaphore, #tpu.memory_space<semaphore_mem>>) src(%dma_wait3A_384 : memref<50176x16xf32, #tpu.memory_space<hbm>>) dst(%dma_wait3A_374 : memref<128x16xf32, #tpu.memory_space<vmem>>)
    }
    %scan3A_156 = arith.constant 16 : i32
    %parallel_loop3A_157 = arith.constant 0 : i32
    %parallel_loop3A_158 = arith.constant 16 : i32
    %parallel_loop3A_159 = arith.constant 1 : i32
    scf.for %parallel_loop3A_367 = %parallel_loop3A_157 to %parallel_loop3A_158 step %parallel_loop3A_159  : i32 {
      %parallel_loop3A_368 = arith.constant 16 : i32
      %parallel_loop3A_369 = arith.addi %parallel_loop3A_368, %parallel_loop3A_367 : i32
      %parallel_loop3A_370 = arith.constant 16 : i32
      %parallel_loop3A_371 = arith.addi %parallel_loop3A_370, %parallel_loop3A_367 : i32
      %parallel_loop3A_372 = arith.constant 0 : i32
      %parallel_loop3A_373 = arith.constant 0 : i32
      %parallel_loop3A_374 = arith.constant 0 : i32
      %parallel_loop3A_375 = tpu.memref_slice %arg9[%parallel_loop3A_369, %parallel_loop3A_373, %parallel_loop3A_374] : memref<32x128x16xf32, #tpu.memory_space<vmem>> -> memref<1x128x16xf32, #tpu.memory_space<vmem>>
      %parallel_loop3A_376 = tpu.memref_squeeze %parallel_loop3A_375 : memref<1x128x16xf32, #tpu.memory_space<vmem>> -> memref<128x16xf32, #tpu.memory_space<vmem>>
      %parallel_loop3A_377 = arith.constant 0 : i32
      %parallel_loop3A_378 = tpu.memref_slice %arg8[%parallel_loop3A_371, %parallel_loop3A_377] : memref<74x128xi32, #tpu.memory_space<vmem>> -> memref<1x128xi32, #tpu.memory_space<vmem>>
      %parallel_loop3A_379 = tpu.memref_squeeze %parallel_loop3A_378 : memref<1x128xi32, #tpu.memory_space<vmem>> -> memref<128xi32, #tpu.memory_space<vmem>>
      %parallel_loop3A_380 = arith.constant 0 : i32
      %parallel_loop3A_381 = arith.constant 0 : i32
      %parallel_loop3A_382 = tpu.memref_slice %arg6[%parallel_loop3A_372, %parallel_loop3A_380, %parallel_loop3A_381] : memref<2x12544x16xf32, #tpu.memory_space<vmem_shared>> -> memref<1x12544x16xf32, #tpu.memory_space<vmem_shared>>
      %parallel_loop3A_383 = tpu.memref_squeeze %parallel_loop3A_382 : memref<1x12544x16xf32, #tpu.memory_space<vmem_shared>> -> memref<12544x16xf32, #tpu.memory_space<vmem_shared>>
      %parallel_loop3A_384 = arith.constant 0 : i32
      %parallel_loop3A_385 = arith.constant 0 : i32
      %parallel_loop3A_386 = tpu.memref_slice %parallel_loop3A_383[%parallel_loop3A_384, %parallel_loop3A_385] : memref<12544x16xf32, #tpu.memory_space<vmem_shared>> -> memref<12544x16xf32, #tpu.memory_space<vmem_shared>>
      tpu.enqueue_indirect_dma source(%parallel_loop3A_376 : memref<128x16xf32, #tpu.memory_space<vmem>>) target(%parallel_loop3A_386 : memref<12544x16xf32, #tpu.memory_space<vmem_shared>>) offsets(%parallel_loop3A_379 : memref<128xi32, #tpu.memory_space<vmem>>) semaphore(%arg11 : memref<!tpu.dma_semaphore, #tpu.memory_space<semaphore_mem>>) {add = true}
    } {sc.loop_unroll_factor = 4 : i64, sc.parallel_access}
    %scan3A_160 = arith.constant 0 : i32
    %scan3A_161 = arith.constant 0 : i32
    %scan3A_162 = arith.constant 16 : i32
    %scan3A_163 = arith.addi %scan3A_161, %scan3A_162 : i32
    %scan3A_164 = arith.constant 1 : i32
    scf.for %scan3A_367 = %scan3A_161 to %scan3A_163 step %scan3A_164  : i32 {
      %dma_wait3A_368 = arith.constant 0 : i32
      %dma_wait3A_369 = arith.constant 0 : i32
      %dma_wait3A_370 = arith.constant 0 : i32
      %dma_wait3A_371 = arith.constant 0 : i32
      %dma_wait3A_372 = arith.constant 0 : i32
      %dma_wait3A_373 = tpu.memref_slice %arg9[%dma_wait3A_368, %dma_wait3A_371, %dma_wait3A_372] : memref<32x128x16xf32, #tpu.memory_space<vmem>> -> memref<1x128x16xf32, #tpu.memory_space<vmem>>
      %dma_wait3A_374 = tpu.memref_squeeze %dma_wait3A_373 : memref<1x128x16xf32, #tpu.memory_space<vmem>> -> memref<128x16xf32, #tpu.memory_space<vmem>>
      %dma_wait3A_375 = arith.constant 0 : i32
      %dma_wait3A_376 = tpu.memref_slice %arg8[%dma_wait3A_370, %dma_wait3A_375] : memref<74x128xi32, #tpu.memory_space<vmem>> -> memref<1x128xi32, #tpu.memory_space<vmem>>
      %dma_wait3A_377 = tpu.memref_squeeze %dma_wait3A_376 : memref<1x128xi32, #tpu.memory_space<vmem>> -> memref<128xi32, #tpu.memory_space<vmem>>
      %dma_wait3A_378 = arith.constant 0 : i32
      %dma_wait3A_379 = arith.constant 0 : i32
      %dma_wait3A_380 = tpu.memref_slice %arg6[%dma_wait3A_369, %dma_wait3A_378, %dma_wait3A_379] : memref<2x12544x16xf32, #tpu.memory_space<vmem_shared>> -> memref<1x12544x16xf32, #tpu.memory_space<vmem_shared>>
      %dma_wait3A_381 = tpu.memref_squeeze %dma_wait3A_380 : memref<1x12544x16xf32, #tpu.memory_space<vmem_shared>> -> memref<12544x16xf32, #tpu.memory_space<vmem_shared>>
      %dma_wait3A_382 = arith.constant 0 : i32
      %dma_wait3A_383 = arith.constant 0 : i32
      %dma_wait3A_384 = tpu.memref_slice %dma_wait3A_381[%dma_wait3A_382, %dma_wait3A_383] : memref<12544x16xf32, #tpu.memory_space<vmem_shared>> -> memref<12544x16xf32, #tpu.memory_space<vmem_shared>>
      tpu.wait_indirect_dma semaphore(%arg11 : memref<!tpu.dma_semaphore, #tpu.memory_space<semaphore_mem>>) src(%dma_wait3A_374 : memref<128x16xf32, #tpu.memory_space<vmem>>) dst(%dma_wait3A_384 : memref<12544x16xf32, #tpu.memory_space<vmem_shared>>)
    }
    %scan3A_165 = arith.constant 16 : i32
    %parallel_loop3A_166 = arith.constant 0 : i32
    %parallel_loop3A_167 = arith.constant 16 : i32
    %parallel_loop3A_168 = arith.constant 1 : i32
    scf.for %parallel_loop3A_367 = %parallel_loop3A_166 to %parallel_loop3A_167 step %parallel_loop3A_168  : i32 {
      %parallel_loop3A_368 = arith.constant 32 : i32
      %parallel_loop3A_369 = arith.addi %parallel_loop3A_368, %parallel_loop3A_367 : i32
      %parallel_loop3A_370 = arith.constant 0 : i32
      %parallel_loop3A_371 = arith.addi %parallel_loop3A_370, %parallel_loop3A_367 : i32
      %parallel_loop3A_372 = arith.constant 0 : i32
      %parallel_loop3A_373 = arith.constant 0 : i32
      %parallel_loop3A_374 = arith.constant 0 : i32
      %parallel_loop3A_375 = tpu.memref_slice %arg9[%parallel_loop3A_371, %parallel_loop3A_373, %parallel_loop3A_374] : memref<32x128x16xf32, #tpu.memory_space<vmem>> -> memref<1x128x16xf32, #tpu.memory_space<vmem>>
      %parallel_loop3A_376 = tpu.memref_squeeze %parallel_loop3A_375 : memref<1x128x16xf32, #tpu.memory_space<vmem>> -> memref<128x16xf32, #tpu.memory_space<vmem>>
      %parallel_loop3A_377 = arith.constant 0 : i32
      %parallel_loop3A_378 = arith.constant 0 : i32
      %parallel_loop3A_379 = tpu.memref_slice %arg7[%parallel_loop3A_372, %parallel_loop3A_377, %parallel_loop3A_378] : memref<2x74x128xi32, #tpu.memory_space<vmem>> -> memref<1x74x128xi32, #tpu.memory_space<vmem>>
      %parallel_loop3A_380 = tpu.memref_squeeze %parallel_loop3A_379 : memref<1x74x128xi32, #tpu.memory_space<vmem>> -> memref<74x128xi32, #tpu.memory_space<vmem>>
      %parallel_loop3A_381 = arith.constant 0 : i32
      %parallel_loop3A_382 = tpu.memref_slice %parallel_loop3A_380[%parallel_loop3A_369, %parallel_loop3A_381] : memref<74x128xi32, #tpu.memory_space<vmem>> -> memref<1x128xi32, #tpu.memory_space<vmem>>
      %parallel_loop3A_383 = tpu.memref_squeeze %parallel_loop3A_382 : memref<1x128xi32, #tpu.memory_space<vmem>> -> memref<128xi32, #tpu.memory_space<vmem>>
      %parallel_loop3A_384 = arith.constant 0 : i32
      %parallel_loop3A_385 = arith.constant 0 : i32
      %parallel_loop3A_386 = tpu.memref_slice %arg2[%parallel_loop3A_384, %parallel_loop3A_385] : memref<50176x16xf32, #tpu.memory_space<hbm>> -> memref<50176x16xf32, #tpu.memory_space<hbm>>
      tpu.enqueue_indirect_dma source(%parallel_loop3A_386 : memref<50176x16xf32, #tpu.memory_space<hbm>>) target(%parallel_loop3A_376 : memref<128x16xf32, #tpu.memory_space<vmem>>) offsets(%parallel_loop3A_383 : memref<128xi32, #tpu.memory_space<vmem>>) semaphore(%arg10 : memref<!tpu.dma_semaphore, #tpu.memory_space<semaphore_mem>>)
    } {sc.loop_unroll_factor = 4 : i64, sc.parallel_access}
    %scan3A_169 = arith.constant 0 : i32
    %scan3A_170 = arith.constant 0 : i32
    %scan3A_171 = arith.constant 16 : i32
    %scan3A_172 = arith.addi %scan3A_170, %scan3A_171 : i32
    %scan3A_173 = arith.constant 1 : i32
    scf.for %scan3A_367 = %scan3A_170 to %scan3A_172 step %scan3A_173  : i32 {
      %dma_wait3A_368 = arith.constant 0 : i32
      %dma_wait3A_369 = arith.constant 0 : i32
      %dma_wait3A_370 = arith.constant 0 : i32
      %dma_wait3A_371 = arith.constant 0 : i32
      %dma_wait3A_372 = arith.constant 0 : i32
      %dma_wait3A_373 = tpu.memref_slice %arg9[%dma_wait3A_370, %dma_wait3A_371, %dma_wait3A_372] : memref<32x128x16xf32, #tpu.memory_space<vmem>> -> memref<1x128x16xf32, #tpu.memory_space<vmem>>
      %dma_wait3A_374 = tpu.memref_squeeze %dma_wait3A_373 : memref<1x128x16xf32, #tpu.memory_space<vmem>> -> memref<128x16xf32, #tpu.memory_space<vmem>>
      %dma_wait3A_375 = arith.constant 0 : i32
      %dma_wait3A_376 = arith.constant 0 : i32
      %dma_wait3A_377 = tpu.memref_slice %arg7[%dma_wait3A_368, %dma_wait3A_375, %dma_wait3A_376] : memref<2x74x128xi32, #tpu.memory_space<vmem>> -> memref<1x74x128xi32, #tpu.memory_space<vmem>>
      %dma_wait3A_378 = tpu.memref_squeeze %dma_wait3A_377 : memref<1x74x128xi32, #tpu.memory_space<vmem>> -> memref<74x128xi32, #tpu.memory_space<vmem>>
      %dma_wait3A_379 = arith.constant 0 : i32
      %dma_wait3A_380 = tpu.memref_slice %dma_wait3A_378[%dma_wait3A_369, %dma_wait3A_379] : memref<74x128xi32, #tpu.memory_space<vmem>> -> memref<1x128xi32, #tpu.memory_space<vmem>>
      %dma_wait3A_381 = tpu.memref_squeeze %dma_wait3A_380 : memref<1x128xi32, #tpu.memory_space<vmem>> -> memref<128xi32, #tpu.memory_space<vmem>>
      %dma_wait3A_382 = arith.constant 0 : i32
      %dma_wait3A_383 = arith.constant 0 : i32
      %dma_wait3A_384 = tpu.memref_slice %arg2[%dma_wait3A_382, %dma_wait3A_383] : memref<50176x16xf32, #tpu.memory_space<hbm>> -> memref<50176x16xf32, #tpu.memory_space<hbm>>
      tpu.wait_indirect_dma semaphore(%arg10 : memref<!tpu.dma_semaphore, #tpu.memory_space<semaphore_mem>>) src(%dma_wait3A_384 : memref<50176x16xf32, #tpu.memory_space<hbm>>) dst(%dma_wait3A_374 : memref<128x16xf32, #tpu.memory_space<vmem>>)
    }
    %scan3A_174 = arith.constant 16 : i32
    %parallel_loop3A_175 = arith.constant 0 : i32
    %parallel_loop3A_176 = arith.constant 16 : i32
    %parallel_loop3A_177 = arith.constant 1 : i32
    scf.for %parallel_loop3A_367 = %parallel_loop3A_175 to %parallel_loop3A_176 step %parallel_loop3A_177  : i32 {
      %parallel_loop3A_368 = arith.constant 0 : i32
      %parallel_loop3A_369 = arith.addi %parallel_loop3A_368, %parallel_loop3A_367 : i32
      %parallel_loop3A_370 = arith.constant 32 : i32
      %parallel_loop3A_371 = arith.addi %parallel_loop3A_370, %parallel_loop3A_367 : i32
      %parallel_loop3A_372 = arith.constant 0 : i32
      %parallel_loop3A_373 = arith.constant 0 : i32
      %parallel_loop3A_374 = arith.constant 0 : i32
      %parallel_loop3A_375 = tpu.memref_slice %arg9[%parallel_loop3A_369, %parallel_loop3A_373, %parallel_loop3A_374] : memref<32x128x16xf32, #tpu.memory_space<vmem>> -> memref<1x128x16xf32, #tpu.memory_space<vmem>>
      %parallel_loop3A_376 = tpu.memref_squeeze %parallel_loop3A_375 : memref<1x128x16xf32, #tpu.memory_space<vmem>> -> memref<128x16xf32, #tpu.memory_space<vmem>>
      %parallel_loop3A_377 = arith.constant 0 : i32
      %parallel_loop3A_378 = tpu.memref_slice %arg8[%parallel_loop3A_371, %parallel_loop3A_377] : memref<74x128xi32, #tpu.memory_space<vmem>> -> memref<1x128xi32, #tpu.memory_space<vmem>>
      %parallel_loop3A_379 = tpu.memref_squeeze %parallel_loop3A_378 : memref<1x128xi32, #tpu.memory_space<vmem>> -> memref<128xi32, #tpu.memory_space<vmem>>
      %parallel_loop3A_380 = arith.constant 0 : i32
      %parallel_loop3A_381 = arith.constant 0 : i32
      %parallel_loop3A_382 = tpu.memref_slice %arg6[%parallel_loop3A_372, %parallel_loop3A_380, %parallel_loop3A_381] : memref<2x12544x16xf32, #tpu.memory_space<vmem_shared>> -> memref<1x12544x16xf32, #tpu.memory_space<vmem_shared>>
      %parallel_loop3A_383 = tpu.memref_squeeze %parallel_loop3A_382 : memref<1x12544x16xf32, #tpu.memory_space<vmem_shared>> -> memref<12544x16xf32, #tpu.memory_space<vmem_shared>>
      %parallel_loop3A_384 = arith.constant 0 : i32
      %parallel_loop3A_385 = arith.constant 0 : i32
      %parallel_loop3A_386 = tpu.memref_slice %parallel_loop3A_383[%parallel_loop3A_384, %parallel_loop3A_385] : memref<12544x16xf32, #tpu.memory_space<vmem_shared>> -> memref<12544x16xf32, #tpu.memory_space<vmem_shared>>
      tpu.enqueue_indirect_dma source(%parallel_loop3A_376 : memref<128x16xf32, #tpu.memory_space<vmem>>) target(%parallel_loop3A_386 : memref<12544x16xf32, #tpu.memory_space<vmem_shared>>) offsets(%parallel_loop3A_379 : memref<128xi32, #tpu.memory_space<vmem>>) semaphore(%arg11 : memref<!tpu.dma_semaphore, #tpu.memory_space<semaphore_mem>>) {add = true}
    } {sc.loop_unroll_factor = 4 : i64, sc.parallel_access}
    %scan3A_178 = arith.constant 0 : i32
    %scan3A_179 = arith.constant 0 : i32
    %scan3A_180 = arith.constant 16 : i32
    %scan3A_181 = arith.addi %scan3A_179, %scan3A_180 : i32
    %scan3A_182 = arith.constant 1 : i32
    scf.for %scan3A_367 = %scan3A_179 to %scan3A_181 step %scan3A_182  : i32 {
      %dma_wait3A_368 = arith.constant 0 : i32
      %dma_wait3A_369 = arith.constant 0 : i32
      %dma_wait3A_370 = arith.constant 0 : i32
      %dma_wait3A_371 = arith.constant 0 : i32
      %dma_wait3A_372 = arith.constant 0 : i32
      %dma_wait3A_373 = tpu.memref_slice %arg9[%dma_wait3A_368, %dma_wait3A_371, %dma_wait3A_372] : memref<32x128x16xf32, #tpu.memory_space<vmem>> -> memref<1x128x16xf32, #tpu.memory_space<vmem>>
      %dma_wait3A_374 = tpu.memref_squeeze %dma_wait3A_373 : memref<1x128x16xf32, #tpu.memory_space<vmem>> -> memref<128x16xf32, #tpu.memory_space<vmem>>
      %dma_wait3A_375 = arith.constant 0 : i32
      %dma_wait3A_376 = tpu.memref_slice %arg8[%dma_wait3A_370, %dma_wait3A_375] : memref<74x128xi32, #tpu.memory_space<vmem>> -> memref<1x128xi32, #tpu.memory_space<vmem>>
      %dma_wait3A_377 = tpu.memref_squeeze %dma_wait3A_376 : memref<1x128xi32, #tpu.memory_space<vmem>> -> memref<128xi32, #tpu.memory_space<vmem>>
      %dma_wait3A_378 = arith.constant 0 : i32
      %dma_wait3A_379 = arith.constant 0 : i32
      %dma_wait3A_380 = tpu.memref_slice %arg6[%dma_wait3A_369, %dma_wait3A_378, %dma_wait3A_379] : memref<2x12544x16xf32, #tpu.memory_space<vmem_shared>> -> memref<1x12544x16xf32, #tpu.memory_space<vmem_shared>>
      %dma_wait3A_381 = tpu.memref_squeeze %dma_wait3A_380 : memref<1x12544x16xf32, #tpu.memory_space<vmem_shared>> -> memref<12544x16xf32, #tpu.memory_space<vmem_shared>>
      %dma_wait3A_382 = arith.constant 0 : i32
      %dma_wait3A_383 = arith.constant 0 : i32
      %dma_wait3A_384 = tpu.memref_slice %dma_wait3A_381[%dma_wait3A_382, %dma_wait3A_383] : memref<12544x16xf32, #tpu.memory_space<vmem_shared>> -> memref<12544x16xf32, #tpu.memory_space<vmem_shared>>
      tpu.wait_indirect_dma semaphore(%arg11 : memref<!tpu.dma_semaphore, #tpu.memory_space<semaphore_mem>>) src(%dma_wait3A_374 : memref<128x16xf32, #tpu.memory_space<vmem>>) dst(%dma_wait3A_384 : memref<12544x16xf32, #tpu.memory_space<vmem_shared>>)
    }
    %scan3A_183 = arith.constant 16 : i32
    %parallel_loop3A_184 = arith.constant 0 : i32
    %parallel_loop3A_185 = arith.constant 16 : i32
    %parallel_loop3A_186 = arith.constant 1 : i32
    scf.for %parallel_loop3A_367 = %parallel_loop3A_184 to %parallel_loop3A_185 step %parallel_loop3A_186  : i32 {
      %parallel_loop3A_368 = arith.constant 48 : i32
      %parallel_loop3A_369 = arith.addi %parallel_loop3A_368, %parallel_loop3A_367 : i32
      %parallel_loop3A_370 = arith.constant 16 : i32
      %parallel_loop3A_371 = arith.addi %parallel_loop3A_370, %parallel_loop3A_367 : i32
      %parallel_loop3A_372 = arith.constant 0 : i32
      %parallel_loop3A_373 = arith.constant 0 : i32
      %parallel_loop3A_374 = arith.constant 0 : i32
      %parallel_loop3A_375 = tpu.memref_slice %arg9[%parallel_loop3A_371, %parallel_loop3A_373, %parallel_loop3A_374] : memref<32x128x16xf32, #tpu.memory_space<vmem>> -> memref<1x128x16xf32, #tpu.memory_space<vmem>>
      %parallel_loop3A_376 = tpu.memref_squeeze %parallel_loop3A_375 : memref<1x128x16xf32, #tpu.memory_space<vmem>> -> memref<128x16xf32, #tpu.memory_space<vmem>>
      %parallel_loop3A_377 = arith.constant 0 : i32
      %parallel_loop3A_378 = arith.constant 0 : i32
      %parallel_loop3A_379 = tpu.memref_slice %arg7[%parallel_loop3A_372, %parallel_loop3A_377, %parallel_loop3A_378] : memref<2x74x128xi32, #tpu.memory_space<vmem>> -> memref<1x74x128xi32, #tpu.memory_space<vmem>>
      %parallel_loop3A_380 = tpu.memref_squeeze %parallel_loop3A_379 : memref<1x74x128xi32, #tpu.memory_space<vmem>> -> memref<74x128xi32, #tpu.memory_space<vmem>>
      %parallel_loop3A_381 = arith.constant 0 : i32
      %parallel_loop3A_382 = tpu.memref_slice %parallel_loop3A_380[%parallel_loop3A_369, %parallel_loop3A_381] : memref<74x128xi32, #tpu.memory_space<vmem>> -> memref<1x128xi32, #tpu.memory_space<vmem>>
      %parallel_loop3A_383 = tpu.memref_squeeze %parallel_loop3A_382 : memref<1x128xi32, #tpu.memory_space<vmem>> -> memref<128xi32, #tpu.memory_space<vmem>>
      %parallel_loop3A_384 = arith.constant 0 : i32
      %parallel_loop3A_385 = arith.constant 0 : i32
      %parallel_loop3A_386 = tpu.memref_slice %arg2[%parallel_loop3A_384, %parallel_loop3A_385] : memref<50176x16xf32, #tpu.memory_space<hbm>> -> memref<50176x16xf32, #tpu.memory_space<hbm>>
      tpu.enqueue_indirect_dma source(%parallel_loop3A_386 : memref<50176x16xf32, #tpu.memory_space<hbm>>) target(%parallel_loop3A_376 : memref<128x16xf32, #tpu.memory_space<vmem>>) offsets(%parallel_loop3A_383 : memref<128xi32, #tpu.memory_space<vmem>>) semaphore(%arg10 : memref<!tpu.dma_semaphore, #tpu.memory_space<semaphore_mem>>)
    } {sc.loop_unroll_factor = 4 : i64, sc.parallel_access}
    %scan3A_187 = arith.constant 0 : i32
    %scan3A_188 = arith.constant 0 : i32
    %scan3A_189 = arith.constant 16 : i32
    %scan3A_190 = arith.addi %scan3A_188, %scan3A_189 : i32
    %scan3A_191 = arith.constant 1 : i32
    scf.for %scan3A_367 = %scan3A_188 to %scan3A_190 step %scan3A_191  : i32 {
      %dma_wait3A_368 = arith.constant 0 : i32
      %dma_wait3A_369 = arith.constant 0 : i32
      %dma_wait3A_370 = arith.constant 0 : i32
      %dma_wait3A_371 = arith.constant 0 : i32
      %dma_wait3A_372 = arith.constant 0 : i32
      %dma_wait3A_373 = tpu.memref_slice %arg9[%dma_wait3A_370, %dma_wait3A_371, %dma_wait3A_372] : memref<32x128x16xf32, #tpu.memory_space<vmem>> -> memref<1x128x16xf32, #tpu.memory_space<vmem>>
      %dma_wait3A_374 = tpu.memref_squeeze %dma_wait3A_373 : memref<1x128x16xf32, #tpu.memory_space<vmem>> -> memref<128x16xf32, #tpu.memory_space<vmem>>
      %dma_wait3A_375 = arith.constant 0 : i32
      %dma_wait3A_376 = arith.constant 0 : i32
      %dma_wait3A_377 = tpu.memref_slice %arg7[%dma_wait3A_368, %dma_wait3A_375, %dma_wait3A_376] : memref<2x74x128xi32, #tpu.memory_space<vmem>> -> memref<1x74x128xi32, #tpu.memory_space<vmem>>
      %dma_wait3A_378 = tpu.memref_squeeze %dma_wait3A_377 : memref<1x74x128xi32, #tpu.memory_space<vmem>> -> memref<74x128xi32, #tpu.memory_space<vmem>>
      %dma_wait3A_379 = arith.constant 0 : i32
      %dma_wait3A_380 = tpu.memref_slice %dma_wait3A_378[%dma_wait3A_369, %dma_wait3A_379] : memref<74x128xi32, #tpu.memory_space<vmem>> -> memref<1x128xi32, #tpu.memory_space<vmem>>
      %dma_wait3A_381 = tpu.memref_squeeze %dma_wait3A_380 : memref<1x128xi32, #tpu.memory_space<vmem>> -> memref<128xi32, #tpu.memory_space<vmem>>
      %dma_wait3A_382 = arith.constant 0 : i32
      %dma_wait3A_383 = arith.constant 0 : i32
      %dma_wait3A_384 = tpu.memref_slice %arg2[%dma_wait3A_382, %dma_wait3A_383] : memref<50176x16xf32, #tpu.memory_space<hbm>> -> memref<50176x16xf32, #tpu.memory_space<hbm>>
      tpu.wait_indirect_dma semaphore(%arg10 : memref<!tpu.dma_semaphore, #tpu.memory_space<semaphore_mem>>) src(%dma_wait3A_384 : memref<50176x16xf32, #tpu.memory_space<hbm>>) dst(%dma_wait3A_374 : memref<128x16xf32, #tpu.memory_space<vmem>>)
    }
    %scan3A_192 = arith.constant 16 : i32
    %parallel_loop3A_193 = arith.constant 0 : i32
    %parallel_loop3A_194 = arith.constant 16 : i32
    %parallel_loop3A_195 = arith.constant 1 : i32
    scf.for %parallel_loop3A_367 = %parallel_loop3A_193 to %parallel_loop3A_194 step %parallel_loop3A_195  : i32 {
      %parallel_loop3A_368 = arith.constant 16 : i32
      %parallel_loop3A_369 = arith.addi %parallel_loop3A_368, %parallel_loop3A_367 : i32
      %parallel_loop3A_370 = arith.constant 48 : i32
      %parallel_loop3A_371 = arith.addi %parallel_loop3A_370, %parallel_loop3A_367 : i32
      %parallel_loop3A_372 = arith.constant 0 : i32
      %parallel_loop3A_373 = arith.constant 0 : i32
      %parallel_loop3A_374 = arith.constant 0 : i32
      %parallel_loop3A_375 = tpu.memref_slice %arg9[%parallel_loop3A_369, %parallel_loop3A_373, %parallel_loop3A_374] : memref<32x128x16xf32, #tpu.memory_space<vmem>> -> memref<1x128x16xf32, #tpu.memory_space<vmem>>
      %parallel_loop3A_376 = tpu.memref_squeeze %parallel_loop3A_375 : memref<1x128x16xf32, #tpu.memory_space<vmem>> -> memref<128x16xf32, #tpu.memory_space<vmem>>
      %parallel_loop3A_377 = arith.constant 0 : i32
      %parallel_loop3A_378 = tpu.memref_slice %arg8[%parallel_loop3A_371, %parallel_loop3A_377] : memref<74x128xi32, #tpu.memory_space<vmem>> -> memref<1x128xi32, #tpu.memory_space<vmem>>
      %parallel_loop3A_379 = tpu.memref_squeeze %parallel_loop3A_378 : memref<1x128xi32, #tpu.memory_space<vmem>> -> memref<128xi32, #tpu.memory_space<vmem>>
      %parallel_loop3A_380 = arith.constant 0 : i32
      %parallel_loop3A_381 = arith.constant 0 : i32
      %parallel_loop3A_382 = tpu.memref_slice %arg6[%parallel_loop3A_372, %parallel_loop3A_380, %parallel_loop3A_381] : memref<2x12544x16xf32, #tpu.memory_space<vmem_shared>> -> memref<1x12544x16xf32, #tpu.memory_space<vmem_shared>>
      %parallel_loop3A_383 = tpu.memref_squeeze %parallel_loop3A_382 : memref<1x12544x16xf32, #tpu.memory_space<vmem_shared>> -> memref<12544x16xf32, #tpu.memory_space<vmem_shared>>
      %parallel_loop3A_384 = arith.constant 0 : i32
      %parallel_loop3A_385 = arith.constant 0 : i32
      %parallel_loop3A_386 = tpu.memref_slice %parallel_loop3A_383[%parallel_loop3A_384, %parallel_loop3A_385] : memref<12544x16xf32, #tpu.memory_space<vmem_shared>> -> memref<12544x16xf32, #tpu.memory_space<vmem_shared>>
      tpu.enqueue_indirect_dma source(%parallel_loop3A_376 : memref<128x16xf32, #tpu.memory_space<vmem>>) target(%parallel_loop3A_386 : memref<12544x16xf32, #tpu.memory_space<vmem_shared>>) offsets(%parallel_loop3A_379 : memref<128xi32, #tpu.memory_space<vmem>>) semaphore(%arg11 : memref<!tpu.dma_semaphore, #tpu.memory_space<semaphore_mem>>) {add = true}
    } {sc.loop_unroll_factor = 4 : i64, sc.parallel_access}
    %scan3A_196 = arith.constant 0 : i32
    %scan3A_197 = arith.constant 0 : i32
    %scan3A_198 = arith.constant 16 : i32
    %scan3A_199 = arith.addi %scan3A_197, %scan3A_198 : i32
    %scan3A_200 = arith.constant 1 : i32
    scf.for %scan3A_367 = %scan3A_197 to %scan3A_199 step %scan3A_200  : i32 {
      %dma_wait3A_368 = arith.constant 0 : i32
      %dma_wait3A_369 = arith.constant 0 : i32
      %dma_wait3A_370 = arith.constant 0 : i32
      %dma_wait3A_371 = arith.constant 0 : i32
      %dma_wait3A_372 = arith.constant 0 : i32
      %dma_wait3A_373 = tpu.memref_slice %arg9[%dma_wait3A_368, %dma_wait3A_371, %dma_wait3A_372] : memref<32x128x16xf32, #tpu.memory_space<vmem>> -> memref<1x128x16xf32, #tpu.memory_space<vmem>>
      %dma_wait3A_374 = tpu.memref_squeeze %dma_wait3A_373 : memref<1x128x16xf32, #tpu.memory_space<vmem>> -> memref<128x16xf32, #tpu.memory_space<vmem>>
      %dma_wait3A_375 = arith.constant 0 : i32
      %dma_wait3A_376 = tpu.memref_slice %arg8[%dma_wait3A_370, %dma_wait3A_375] : memref<74x128xi32, #tpu.memory_space<vmem>> -> memref<1x128xi32, #tpu.memory_space<vmem>>
      %dma_wait3A_377 = tpu.memref_squeeze %dma_wait3A_376 : memref<1x128xi32, #tpu.memory_space<vmem>> -> memref<128xi32, #tpu.memory_space<vmem>>
      %dma_wait3A_378 = arith.constant 0 : i32
      %dma_wait3A_379 = arith.constant 0 : i32
      %dma_wait3A_380 = tpu.memref_slice %arg6[%dma_wait3A_369, %dma_wait3A_378, %dma_wait3A_379] : memref<2x12544x16xf32, #tpu.memory_space<vmem_shared>> -> memref<1x12544x16xf32, #tpu.memory_space<vmem_shared>>
      %dma_wait3A_381 = tpu.memref_squeeze %dma_wait3A_380 : memref<1x12544x16xf32, #tpu.memory_space<vmem_shared>> -> memref<12544x16xf32, #tpu.memory_space<vmem_shared>>
      %dma_wait3A_382 = arith.constant 0 : i32
      %dma_wait3A_383 = arith.constant 0 : i32
      %dma_wait3A_384 = tpu.memref_slice %dma_wait3A_381[%dma_wait3A_382, %dma_wait3A_383] : memref<12544x16xf32, #tpu.memory_space<vmem_shared>> -> memref<12544x16xf32, #tpu.memory_space<vmem_shared>>
      tpu.wait_indirect_dma semaphore(%arg11 : memref<!tpu.dma_semaphore, #tpu.memory_space<semaphore_mem>>) src(%dma_wait3A_374 : memref<128x16xf32, #tpu.memory_space<vmem>>) dst(%dma_wait3A_384 : memref<12544x16xf32, #tpu.memory_space<vmem_shared>>)
    }
    %scan3A_201 = arith.constant 16 : i32
    %parallel_loop3A_202 = arith.constant 0 : i32
    %parallel_loop3A_203 = arith.constant 10 : i32
    %parallel_loop3A_204 = arith.constant 1 : i32
    scf.for %parallel_loop3A_367 = %parallel_loop3A_202 to %parallel_loop3A_203 step %parallel_loop3A_204  : i32 {
      %parallel_loop3A_368 = arith.constant 64 : i32
      %parallel_loop3A_369 = arith.addi %parallel_loop3A_368, %parallel_loop3A_367 : i32
      %parallel_loop3A_370 = arith.constant 0 : i32
      %parallel_loop3A_371 = arith.addi %parallel_loop3A_370, %parallel_loop3A_367 : i32
      %parallel_loop3A_372 = arith.constant 0 : i32
      %parallel_loop3A_373 = arith.constant 0 : i32
      %parallel_loop3A_374 = arith.constant 0 : i32
      %parallel_loop3A_375 = tpu.memref_slice %arg9[%parallel_loop3A_371, %parallel_loop3A_373, %parallel_loop3A_374] : memref<32x128x16xf32, #tpu.memory_space<vmem>> -> memref<1x128x16xf32, #tpu.memory_space<vmem>>
      %parallel_loop3A_376 = tpu.memref_squeeze %parallel_loop3A_375 : memref<1x128x16xf32, #tpu.memory_space<vmem>> -> memref<128x16xf32, #tpu.memory_space<vmem>>
      %parallel_loop3A_377 = arith.constant 0 : i32
      %parallel_loop3A_378 = arith.constant 0 : i32
      %parallel_loop3A_379 = tpu.memref_slice %arg7[%parallel_loop3A_372, %parallel_loop3A_377, %parallel_loop3A_378] : memref<2x74x128xi32, #tpu.memory_space<vmem>> -> memref<1x74x128xi32, #tpu.memory_space<vmem>>
      %parallel_loop3A_380 = tpu.memref_squeeze %parallel_loop3A_379 : memref<1x74x128xi32, #tpu.memory_space<vmem>> -> memref<74x128xi32, #tpu.memory_space<vmem>>
      %parallel_loop3A_381 = arith.constant 0 : i32
      %parallel_loop3A_382 = tpu.memref_slice %parallel_loop3A_380[%parallel_loop3A_369, %parallel_loop3A_381] : memref<74x128xi32, #tpu.memory_space<vmem>> -> memref<1x128xi32, #tpu.memory_space<vmem>>
      %parallel_loop3A_383 = tpu.memref_squeeze %parallel_loop3A_382 : memref<1x128xi32, #tpu.memory_space<vmem>> -> memref<128xi32, #tpu.memory_space<vmem>>
      %parallel_loop3A_384 = arith.constant 0 : i32
      %parallel_loop3A_385 = arith.constant 0 : i32
      %parallel_loop3A_386 = tpu.memref_slice %arg2[%parallel_loop3A_384, %parallel_loop3A_385] : memref<50176x16xf32, #tpu.memory_space<hbm>> -> memref<50176x16xf32, #tpu.memory_space<hbm>>
      tpu.enqueue_indirect_dma source(%parallel_loop3A_386 : memref<50176x16xf32, #tpu.memory_space<hbm>>) target(%parallel_loop3A_376 : memref<128x16xf32, #tpu.memory_space<vmem>>) offsets(%parallel_loop3A_383 : memref<128xi32, #tpu.memory_space<vmem>>) semaphore(%arg10 : memref<!tpu.dma_semaphore, #tpu.memory_space<semaphore_mem>>)
    } {sc.loop_unroll_factor = 4 : i64, sc.parallel_access}
    %scan3A_205 = arith.constant 0 : i32
    %scan3A_206 = arith.constant 0 : i32
    %scan3A_207 = arith.constant 10 : i32
    %scan3A_208 = arith.addi %scan3A_206, %scan3A_207 : i32
    %scan3A_209 = arith.constant 1 : i32
    scf.for %scan3A_367 = %scan3A_206 to %scan3A_208 step %scan3A_209  : i32 {
      %dma_wait3A_368 = arith.constant 0 : i32
      %dma_wait3A_369 = arith.constant 0 : i32
      %dma_wait3A_370 = arith.constant 0 : i32
      %dma_wait3A_371 = arith.constant 0 : i32
      %dma_wait3A_372 = arith.constant 0 : i32
      %dma_wait3A_373 = tpu.memref_slice %arg9[%dma_wait3A_370, %dma_wait3A_371, %dma_wait3A_372] : memref<32x128x16xf32, #tpu.memory_space<vmem>> -> memref<1x128x16xf32, #tpu.memory_space<vmem>>
      %dma_wait3A_374 = tpu.memref_squeeze %dma_wait3A_373 : memref<1x128x16xf32, #tpu.memory_space<vmem>> -> memref<128x16xf32, #tpu.memory_space<vmem>>
      %dma_wait3A_375 = arith.constant 0 : i32
      %dma_wait3A_376 = arith.constant 0 : i32
      %dma_wait3A_377 = tpu.memref_slice %arg7[%dma_wait3A_368, %dma_wait3A_375, %dma_wait3A_376] : memref<2x74x128xi32, #tpu.memory_space<vmem>> -> memref<1x74x128xi32, #tpu.memory_space<vmem>>
      %dma_wait3A_378 = tpu.memref_squeeze %dma_wait3A_377 : memref<1x74x128xi32, #tpu.memory_space<vmem>> -> memref<74x128xi32, #tpu.memory_space<vmem>>
      %dma_wait3A_379 = arith.constant 0 : i32
      %dma_wait3A_380 = tpu.memref_slice %dma_wait3A_378[%dma_wait3A_369, %dma_wait3A_379] : memref<74x128xi32, #tpu.memory_space<vmem>> -> memref<1x128xi32, #tpu.memory_space<vmem>>
      %dma_wait3A_381 = tpu.memref_squeeze %dma_wait3A_380 : memref<1x128xi32, #tpu.memory_space<vmem>> -> memref<128xi32, #tpu.memory_space<vmem>>
      %dma_wait3A_382 = arith.constant 0 : i32
      %dma_wait3A_383 = arith.constant 0 : i32
      %dma_wait3A_384 = tpu.memref_slice %arg2[%dma_wait3A_382, %dma_wait3A_383] : memref<50176x16xf32, #tpu.memory_space<hbm>> -> memref<50176x16xf32, #tpu.memory_space<hbm>>
      tpu.wait_indirect_dma semaphore(%arg10 : memref<!tpu.dma_semaphore, #tpu.memory_space<semaphore_mem>>) src(%dma_wait3A_384 : memref<50176x16xf32, #tpu.memory_space<hbm>>) dst(%dma_wait3A_374 : memref<128x16xf32, #tpu.memory_space<vmem>>)
    }
    %scan3A_210 = arith.constant 10 : i32
    %parallel_loop3A_211 = arith.constant 0 : i32
    %parallel_loop3A_212 = arith.constant 10 : i32
    %parallel_loop3A_213 = arith.constant 1 : i32
    scf.for %parallel_loop3A_367 = %parallel_loop3A_211 to %parallel_loop3A_212 step %parallel_loop3A_213  : i32 {
      %parallel_loop3A_368 = arith.constant 0 : i32
      %parallel_loop3A_369 = arith.addi %parallel_loop3A_368, %parallel_loop3A_367 : i32
      %parallel_loop3A_370 = arith.constant 64 : i32
      %parallel_loop3A_371 = arith.addi %parallel_loop3A_370, %parallel_loop3A_367 : i32
      %parallel_loop3A_372 = arith.constant 0 : i32
      %parallel_loop3A_373 = arith.constant 0 : i32
      %parallel_loop3A_374 = arith.constant 0 : i32
      %parallel_loop3A_375 = tpu.memref_slice %arg9[%parallel_loop3A_369, %parallel_loop3A_373, %parallel_loop3A_374] : memref<32x128x16xf32, #tpu.memory_space<vmem>> -> memref<1x128x16xf32, #tpu.memory_space<vmem>>
      %parallel_loop3A_376 = tpu.memref_squeeze %parallel_loop3A_375 : memref<1x128x16xf32, #tpu.memory_space<vmem>> -> memref<128x16xf32, #tpu.memory_space<vmem>>
      %parallel_loop3A_377 = arith.constant 0 : i32
      %parallel_loop3A_378 = tpu.memref_slice %arg8[%parallel_loop3A_371, %parallel_loop3A_377] : memref<74x128xi32, #tpu.memory_space<vmem>> -> memref<1x128xi32, #tpu.memory_space<vmem>>
      %parallel_loop3A_379 = tpu.memref_squeeze %parallel_loop3A_378 : memref<1x128xi32, #tpu.memory_space<vmem>> -> memref<128xi32, #tpu.memory_space<vmem>>
      %parallel_loop3A_380 = arith.constant 0 : i32
      %parallel_loop3A_381 = arith.constant 0 : i32
      %parallel_loop3A_382 = tpu.memref_slice %arg6[%parallel_loop3A_372, %parallel_loop3A_380, %parallel_loop3A_381] : memref<2x12544x16xf32, #tpu.memory_space<vmem_shared>> -> memref<1x12544x16xf32, #tpu.memory_space<vmem_shared>>
      %parallel_loop3A_383 = tpu.memref_squeeze %parallel_loop3A_382 : memref<1x12544x16xf32, #tpu.memory_space<vmem_shared>> -> memref<12544x16xf32, #tpu.memory_space<vmem_shared>>
      %parallel_loop3A_384 = arith.constant 0 : i32
      %parallel_loop3A_385 = arith.constant 0 : i32
      %parallel_loop3A_386 = tpu.memref_slice %parallel_loop3A_383[%parallel_loop3A_384, %parallel_loop3A_385] : memref<12544x16xf32, #tpu.memory_space<vmem_shared>> -> memref<12544x16xf32, #tpu.memory_space<vmem_shared>>
      tpu.enqueue_indirect_dma source(%parallel_loop3A_376 : memref<128x16xf32, #tpu.memory_space<vmem>>) target(%parallel_loop3A_386 : memref<12544x16xf32, #tpu.memory_space<vmem_shared>>) offsets(%parallel_loop3A_379 : memref<128xi32, #tpu.memory_space<vmem>>) semaphore(%arg11 : memref<!tpu.dma_semaphore, #tpu.memory_space<semaphore_mem>>) {add = true}
    } {sc.loop_unroll_factor = 4 : i64, sc.parallel_access}
    %scan3A_214 = arith.constant 0 : i32
    %scan3A_215 = arith.constant 0 : i32
    %scan3A_216 = arith.constant 16 : i32
    %scan3A_217 = arith.addi %scan3A_215, %scan3A_216 : i32
    %scan3A_218 = arith.constant 1 : i32
    scf.for %scan3A_367 = %scan3A_215 to %scan3A_217 step %scan3A_218  : i32 {
      %dma_wait3A_368 = arith.constant 0 : i32
      %dma_wait3A_369 = arith.constant 0 : i32
      %dma_wait3A_370 = arith.constant 0 : i32
      %dma_wait3A_371 = arith.constant 0 : i32
      %dma_wait3A_372 = arith.constant 0 : i32
      %dma_wait3A_373 = tpu.memref_slice %arg9[%dma_wait3A_368, %dma_wait3A_371, %dma_wait3A_372] : memref<32x128x16xf32, #tpu.memory_space<vmem>> -> memref<1x128x16xf32, #tpu.memory_space<vmem>>
      %dma_wait3A_374 = tpu.memref_squeeze %dma_wait3A_373 : memref<1x128x16xf32, #tpu.memory_space<vmem>> -> memref<128x16xf32, #tpu.memory_space<vmem>>
      %dma_wait3A_375 = arith.constant 0 : i32
      %dma_wait3A_376 = tpu.memref_slice %arg8[%dma_wait3A_370, %dma_wait3A_375] : memref<74x128xi32, #tpu.memory_space<vmem>> -> memref<1x128xi32, #tpu.memory_space<vmem>>
      %dma_wait3A_377 = tpu.memref_squeeze %dma_wait3A_376 : memref<1x128xi32, #tpu.memory_space<vmem>> -> memref<128xi32, #tpu.memory_space<vmem>>
      %dma_wait3A_378 = arith.constant 0 : i32
      %dma_wait3A_379 = arith.constant 0 : i32
      %dma_wait3A_380 = tpu.memref_slice %arg6[%dma_wait3A_369, %dma_wait3A_378, %dma_wait3A_379] : memref<2x12544x16xf32, #tpu.memory_space<vmem_shared>> -> memref<1x12544x16xf32, #tpu.memory_space<vmem_shared>>
      %dma_wait3A_381 = tpu.memref_squeeze %dma_wait3A_380 : memref<1x12544x16xf32, #tpu.memory_space<vmem_shared>> -> memref<12544x16xf32, #tpu.memory_space<vmem_shared>>
      %dma_wait3A_382 = arith.constant 0 : i32
      %dma_wait3A_383 = arith.constant 0 : i32
      %dma_wait3A_384 = tpu.memref_slice %dma_wait3A_381[%dma_wait3A_382, %dma_wait3A_383] : memref<12544x16xf32, #tpu.memory_space<vmem_shared>> -> memref<12544x16xf32, #tpu.memory_space<vmem_shared>>
      tpu.wait_indirect_dma semaphore(%arg11 : memref<!tpu.dma_semaphore, #tpu.memory_space<semaphore_mem>>) src(%dma_wait3A_374 : memref<128x16xf32, #tpu.memory_space<vmem>>) dst(%dma_wait3A_384 : memref<12544x16xf32, #tpu.memory_space<vmem_shared>>)
    }
    %scan3A_219 = arith.constant 16 : i32
    %parallel_loop3A_220 = arith.constant 0 : i32
    %parallel_loop3A_221 = arith.constant 16 : i32
    %parallel_loop3A_222 = arith.constant 1 : i32
    scf.for %parallel_loop3A_367 = %parallel_loop3A_220 to %parallel_loop3A_221 step %parallel_loop3A_222  : i32 {
      %parallel_loop3A_368 = arith.constant 0 : i32
      %parallel_loop3A_369 = arith.addi %parallel_loop3A_368, %parallel_loop3A_367 : i32
      %parallel_loop3A_370 = arith.constant 16 : i32
      %parallel_loop3A_371 = arith.addi %parallel_loop3A_370, %parallel_loop3A_367 : i32
      %parallel_loop3A_372 = arith.constant 1 : i32
      %parallel_loop3A_373 = arith.constant 0 : i32
      %parallel_loop3A_374 = arith.constant 0 : i32
      %parallel_loop3A_375 = tpu.memref_slice %arg9[%parallel_loop3A_371, %parallel_loop3A_373, %parallel_loop3A_374] : memref<32x128x16xf32, #tpu.memory_space<vmem>> -> memref<1x128x16xf32, #tpu.memory_space<vmem>>
      %parallel_loop3A_376 = tpu.memref_squeeze %parallel_loop3A_375 : memref<1x128x16xf32, #tpu.memory_space<vmem>> -> memref<128x16xf32, #tpu.memory_space<vmem>>
      %parallel_loop3A_377 = arith.constant 0 : i32
      %parallel_loop3A_378 = arith.constant 0 : i32
      %parallel_loop3A_379 = tpu.memref_slice %arg7[%parallel_loop3A_372, %parallel_loop3A_377, %parallel_loop3A_378] : memref<2x74x128xi32, #tpu.memory_space<vmem>> -> memref<1x74x128xi32, #tpu.memory_space<vmem>>
      %parallel_loop3A_380 = tpu.memref_squeeze %parallel_loop3A_379 : memref<1x74x128xi32, #tpu.memory_space<vmem>> -> memref<74x128xi32, #tpu.memory_space<vmem>>
      %parallel_loop3A_381 = arith.constant 0 : i32
      %parallel_loop3A_382 = tpu.memref_slice %parallel_loop3A_380[%parallel_loop3A_369, %parallel_loop3A_381] : memref<74x128xi32, #tpu.memory_space<vmem>> -> memref<1x128xi32, #tpu.memory_space<vmem>>
      %parallel_loop3A_383 = tpu.memref_squeeze %parallel_loop3A_382 : memref<1x128xi32, #tpu.memory_space<vmem>> -> memref<128xi32, #tpu.memory_space<vmem>>
      %parallel_loop3A_384 = arith.constant 0 : i32
      %parallel_loop3A_385 = arith.constant 0 : i32
      %parallel_loop3A_386 = tpu.memref_slice %arg2[%parallel_loop3A_384, %parallel_loop3A_385] : memref<50176x16xf32, #tpu.memory_space<hbm>> -> memref<50176x16xf32, #tpu.memory_space<hbm>>
      tpu.enqueue_indirect_dma source(%parallel_loop3A_386 : memref<50176x16xf32, #tpu.memory_space<hbm>>) target(%parallel_loop3A_376 : memref<128x16xf32, #tpu.memory_space<vmem>>) offsets(%parallel_loop3A_383 : memref<128xi32, #tpu.memory_space<vmem>>) semaphore(%arg10 : memref<!tpu.dma_semaphore, #tpu.memory_space<semaphore_mem>>)
    } {sc.loop_unroll_factor = 4 : i64, sc.parallel_access}
    %scan3A_223 = arith.constant 0 : i32
    %scan3A_224 = arith.constant 0 : i32
    %scan3A_225 = arith.constant 16 : i32
    %scan3A_226 = arith.addi %scan3A_224, %scan3A_225 : i32
    %scan3A_227 = arith.constant 1 : i32
    scf.for %scan3A_367 = %scan3A_224 to %scan3A_226 step %scan3A_227  : i32 {
      %dma_wait3A_368 = arith.constant 0 : i32
      %dma_wait3A_369 = arith.constant 0 : i32
      %dma_wait3A_370 = arith.constant 0 : i32
      %dma_wait3A_371 = arith.constant 0 : i32
      %dma_wait3A_372 = arith.constant 0 : i32
      %dma_wait3A_373 = tpu.memref_slice %arg9[%dma_wait3A_370, %dma_wait3A_371, %dma_wait3A_372] : memref<32x128x16xf32, #tpu.memory_space<vmem>> -> memref<1x128x16xf32, #tpu.memory_space<vmem>>
      %dma_wait3A_374 = tpu.memref_squeeze %dma_wait3A_373 : memref<1x128x16xf32, #tpu.memory_space<vmem>> -> memref<128x16xf32, #tpu.memory_space<vmem>>
      %dma_wait3A_375 = arith.constant 0 : i32
      %dma_wait3A_376 = arith.constant 0 : i32
      %dma_wait3A_377 = tpu.memref_slice %arg7[%dma_wait3A_368, %dma_wait3A_375, %dma_wait3A_376] : memref<2x74x128xi32, #tpu.memory_space<vmem>> -> memref<1x74x128xi32, #tpu.memory_space<vmem>>
      %dma_wait3A_378 = tpu.memref_squeeze %dma_wait3A_377 : memref<1x74x128xi32, #tpu.memory_space<vmem>> -> memref<74x128xi32, #tpu.memory_space<vmem>>
      %dma_wait3A_379 = arith.constant 0 : i32
      %dma_wait3A_380 = tpu.memref_slice %dma_wait3A_378[%dma_wait3A_369, %dma_wait3A_379] : memref<74x128xi32, #tpu.memory_space<vmem>> -> memref<1x128xi32, #tpu.memory_space<vmem>>
      %dma_wait3A_381 = tpu.memref_squeeze %dma_wait3A_380 : memref<1x128xi32, #tpu.memory_space<vmem>> -> memref<128xi32, #tpu.memory_space<vmem>>
      %dma_wait3A_382 = arith.constant 0 : i32
      %dma_wait3A_383 = arith.constant 0 : i32
      %dma_wait3A_384 = tpu.memref_slice %arg2[%dma_wait3A_382, %dma_wait3A_383] : memref<50176x16xf32, #tpu.memory_space<hbm>> -> memref<50176x16xf32, #tpu.memory_space<hbm>>
      tpu.wait_indirect_dma semaphore(%arg10 : memref<!tpu.dma_semaphore, #tpu.memory_space<semaphore_mem>>) src(%dma_wait3A_384 : memref<50176x16xf32, #tpu.memory_space<hbm>>) dst(%dma_wait3A_374 : memref<128x16xf32, #tpu.memory_space<vmem>>)
    }
    %scan3A_228 = arith.constant 16 : i32
    %parallel_loop3A_229 = arith.constant 0 : i32
    %parallel_loop3A_230 = arith.constant 16 : i32
    %parallel_loop3A_231 = arith.constant 1 : i32
    scf.for %parallel_loop3A_367 = %parallel_loop3A_229 to %parallel_loop3A_230 step %parallel_loop3A_231  : i32 {
      %parallel_loop3A_368 = arith.constant 16 : i32
      %parallel_loop3A_369 = arith.addi %parallel_loop3A_368, %parallel_loop3A_367 : i32
      %parallel_loop3A_370 = arith.constant 0 : i32
      %parallel_loop3A_371 = arith.addi %parallel_loop3A_370, %parallel_loop3A_367 : i32
      %parallel_loop3A_372 = arith.constant 1 : i32
      %parallel_loop3A_373 = arith.constant 0 : i32
      %parallel_loop3A_374 = arith.constant 0 : i32
      %parallel_loop3A_375 = tpu.memref_slice %arg9[%parallel_loop3A_369, %parallel_loop3A_373, %parallel_loop3A_374] : memref<32x128x16xf32, #tpu.memory_space<vmem>> -> memref<1x128x16xf32, #tpu.memory_space<vmem>>
      %parallel_loop3A_376 = tpu.memref_squeeze %parallel_loop3A_375 : memref<1x128x16xf32, #tpu.memory_space<vmem>> -> memref<128x16xf32, #tpu.memory_space<vmem>>
      %parallel_loop3A_377 = arith.constant 0 : i32
      %parallel_loop3A_378 = tpu.memref_slice %arg8[%parallel_loop3A_371, %parallel_loop3A_377] : memref<74x128xi32, #tpu.memory_space<vmem>> -> memref<1x128xi32, #tpu.memory_space<vmem>>
      %parallel_loop3A_379 = tpu.memref_squeeze %parallel_loop3A_378 : memref<1x128xi32, #tpu.memory_space<vmem>> -> memref<128xi32, #tpu.memory_space<vmem>>
      %parallel_loop3A_380 = arith.constant 0 : i32
      %parallel_loop3A_381 = arith.constant 0 : i32
      %parallel_loop3A_382 = tpu.memref_slice %arg6[%parallel_loop3A_372, %parallel_loop3A_380, %parallel_loop3A_381] : memref<2x12544x16xf32, #tpu.memory_space<vmem_shared>> -> memref<1x12544x16xf32, #tpu.memory_space<vmem_shared>>
      %parallel_loop3A_383 = tpu.memref_squeeze %parallel_loop3A_382 : memref<1x12544x16xf32, #tpu.memory_space<vmem_shared>> -> memref<12544x16xf32, #tpu.memory_space<vmem_shared>>
      %parallel_loop3A_384 = arith.constant 0 : i32
      %parallel_loop3A_385 = arith.constant 0 : i32
      %parallel_loop3A_386 = tpu.memref_slice %parallel_loop3A_383[%parallel_loop3A_384, %parallel_loop3A_385] : memref<12544x16xf32, #tpu.memory_space<vmem_shared>> -> memref<12544x16xf32, #tpu.memory_space<vmem_shared>>
      tpu.enqueue_indirect_dma source(%parallel_loop3A_376 : memref<128x16xf32, #tpu.memory_space<vmem>>) target(%parallel_loop3A_386 : memref<12544x16xf32, #tpu.memory_space<vmem_shared>>) offsets(%parallel_loop3A_379 : memref<128xi32, #tpu.memory_space<vmem>>) semaphore(%arg11 : memref<!tpu.dma_semaphore, #tpu.memory_space<semaphore_mem>>) {add = true}
    } {sc.loop_unroll_factor = 4 : i64, sc.parallel_access}
    %scan3A_232 = arith.constant 0 : i32
    %scan3A_233 = arith.constant 0 : i32
    %scan3A_234 = arith.constant 10 : i32
    %scan3A_235 = arith.addi %scan3A_233, %scan3A_234 : i32
    %scan3A_236 = arith.constant 1 : i32
    scf.for %scan3A_367 = %scan3A_233 to %scan3A_235 step %scan3A_236  : i32 {
      %dma_wait3A_368 = arith.constant 0 : i32
      %dma_wait3A_369 = arith.constant 0 : i32
      %dma_wait3A_370 = arith.constant 0 : i32
      %dma_wait3A_371 = arith.constant 0 : i32
      %dma_wait3A_372 = arith.constant 0 : i32
      %dma_wait3A_373 = tpu.memref_slice %arg9[%dma_wait3A_368, %dma_wait3A_371, %dma_wait3A_372] : memref<32x128x16xf32, #tpu.memory_space<vmem>> -> memref<1x128x16xf32, #tpu.memory_space<vmem>>
      %dma_wait3A_374 = tpu.memref_squeeze %dma_wait3A_373 : memref<1x128x16xf32, #tpu.memory_space<vmem>> -> memref<128x16xf32, #tpu.memory_space<vmem>>
      %dma_wait3A_375 = arith.constant 0 : i32
      %dma_wait3A_376 = tpu.memref_slice %arg8[%dma_wait3A_370, %dma_wait3A_375] : memref<74x128xi32, #tpu.memory_space<vmem>> -> memref<1x128xi32, #tpu.memory_space<vmem>>
      %dma_wait3A_377 = tpu.memref_squeeze %dma_wait3A_376 : memref<1x128xi32, #tpu.memory_space<vmem>> -> memref<128xi32, #tpu.memory_space<vmem>>
      %dma_wait3A_378 = arith.constant 0 : i32
      %dma_wait3A_379 = arith.constant 0 : i32
      %dma_wait3A_380 = tpu.memref_slice %arg6[%dma_wait3A_369, %dma_wait3A_378, %dma_wait3A_379] : memref<2x12544x16xf32, #tpu.memory_space<vmem_shared>> -> memref<1x12544x16xf32, #tpu.memory_space<vmem_shared>>
      %dma_wait3A_381 = tpu.memref_squeeze %dma_wait3A_380 : memref<1x12544x16xf32, #tpu.memory_space<vmem_shared>> -> memref<12544x16xf32, #tpu.memory_space<vmem_shared>>
      %dma_wait3A_382 = arith.constant 0 : i32
      %dma_wait3A_383 = arith.constant 0 : i32
      %dma_wait3A_384 = tpu.memref_slice %dma_wait3A_381[%dma_wait3A_382, %dma_wait3A_383] : memref<12544x16xf32, #tpu.memory_space<vmem_shared>> -> memref<12544x16xf32, #tpu.memory_space<vmem_shared>>
      tpu.wait_indirect_dma semaphore(%arg11 : memref<!tpu.dma_semaphore, #tpu.memory_space<semaphore_mem>>) src(%dma_wait3A_374 : memref<128x16xf32, #tpu.memory_space<vmem>>) dst(%dma_wait3A_384 : memref<12544x16xf32, #tpu.memory_space<vmem_shared>>)
    }
    %scan3A_237 = arith.constant 10 : i32
    %parallel_loop3A_238 = arith.constant 0 : i32
    %parallel_loop3A_239 = arith.constant 16 : i32
    %parallel_loop3A_240 = arith.constant 1 : i32
    scf.for %parallel_loop3A_367 = %parallel_loop3A_238 to %parallel_loop3A_239 step %parallel_loop3A_240  : i32 {
      %parallel_loop3A_368 = arith.constant 16 : i32
      %parallel_loop3A_369 = arith.addi %parallel_loop3A_368, %parallel_loop3A_367 : i32
      %parallel_loop3A_370 = arith.constant 0 : i32
      %parallel_loop3A_371 = arith.addi %parallel_loop3A_370, %parallel_loop3A_367 : i32
      %parallel_loop3A_372 = arith.constant 1 : i32
      %parallel_loop3A_373 = arith.constant 0 : i32
      %parallel_loop3A_374 = arith.constant 0 : i32
      %parallel_loop3A_375 = tpu.memref_slice %arg9[%parallel_loop3A_371, %parallel_loop3A_373, %parallel_loop3A_374] : memref<32x128x16xf32, #tpu.memory_space<vmem>> -> memref<1x128x16xf32, #tpu.memory_space<vmem>>
      %parallel_loop3A_376 = tpu.memref_squeeze %parallel_loop3A_375 : memref<1x128x16xf32, #tpu.memory_space<vmem>> -> memref<128x16xf32, #tpu.memory_space<vmem>>
      %parallel_loop3A_377 = arith.constant 0 : i32
      %parallel_loop3A_378 = arith.constant 0 : i32
      %parallel_loop3A_379 = tpu.memref_slice %arg7[%parallel_loop3A_372, %parallel_loop3A_377, %parallel_loop3A_378] : memref<2x74x128xi32, #tpu.memory_space<vmem>> -> memref<1x74x128xi32, #tpu.memory_space<vmem>>
      %parallel_loop3A_380 = tpu.memref_squeeze %parallel_loop3A_379 : memref<1x74x128xi32, #tpu.memory_space<vmem>> -> memref<74x128xi32, #tpu.memory_space<vmem>>
      %parallel_loop3A_381 = arith.constant 0 : i32
      %parallel_loop3A_382 = tpu.memref_slice %parallel_loop3A_380[%parallel_loop3A_369, %parallel_loop3A_381] : memref<74x128xi32, #tpu.memory_space<vmem>> -> memref<1x128xi32, #tpu.memory_space<vmem>>
      %parallel_loop3A_383 = tpu.memref_squeeze %parallel_loop3A_382 : memref<1x128xi32, #tpu.memory_space<vmem>> -> memref<128xi32, #tpu.memory_space<vmem>>
      %parallel_loop3A_384 = arith.constant 0 : i32
      %parallel_loop3A_385 = arith.constant 0 : i32
      %parallel_loop3A_386 = tpu.memref_slice %arg2[%parallel_loop3A_384, %parallel_loop3A_385] : memref<50176x16xf32, #tpu.memory_space<hbm>> -> memref<50176x16xf32, #tpu.memory_space<hbm>>
      tpu.enqueue_indirect_dma source(%parallel_loop3A_386 : memref<50176x16xf32, #tpu.memory_space<hbm>>) target(%parallel_loop3A_376 : memref<128x16xf32, #tpu.memory_space<vmem>>) offsets(%parallel_loop3A_383 : memref<128xi32, #tpu.memory_space<vmem>>) semaphore(%arg10 : memref<!tpu.dma_semaphore, #tpu.memory_space<semaphore_mem>>)
    } {sc.loop_unroll_factor = 4 : i64, sc.parallel_access}
    %scan3A_241 = arith.constant 0 : i32
    %scan3A_242 = arith.constant 0 : i32
    %scan3A_243 = arith.constant 16 : i32
    %scan3A_244 = arith.addi %scan3A_242, %scan3A_243 : i32
    %scan3A_245 = arith.constant 1 : i32
    scf.for %scan3A_367 = %scan3A_242 to %scan3A_244 step %scan3A_245  : i32 {
      %dma_wait3A_368 = arith.constant 0 : i32
      %dma_wait3A_369 = arith.constant 0 : i32
      %dma_wait3A_370 = arith.constant 0 : i32
      %dma_wait3A_371 = arith.constant 0 : i32
      %dma_wait3A_372 = arith.constant 0 : i32
      %dma_wait3A_373 = tpu.memref_slice %arg9[%dma_wait3A_370, %dma_wait3A_371, %dma_wait3A_372] : memref<32x128x16xf32, #tpu.memory_space<vmem>> -> memref<1x128x16xf32, #tpu.memory_space<vmem>>
      %dma_wait3A_374 = tpu.memref_squeeze %dma_wait3A_373 : memref<1x128x16xf32, #tpu.memory_space<vmem>> -> memref<128x16xf32, #tpu.memory_space<vmem>>
      %dma_wait3A_375 = arith.constant 0 : i32
      %dma_wait3A_376 = arith.constant 0 : i32
      %dma_wait3A_377 = tpu.memref_slice %arg7[%dma_wait3A_368, %dma_wait3A_375, %dma_wait3A_376] : memref<2x74x128xi32, #tpu.memory_space<vmem>> -> memref<1x74x128xi32, #tpu.memory_space<vmem>>
      %dma_wait3A_378 = tpu.memref_squeeze %dma_wait3A_377 : memref<1x74x128xi32, #tpu.memory_space<vmem>> -> memref<74x128xi32, #tpu.memory_space<vmem>>
      %dma_wait3A_379 = arith.constant 0 : i32
      %dma_wait3A_380 = tpu.memref_slice %dma_wait3A_378[%dma_wait3A_369, %dma_wait3A_379] : memref<74x128xi32, #tpu.memory_space<vmem>> -> memref<1x128xi32, #tpu.memory_space<vmem>>
      %dma_wait3A_381 = tpu.memref_squeeze %dma_wait3A_380 : memref<1x128xi32, #tpu.memory_space<vmem>> -> memref<128xi32, #tpu.memory_space<vmem>>
      %dma_wait3A_382 = arith.constant 0 : i32
      %dma_wait3A_383 = arith.constant 0 : i32
      %dma_wait3A_384 = tpu.memref_slice %arg2[%dma_wait3A_382, %dma_wait3A_383] : memref<50176x16xf32, #tpu.memory_space<hbm>> -> memref<50176x16xf32, #tpu.memory_space<hbm>>
      tpu.wait_indirect_dma semaphore(%arg10 : memref<!tpu.dma_semaphore, #tpu.memory_space<semaphore_mem>>) src(%dma_wait3A_384 : memref<50176x16xf32, #tpu.memory_space<hbm>>) dst(%dma_wait3A_374 : memref<128x16xf32, #tpu.memory_space<vmem>>)
    }
    %scan3A_246 = arith.constant 16 : i32
    %parallel_loop3A_247 = arith.constant 0 : i32
    %parallel_loop3A_248 = arith.constant 16 : i32
    %parallel_loop3A_249 = arith.constant 1 : i32
    scf.for %parallel_loop3A_367 = %parallel_loop3A_247 to %parallel_loop3A_248 step %parallel_loop3A_249  : i32 {
      %parallel_loop3A_368 = arith.constant 0 : i32
      %parallel_loop3A_369 = arith.addi %parallel_loop3A_368, %parallel_loop3A_367 : i32
      %parallel_loop3A_370 = arith.constant 16 : i32
      %parallel_loop3A_371 = arith.addi %parallel_loop3A_370, %parallel_loop3A_367 : i32
      %parallel_loop3A_372 = arith.constant 1 : i32
      %parallel_loop3A_373 = arith.constant 0 : i32
      %parallel_loop3A_374 = arith.constant 0 : i32
      %parallel_loop3A_375 = tpu.memref_slice %arg9[%parallel_loop3A_369, %parallel_loop3A_373, %parallel_loop3A_374] : memref<32x128x16xf32, #tpu.memory_space<vmem>> -> memref<1x128x16xf32, #tpu.memory_space<vmem>>
      %parallel_loop3A_376 = tpu.memref_squeeze %parallel_loop3A_375 : memref<1x128x16xf32, #tpu.memory_space<vmem>> -> memref<128x16xf32, #tpu.memory_space<vmem>>
      %parallel_loop3A_377 = arith.constant 0 : i32
      %parallel_loop3A_378 = tpu.memref_slice %arg8[%parallel_loop3A_371, %parallel_loop3A_377] : memref<74x128xi32, #tpu.memory_space<vmem>> -> memref<1x128xi32, #tpu.memory_space<vmem>>
      %parallel_loop3A_379 = tpu.memref_squeeze %parallel_loop3A_378 : memref<1x128xi32, #tpu.memory_space<vmem>> -> memref<128xi32, #tpu.memory_space<vmem>>
      %parallel_loop3A_380 = arith.constant 0 : i32
      %parallel_loop3A_381 = arith.constant 0 : i32
      %parallel_loop3A_382 = tpu.memref_slice %arg6[%parallel_loop3A_372, %parallel_loop3A_380, %parallel_loop3A_381] : memref<2x12544x16xf32, #tpu.memory_space<vmem_shared>> -> memref<1x12544x16xf32, #tpu.memory_space<vmem_shared>>
      %parallel_loop3A_383 = tpu.memref_squeeze %parallel_loop3A_382 : memref<1x12544x16xf32, #tpu.memory_space<vmem_shared>> -> memref<12544x16xf32, #tpu.memory_space<vmem_shared>>
      %parallel_loop3A_384 = arith.constant 0 : i32
      %parallel_loop3A_385 = arith.constant 0 : i32
      %parallel_loop3A_386 = tpu.memref_slice %parallel_loop3A_383[%parallel_loop3A_384, %parallel_loop3A_385] : memref<12544x16xf32, #tpu.memory_space<vmem_shared>> -> memref<12544x16xf32, #tpu.memory_space<vmem_shared>>
      tpu.enqueue_indirect_dma source(%parallel_loop3A_376 : memref<128x16xf32, #tpu.memory_space<vmem>>) target(%parallel_loop3A_386 : memref<12544x16xf32, #tpu.memory_space<vmem_shared>>) offsets(%parallel_loop3A_379 : memref<128xi32, #tpu.memory_space<vmem>>) semaphore(%arg11 : memref<!tpu.dma_semaphore, #tpu.memory_space<semaphore_mem>>) {add = true}
    } {sc.loop_unroll_factor = 4 : i64, sc.parallel_access}
    %scan3A_250 = arith.constant 0 : i32
    %scan3A_251 = arith.constant 0 : i32
    %scan3A_252 = arith.constant 16 : i32
    %scan3A_253 = arith.addi %scan3A_251, %scan3A_252 : i32
    %scan3A_254 = arith.constant 1 : i32
    scf.for %scan3A_367 = %scan3A_251 to %scan3A_253 step %scan3A_254  : i32 {
      %dma_wait3A_368 = arith.constant 0 : i32
      %dma_wait3A_369 = arith.constant 0 : i32
      %dma_wait3A_370 = arith.constant 0 : i32
      %dma_wait3A_371 = arith.constant 0 : i32
      %dma_wait3A_372 = arith.constant 0 : i32
      %dma_wait3A_373 = tpu.memref_slice %arg9[%dma_wait3A_368, %dma_wait3A_371, %dma_wait3A_372] : memref<32x128x16xf32, #tpu.memory_space<vmem>> -> memref<1x128x16xf32, #tpu.memory_space<vmem>>
      %dma_wait3A_374 = tpu.memref_squeeze %dma_wait3A_373 : memref<1x128x16xf32, #tpu.memory_space<vmem>> -> memref<128x16xf32, #tpu.memory_space<vmem>>
      %dma_wait3A_375 = arith.constant 0 : i32
      %dma_wait3A_376 = tpu.memref_slice %arg8[%dma_wait3A_370, %dma_wait3A_375] : memref<74x128xi32, #tpu.memory_space<vmem>> -> memref<1x128xi32, #tpu.memory_space<vmem>>
      %dma_wait3A_377 = tpu.memref_squeeze %dma_wait3A_376 : memref<1x128xi32, #tpu.memory_space<vmem>> -> memref<128xi32, #tpu.memory_space<vmem>>
      %dma_wait3A_378 = arith.constant 0 : i32
      %dma_wait3A_379 = arith.constant 0 : i32
      %dma_wait3A_380 = tpu.memref_slice %arg6[%dma_wait3A_369, %dma_wait3A_378, %dma_wait3A_379] : memref<2x12544x16xf32, #tpu.memory_space<vmem_shared>> -> memref<1x12544x16xf32, #tpu.memory_space<vmem_shared>>
      %dma_wait3A_381 = tpu.memref_squeeze %dma_wait3A_380 : memref<1x12544x16xf32, #tpu.memory_space<vmem_shared>> -> memref<12544x16xf32, #tpu.memory_space<vmem_shared>>
      %dma_wait3A_382 = arith.constant 0 : i32
      %dma_wait3A_383 = arith.constant 0 : i32
      %dma_wait3A_384 = tpu.memref_slice %dma_wait3A_381[%dma_wait3A_382, %dma_wait3A_383] : memref<12544x16xf32, #tpu.memory_space<vmem_shared>> -> memref<12544x16xf32, #tpu.memory_space<vmem_shared>>
      tpu.wait_indirect_dma semaphore(%arg11 : memref<!tpu.dma_semaphore, #tpu.memory_space<semaphore_mem>>) src(%dma_wait3A_374 : memref<128x16xf32, #tpu.memory_space<vmem>>) dst(%dma_wait3A_384 : memref<12544x16xf32, #tpu.memory_space<vmem_shared>>)
    }
    %scan3A_255 = arith.constant 16 : i32
    %parallel_loop3A_256 = arith.constant 0 : i32
    %parallel_loop3A_257 = arith.constant 16 : i32
    %parallel_loop3A_258 = arith.constant 1 : i32
    scf.for %parallel_loop3A_367 = %parallel_loop3A_256 to %parallel_loop3A_257 step %parallel_loop3A_258  : i32 {
      %parallel_loop3A_368 = arith.constant 32 : i32
      %parallel_loop3A_369 = arith.addi %parallel_loop3A_368, %parallel_loop3A_367 : i32
      %parallel_loop3A_370 = arith.constant 16 : i32
      %parallel_loop3A_371 = arith.addi %parallel_loop3A_370, %parallel_loop3A_367 : i32
      %parallel_loop3A_372 = arith.constant 1 : i32
      %parallel_loop3A_373 = arith.constant 0 : i32
      %parallel_loop3A_374 = arith.constant 0 : i32
      %parallel_loop3A_375 = tpu.memref_slice %arg9[%parallel_loop3A_371, %parallel_loop3A_373, %parallel_loop3A_374] : memref<32x128x16xf32, #tpu.memory_space<vmem>> -> memref<1x128x16xf32, #tpu.memory_space<vmem>>
      %parallel_loop3A_376 = tpu.memref_squeeze %parallel_loop3A_375 : memref<1x128x16xf32, #tpu.memory_space<vmem>> -> memref<128x16xf32, #tpu.memory_space<vmem>>
      %parallel_loop3A_377 = arith.constant 0 : i32
      %parallel_loop3A_378 = arith.constant 0 : i32
      %parallel_loop3A_379 = tpu.memref_slice %arg7[%parallel_loop3A_372, %parallel_loop3A_377, %parallel_loop3A_378] : memref<2x74x128xi32, #tpu.memory_space<vmem>> -> memref<1x74x128xi32, #tpu.memory_space<vmem>>
      %parallel_loop3A_380 = tpu.memref_squeeze %parallel_loop3A_379 : memref<1x74x128xi32, #tpu.memory_space<vmem>> -> memref<74x128xi32, #tpu.memory_space<vmem>>
      %parallel_loop3A_381 = arith.constant 0 : i32
      %parallel_loop3A_382 = tpu.memref_slice %parallel_loop3A_380[%parallel_loop3A_369, %parallel_loop3A_381] : memref<74x128xi32, #tpu.memory_space<vmem>> -> memref<1x128xi32, #tpu.memory_space<vmem>>
      %parallel_loop3A_383 = tpu.memref_squeeze %parallel_loop3A_382 : memref<1x128xi32, #tpu.memory_space<vmem>> -> memref<128xi32, #tpu.memory_space<vmem>>
      %parallel_loop3A_384 = arith.constant 0 : i32
      %parallel_loop3A_385 = arith.constant 0 : i32
      %parallel_loop3A_386 = tpu.memref_slice %arg2[%parallel_loop3A_384, %parallel_loop3A_385] : memref<50176x16xf32, #tpu.memory_space<hbm>> -> memref<50176x16xf32, #tpu.memory_space<hbm>>
      tpu.enqueue_indirect_dma source(%parallel_loop3A_386 : memref<50176x16xf32, #tpu.memory_space<hbm>>) target(%parallel_loop3A_376 : memref<128x16xf32, #tpu.memory_space<vmem>>) offsets(%parallel_loop3A_383 : memref<128xi32, #tpu.memory_space<vmem>>) semaphore(%arg10 : memref<!tpu.dma_semaphore, #tpu.memory_space<semaphore_mem>>)
    } {sc.loop_unroll_factor = 4 : i64, sc.parallel_access}
    %scan3A_259 = arith.constant 0 : i32
    %scan3A_260 = arith.constant 0 : i32
    %scan3A_261 = arith.constant 16 : i32
    %scan3A_262 = arith.addi %scan3A_260, %scan3A_261 : i32
    %scan3A_263 = arith.constant 1 : i32
    scf.for %scan3A_367 = %scan3A_260 to %scan3A_262 step %scan3A_263  : i32 {
      %dma_wait3A_368 = arith.constant 0 : i32
      %dma_wait3A_369 = arith.constant 0 : i32
      %dma_wait3A_370 = arith.constant 0 : i32
      %dma_wait3A_371 = arith.constant 0 : i32
      %dma_wait3A_372 = arith.constant 0 : i32
      %dma_wait3A_373 = tpu.memref_slice %arg9[%dma_wait3A_370, %dma_wait3A_371, %dma_wait3A_372] : memref<32x128x16xf32, #tpu.memory_space<vmem>> -> memref<1x128x16xf32, #tpu.memory_space<vmem>>
      %dma_wait3A_374 = tpu.memref_squeeze %dma_wait3A_373 : memref<1x128x16xf32, #tpu.memory_space<vmem>> -> memref<128x16xf32, #tpu.memory_space<vmem>>
      %dma_wait3A_375 = arith.constant 0 : i32
      %dma_wait3A_376 = arith.constant 0 : i32
      %dma_wait3A_377 = tpu.memref_slice %arg7[%dma_wait3A_368, %dma_wait3A_375, %dma_wait3A_376] : memref<2x74x128xi32, #tpu.memory_space<vmem>> -> memref<1x74x128xi32, #tpu.memory_space<vmem>>
      %dma_wait3A_378 = tpu.memref_squeeze %dma_wait3A_377 : memref<1x74x128xi32, #tpu.memory_space<vmem>> -> memref<74x128xi32, #tpu.memory_space<vmem>>
      %dma_wait3A_379 = arith.constant 0 : i32
      %dma_wait3A_380 = tpu.memref_slice %dma_wait3A_378[%dma_wait3A_369, %dma_wait3A_379] : memref<74x128xi32, #tpu.memory_space<vmem>> -> memref<1x128xi32, #tpu.memory_space<vmem>>
      %dma_wait3A_381 = tpu.memref_squeeze %dma_wait3A_380 : memref<1x128xi32, #tpu.memory_space<vmem>> -> memref<128xi32, #tpu.memory_space<vmem>>
      %dma_wait3A_382 = arith.constant 0 : i32
      %dma_wait3A_383 = arith.constant 0 : i32
      %dma_wait3A_384 = tpu.memref_slice %arg2[%dma_wait3A_382, %dma_wait3A_383] : memref<50176x16xf32, #tpu.memory_space<hbm>> -> memref<50176x16xf32, #tpu.memory_space<hbm>>
      tpu.wait_indirect_dma semaphore(%arg10 : memref<!tpu.dma_semaphore, #tpu.memory_space<semaphore_mem>>) src(%dma_wait3A_384 : memref<50176x16xf32, #tpu.memory_space<hbm>>) dst(%dma_wait3A_374 : memref<128x16xf32, #tpu.memory_space<vmem>>)
    }
    %scan3A_264 = arith.constant 16 : i32
    %parallel_loop3A_265 = arith.constant 0 : i32
    %parallel_loop3A_266 = arith.constant 16 : i32
    %parallel_loop3A_267 = arith.constant 1 : i32
    scf.for %parallel_loop3A_367 = %parallel_loop3A_265 to %parallel_loop3A_266 step %parallel_loop3A_267  : i32 {
      %parallel_loop3A_368 = arith.constant 16 : i32
      %parallel_loop3A_369 = arith.addi %parallel_loop3A_368, %parallel_loop3A_367 : i32
      %parallel_loop3A_370 = arith.constant 32 : i32
      %parallel_loop3A_371 = arith.addi %parallel_loop3A_370, %parallel_loop3A_367 : i32
      %parallel_loop3A_372 = arith.constant 1 : i32
      %parallel_loop3A_373 = arith.constant 0 : i32
      %parallel_loop3A_374 = arith.constant 0 : i32
      %parallel_loop3A_375 = tpu.memref_slice %arg9[%parallel_loop3A_369, %parallel_loop3A_373, %parallel_loop3A_374] : memref<32x128x16xf32, #tpu.memory_space<vmem>> -> memref<1x128x16xf32, #tpu.memory_space<vmem>>
      %parallel_loop3A_376 = tpu.memref_squeeze %parallel_loop3A_375 : memref<1x128x16xf32, #tpu.memory_space<vmem>> -> memref<128x16xf32, #tpu.memory_space<vmem>>
      %parallel_loop3A_377 = arith.constant 0 : i32
      %parallel_loop3A_378 = tpu.memref_slice %arg8[%parallel_loop3A_371, %parallel_loop3A_377] : memref<74x128xi32, #tpu.memory_space<vmem>> -> memref<1x128xi32, #tpu.memory_space<vmem>>
      %parallel_loop3A_379 = tpu.memref_squeeze %parallel_loop3A_378 : memref<1x128xi32, #tpu.memory_space<vmem>> -> memref<128xi32, #tpu.memory_space<vmem>>
      %parallel_loop3A_380 = arith.constant 0 : i32
      %parallel_loop3A_381 = arith.constant 0 : i32
      %parallel_loop3A_382 = tpu.memref_slice %arg6[%parallel_loop3A_372, %parallel_loop3A_380, %parallel_loop3A_381] : memref<2x12544x16xf32, #tpu.memory_space<vmem_shared>> -> memref<1x12544x16xf32, #tpu.memory_space<vmem_shared>>
      %parallel_loop3A_383 = tpu.memref_squeeze %parallel_loop3A_382 : memref<1x12544x16xf32, #tpu.memory_space<vmem_shared>> -> memref<12544x16xf32, #tpu.memory_space<vmem_shared>>
      %parallel_loop3A_384 = arith.constant 0 : i32
      %parallel_loop3A_385 = arith.constant 0 : i32
      %parallel_loop3A_386 = tpu.memref_slice %parallel_loop3A_383[%parallel_loop3A_384, %parallel_loop3A_385] : memref<12544x16xf32, #tpu.memory_space<vmem_shared>> -> memref<12544x16xf32, #tpu.memory_space<vmem_shared>>
      tpu.enqueue_indirect_dma source(%parallel_loop3A_376 : memref<128x16xf32, #tpu.memory_space<vmem>>) target(%parallel_loop3A_386 : memref<12544x16xf32, #tpu.memory_space<vmem_shared>>) offsets(%parallel_loop3A_379 : memref<128xi32, #tpu.memory_space<vmem>>) semaphore(%arg11 : memref<!tpu.dma_semaphore, #tpu.memory_space<semaphore_mem>>) {add = true}
    } {sc.loop_unroll_factor = 4 : i64, sc.parallel_access}
    %scan3A_268 = arith.constant 0 : i32
    %scan3A_269 = arith.constant 0 : i32
    %scan3A_270 = arith.constant 16 : i32
    %scan3A_271 = arith.addi %scan3A_269, %scan3A_270 : i32
    %scan3A_272 = arith.constant 1 : i32
    scf.for %scan3A_367 = %scan3A_269 to %scan3A_271 step %scan3A_272  : i32 {
      %dma_wait3A_368 = arith.constant 0 : i32
      %dma_wait3A_369 = arith.constant 0 : i32
      %dma_wait3A_370 = arith.constant 0 : i32
      %dma_wait3A_371 = arith.constant 0 : i32
      %dma_wait3A_372 = arith.constant 0 : i32
      %dma_wait3A_373 = tpu.memref_slice %arg9[%dma_wait3A_368, %dma_wait3A_371, %dma_wait3A_372] : memref<32x128x16xf32, #tpu.memory_space<vmem>> -> memref<1x128x16xf32, #tpu.memory_space<vmem>>
      %dma_wait3A_374 = tpu.memref_squeeze %dma_wait3A_373 : memref<1x128x16xf32, #tpu.memory_space<vmem>> -> memref<128x16xf32, #tpu.memory_space<vmem>>
      %dma_wait3A_375 = arith.constant 0 : i32
      %dma_wait3A_376 = tpu.memref_slice %arg8[%dma_wait3A_370, %dma_wait3A_375] : memref<74x128xi32, #tpu.memory_space<vmem>> -> memref<1x128xi32, #tpu.memory_space<vmem>>
      %dma_wait3A_377 = tpu.memref_squeeze %dma_wait3A_376 : memref<1x128xi32, #tpu.memory_space<vmem>> -> memref<128xi32, #tpu.memory_space<vmem>>
      %dma_wait3A_378 = arith.constant 0 : i32
      %dma_wait3A_379 = arith.constant 0 : i32
      %dma_wait3A_380 = tpu.memref_slice %arg6[%dma_wait3A_369, %dma_wait3A_378, %dma_wait3A_379] : memref<2x12544x16xf32, #tpu.memory_space<vmem_shared>> -> memref<1x12544x16xf32, #tpu.memory_space<vmem_shared>>
      %dma_wait3A_381 = tpu.memref_squeeze %dma_wait3A_380 : memref<1x12544x16xf32, #tpu.memory_space<vmem_shared>> -> memref<12544x16xf32, #tpu.memory_space<vmem_shared>>
      %dma_wait3A_382 = arith.constant 0 : i32
      %dma_wait3A_383 = arith.constant 0 : i32
      %dma_wait3A_384 = tpu.memref_slice %dma_wait3A_381[%dma_wait3A_382, %dma_wait3A_383] : memref<12544x16xf32, #tpu.memory_space<vmem_shared>> -> memref<12544x16xf32, #tpu.memory_space<vmem_shared>>
      tpu.wait_indirect_dma semaphore(%arg11 : memref<!tpu.dma_semaphore, #tpu.memory_space<semaphore_mem>>) src(%dma_wait3A_374 : memref<128x16xf32, #tpu.memory_space<vmem>>) dst(%dma_wait3A_384 : memref<12544x16xf32, #tpu.memory_space<vmem_shared>>)
    }
    %scan3A_273 = arith.constant 16 : i32
    %parallel_loop3A_274 = arith.constant 0 : i32
    %parallel_loop3A_275 = arith.constant 16 : i32
    %parallel_loop3A_276 = arith.constant 1 : i32
    scf.for %parallel_loop3A_367 = %parallel_loop3A_274 to %parallel_loop3A_275 step %parallel_loop3A_276  : i32 {
      %parallel_loop3A_368 = arith.constant 48 : i32
      %parallel_loop3A_369 = arith.addi %parallel_loop3A_368, %parallel_loop3A_367 : i32
      %parallel_loop3A_370 = arith.constant 0 : i32
      %parallel_loop3A_371 = arith.addi %parallel_loop3A_370, %parallel_loop3A_367 : i32
      %parallel_loop3A_372 = arith.constant 1 : i32
      %parallel_loop3A_373 = arith.constant 0 : i32
      %parallel_loop3A_374 = arith.constant 0 : i32
      %parallel_loop3A_375 = tpu.memref_slice %arg9[%parallel_loop3A_371, %parallel_loop3A_373, %parallel_loop3A_374] : memref<32x128x16xf32, #tpu.memory_space<vmem>> -> memref<1x128x16xf32, #tpu.memory_space<vmem>>
      %parallel_loop3A_376 = tpu.memref_squeeze %parallel_loop3A_375 : memref<1x128x16xf32, #tpu.memory_space<vmem>> -> memref<128x16xf32, #tpu.memory_space<vmem>>
      %parallel_loop3A_377 = arith.constant 0 : i32
      %parallel_loop3A_378 = arith.constant 0 : i32
      %parallel_loop3A_379 = tpu.memref_slice %arg7[%parallel_loop3A_372, %parallel_loop3A_377, %parallel_loop3A_378] : memref<2x74x128xi32, #tpu.memory_space<vmem>> -> memref<1x74x128xi32, #tpu.memory_space<vmem>>
      %parallel_loop3A_380 = tpu.memref_squeeze %parallel_loop3A_379 : memref<1x74x128xi32, #tpu.memory_space<vmem>> -> memref<74x128xi32, #tpu.memory_space<vmem>>
      %parallel_loop3A_381 = arith.constant 0 : i32
      %parallel_loop3A_382 = tpu.memref_slice %parallel_loop3A_380[%parallel_loop3A_369, %parallel_loop3A_381] : memref<74x128xi32, #tpu.memory_space<vmem>> -> memref<1x128xi32, #tpu.memory_space<vmem>>
      %parallel_loop3A_383 = tpu.memref_squeeze %parallel_loop3A_382 : memref<1x128xi32, #tpu.memory_space<vmem>> -> memref<128xi32, #tpu.memory_space<vmem>>
      %parallel_loop3A_384 = arith.constant 0 : i32
      %parallel_loop3A_385 = arith.constant 0 : i32
      %parallel_loop3A_386 = tpu.memref_slice %arg2[%parallel_loop3A_384, %parallel_loop3A_385] : memref<50176x16xf32, #tpu.memory_space<hbm>> -> memref<50176x16xf32, #tpu.memory_space<hbm>>
      tpu.enqueue_indirect_dma source(%parallel_loop3A_386 : memref<50176x16xf32, #tpu.memory_space<hbm>>) target(%parallel_loop3A_376 : memref<128x16xf32, #tpu.memory_space<vmem>>) offsets(%parallel_loop3A_383 : memref<128xi32, #tpu.memory_space<vmem>>) semaphore(%arg10 : memref<!tpu.dma_semaphore, #tpu.memory_space<semaphore_mem>>)
    } {sc.loop_unroll_factor = 4 : i64, sc.parallel_access}
    %scan3A_277 = arith.constant 0 : i32
    %scan3A_278 = arith.constant 0 : i32
    %scan3A_279 = arith.constant 16 : i32
    %scan3A_280 = arith.addi %scan3A_278, %scan3A_279 : i32
    %scan3A_281 = arith.constant 1 : i32
    scf.for %scan3A_367 = %scan3A_278 to %scan3A_280 step %scan3A_281  : i32 {
      %dma_wait3A_368 = arith.constant 0 : i32
      %dma_wait3A_369 = arith.constant 0 : i32
      %dma_wait3A_370 = arith.constant 0 : i32
      %dma_wait3A_371 = arith.constant 0 : i32
      %dma_wait3A_372 = arith.constant 0 : i32
      %dma_wait3A_373 = tpu.memref_slice %arg9[%dma_wait3A_370, %dma_wait3A_371, %dma_wait3A_372] : memref<32x128x16xf32, #tpu.memory_space<vmem>> -> memref<1x128x16xf32, #tpu.memory_space<vmem>>
      %dma_wait3A_374 = tpu.memref_squeeze %dma_wait3A_373 : memref<1x128x16xf32, #tpu.memory_space<vmem>> -> memref<128x16xf32, #tpu.memory_space<vmem>>
      %dma_wait3A_375 = arith.constant 0 : i32
      %dma_wait3A_376 = arith.constant 0 : i32
      %dma_wait3A_377 = tpu.memref_slice %arg7[%dma_wait3A_368, %dma_wait3A_375, %dma_wait3A_376] : memref<2x74x128xi32, #tpu.memory_space<vmem>> -> memref<1x74x128xi32, #tpu.memory_space<vmem>>
      %dma_wait3A_378 = tpu.memref_squeeze %dma_wait3A_377 : memref<1x74x128xi32, #tpu.memory_space<vmem>> -> memref<74x128xi32, #tpu.memory_space<vmem>>
      %dma_wait3A_379 = arith.constant 0 : i32
      %dma_wait3A_380 = tpu.memref_slice %dma_wait3A_378[%dma_wait3A_369, %dma_wait3A_379] : memref<74x128xi32, #tpu.memory_space<vmem>> -> memref<1x128xi32, #tpu.memory_space<vmem>>
      %dma_wait3A_381 = tpu.memref_squeeze %dma_wait3A_380 : memref<1x128xi32, #tpu.memory_space<vmem>> -> memref<128xi32, #tpu.memory_space<vmem>>
      %dma_wait3A_382 = arith.constant 0 : i32
      %dma_wait3A_383 = arith.constant 0 : i32
      %dma_wait3A_384 = tpu.memref_slice %arg2[%dma_wait3A_382, %dma_wait3A_383] : memref<50176x16xf32, #tpu.memory_space<hbm>> -> memref<50176x16xf32, #tpu.memory_space<hbm>>
      tpu.wait_indirect_dma semaphore(%arg10 : memref<!tpu.dma_semaphore, #tpu.memory_space<semaphore_mem>>) src(%dma_wait3A_384 : memref<50176x16xf32, #tpu.memory_space<hbm>>) dst(%dma_wait3A_374 : memref<128x16xf32, #tpu.memory_space<vmem>>)
    }
    %scan3A_282 = arith.constant 16 : i32
    %parallel_loop3A_283 = arith.constant 0 : i32
    %parallel_loop3A_284 = arith.constant 16 : i32
    %parallel_loop3A_285 = arith.constant 1 : i32
    scf.for %parallel_loop3A_367 = %parallel_loop3A_283 to %parallel_loop3A_284 step %parallel_loop3A_285  : i32 {
      %parallel_loop3A_368 = arith.constant 0 : i32
      %parallel_loop3A_369 = arith.addi %parallel_loop3A_368, %parallel_loop3A_367 : i32
      %parallel_loop3A_370 = arith.constant 48 : i32
      %parallel_loop3A_371 = arith.addi %parallel_loop3A_370, %parallel_loop3A_367 : i32
      %parallel_loop3A_372 = arith.constant 1 : i32
      %parallel_loop3A_373 = arith.constant 0 : i32
      %parallel_loop3A_374 = arith.constant 0 : i32
      %parallel_loop3A_375 = tpu.memref_slice %arg9[%parallel_loop3A_369, %parallel_loop3A_373, %parallel_loop3A_374] : memref<32x128x16xf32, #tpu.memory_space<vmem>> -> memref<1x128x16xf32, #tpu.memory_space<vmem>>
      %parallel_loop3A_376 = tpu.memref_squeeze %parallel_loop3A_375 : memref<1x128x16xf32, #tpu.memory_space<vmem>> -> memref<128x16xf32, #tpu.memory_space<vmem>>
      %parallel_loop3A_377 = arith.constant 0 : i32
      %parallel_loop3A_378 = tpu.memref_slice %arg8[%parallel_loop3A_371, %parallel_loop3A_377] : memref<74x128xi32, #tpu.memory_space<vmem>> -> memref<1x128xi32, #tpu.memory_space<vmem>>
      %parallel_loop3A_379 = tpu.memref_squeeze %parallel_loop3A_378 : memref<1x128xi32, #tpu.memory_space<vmem>> -> memref<128xi32, #tpu.memory_space<vmem>>
      %parallel_loop3A_380 = arith.constant 0 : i32
      %parallel_loop3A_381 = arith.constant 0 : i32
      %parallel_loop3A_382 = tpu.memref_slice %arg6[%parallel_loop3A_372, %parallel_loop3A_380, %parallel_loop3A_381] : memref<2x12544x16xf32, #tpu.memory_space<vmem_shared>> -> memref<1x12544x16xf32, #tpu.memory_space<vmem_shared>>
      %parallel_loop3A_383 = tpu.memref_squeeze %parallel_loop3A_382 : memref<1x12544x16xf32, #tpu.memory_space<vmem_shared>> -> memref<12544x16xf32, #tpu.memory_space<vmem_shared>>
      %parallel_loop3A_384 = arith.constant 0 : i32
      %parallel_loop3A_385 = arith.constant 0 : i32
      %parallel_loop3A_386 = tpu.memref_slice %parallel_loop3A_383[%parallel_loop3A_384, %parallel_loop3A_385] : memref<12544x16xf32, #tpu.memory_space<vmem_shared>> -> memref<12544x16xf32, #tpu.memory_space<vmem_shared>>
      tpu.enqueue_indirect_dma source(%parallel_loop3A_376 : memref<128x16xf32, #tpu.memory_space<vmem>>) target(%parallel_loop3A_386 : memref<12544x16xf32, #tpu.memory_space<vmem_shared>>) offsets(%parallel_loop3A_379 : memref<128xi32, #tpu.memory_space<vmem>>) semaphore(%arg11 : memref<!tpu.dma_semaphore, #tpu.memory_space<semaphore_mem>>) {add = true}
    } {sc.loop_unroll_factor = 4 : i64, sc.parallel_access}
    %scan3A_286 = arith.constant 0 : i32
    %scan3A_287 = arith.constant 0 : i32
    %scan3A_288 = arith.constant 16 : i32
    %scan3A_289 = arith.addi %scan3A_287, %scan3A_288 : i32
    %scan3A_290 = arith.constant 1 : i32
    scf.for %scan3A_367 = %scan3A_287 to %scan3A_289 step %scan3A_290  : i32 {
      %dma_wait3A_368 = arith.constant 0 : i32
      %dma_wait3A_369 = arith.constant 0 : i32
      %dma_wait3A_370 = arith.constant 0 : i32
      %dma_wait3A_371 = arith.constant 0 : i32
      %dma_wait3A_372 = arith.constant 0 : i32
      %dma_wait3A_373 = tpu.memref_slice %arg9[%dma_wait3A_368, %dma_wait3A_371, %dma_wait3A_372] : memref<32x128x16xf32, #tpu.memory_space<vmem>> -> memref<1x128x16xf32, #tpu.memory_space<vmem>>
      %dma_wait3A_374 = tpu.memref_squeeze %dma_wait3A_373 : memref<1x128x16xf32, #tpu.memory_space<vmem>> -> memref<128x16xf32, #tpu.memory_space<vmem>>
      %dma_wait3A_375 = arith.constant 0 : i32
      %dma_wait3A_376 = tpu.memref_slice %arg8[%dma_wait3A_370, %dma_wait3A_375] : memref<74x128xi32, #tpu.memory_space<vmem>> -> memref<1x128xi32, #tpu.memory_space<vmem>>
      %dma_wait3A_377 = tpu.memref_squeeze %dma_wait3A_376 : memref<1x128xi32, #tpu.memory_space<vmem>> -> memref<128xi32, #tpu.memory_space<vmem>>
      %dma_wait3A_378 = arith.constant 0 : i32
      %dma_wait3A_379 = arith.constant 0 : i32
      %dma_wait3A_380 = tpu.memref_slice %arg6[%dma_wait3A_369, %dma_wait3A_378, %dma_wait3A_379] : memref<2x12544x16xf32, #tpu.memory_space<vmem_shared>> -> memref<1x12544x16xf32, #tpu.memory_space<vmem_shared>>
      %dma_wait3A_381 = tpu.memref_squeeze %dma_wait3A_380 : memref<1x12544x16xf32, #tpu.memory_space<vmem_shared>> -> memref<12544x16xf32, #tpu.memory_space<vmem_shared>>
      %dma_wait3A_382 = arith.constant 0 : i32
      %dma_wait3A_383 = arith.constant 0 : i32
      %dma_wait3A_384 = tpu.memref_slice %dma_wait3A_381[%dma_wait3A_382, %dma_wait3A_383] : memref<12544x16xf32, #tpu.memory_space<vmem_shared>> -> memref<12544x16xf32, #tpu.memory_space<vmem_shared>>
      tpu.wait_indirect_dma semaphore(%arg11 : memref<!tpu.dma_semaphore, #tpu.memory_space<semaphore_mem>>) src(%dma_wait3A_374 : memref<128x16xf32, #tpu.memory_space<vmem>>) dst(%dma_wait3A_384 : memref<12544x16xf32, #tpu.memory_space<vmem_shared>>)
    }
    %scan3A_291 = arith.constant 16 : i32
    %parallel_loop3A_292 = arith.constant 0 : i32
    %parallel_loop3A_293 = arith.constant 10 : i32
    %parallel_loop3A_294 = arith.constant 1 : i32
    scf.for %parallel_loop3A_367 = %parallel_loop3A_292 to %parallel_loop3A_293 step %parallel_loop3A_294  : i32 {
      %parallel_loop3A_368 = arith.constant 64 : i32
      %parallel_loop3A_369 = arith.addi %parallel_loop3A_368, %parallel_loop3A_367 : i32
      %parallel_loop3A_370 = arith.constant 16 : i32
      %parallel_loop3A_371 = arith.addi %parallel_loop3A_370, %parallel_loop3A_367 : i32
      %parallel_loop3A_372 = arith.constant 1 : i32
      %parallel_loop3A_373 = arith.constant 0 : i32
      %parallel_loop3A_374 = arith.constant 0 : i32
      %parallel_loop3A_375 = tpu.memref_slice %arg9[%parallel_loop3A_371, %parallel_loop3A_373, %parallel_loop3A_374] : memref<32x128x16xf32, #tpu.memory_space<vmem>> -> memref<1x128x16xf32, #tpu.memory_space<vmem>>
      %parallel_loop3A_376 = tpu.memref_squeeze %parallel_loop3A_375 : memref<1x128x16xf32, #tpu.memory_space<vmem>> -> memref<128x16xf32, #tpu.memory_space<vmem>>
      %parallel_loop3A_377 = arith.constant 0 : i32
      %parallel_loop3A_378 = arith.constant 0 : i32
      %parallel_loop3A_379 = tpu.memref_slice %arg7[%parallel_loop3A_372, %parallel_loop3A_377, %parallel_loop3A_378] : memref<2x74x128xi32, #tpu.memory_space<vmem>> -> memref<1x74x128xi32, #tpu.memory_space<vmem>>
      %parallel_loop3A_380 = tpu.memref_squeeze %parallel_loop3A_379 : memref<1x74x128xi32, #tpu.memory_space<vmem>> -> memref<74x128xi32, #tpu.memory_space<vmem>>
      %parallel_loop3A_381 = arith.constant 0 : i32
      %parallel_loop3A_382 = tpu.memref_slice %parallel_loop3A_380[%parallel_loop3A_369, %parallel_loop3A_381] : memref<74x128xi32, #tpu.memory_space<vmem>> -> memref<1x128xi32, #tpu.memory_space<vmem>>
      %parallel_loop3A_383 = tpu.memref_squeeze %parallel_loop3A_382 : memref<1x128xi32, #tpu.memory_space<vmem>> -> memref<128xi32, #tpu.memory_space<vmem>>
      %parallel_loop3A_384 = arith.constant 0 : i32
      %parallel_loop3A_385 = arith.constant 0 : i32
      %parallel_loop3A_386 = tpu.memref_slice %arg2[%parallel_loop3A_384, %parallel_loop3A_385] : memref<50176x16xf32, #tpu.memory_space<hbm>> -> memref<50176x16xf32, #tpu.memory_space<hbm>>
      tpu.enqueue_indirect_dma source(%parallel_loop3A_386 : memref<50176x16xf32, #tpu.memory_space<hbm>>) target(%parallel_loop3A_376 : memref<128x16xf32, #tpu.memory_space<vmem>>) offsets(%parallel_loop3A_383 : memref<128xi32, #tpu.memory_space<vmem>>) semaphore(%arg10 : memref<!tpu.dma_semaphore, #tpu.memory_space<semaphore_mem>>)
    } {sc.loop_unroll_factor = 4 : i64, sc.parallel_access}
    %scan3A_295 = arith.constant 0 : i32
    %scan3A_296 = arith.constant 0 : i32
    %scan3A_297 = arith.constant 10 : i32
    %scan3A_298 = arith.addi %scan3A_296, %scan3A_297 : i32
    %scan3A_299 = arith.constant 1 : i32
    scf.for %scan3A_367 = %scan3A_296 to %scan3A_298 step %scan3A_299  : i32 {
      %dma_wait3A_368 = arith.constant 0 : i32
      %dma_wait3A_369 = arith.constant 0 : i32
      %dma_wait3A_370 = arith.constant 0 : i32
      %dma_wait3A_371 = arith.constant 0 : i32
      %dma_wait3A_372 = arith.constant 0 : i32
      %dma_wait3A_373 = tpu.memref_slice %arg9[%dma_wait3A_370, %dma_wait3A_371, %dma_wait3A_372] : memref<32x128x16xf32, #tpu.memory_space<vmem>> -> memref<1x128x16xf32, #tpu.memory_space<vmem>>
      %dma_wait3A_374 = tpu.memref_squeeze %dma_wait3A_373 : memref<1x128x16xf32, #tpu.memory_space<vmem>> -> memref<128x16xf32, #tpu.memory_space<vmem>>
      %dma_wait3A_375 = arith.constant 0 : i32
      %dma_wait3A_376 = arith.constant 0 : i32
      %dma_wait3A_377 = tpu.memref_slice %arg7[%dma_wait3A_368, %dma_wait3A_375, %dma_wait3A_376] : memref<2x74x128xi32, #tpu.memory_space<vmem>> -> memref<1x74x128xi32, #tpu.memory_space<vmem>>
      %dma_wait3A_378 = tpu.memref_squeeze %dma_wait3A_377 : memref<1x74x128xi32, #tpu.memory_space<vmem>> -> memref<74x128xi32, #tpu.memory_space<vmem>>
      %dma_wait3A_379 = arith.constant 0 : i32
      %dma_wait3A_380 = tpu.memref_slice %dma_wait3A_378[%dma_wait3A_369, %dma_wait3A_379] : memref<74x128xi32, #tpu.memory_space<vmem>> -> memref<1x128xi32, #tpu.memory_space<vmem>>
      %dma_wait3A_381 = tpu.memref_squeeze %dma_wait3A_380 : memref<1x128xi32, #tpu.memory_space<vmem>> -> memref<128xi32, #tpu.memory_space<vmem>>
      %dma_wait3A_382 = arith.constant 0 : i32
      %dma_wait3A_383 = arith.constant 0 : i32
      %dma_wait3A_384 = tpu.memref_slice %arg2[%dma_wait3A_382, %dma_wait3A_383] : memref<50176x16xf32, #tpu.memory_space<hbm>> -> memref<50176x16xf32, #tpu.memory_space<hbm>>
      tpu.wait_indirect_dma semaphore(%arg10 : memref<!tpu.dma_semaphore, #tpu.memory_space<semaphore_mem>>) src(%dma_wait3A_384 : memref<50176x16xf32, #tpu.memory_space<hbm>>) dst(%dma_wait3A_374 : memref<128x16xf32, #tpu.memory_space<vmem>>)
    }
    %scan3A_300 = arith.constant 10 : i32
    %parallel_loop3A_301 = arith.constant 0 : i32
    %parallel_loop3A_302 = arith.constant 10 : i32
    %parallel_loop3A_303 = arith.constant 1 : i32
    scf.for %parallel_loop3A_367 = %parallel_loop3A_301 to %parallel_loop3A_302 step %parallel_loop3A_303  : i32 {
      %parallel_loop3A_368 = arith.constant 16 : i32
      %parallel_loop3A_369 = arith.addi %parallel_loop3A_368, %parallel_loop3A_367 : i32
      %parallel_loop3A_370 = arith.constant 64 : i32
      %parallel_loop3A_371 = arith.addi %parallel_loop3A_370, %parallel_loop3A_367 : i32
      %parallel_loop3A_372 = arith.constant 1 : i32
      %parallel_loop3A_373 = arith.constant 0 : i32
      %parallel_loop3A_374 = arith.constant 0 : i32
      %parallel_loop3A_375 = tpu.memref_slice %arg9[%parallel_loop3A_369, %parallel_loop3A_373, %parallel_loop3A_374] : memref<32x128x16xf32, #tpu.memory_space<vmem>> -> memref<1x128x16xf32, #tpu.memory_space<vmem>>
      %parallel_loop3A_376 = tpu.memref_squeeze %parallel_loop3A_375 : memref<1x128x16xf32, #tpu.memory_space<vmem>> -> memref<128x16xf32, #tpu.memory_space<vmem>>
      %parallel_loop3A_377 = arith.constant 0 : i32
      %parallel_loop3A_378 = tpu.memref_slice %arg8[%parallel_loop3A_371, %parallel_loop3A_377] : memref<74x128xi32, #tpu.memory_space<vmem>> -> memref<1x128xi32, #tpu.memory_space<vmem>>
      %parallel_loop3A_379 = tpu.memref_squeeze %parallel_loop3A_378 : memref<1x128xi32, #tpu.memory_space<vmem>> -> memref<128xi32, #tpu.memory_space<vmem>>
      %parallel_loop3A_380 = arith.constant 0 : i32
      %parallel_loop3A_381 = arith.constant 0 : i32
      %parallel_loop3A_382 = tpu.memref_slice %arg6[%parallel_loop3A_372, %parallel_loop3A_380, %parallel_loop3A_381] : memref<2x12544x16xf32, #tpu.memory_space<vmem_shared>> -> memref<1x12544x16xf32, #tpu.memory_space<vmem_shared>>
      %parallel_loop3A_383 = tpu.memref_squeeze %parallel_loop3A_382 : memref<1x12544x16xf32, #tpu.memory_space<vmem_shared>> -> memref<12544x16xf32, #tpu.memory_space<vmem_shared>>
      %parallel_loop3A_384 = arith.constant 0 : i32
      %parallel_loop3A_385 = arith.constant 0 : i32
      %parallel_loop3A_386 = tpu.memref_slice %parallel_loop3A_383[%parallel_loop3A_384, %parallel_loop3A_385] : memref<12544x16xf32, #tpu.memory_space<vmem_shared>> -> memref<12544x16xf32, #tpu.memory_space<vmem_shared>>
      tpu.enqueue_indirect_dma source(%parallel_loop3A_376 : memref<128x16xf32, #tpu.memory_space<vmem>>) target(%parallel_loop3A_386 : memref<12544x16xf32, #tpu.memory_space<vmem_shared>>) offsets(%parallel_loop3A_379 : memref<128xi32, #tpu.memory_space<vmem>>) semaphore(%arg11 : memref<!tpu.dma_semaphore, #tpu.memory_space<semaphore_mem>>) {add = true}
    } {sc.loop_unroll_factor = 4 : i64, sc.parallel_access}
    %scan3A_304 = arith.constant 0 : i32
    %scan3A_305 = arith.constant 0 : i32
    %scan3A_306 = arith.constant 16 : i32
    %scan3A_307 = arith.addi %scan3A_305, %scan3A_306 : i32
    %scan3A_308 = arith.constant 1 : i32
    scf.for %scan3A_367 = %scan3A_305 to %scan3A_307 step %scan3A_308  : i32 {
      %dma_wait3A_368 = arith.constant 0 : i32
      %dma_wait3A_369 = arith.constant 0 : i32
      %dma_wait3A_370 = arith.constant 0 : i32
      %dma_wait3A_371 = arith.constant 0 : i32
      %dma_wait3A_372 = arith.constant 0 : i32
      %dma_wait3A_373 = tpu.memref_slice %arg9[%dma_wait3A_368, %dma_wait3A_371, %dma_wait3A_372] : memref<32x128x16xf32, #tpu.memory_space<vmem>> -> memref<1x128x16xf32, #tpu.memory_space<vmem>>
      %dma_wait3A_374 = tpu.memref_squeeze %dma_wait3A_373 : memref<1x128x16xf32, #tpu.memory_space<vmem>> -> memref<128x16xf32, #tpu.memory_space<vmem>>
      %dma_wait3A_375 = arith.constant 0 : i32
      %dma_wait3A_376 = tpu.memref_slice %arg8[%dma_wait3A_370, %dma_wait3A_375] : memref<74x128xi32, #tpu.memory_space<vmem>> -> memref<1x128xi32, #tpu.memory_space<vmem>>
      %dma_wait3A_377 = tpu.memref_squeeze %dma_wait3A_376 : memref<1x128xi32, #tpu.memory_space<vmem>> -> memref<128xi32, #tpu.memory_space<vmem>>
      %dma_wait3A_378 = arith.constant 0 : i32
      %dma_wait3A_379 = arith.constant 0 : i32
      %dma_wait3A_380 = tpu.memref_slice %arg6[%dma_wait3A_369, %dma_wait3A_378, %dma_wait3A_379] : memref<2x12544x16xf32, #tpu.memory_space<vmem_shared>> -> memref<1x12544x16xf32, #tpu.memory_space<vmem_shared>>
      %dma_wait3A_381 = tpu.memref_squeeze %dma_wait3A_380 : memref<1x12544x16xf32, #tpu.memory_space<vmem_shared>> -> memref<12544x16xf32, #tpu.memory_space<vmem_shared>>
      %dma_wait3A_382 = arith.constant 0 : i32
      %dma_wait3A_383 = arith.constant 0 : i32
      %dma_wait3A_384 = tpu.memref_slice %dma_wait3A_381[%dma_wait3A_382, %dma_wait3A_383] : memref<12544x16xf32, #tpu.memory_space<vmem_shared>> -> memref<12544x16xf32, #tpu.memory_space<vmem_shared>>
      tpu.wait_indirect_dma semaphore(%arg11 : memref<!tpu.dma_semaphore, #tpu.memory_space<semaphore_mem>>) src(%dma_wait3A_374 : memref<128x16xf32, #tpu.memory_space<vmem>>) dst(%dma_wait3A_384 : memref<12544x16xf32, #tpu.memory_space<vmem_shared>>)
    }
    %scan3A_309 = arith.constant 16 : i32
    %scan3A_310 = arith.constant 0 : i32
    %scan3A_311 = arith.constant 0 : i32
    %scan3A_312 = arith.constant 10 : i32
    %scan3A_313 = arith.addi %scan3A_311, %scan3A_312 : i32
    %scan3A_314 = arith.constant 1 : i32
    scf.for %scan3A_367 = %scan3A_311 to %scan3A_313 step %scan3A_314  : i32 {
      %dma_wait3A_368 = arith.constant 0 : i32
      %dma_wait3A_369 = arith.constant 0 : i32
      %dma_wait3A_370 = arith.constant 0 : i32
      %dma_wait3A_371 = arith.constant 0 : i32
      %dma_wait3A_372 = arith.constant 0 : i32
      %dma_wait3A_373 = tpu.memref_slice %arg9[%dma_wait3A_368, %dma_wait3A_371, %dma_wait3A_372] : memref<32x128x16xf32, #tpu.memory_space<vmem>> -> memref<1x128x16xf32, #tpu.memory_space<vmem>>
      %dma_wait3A_374 = tpu.memref_squeeze %dma_wait3A_373 : memref<1x128x16xf32, #tpu.memory_space<vmem>> -> memref<128x16xf32, #tpu.memory_space<vmem>>
      %dma_wait3A_375 = arith.constant 0 : i32
      %dma_wait3A_376 = tpu.memref_slice %arg8[%dma_wait3A_370, %dma_wait3A_375] : memref<74x128xi32, #tpu.memory_space<vmem>> -> memref<1x128xi32, #tpu.memory_space<vmem>>
      %dma_wait3A_377 = tpu.memref_squeeze %dma_wait3A_376 : memref<1x128xi32, #tpu.memory_space<vmem>> -> memref<128xi32, #tpu.memory_space<vmem>>
      %dma_wait3A_378 = arith.constant 0 : i32
      %dma_wait3A_379 = arith.constant 0 : i32
      %dma_wait3A_380 = tpu.memref_slice %arg6[%dma_wait3A_369, %dma_wait3A_378, %dma_wait3A_379] : memref<2x12544x16xf32, #tpu.memory_space<vmem_shared>> -> memref<1x12544x16xf32, #tpu.memory_space<vmem_shared>>
      %dma_wait3A_381 = tpu.memref_squeeze %dma_wait3A_380 : memref<1x12544x16xf32, #tpu.memory_space<vmem_shared>> -> memref<12544x16xf32, #tpu.memory_space<vmem_shared>>
      %dma_wait3A_382 = arith.constant 0 : i32
      %dma_wait3A_383 = arith.constant 0 : i32
      %dma_wait3A_384 = tpu.memref_slice %dma_wait3A_381[%dma_wait3A_382, %dma_wait3A_383] : memref<12544x16xf32, #tpu.memory_space<vmem_shared>> -> memref<12544x16xf32, #tpu.memory_space<vmem_shared>>
      tpu.wait_indirect_dma semaphore(%arg11 : memref<!tpu.dma_semaphore, #tpu.memory_space<semaphore_mem>>) src(%dma_wait3A_374 : memref<128x16xf32, #tpu.memory_space<vmem>>) dst(%dma_wait3A_384 : memref<12544x16xf32, #tpu.memory_space<vmem_shared>>)
    }
    %scan3A_315 = arith.constant 10 : i32
    %barrier3A_316 = arith.constant 0 : index
    tpu.barrier barrier_id(%barrier3A_316)
    %mul3A_317 = arith.constant 2 : i32
    %mul3A_318 = arith.muli %arg0, %mul3A_317 : i32
    %add3A_319 = arith.constant 0 : i32
    %add3A_320 = arith.addi %mul3A_318, %add3A_319 : i32
    %mul3A_321 = arith.constant 12544 : i32
    %mul3A_322 = arith.muli %add3A_320, %mul3A_321 : i32
    %add3A_323 = arith.addi %mul3A_322, %mul3A_0 : i32
    %dma_start3A_324 = arith.constant 0 : i32
    %dma_start3A_325 = arith.constant 0 : i32
    %dma_start3A_326 = tpu.memref_slice %arg5[%add3A_323, %dma_start3A_325] : memref<50176x16xf32, #tpu.memory_space<hbm>> -> memref<784x16xf32, #tpu.memory_space<hbm>>
    %dma_start3A_327 = arith.constant 0 : i32
    %dma_start3A_328 = arith.constant 0 : i32
    %dma_start3A_329 = tpu.memref_slice %arg6[%dma_start3A_324, %dma_start3A_327, %dma_start3A_328] : memref<2x12544x16xf32, #tpu.memory_space<vmem_shared>> -> memref<1x12544x16xf32, #tpu.memory_space<vmem_shared>>
    %dma_start3A_330 = tpu.memref_squeeze %dma_start3A_329 : memref<1x12544x16xf32, #tpu.memory_space<vmem_shared>> -> memref<12544x16xf32, #tpu.memory_space<vmem_shared>>
    %dma_start3A_331 = arith.constant 0 : i32
    %dma_start3A_332 = tpu.memref_slice %dma_start3A_330[%mul3A_0, %dma_start3A_331] : memref<12544x16xf32, #tpu.memory_space<vmem_shared>> -> memref<784x16xf32, #tpu.memory_space<vmem_shared>>
    tpu.enqueue_dma source(%dma_start3A_332 : memref<784x16xf32, #tpu.memory_space<vmem_shared>>) target(%dma_start3A_326 : memref<784x16xf32, #tpu.memory_space<hbm>>) target_semaphore(%arg12 : memref<!tpu.dma_semaphore, #tpu.memory_space<semaphore_mem>>)
    %mul3A_333 = arith.constant 2 : i32
    %mul3A_334 = arith.muli %arg0, %mul3A_333 : i32
    %add3A_335 = arith.constant 1 : i32
    %add3A_336 = arith.addi %mul3A_334, %add3A_335 : i32
    %mul3A_337 = arith.constant 12544 : i32
    %mul3A_338 = arith.muli %add3A_336, %mul3A_337 : i32
    %add3A_339 = arith.addi %mul3A_338, %mul3A_0 : i32
    %dma_start3A_340 = arith.constant 1 : i32
    %dma_start3A_341 = arith.constant 0 : i32
    %dma_start3A_342 = tpu.memref_slice %arg5[%add3A_339, %dma_start3A_341] : memref<50176x16xf32, #tpu.memory_space<hbm>> -> memref<784x16xf32, #tpu.memory_space<hbm>>
    %dma_start3A_343 = arith.constant 0 : i32
    %dma_start3A_344 = arith.constant 0 : i32
    %dma_start3A_345 = tpu.memref_slice %arg6[%dma_start3A_340, %dma_start3A_343, %dma_start3A_344] : memref<2x12544x16xf32, #tpu.memory_space<vmem_shared>> -> memref<1x12544x16xf32, #tpu.memory_space<vmem_shared>>
    %dma_start3A_346 = tpu.memref_squeeze %dma_start3A_345 : memref<1x12544x16xf32, #tpu.memory_space<vmem_shared>> -> memref<12544x16xf32, #tpu.memory_space<vmem_shared>>
    %dma_start3A_347 = arith.constant 0 : i32
    %dma_start3A_348 = tpu.memref_slice %dma_start3A_346[%mul3A_0, %dma_start3A_347] : memref<12544x16xf32, #tpu.memory_space<vmem_shared>> -> memref<784x16xf32, #tpu.memory_space<vmem_shared>>
    tpu.enqueue_dma source(%dma_start3A_348 : memref<784x16xf32, #tpu.memory_space<vmem_shared>>) target(%dma_start3A_342 : memref<784x16xf32, #tpu.memory_space<hbm>>) target_semaphore(%arg12 : memref<!tpu.dma_semaphore, #tpu.memory_space<semaphore_mem>>)
    %dma_wait3A_349 = arith.constant 0 : i32
    %dma_wait3A_350 = arith.constant 0 : i32
    %dma_wait3A_351 = tpu.memref_slice %arg5[%mul3A_0, %dma_wait3A_350] : memref<50176x16xf32, #tpu.memory_space<hbm>> -> memref<784x16xf32, #tpu.memory_space<hbm>>
    %dma_wait3A_352 = arith.constant 0 : i32
    %dma_wait3A_353 = arith.constant 0 : i32
    %dma_wait3A_354 = tpu.memref_slice %arg6[%dma_wait3A_349, %dma_wait3A_352, %dma_wait3A_353] : memref<2x12544x16xf32, #tpu.memory_space<vmem_shared>> -> memref<1x12544x16xf32, #tpu.memory_space<vmem_shared>>
    %dma_wait3A_355 = tpu.memref_squeeze %dma_wait3A_354 : memref<1x12544x16xf32, #tpu.memory_space<vmem_shared>> -> memref<12544x16xf32, #tpu.memory_space<vmem_shared>>
    %dma_wait3A_356 = arith.constant 0 : i32
    %dma_wait3A_357 = tpu.memref_slice %dma_wait3A_355[%mul3A_0, %dma_wait3A_356] : memref<12544x16xf32, #tpu.memory_space<vmem_shared>> -> memref<784x16xf32, #tpu.memory_space<vmem_shared>>
    tpu.wait_dma2 semaphore(%arg12 : memref<!tpu.dma_semaphore, #tpu.memory_space<semaphore_mem>>) src(%dma_wait3A_357 : memref<784x16xf32, #tpu.memory_space<vmem_shared>>) dst(%dma_wait3A_351 : memref<784x16xf32, #tpu.memory_space<hbm>>)
    %dma_wait3A_358 = arith.constant 1 : i32
    %dma_wait3A_359 = arith.constant 0 : i32
    %dma_wait3A_360 = tpu.memref_slice %arg5[%mul3A_0, %dma_wait3A_359] : memref<50176x16xf32, #tpu.memory_space<hbm>> -> memref<784x16xf32, #tpu.memory_space<hbm>>
    %dma_wait3A_361 = arith.constant 0 : i32
    %dma_wait3A_362 = arith.constant 0 : i32
    %dma_wait3A_363 = tpu.memref_slice %arg6[%dma_wait3A_358, %dma_wait3A_361, %dma_wait3A_362] : memref<2x12544x16xf32, #tpu.memory_space<vmem_shared>> -> memref<1x12544x16xf32, #tpu.memory_space<vmem_shared>>
    %dma_wait3A_364 = tpu.memref_squeeze %dma_wait3A_363 : memref<1x12544x16xf32, #tpu.memory_space<vmem_shared>> -> memref<12544x16xf32, #tpu.memory_space<vmem_shared>>
    %dma_wait3A_365 = arith.constant 0 : i32
    %dma_wait3A_366 = tpu.memref_slice %dma_wait3A_364[%mul3A_0, %dma_wait3A_365] : memref<12544x16xf32, #tpu.memory_space<vmem_shared>> -> memref<784x16xf32, #tpu.memory_space<vmem_shared>>
    tpu.wait_dma2 semaphore(%arg12 : memref<!tpu.dma_semaphore, #tpu.memory_space<semaphore_mem>>) src(%dma_wait3A_366 : memref<784x16xf32, #tpu.memory_space<vmem_shared>>) dst(%dma_wait3A_360 : memref<784x16xf32, #tpu.memory_space<hbm>>)
    return
  }
}

module attributes {stable_mosaic.version = 14 : i64} {
  func.func @body(%arg0: i32, %arg1: memref<1x12500x128xf32, #tpu.memory_space<vmem>>, %arg2: memref<128x16xf32, #tpu.memory_space<vmem>>, %arg3: memref<2x12544x16xf32, #tpu.memory_space<vmem>>, %arg4: memref<1x12544x16xf32, #tpu.memory_space<vmem>>) attributes {dimension_semantics = [#tpu.dimension_semantics<arbitrary>], iteration_bounds = array<i64: 4>, scalar_prefetch = 0 : i64, scratch_operands = 0 : i64, tpu.core_type = #tpu.core_type<tc>, window_params = [{transform_indices = @transform_0, window_bounds = array<i64: 1, 12500, 128>}, {pipeline_mode = #tpu.pipeline_mode<synchronous>, transform_indices = @transform_1, window_bounds = array<i64: 128, 16>}, {pipeline_mode = #tpu.pipeline_mode<synchronous>, transform_indices = @transform_2, window_bounds = array<i64: 2, 12544, 16>}, {transform_indices = @transform_3, window_bounds = array<i64: 1, 12544, 16>}]} {
    %get3A = arith.constant 0 : index
    %get3A_0 = arith.constant 0 : index
    %get3A_1 = arith.constant 0 : index
    %get3A_2 = vector.load %arg3[%get3A, %get3A_0, %get3A_1] : memref<2x12544x16xf32, #tpu.memory_space<vmem>>, vector<2x12544x16xf32>
    %slice3A = vector.extract_strided_slice %get3A_2 {offsets = [0, 0, 0], sizes = [1, 12500, 16], strides = [1, 1, 1]} : vector<2x12544x16xf32> to vector<1x12500x16xf32>
    %squeeze3A = vector.shape_cast %slice3A : vector<1x12500x16xf32> to vector<12500x16xf32>
    %slice3A_3 = vector.extract_strided_slice %get3A_2 {offsets = [1, 0, 0], sizes = [1, 12500, 16], strides = [1, 1, 1]} : vector<2x12544x16xf32> to vector<1x12500x16xf32>
    %squeeze3A_4 = vector.shape_cast %slice3A_3 : vector<1x12500x16xf32> to vector<12500x16xf32>
    %add3A = arith.addf %squeeze3A, %squeeze3A_4 : vector<12500x16xf32>
    %add3A_5 = arith.constant 1.000000e+00 : f32
    %add3A_6 = vector.broadcast %add3A_5 : f32 to vector<12500x16xf32>
    %add3A_7 = arith.addf %add3A, %add3A_6 : vector<12500x16xf32>
    %rsqrt3A = math.rsqrt %add3A_7 : vector<12500x16xf32>
    %get3A_8 = arith.constant 0 : index
    %get3A_9 = arith.constant 0 : index
    %get3A_10 = arith.constant 0 : index
    %get3A_11 = vector.load %arg1[%get3A_8, %get3A_9, %get3A_10] : memref<1x12500x128xf32, #tpu.memory_space<vmem>>, vector<1x12500x128xf32>
    %get3A_12 = vector.shape_cast %get3A_11 : vector<1x12500x128xf32> to vector<12500x128xf32>
    %get3A_13 = arith.constant 0 : index
    %get3A_14 = arith.constant 0 : index
    %get3A_15 = vector.load %arg2[%get3A_13, %get3A_14] : memref<128x16xf32, #tpu.memory_space<vmem>>, vector<128x16xf32>
    %dot_general3A = arith.constant dense<0.000000e+00> : vector<12500x16xf32>
    %dot_general3A_16 = tpu.matmul %get3A_12, %get3A_15, %dot_general3A {dimension_numbers = #tpu.dot_dimension_numbers<[1], [0], [0], [1], [0, 0, 1, 1], [], []>, transpose_lhs_hint = false} : vector<12500x128xf32>, vector<128x16xf32>, vector<12500x16xf32> -> vector<12500x16xf32>
    %mul3A = arith.mulf %rsqrt3A, %dot_general3A_16 : vector<12500x16xf32>
    %broadcast_in_dim3A = arith.constant 0.000000e+00 : f32
    %broadcast_in_dim3A_17 = vector.broadcast %broadcast_in_dim3A : f32 to vector<44x16xf32>
    %concatenate3A = tpu.concatenate %mul3A, %broadcast_in_dim3A_17 in 0 : vector<12500x16xf32>, vector<44x16xf32> -> vector<12544x16xf32>
    %swap3A = arith.constant 0 : index
    %swap3A_18 = arith.constant 0 : index
    %swap3A_19 = arith.constant 0 : index
    %swap3A_20 = vector.load %arg4[%swap3A, %swap3A_18, %swap3A_19] : memref<1x12544x16xf32, #tpu.memory_space<vmem>>, vector<1x12544x16xf32>
    %swap3A_21 = vector.shape_cast %swap3A_20 : vector<1x12544x16xf32> to vector<12544x16xf32>
    %swap3A_22 = vector.shape_cast %concatenate3A : vector<12544x16xf32> to vector<1x12544x16xf32>
    tpu.vector_store %arg4[%swap3A, %swap3A_18, %swap3A_19], %swap3A_22 {strides = array<i32>} : memref<1x12544x16xf32, #tpu.memory_space<vmem>>, vector<1x12544x16xf32>,
    return
  }
  func.func @transform_0(%arg0: i32) -> (i32, i32, i32) {
    %c0_i32 = arith.constant 0 : i32
    %c0_i32_0 = arith.constant 0 : i32
    %c0_i32_1 = arith.constant 0 : i32
    return %arg0, %c0_i32, %c0_i32_0 : i32, i32, i32
  }
  func.func @transform_1(%arg0: i32) -> (i32, i32) {
    %c0_i32 = arith.constant 0 : i32
    %c0_i32_0 = arith.constant 0 : i32
    %c0_i32_1 = arith.constant 0 : i32
    return %c0_i32, %c0_i32_0 : i32, i32
  }
  func.func @transform_2(%arg0: i32) -> (i32, i32, i32) {
    %c0_i32 = arith.constant 0 : i32
    %c0_i32_0 = arith.constant 0 : i32
    %c0_i32_1 = arith.constant 0 : i32
    %c0_i32_2 = arith.constant 0 : i32
    return %c0_i32, %c0_i32_0, %c0_i32_1 : i32, i32, i32
  }
  func.func @transform_3(%arg0: i32) -> (i32, i32, i32) {
    %c0_i32 = arith.constant 0 : i32
    %c0_i32_0 = arith.constant 0 : i32
    %c0_i32_1 = arith.constant 0 : i32
    return %arg0, %c0_i32, %c0_i32_0 : i32, i32, i32
  }
}

module attributes {stable_mosaic.version = 14 : i64} {
  func.func @body(%arg0: i32, %arg1: memref<1x12544x16xf32, #tpu.memory_space<vmem>>, %arg2: memref<2x12544x16xf32, #tpu.memory_space<vmem>>, %arg3: memref<16x16xf32, #tpu.memory_space<vmem>>, %arg4: memref<1x16xf32, #tpu.memory_space<vmem>>, %arg5: memref<1x12544x16xf32, #tpu.memory_space<vmem>>) attributes {dimension_semantics = [#tpu.dimension_semantics<arbitrary>], iteration_bounds = array<i64: 4>, scalar_prefetch = 0 : i64, scratch_operands = 0 : i64, tpu.core_type = #tpu.core_type<tc>, window_params = [{transform_indices = @transform_0, window_bounds = array<i64: 1, 12544, 16>}, {pipeline_mode = #tpu.pipeline_mode<synchronous>, transform_indices = @transform_1, window_bounds = array<i64: 2, 12544, 16>}, {pipeline_mode = #tpu.pipeline_mode<synchronous>, transform_indices = @transform_2, window_bounds = array<i64: 16, 16>}, {pipeline_mode = #tpu.pipeline_mode<synchronous>, transform_indices = @transform_3, window_bounds = array<i64: 1, 16>}, {transform_indices = @transform_4, window_bounds = array<i64: 1, 12544, 16>}]} {
    %get3A = arith.constant 0 : index
    %get3A_0 = arith.constant 0 : index
    %get3A_1 = arith.constant 0 : index
    %get3A_2 = vector.load %arg2[%get3A, %get3A_0, %get3A_1] : memref<2x12544x16xf32, #tpu.memory_space<vmem>>, vector<2x12544x16xf32>
    %slice3A = vector.extract_strided_slice %get3A_2 {offsets = [0, 0, 0], sizes = [1, 12500, 16], strides = [1, 1, 1]} : vector<2x12544x16xf32> to vector<1x12500x16xf32>
    %squeeze3A = vector.shape_cast %slice3A : vector<1x12500x16xf32> to vector<12500x16xf32>
    %slice3A_3 = vector.extract_strided_slice %get3A_2 {offsets = [1, 0, 0], sizes = [1, 12500, 16], strides = [1, 1, 1]} : vector<2x12544x16xf32> to vector<1x12500x16xf32>
    %squeeze3A_4 = vector.shape_cast %slice3A_3 : vector<1x12500x16xf32> to vector<12500x16xf32>
    %add3A = arith.addf %squeeze3A, %squeeze3A_4 : vector<12500x16xf32>
    %add3A_5 = arith.constant 1.000000e+00 : f32
    %add3A_6 = vector.broadcast %add3A_5 : f32 to vector<12500x16xf32>
    %add3A_7 = arith.addf %add3A, %add3A_6 : vector<12500x16xf32>
    %rsqrt3A = math.rsqrt %add3A_7 : vector<12500x16xf32>
    %get3A_8 = arith.constant 0 : index
    %get3A_9 = arith.constant 0 : index
    %get3A_10 = arith.constant 0 : index
    %get3A_11 = vector.load %arg1[%get3A_8, %get3A_9, %get3A_10] : memref<1x12544x16xf32, #tpu.memory_space<vmem>>, vector<1x12500x16xf32>
    %get3A_12 = vector.shape_cast %get3A_11 : vector<1x12500x16xf32> to vector<12500x16xf32>
    %mul3A = arith.mulf %rsqrt3A, %get3A_12 : vector<12500x16xf32>
    %get3A_13 = arith.constant 0 : index
    %get3A_14 = arith.constant 0 : index
    %get3A_15 = vector.load %arg4[%get3A_13, %get3A_14] : memref<1x16xf32, #tpu.memory_space<vmem>>, vector<1x16xf32>
    %add3A_16 = vector.broadcast %get3A_15 : vector<1x16xf32> to vector<12500x16xf32>
    %add3A_17 = arith.addf %mul3A, %add3A_16 : vector<12500x16xf32>
    %max3A = arith.constant 0.000000e+00 : f32
    %max3A_18 = vector.broadcast %max3A : f32 to vector<12500x16xf32>
    %max3A_19 = arith.maximumf %add3A_17, %max3A_18 : vector<12500x16xf32>
    %get3A_20 = arith.constant 0 : index
    %get3A_21 = arith.constant 0 : index
    %get3A_22 = vector.load %arg3[%get3A_20, %get3A_21] : memref<16x16xf32, #tpu.memory_space<vmem>>, vector<16x16xf32>
    %dot_general3A = arith.constant dense<0.000000e+00> : vector<12500x16xf32>
    %dot_general3A_23 = tpu.matmul %max3A_19, %get3A_22, %dot_general3A {dimension_numbers = #tpu.dot_dimension_numbers<[1], [0], [0], [1], [0, 0, 1, 1], [], []>, transpose_lhs_hint = false} : vector<12500x16xf32>, vector<16x16xf32>, vector<12500x16xf32> -> vector<12500x16xf32>
    %mul3A_24 = arith.mulf %rsqrt3A, %dot_general3A_23 : vector<12500x16xf32>
    %broadcast_in_dim3A = arith.constant 0.000000e+00 : f32
    %broadcast_in_dim3A_25 = vector.broadcast %broadcast_in_dim3A : f32 to vector<44x16xf32>
    %concatenate3A = tpu.concatenate %mul3A_24, %broadcast_in_dim3A_25 in 0 : vector<12500x16xf32>, vector<44x16xf32> -> vector<12544x16xf32>
    %swap3A = arith.constant 0 : index
    %swap3A_26 = arith.constant 0 : index
    %swap3A_27 = arith.constant 0 : index
    %swap3A_28 = vector.load %arg5[%swap3A, %swap3A_26, %swap3A_27] : memref<1x12544x16xf32, #tpu.memory_space<vmem>>, vector<1x12544x16xf32>
    %swap3A_29 = vector.shape_cast %swap3A_28 : vector<1x12544x16xf32> to vector<12544x16xf32>
    %swap3A_30 = vector.shape_cast %concatenate3A : vector<12544x16xf32> to vector<1x12544x16xf32>
    tpu.vector_store %arg5[%swap3A, %swap3A_26, %swap3A_27], %swap3A_30 {strides = array<i32>} : memref<1x12544x16xf32, #tpu.memory_space<vmem>>, vector<1x12544x16xf32>,
    return
  }
  func.func @transform_0(%arg0: i32) -> (i32, i32, i32) {
    %c0_i32 = arith.constant 0 : i32
    %c0_i32_0 = arith.constant 0 : i32
    %c0_i32_1 = arith.constant 0 : i32
    return %arg0, %c0_i32, %c0_i32_0 : i32, i32, i32
  }
  func.func @transform_1(%arg0: i32) -> (i32, i32, i32) {
    %c0_i32 = arith.constant 0 : i32
    %c0_i32_0 = arith.constant 0 : i32
    %c0_i32_1 = arith.constant 0 : i32
    %c0_i32_2 = arith.constant 0 : i32
    return %c0_i32, %c0_i32_0, %c0_i32_1 : i32, i32, i32
  }
  func.func @transform_2(%arg0: i32) -> (i32, i32) {
    %c0_i32 = arith.constant 0 : i32
    %c0_i32_0 = arith.constant 0 : i32
    %c0_i32_1 = arith.constant 0 : i32
    return %c0_i32, %c0_i32_0 : i32, i32
  }
  func.func @transform_3(%arg0: i32) -> (i32, i32) {
    %c0_i32 = arith.constant 0 : i32
    %c0_i32_0 = arith.constant 0 : i32
    %c0_i32_1 = arith.constant 0 : i32
    return %c0_i32, %c0_i32_0 : i32, i32
  }
  func.func @transform_4(%arg0: i32) -> (i32, i32, i32) {
    %c0_i32 = arith.constant 0 : i32
    %c0_i32_0 = arith.constant 0 : i32
    %c0_i32_1 = arith.constant 0 : i32
    return %arg0, %c0_i32, %c0_i32_0 : i32, i32, i32
  }
}

module attributes {stable_mosaic.version = 14 : i64} {
  func.func @body(%arg0: i32, %arg1: memref<1x12544x16xf32, #tpu.memory_space<vmem>>, %arg2: memref<2x12544x16xf32, #tpu.memory_space<vmem>>, %arg3: memref<1x16xf32, #tpu.memory_space<vmem>>, %arg4: memref<16x1xf32, #tpu.memory_space<vmem>>, %arg5: memref<1x1xf32, #tpu.memory_space<vmem>>, %arg6: memref<32x64xf32, #tpu.memory_space<vmem>>, %arg7: memref<16x32xf32, #tpu.memory_space<vmem>>, %arg8: memref<16x1xf32, #tpu.memory_space<vmem>>, %arg9: memref<1x16xf32, #tpu.memory_space<vmem>>, %arg10: memref<1x1xf32, #tpu.memory_space<vmem>>, %arg11: memref<1x12500x64xf32, #tpu.memory_space<vmem>>) attributes {dimension_semantics = [#tpu.dimension_semantics<arbitrary>], iteration_bounds = array<i64: 4>, scalar_prefetch = 0 : i64, scratch_operands = 0 : i64, tpu.core_type = #tpu.core_type<tc>, window_params = [{transform_indices = @transform_0, window_bounds = array<i64: 1, 12544, 16>}, {pipeline_mode = #tpu.pipeline_mode<synchronous>, transform_indices = @transform_1, window_bounds = array<i64: 2, 12544, 16>}, {pipeline_mode = #tpu.pipeline_mode<synchronous>, transform_indices = @transform_2, window_bounds = array<i64: 1, 16>}, {pipeline_mode = #tpu.pipeline_mode<synchronous>, transform_indices = @transform_3, window_bounds = array<i64: 16, 1>}, {pipeline_mode = #tpu.pipeline_mode<synchronous>, transform_indices = @transform_4, window_bounds = array<i64: 1, 1>}, {pipeline_mode = #tpu.pipeline_mode<synchronous>, transform_indices = @transform_5, window_bounds = array<i64: 32, 64>}, {pipeline_mode = #tpu.pipeline_mode<synchronous>, transform_indices = @transform_6, window_bounds = array<i64: 16, 32>}, {pipeline_mode = #tpu.pipeline_mode<synchronous>, transform_indices = @transform_7, window_bounds = array<i64: 16, 1>}, {pipeline_mode = #tpu.pipeline_mode<synchronous>, transform_indices = @transform_8, window_bounds = array<i64: 1, 16>}, {pipeline_mode = #tpu.pipeline_mode<synchronous>, transform_indices = @transform_9, window_bounds = array<i64: 1, 1>}, {transform_indices = @transform_10, window_bounds = array<i64: 1, 12500, 64>}]} {
    %get3A = arith.constant 0 : index
    %get3A_0 = arith.constant 0 : index
    %get3A_1 = arith.constant 0 : index
    %get3A_2 = vector.load %arg2[%get3A, %get3A_0, %get3A_1] : memref<2x12544x16xf32, #tpu.memory_space<vmem>>, vector<2x12544x16xf32>
    %slice3A = vector.extract_strided_slice %get3A_2 {offsets = [0, 0, 0], sizes = [1, 12500, 16], strides = [1, 1, 1]} : vector<2x12544x16xf32> to vector<1x12500x16xf32>
    %squeeze3A = vector.shape_cast %slice3A : vector<1x12500x16xf32> to vector<12500x16xf32>
    %slice3A_3 = vector.extract_strided_slice %get3A_2 {offsets = [1, 0, 0], sizes = [1, 12500, 16], strides = [1, 1, 1]} : vector<2x12544x16xf32> to vector<1x12500x16xf32>
    %squeeze3A_4 = vector.shape_cast %slice3A_3 : vector<1x12500x16xf32> to vector<12500x16xf32>
    %add3A = arith.addf %squeeze3A, %squeeze3A_4 : vector<12500x16xf32>
    %add3A_5 = arith.constant 1.000000e+00 : f32
    %add3A_6 = vector.broadcast %add3A_5 : f32 to vector<12500x16xf32>
    %add3A_7 = arith.addf %add3A, %add3A_6 : vector<12500x16xf32>
    %rsqrt3A = math.rsqrt %add3A_7 : vector<12500x16xf32>
    %get3A_8 = arith.constant 0 : index
    %get3A_9 = arith.constant 0 : index
    %get3A_10 = arith.constant 0 : index
    %get3A_11 = vector.load %arg1[%get3A_8, %get3A_9, %get3A_10] : memref<1x12544x16xf32, #tpu.memory_space<vmem>>, vector<1x12500x16xf32>
    %get3A_12 = vector.shape_cast %get3A_11 : vector<1x12500x16xf32> to vector<12500x16xf32>
    %mul3A = arith.mulf %rsqrt3A, %get3A_12 : vector<12500x16xf32>
    %get3A_13 = arith.constant 0 : index
    %get3A_14 = arith.constant 0 : index
    %get3A_15 = vector.load %arg3[%get3A_13, %get3A_14] : memref<1x16xf32, #tpu.memory_space<vmem>>, vector<1x16xf32>
    %add3A_16 = vector.broadcast %get3A_15 : vector<1x16xf32> to vector<12500x16xf32>
    %add3A_17 = arith.addf %mul3A, %add3A_16 : vector<12500x16xf32>
    %max3A = arith.constant 0.000000e+00 : f32
    %max3A_18 = vector.broadcast %max3A : f32 to vector<12500x16xf32>
    %max3A_19 = arith.maximumf %add3A_17, %max3A_18 : vector<12500x16xf32>
    %get3A_20 = arith.constant 0 : index
    %get3A_21 = arith.constant 0 : index
    %get3A_22 = vector.load %arg4[%get3A_20, %get3A_21] : memref<16x1xf32, #tpu.memory_space<vmem>>, vector<16x1xf32>
    %dot_general3A = arith.constant dense<0.000000e+00> : vector<12500x1xf32>
    %dot_general3A_23 = tpu.matmul %max3A_19, %get3A_22, %dot_general3A {dimension_numbers = #tpu.dot_dimension_numbers<[1], [0], [0], [1], [0, 0, 1, 1], [], []>, transpose_lhs_hint = false} : vector<12500x16xf32>, vector<16x1xf32>, vector<12500x1xf32> -> vector<12500x1xf32>
    %get3A_24 = arith.constant 0 : index
    %get3A_25 = arith.constant 0 : index
    %get3A_26 = vector.load %arg7[%get3A_24, %get3A_25] : memref<16x32xf32, #tpu.memory_space<vmem>>, vector<16x32xf32>
    %get3A_27 = arith.constant 0 : index
    %get3A_28 = arith.constant 0 : index
    %get3A_29 = vector.load %arg6[%get3A_27, %get3A_28] : memref<32x64xf32, #tpu.memory_space<vmem>>, vector<32x64xf32>
    %dot_general3A_30 = arith.constant dense<0.000000e+00> : vector<16x64xf32>
    %dot_general3A_31 = tpu.matmul %get3A_26, %get3A_29, %dot_general3A_30 {dimension_numbers = #tpu.dot_dimension_numbers<[1], [0], [0], [1], [0, 0, 1, 1], [], []>, transpose_lhs_hint = false} : vector<16x32xf32>, vector<32x64xf32>, vector<16x64xf32> -> vector<16x64xf32>
    %get3A_32 = arith.constant 0 : index
    %get3A_33 = arith.constant 0 : index
    %get3A_34 = vector.load %arg8[%get3A_32, %get3A_33] : memref<16x1xf32, #tpu.memory_space<vmem>>, vector<16x1xf32>
    %add3A_35 = vector.broadcast %get3A_34 : vector<16x1xf32> to vector<16x64xf32>
    %add3A_36 = arith.addf %dot_general3A_31, %add3A_35 : vector<16x64xf32>
    %max3A_37 = arith.constant 0.000000e+00 : f32
    %max3A_38 = vector.broadcast %max3A_37 : f32 to vector<16x64xf32>
    %max3A_39 = arith.maximumf %add3A_36, %max3A_38 : vector<16x64xf32>
    %get3A_40 = arith.constant 0 : index
    %get3A_41 = arith.constant 0 : index
    %get3A_42 = vector.load %arg9[%get3A_40, %get3A_41] : memref<1x16xf32, #tpu.memory_space<vmem>>, vector<1x16xf32>
    %dot_general3A_43 = arith.constant dense<0.000000e+00> : vector<1x64xf32>
    %dot_general3A_44 = tpu.matmul %get3A_42, %max3A_39, %dot_general3A_43 {dimension_numbers = #tpu.dot_dimension_numbers<[1], [0], [0], [1], [0, 0, 1, 1], [], []>, transpose_lhs_hint = false} : vector<1x16xf32>, vector<16x64xf32>, vector<1x64xf32> -> vector<1x64xf32>
    %get3A_45 = arith.constant 0 : index
    %get3A_46 = arith.constant 0 : index
    %get3A_47 = vector.load %arg5[%get3A_45, %get3A_46] : memref<1x1xf32, #tpu.memory_space<vmem>>, vector<1x1xf32>
    %get3A_48 = vector.extract %get3A_47[0, 0] : f32 from vector<1x1xf32>
    %add3A_49 = vector.broadcast %get3A_48 : f32 to vector<12500x1xf32>
    %add3A_50 = arith.addf %dot_general3A_23, %add3A_49 : vector<12500x1xf32>
    %get3A_51 = arith.constant 0 : index
    %get3A_52 = arith.constant 0 : index
    %get3A_53 = vector.load %arg10[%get3A_51, %get3A_52] : memref<1x1xf32, #tpu.memory_space<vmem>>, vector<1x1xf32>
    %get3A_54 = vector.extract %get3A_53[0, 0] : f32 from vector<1x1xf32>
    %add3A_55 = vector.broadcast %get3A_54 : f32 to vector<1x64xf32>
    %add3A_56 = arith.addf %dot_general3A_44, %add3A_55 : vector<1x64xf32>
    %add3A_57 = vector.broadcast %add3A_50 : vector<12500x1xf32> to vector<12500x64xf32>
    %add3A_58 = vector.broadcast %add3A_56 : vector<1x64xf32> to vector<12500x64xf32>
    %add3A_59 = arith.addf %add3A_57, %add3A_58 : vector<12500x64xf32>
    %swap3A = arith.constant 0 : index
    %swap3A_60 = arith.constant 0 : index
    %swap3A_61 = arith.constant 0 : index
    %swap3A_62 = vector.load %arg11[%swap3A, %swap3A_60, %swap3A_61] : memref<1x12500x64xf32, #tpu.memory_space<vmem>>, vector<1x12500x64xf32>
    %swap3A_63 = vector.shape_cast %swap3A_62 : vector<1x12500x64xf32> to vector<12500x64xf32>
    %swap3A_64 = vector.shape_cast %add3A_59 : vector<12500x64xf32> to vector<1x12500x64xf32>
    tpu.vector_store %arg11[%swap3A, %swap3A_60, %swap3A_61], %swap3A_64 {strides = array<i32>} : memref<1x12500x64xf32, #tpu.memory_space<vmem>>, vector<1x12500x64xf32>,
    return
  }
  func.func @transform_0(%arg0: i32) -> (i32, i32, i32) {
    %c0_i32 = arith.constant 0 : i32
    %c0_i32_0 = arith.constant 0 : i32
    %c0_i32_1 = arith.constant 0 : i32
    return %arg0, %c0_i32, %c0_i32_0 : i32, i32, i32
  }
  func.func @transform_1(%arg0: i32) -> (i32, i32, i32) {
    %c0_i32 = arith.constant 0 : i32
    %c0_i32_0 = arith.constant 0 : i32
    %c0_i32_1 = arith.constant 0 : i32
    %c0_i32_2 = arith.constant 0 : i32
    return %c0_i32, %c0_i32_0, %c0_i32_1 : i32, i32, i32
  }
  func.func @transform_2(%arg0: i32) -> (i32, i32) {
    %c0_i32 = arith.constant 0 : i32
    %c0_i32_0 = arith.constant 0 : i32
    %c0_i32_1 = arith.constant 0 : i32
    return %c0_i32, %c0_i32_0 : i32, i32
  }
  func.func @transform_3(%arg0: i32) -> (i32, i32) {
    %c0_i32 = arith.constant 0 : i32
    %c0_i32_0 = arith.constant 0 : i32
    %c0_i32_1 = arith.constant 0 : i32
    return %c0_i32, %c0_i32_0 : i32, i32
  }
  func.func @transform_4(%arg0: i32) -> (i32, i32) {
    %c0_i32 = arith.constant 0 : i32
    %c0_i32_0 = arith.constant 0 : i32
    %c0_i32_1 = arith.constant 0 : i32
    return %c0_i32, %c0_i32_0 : i32, i32
  }
  func.func @transform_5(%arg0: i32) -> (i32, i32) {
    %c0_i32 = arith.constant 0 : i32
    %c0_i32_0 = arith.constant 0 : i32
    %c0_i32_1 = arith.constant 0 : i32
    return %c0_i32, %c0_i32_0 : i32, i32
  }
  func.func @transform_6(%arg0: i32) -> (i32, i32) {
    %c0_i32 = arith.constant 0 : i32
    %c0_i32_0 = arith.constant 0 : i32
    %c0_i32_1 = arith.constant 0 : i32
    return %c0_i32, %c0_i32_0 : i32, i32
  }
  func.func @transform_7(%arg0: i32) -> (i32, i32) {
    %c0_i32 = arith.constant 0 : i32
    %c0_i32_0 = arith.constant 0 : i32
    %c0_i32_1 = arith.constant 0 : i32
    return %c0_i32, %c0_i32_0 : i32, i32
  }
  func.func @transform_8(%arg0: i32) -> (i32, i32) {
    %c0_i32 = arith.constant 0 : i32
    %c0_i32_0 = arith.constant 0 : i32
    %c0_i32_1 = arith.constant 0 : i32
    return %c0_i32, %c0_i32_0 : i32, i32
  }
  func.func @transform_9(%arg0: i32) -> (i32, i32) {
    %c0_i32 = arith.constant 0 : i32
    %c0_i32_0 = arith.constant 0 : i32
    %c0_i32_1 = arith.constant 0 : i32
    return %c0_i32, %c0_i32_0 : i32, i32
  }
  func.func @transform_10(%arg0: i32) -> (i32, i32, i32) {
    %c0_i32 = arith.constant 0 : i32
    %c0_i32_0 = arith.constant 0 : i32
    %c0_i32_1 = arith.constant 0 : i32
    return %arg0, %c0_i32, %c0_i32_0 : i32, i32, i32
  }
}

</mosaic_0001>

<sc_bundles>
// kernel: kernel.11.cloned.1.call-start
scs
__scs_entry_jumppad:
0x0: {  	(pc) =	sbr.rel $0x88, $3  }
0x1: {  	(tag) =	ssettag $0x0;
	lr =	simm.s32 $0x1  }
0x2: {  	[smem:$0x3F94] =	sst lr;
	_ =	strace $0xD0000000  }
0x3: {  	_ = 	snop  }
0x4: {  	_ = 	snop  }
0x5: {  	_ = 	snop  }
0x6: {  	_ = 	snop  }
0x7: {  	_ = 	snop  }
__scs_overlays_trampoline_lowered:
0x8: {  	[smem:$0x3FA3] =	sst s0  }
0x9: {  	[smem:$0x3FA4] =	sst s1  }
0xa: {  	[smem:$0x3FA5] =	sst s2  }
0xb: {  	[smem:$0x3FA6] =	sst s3  }
0xc: {  	[smem:$0x3FA7] =	sst s4  }
0xd: {  	[smem:$0x3FA8] =	sst s5  }
0xe: {  	[smem:$0x3FA9] =	sst s6  }
0xf: {  	[smem:$0x3FAA] =	sst s7  }
0x10: {  	[smem:$0x3FAB] =	sst s8  }
0x11: {  	[smem:$0x3FAC] =	sst s9;
	s0 =	simm.s32 @!p0 $0x0  }
0x12: {  	s1 =	sld [smem:$0x3F92];
	s0 =	simm.s32 @p0 $0x1  }
0x13: {  	[smem:$0x3FAD] =	sst s0;
	s0 =	simm.s32 @!p1 $0x0  }
0x14: {  	s2 =	sld [smem:$0x3F91];
	s0 =	simm.s32 @p1 $0x1  }
0x15: {  	[smem:$0x3FAE] =	sst s0;
	s0 =	simm.s32 @!p2 $0x0  }
0x16: {  	s3 =	sld [smem:$0x3FDB];
	s0 =	simm.s32 @p2 $0x1  }
0x17: {  	s4 =	simm.s32 $0x1BF5;
	[smem:$0x3FB0] =	sst s0  }
0x18: {  	s0 =	sld [smem:$0x3F93];
	_ =	swait.ge [sflag:s4], $0x0  }
0x19: {  	s7 =	sld [smem:$0x3F94]  }
0x1a: {  	s8 =	sadd.s32 $0xFFFFE003, lr  }
0x1b: {  	s9 =	sadd.s32 $0xFFFFFEF7, lr;
	s5 =	simm.s32 $0xFFFFFFFF;
	p2 =	slt.u32 s8, $0xFFFFF086  }
0x1c: {  	p1 =	slt.u32 s9, $0xF7A;
	s5 =	simm.s32 @!p2 $0x0  }
0x1d: {  	s5 =	simm.s32 @p1 $0x1;
	p0 =	seq.s32 s7, s2  }
0x1e: {  	s7 =	smul.u32 @!p0 $0xF7A, s2;
	p2 =	seq.s32 @!p0 s5, $0x0  }
0x1f: {  	s9 =	smul.u32 $0xF7A, s1;
	s8 =	simm.s32 @!p0 $0x1BF5;
	p2 =	por !p2, p0  }
0x20: {  	[sflag:s8] =	ssyncset.s32 @!p0 $0xFFFFF086;
	s6 =	sadd.s32 @!p0 s3, s7;
	s7 =	simm.s32 @!p0 $0x108  }
0x21: {  	s3 =	sadd.s32 s3, s9;
	s6 =	sadd.s32 @!p0 $0x88, s6;
	s7 =	simm.s32 @p2 $0x1082  }
0x22: {  	[simem:s7], [sflag:s8] =	dma.local @!p0 [hbm:s6], $0xF7A  }
0x23: {  	s9 =	sor.u32 $0xD0000000, s2;
	s6 =	simm.s32 $0x108;
	_ =	swait.ge @!p0 [sflag:s8], $0x0  }
0x24: {  	s3 =	sadd.s32 $0x88, s3;
	s6 =	simm.s32 @!p1 $0x1082;
	[sflag:s4] =	ssyncset.s32 $0xFFFFF086  }
0x25: {  	[simem:s6], [sflag:s4] =	dma.local [hbm:s3], $0xF7A  }
0x26: {  	[smem:$0x3F94] =	sst s1;
	(tag) =	ssettag s2;
	_ =	strace s9  }
0x27: {  	s1 =	sld [smem:$0x3FA4]  }
0x28: {  	s2 =	sld [smem:$0x3FA5]  }
0x29: {  	s4 =	sld [smem:$0x3FA7]  }
0x2a: {  	p0 =	seq.s32 s5, $0x0;
	s5 =	sld [smem:$0x3FA8]  }
0x2b: {  	s6 =	sld [smem:$0x3FA9]  }
0x2c: {  	s7 =	sld [smem:$0x3FAA]  }
0x2d: {  	s3 =	simm.s32 $0x108;
	s8 =	sld [smem:$0x3FAB]  }
0x2e: {  	s3 =	simm.s32 @!p0 $0x1082;
	s9 =	sld [smem:$0x3FAC]  }
0x2f: {  	lr =	sadd.s32 s0, s3;
	s0 =	sld [smem:$0x3FA3]  }
0x30: {  	s3 =	sld [smem:$0x3FA6]  }
0x31: {  	[smem:$0x3FAF] =	sst s10  }
0x32: {  	s10 =	sld [smem:$0x3FAD];
	_ =	sdelay $0x3  }
0x33: {  	p0 =	seq.s32 s10, $0x1;
	s10 =	sld [smem:$0x3FAF];
	_ =	sdelay $0x3  }
0x34: {  	[smem:$0x3FAF] =	sst s10  }
0x35: {  	s10 =	sld [smem:$0x3FAE];
	_ =	sdelay $0x3  }
0x36: {  	p1 =	seq.s32 s10, $0x1;
	s10 =	sld [smem:$0x3FAF];
	_ =	sdelay $0x3  }
0x37: {  	[smem:$0x3FAF] =	sst s10  }
0x38: {  	s10 =	sld [smem:$0x3FB0]  }
0x39: {  	_ = 	snop;
	(pc) =	sbr.ind lr, $3  }
0x3a: {  	_ = 	snop  }
0x3b: {  	_ = 	snop  }
0x3c: {  	p2 =	seq.s32 s10, $0x1;
	s10 =	sld [smem:$0x3FAF]  }
0x3d: {  	_ =	shalt  }
0x3e: {  	_ =	shalt  }
0x3f: {  	_ =	shalt  }
0x40: {  	_ =	shalt  }
0x41: {  	_ =	shalt  }
0x42: {  	_ =	shalt  }
0x43: {  	_ =	shalt  }
0x44: {  	_ =	shalt  }
0x45: {  	_ =	shalt  }
0x46: {  	_ =	shalt  }
0x47: {  	_ =	shalt  }
0x48: {  	_ =	shalt  }
0x49: {  	_ =	shalt  }
0x4a: {  	_ =	shalt  }
0x4b: {  	_ =	shalt  }
0x4c: {  	_ =	shalt  }
0x4d: {  	_ =	shalt  }
0x4e: {  	_ =	shalt  }
0x4f: {  	_ =	shalt  }
0x50: {  	_ =	shalt  }
0x51: {  	_ =	shalt  }
0x52: {  	_ =	shalt  }
0x53: {  	_ =	shalt  }
0x54: {  	_ =	shalt  }
0x55: {  	_ =	shalt  }
0x56: {  	_ =	shalt  }
0x57: {  	_ =	shalt  }
0x58: {  	_ =	shalt  }
0x59: {  	_ =	shalt  }
0x5a: {  	_ =	shalt  }
0x5b: {  	_ =	shalt  }
0x5c: {  	_ =	shalt  }
0x5d: {  	_ =	shalt  }
0x5e: {  	_ =	shalt  }
0x5f: {  	_ =	shalt  }
0x60: {  	_ =	shalt  }
0x61: {  	_ =	shalt  }
0x62: {  	_ =	shalt  }
0x63: {  	_ =	shalt  }
0x64: {  	_ =	shalt  }
0x65: {  	_ =	shalt  }
0x66: {  	_ =	shalt  }
0x67: {  	_ =	shalt  }
0x68: {  	_ =	shalt  }
0x69: {  	_ =	shalt  }
0x6a: {  	_ =	shalt  }
0x6b: {  	_ =	shalt  }
0x6c: {  	_ =	shalt  }
0x6d: {  	_ =	shalt  }
0x6e: {  	_ =	shalt  }
0x6f: {  	_ =	shalt  }
0x70: {  	_ =	shalt  }
0x71: {  	_ =	shalt  }
0x72: {  	_ =	shalt  }
0x73: {  	_ =	shalt  }
0x74: {  	_ =	shalt  }
0x75: {  	_ =	shalt  }
0x76: {  	_ =	shalt  }
0x77: {  	_ =	shalt  }
0x78: {  	_ =	shalt  }
0x79: {  	_ =	shalt  }
0x7a: {  	_ =	shalt  }
0x7b: {  	_ =	shalt  }
0x7c: {  	_ =	shalt  }
0x7d: {  	_ =	shalt  }
0x7e: {  	_ =	shalt  }
0x7f: {  	_ =	shalt  }
0x80: {  	_ =	shalt  }
0x81: {  	_ =	shalt  }
0x82: {  	_ =	shalt  }
0x83: {  	_ =	shalt  }
0x84: {  	_ =	shalt  }
0x85: {  	_ =	shalt  }
0x86: {  	_ =	shalt  }
0x87: {  	_ =	shalt  }
.Lfunc_end0:
.L_simem_size_0:
called_computation.1_lowered:
.L_overlay_start_0:
0x88: {  	s2 =	sld [smem:$0x3FD9]  }
0x89: {  	s3 =	sld [smem:$0x3FFE];
	_ =	sdelay $0x1  }
0x8a: {  	s1 =	srdreg.scid  }
0x8b: {  	s0 =	sand.u32 $0x1, s1  }
0x8c: {  	s17 =	sshll.u32 s0, $0xA;
	s2 =	sadd.s32 s3, s2  }
0x8d: {  	s2 =	sadd.s32 s2, s17  }
0x8e: {  	[smem:$0x3FBB] =	sst s2  }
0x8f: {  	_ = 	snop  }
0x90: {  	s2 =	sld [smem:$0x3FD0];
	(tm) =	ssettm $0x1  }
0x91: {  	s18 =	sld [smem:$0x3FFB];
	_ =	sdelay $0x3  }
0x92: {  	_ =	strace s18  }
0x93: {  	s3 =	sld [smem:$0x3FFC];
	_ =	sdelay $0x3  }
0x94: {  	_ =	strace s3  }
0x95: {  	s3 =	sld [smem:$0x3FFD];
	_ =	sdelay $0x3  }
0x96: {  	_ =	strace s3  }
0x97: {  	_ =	strace $0x8FFFFFFF  }
0x98: {  	s19 =	sld [smem:$0x3FDB];
	_ =	sdelay $0x1  }
0x99: {  	s4 =	simm.s32 $_scs_section_size  }
0x9a: {  	s5 =	simm.s32 $_size__tile_overlayer_lowered;
	s6 =	simm.s32 $_tile_overlayer_lowered  }
0x9b: {  	s22 =	simm.s32 $0x1BFF;
	s21 =	sshll.u32 s6, $0x1;
	s3 =	sadd.s32 s4, s19  }
0x9c: {  	s7 =	simm.s32 $0x0;
	s20 =	sshll.u32 s5, $0x1;
	s5 =	sadd.s32 s21, s3  }
0x9d: {  	[timem:s7], [sflag:s22] =	dma.local [hbm:s5], s20  }
0x9e: {  	_ =	swait.ge [sflag:s22], s20  }
0x9f: {  	s4 =	ssub.s32 $0x0, s20;
	[sflag:s22] =	ssyncset.done $0x0  }
0xa0: {  	[sflag:s22] =	ssyncadd.s32 s4;
	_ =	sdelay $0x1  }
0xa1: {  	s23 =	simm.s32 $0x1B8B  }
0xa2: {  	_ =	swait.ge [sflag:s23], $0x1  }
0xa3: {  	[sflag:s23] =	ssyncset.done $0x0  }
0xa4: {  	s25 =	simm.s32 $0x1B8E;
	s24 =	sld [smem:$0x3FFE];
	[sflag:s23] =	ssyncadd.s32 $0xFFFFFFFF  }
0xa5: {  	s26 =	simm.s32 $execute0_lowered;
	[smem:$0x3FD2] =	sst s25  }
0xa6: {  	s5 =	sshll.u32 s26, $0x1;
	_ =	strace $0x80000049;
	[dreg:$0x1] =	wrdreg $0xFFFFFFFF  }
0xa7: {  	s28 =	simm.s32 $_size_execute0_lowered;
	s3 =	sadd.s32 s3, s5;
	[dreg:$0x0] =	wrdreg $0x0  }
0xa8: {  	s5 =	sshll.u32 s28, $0x1;
	[dreg:$0x2] =	wrdreg s3  }
0xa9: {  	[dreg:$0x3] =	wrdreg s5  }
0xaa: {  	[dreg:$0x4] =	wrdreg $0xC0  }
0xab: {  	_ =	task [dreg:s7], $0x5FFFF  }
0xac: {  	[dreg:$0x1] =	wrdreg $0xFFFFFFFF  }
0xad: {  	[dreg:$0x0] =	wrdreg $0x60  }
0xae: {  	[dreg:$0x2] =	wrdreg s2  }
0xaf: {  	[dreg:$0x3] =	wrdreg s24  }
0xb0: {  	[dreg:$0x4] =	wrdreg $0x0  }
0xb1: {  	[dreg:$0x5] =	wrdreg $0x9  }
0xb2: {  	_ =	task.clear_ibuf [dreg:s7], $0x6FFFF;
	_ =	strace $0x90000049  }
0xb3: {  	s29 =	simm.s32 $0x9;
	_ =	strace $0x8000004B  }
0xb4: {  	_ =	swait.ge [sflag:s29], $0x1  }
0xb5: {  	[sflag:s29] =	ssyncadd.s32 $0xFFFFFFFF  }
0xb6: {  	_ =	strace $0x9000004B  }
0xb7: {  	_ =	sfence  }
0xb8: {  	s30 =	sld [smem:$0x0];
	_ =	sdelay $0x2  }
0xb9: {  	s31 =	sshll.u32 s1, $0xD;
	s1 =	sshrl.u32 s1, $0x2  }
0xba: {  	s3 =	sand.u32 $0x4000, s31;
	s1 =	sadd.s32 s1, s30  }
0xbb: {  	s0 =	sor.u32 s3, s0;
	s1 =	sshll.u32 s1, $0x11  }
0xbc: {  	s0 =	sor.u32 s1, s0  }
0xbd: {  	s0 =	sadd.s32 $0x8F2B, s0  }
0xbe: {  	[sflag:s0] =	ssyncadd.remote.s32 $0x1  }
0xbf: {  	_ =	sfence.sel $0xFFFF  }
0xc0: {  	[dreg:$0x0] =	wrdreg $0xFFFFFFFF;
	(pc) =	sbr.abs _section_cstart, $3  }
0xc1: {  	[dreg:$0x1] =	wrdreg $0xFFFFFFFF  }
0xc2: {  	_ =	task.clear_ibuf [dreg:s7], $0x2FFFF;
	_ =	strace $0x9FFFFFFF  }
0xc3: {  	(tm) =	ssettm $0x7FFFFFFF  }
tec
execute0_lowered:
.L_overlay_start_1:
0x0: {  	(tag) =	ssettag $0x1  }
0x1: {  	s2 =	rddreg [dreg:$0x0]  }
0x2: {  	s0 =	rddreg [dreg:$0x1]  }
0x3: {  	s3 =	rddreg [dreg:$0x2];
	s1 =	stileid.u32;
	s4 =	simm.s32 $0x0  }
0x4: {  	s6 =	srdreg.scid;
	s19 =	simm.s32 $0xAC00;
	s20 =	simm.s32 $0x3  }
0x5: {  	s21 =	simm.s32 $0x80;
	s22 =	simm.s32 $0x1;
	s23 =	simm.s32 $0x2  }
0x6: {  	s24 =	simm.s32 $0x0;
	s5 =	smul.u32 $0x4A0, s1;
	[smem:$0x7FF] =	sst s4  }
0x7: {  	s6 =	sand.u32 $0x1, s6;
	s7 =	smul.u32 $0x310, s1;
	s10 =	sadd.s32 $0xCFA00, s0  }
0x8: {  	s12 =	smul.u32 $0x3100, s1;
	s28 =	sshll.u32 s1, $0x6;
	_ =	strace $0x8000004A  }
0x9: {  	s8 =	smul.u32 $0x6200, s6;
	s25 =	ssub.s32 $0x2, s6;
	s26 =	sshllo.u32 s6, $0x1  }
0xa: {  	s16 =	sshll.u32 s6, $0x5;
	s6 =	sor.u32 $0x1C03, s28;
	s11 =	sadd.s32 s5, s0  }
0xb: {  	s9 =	sshrl.u32 s25, $0x1;
	s0 =	sadd.s32 $0x6000, s0;
	s15 =	sadd.s32 s12, s3  }
0xc: {  	s17 =	smul.u32 $0x3100, s26;
	s29 =	sor.u32 s1, s16;
	s8 =	sadd.s32 s7, s8  }
0xd: {  	s14 =	ssub.s32 s25, s9;
	s9 =	smul.u32 $0x4A0, s29;
	s11 =	sadd.s32 $0x1600, s11  }
0xe: {  	s15 =	sshrl.u32 s15, $0x3;
	s13 =	sshll.u32 s8, $0x1;
	s8 =	sshll.u32 s26, $0x4  }
0xf: {  	s30 =	sadd.s32 s7, s17;
	s7 =	sadd.s32 $0x31000, s3;
	s14 =	smax.u32 s14, $0x1  }
0x10: {  	s5 =	sadd.s32 s2, s13;
	s8 =	sor.u32 s1, s8;
	s16 =	sshll.u32 s30, $0x1  }
0x11: {  	s18 =	sadd.s32 s12, s7;
	s12 =	sadd.s32 s0, s13;
	s31 =	smul.u32 $0x4A0, s8  }
0x12: {  	s8 =	sadd.s32 s10, s9;
	s9 =	sadd.s32 s2, s16;
	s13 =	sadd.s32 s0, s16  }
0x13: {  	s17 =	sshrl.u32 s18, $0x3;
	s18 =	simm.s32 $0x8700;
	s10 =	sadd.s32 s10, s31  }
.LBB2_1:
0x14: {  	[spmem:s15], [sflag:s6] =	dma.local [hbm:s5], $0x620  }
0x15: {  	s0 =	simm.s32 $0x6200  }
0x16: {  	[tilespmem:s0], [sflag:$0x3] =	stream.linear.gather [hbm4b:s8+s4], $0x2500, $0x38;
	[tilespmem:$0x1D100] =	vst v63  }
0x17: {  	[spmem:s17], [sflag:s6] =	dma.local [hbm:s9], $0x620  }
0x18: {  	[tilespmem:s18], [sflag:$0x3] =	stream.linear.gather [hbm4b:s10+s4], $0x2500, $0x38;
	[tilespmem:$0x1D100] =	vst v63  }
0x19: {  	_ = 	snop  }
0x1a: {  	[tilespmem:s19], [sflag:$0x3] =	stream.linear.gather [hbm4b:s11+s4], $0x2500, $0x38;
	[tilespmem:$0x1D100] =	vst v63  }
0x1b: {  	_ =	swait.ge [sflag:s20], $0x620  }
0x1c: {  	[sflag:s20] =	ssyncset.done $0x0  }
0x1d: {  	[sflag:s20] =	ssyncadd.s32 $0xFFFFF9E0  }
0x1e: {  	_ =	swait.ge [sflag:s20], $0x2500  }
0x1f: {  	[sflag:s20] =	ssyncset.done $0x0  }
0x20: {  	[sflag:s20] =	ssyncadd.s32 $0xFFFFDB00  }
0x21: {  	_ =	swait.ge [sflag:s20], $0x620  }
0x22: {  	[sflag:s20] =	ssyncset.done $0x0  }
0x23: {  	[sflag:s20] =	ssyncadd.s32 $0xFFFFF9E0  }
0x24: {  	_ =	swait.ge [sflag:s20], $0x2500  }
0x25: {  	[sflag:s20] =	ssyncset.done $0x0  }
0x26: {  	[sflag:s20] =	ssyncadd.s32 $0xFFFFDB00  }
0x27: {  	_ =	swait.ge [sflag:s20], $0x2500  }
0x28: {  	s16 =	simm.s32 $0xD100;
	[sflag:s20] =	ssyncset.done $0x0  }
0x29: {  	s25 =	simm.s32 $0x6200;
	s26 =	simm.s32 $0x6280;
	[sflag:s20] =	ssyncadd.s32 $0xFFFFDB00  }
0x2a: {  	s30 =	simm.s32 $0xE100;
	s31 =	simm.s32 $0x6300;
	[bflag:$0x0] =	sbarrier.arrive $0xFFFF  }
0x2b: {  	[tilespmem:s16], [sflag:$0x1] =	stream.indirect.gather [hbm4b:s2+s21], $0x10, s25, s21, $0xb8;
	[tilespmem:$0x1D100] =	vst v63  }
0x2c: {  	s28 =	simm.s32 $0x0;
	s29 =	simm.s32 $0x10900;
	s25 =	simm.s32 $0xD900  }
0x2d: {  	[tilespmem:s25], [sflag:$0x1] =	stream.indirect.gather [hbm4b:s2+s21], $0x10, s26, s21, $0xb8;
	[tilespmem:$0x1D100] =	vst v63  }
0x2e: {  	s0 =	simm.s32 $0x6580;
	s25 =	simm.s32 $0x6380;
	s26 =	simm.s32 $0xE900  }
0x2f: {  	[tilespmem:s30], [sflag:$0x1] =	stream.indirect.gather [hbm4b:s2+s21], $0x10, s31, s21, $0xb8;
	[tilespmem:$0x1D100] =	vst v63  }
.LBB2_2:
0x30: {  	[tilespmem:s26], [sflag:$0x1] =	stream.indirect.gather [hbm4b:s2+s21], $0x10, s25, s21, $0xb8;
	[tilespmem:$0x1D100] =	vst v63  }
0x31: {  	s25 =	smov.u32 s0;
	s26 =	smov.u32 s29;
	s28 =	sadd.s32 $0x4, s28  }
0x32: {  	s30 =	sadd.s32 $0xFFFFE800, s29;
	s31 =	sadd.s32 $0xFFFFFE80, s0;
	p0 =	slt.u32 s28, $0xC  }
0x33: {  	[tilespmem:s30], [sflag:$0x1] =	stream.indirect.gather [hbm4b:s2+s21], $0x10, s31, s21, $0xb8;
	[tilespmem:$0x1D100] =	vst v63  }
.Ltmp0:
0x34: {  	s30 =	sadd.s32 $0xFFFFF000, s29;
	s31 =	sadd.s32 $0xFFFFFF00, s0;
	(pc) =	sbr.rel @p0 .LBB2_2-.Ltmp0, $4  }
0x35: {  	[tilespmem:s30], [sflag:$0x1] =	stream.indirect.gather [hbm4b:s2+s21], $0x10, s31, s21, $0xb8;
	[tilespmem:$0x1D100] =	vst v63  }
0x36: {  	s30 =	sadd.s32 $0xFFFFF800, s29;
	s31 =	sadd.s32 $0xFFFFFF80, s0  }
0x37: {  	[tilespmem:s30], [sflag:$0x1] =	stream.indirect.gather [hbm4b:s2+s21], $0x10, s31, s21, $0xb8;
	[tilespmem:$0x1D100] =	vst v63  }
0x38: {  	s0 =	sadd.s32 $0x200, s0;
	s29 =	sadd.s32 $0x2000, s29  }
0x39: {  	[tilespmem:s26], [sflag:$0x1] =	stream.indirect.gather [hbm4b:s2+s21], $0x10, s25, s21, $0xb8;
	[tilespmem:$0x1D100] =	vst v63  }
0x3a: {  	_ =	swait.ge [sflag:s22], $0x800  }
0x3b: {  	[sflag:s22] =	ssyncset.done $0x0  }
0x3c: {  	[sflag:s22] =	ssyncadd.s32 $0xFFFFF800  }
0x3d: {  	_ =	swait.ge [sflag:s22], $0x800  }
0x3e: {  	[sflag:s22] =	ssyncset.done $0x0  }
0x3f: {  	[sflag:s22] =	ssyncadd.s32 $0xFFFFF800  }
0x40: {  	_ =	swait.ge [sflag:s22], $0x800  }
0x41: {  	[sflag:s22] =	ssyncset.done $0x0  }
0x42: {  	[sflag:s22] =	ssyncadd.s32 $0xFFFFF800  }
0x43: {  	_ =	swait.ge [sflag:s22], $0x800  }
0x44: {  	[sflag:s22] =	ssyncset.done $0x0  }
0x45: {  	[sflag:s22] =	ssyncadd.s32 $0xFFFFF800  }
0x46: {  	_ =	swait.ge [sflag:s22], $0x800  }
0x47: {  	[sflag:s22] =	ssyncset.done $0x0  }
0x48: {  	[sflag:s22] =	ssyncadd.s32 $0xFFFFF800  }
0x49: {  	_ =	swait.ge [sflag:s22], $0x800  }
0x4a: {  	[sflag:s22] =	ssyncset.done $0x0  }
0x4b: {  	[sflag:s22] =	ssyncadd.s32 $0xFFFFF800  }
0x4c: {  	_ =	swait.ge [sflag:s22], $0x800  }
0x4d: {  	[sflag:s22] =	ssyncset.done $0x0  }
0x4e: {  	[sflag:s22] =	ssyncadd.s32 $0xFFFFF800  }
0x4f: {  	_ =	swait.ge [sflag:s22], $0x800  }
0x50: {  	[sflag:s22] =	ssyncset.done $0x0  }
0x51: {  	[sflag:s22] =	ssyncadd.s32 $0xFFFFF800  }
0x52: {  	_ =	swait.ge [sflag:s22], $0x800  }
0x53: {  	[sflag:s22] =	ssyncset.done $0x0  }
0x54: {  	[sflag:s22] =	ssyncadd.s32 $0xFFFFF800  }
0x55: {  	_ =	swait.ge [sflag:s22], $0x800  }
0x56: {  	[sflag:s22] =	ssyncset.done $0x0  }
0x57: {  	[sflag:s22] =	ssyncadd.s32 $0xFFFFF800  }
0x58: {  	_ =	swait.ge [sflag:s22], $0x800  }
0x59: {  	[sflag:s22] =	ssyncset.done $0x0  }
0x5a: {  	[sflag:s22] =	ssyncadd.s32 $0xFFFFF800  }
0x5b: {  	_ =	swait.ge [sflag:s22], $0x800  }
0x5c: {  	[sflag:s22] =	ssyncset.done $0x0  }
0x5d: {  	[sflag:s22] =	ssyncadd.s32 $0xFFFFF800  }
0x5e: {  	_ =	swait.ge [sflag:s22], $0x800  }
0x5f: {  	[sflag:s22] =	ssyncset.done $0x0  }
0x60: {  	[sflag:s22] =	ssyncadd.s32 $0xFFFFF800  }
0x61: {  	_ =	swait.ge [sflag:s22], $0x800  }
0x62: {  	[sflag:s22] =	ssyncset.done $0x0  }
0x63: {  	[sflag:s22] =	ssyncadd.s32 $0xFFFFF800  }
0x64: {  	_ =	swait.ge [sflag:s22], $0x800  }
0x65: {  	[sflag:s22] =	ssyncset.done $0x0  }
0x66: {  	s0 =	simm.s32 $0xD100;
	[sflag:s22] =	ssyncadd.s32 $0xFFFFF800  }
0x67: {  	s16 =	simm.s32 $0xAC00;
	s25 =	simm.s32 $0xD900;
	_ =	swait.ge [sflag:s22], $0x800  }
0x68: {  	s26 =	simm.s32 $0xAC80;
	s1 =	simm.s32 $0xE100;
	[sflag:s22] =	ssyncset.done $0x0  }
0x69: {  	s29 =	simm.s32 $0xE900;
	s28 =	simm.s32 $0x0;
	[sflag:s22] =	ssyncadd.s32 $0xFFFFF800  }
0x6a: {  	[spmem:s3] =	stream.indirect.scatter.add.f32 [tilespmem:s0], [sflag:$0x2], $0x10, s16, s21, $0xb8;
	[tilespmem:$0x1D100] =	vst v63  }
0x6b: {  	s31 =	simm.s32 $0xAF80;
	s30 =	simm.s32 $0x15100;
	s16 =	simm.s32 $0xAD00  }
0x6c: {  	[spmem:s3] =	stream.indirect.scatter.add.f32 [tilespmem:s25], [sflag:$0x2], $0x10, s26, s21, $0xb8;
	[tilespmem:$0x1D100] =	vst v63  }
0x6d: {  	s0 =	simm.s32 $0x10900;
	s25 =	simm.s32 $0xAD80;
	s26 =	simm.s32 $0x6A00  }
0x6e: {  	[spmem:s3] =	stream.indirect.scatter.add.f32 [tilespmem:s1], [sflag:$0x2], $0x10, s16, s21, $0xb8;
	[tilespmem:$0x1D100] =	vst v63  }
.LBB2_4:
0x6f: {  	[spmem:s3] =	stream.indirect.scatter.add.f32 [tilespmem:s29], [sflag:$0x2], $0x10, s25, s21, $0xb8;
	[tilespmem:$0x1D100] =	vst v63  }
0x70: {  	s28 =	sadd.s32 $0x4, s28;
	s25 =	smov.u32 s31;
	s29 =	smov.u32 s0  }
0x71: {  	s1 =	sadd.s32 $0xFFFFE800, s0;
	s16 =	sadd.s32 $0xFFFFFE80, s31;
	p0 =	slt.u32 s28, $0xC  }
0x72: {  	[spmem:s3] =	stream.indirect.scatter.add.f32 [tilespmem:s1], [sflag:$0x2], $0x10, s16, s21, $0xb8;
	[tilespmem:$0x1D100] =	vst v63  }
.Ltmp1:
0x73: {  	s1 =	sadd.s32 $0xFFFFF000, s0;
	s16 =	sadd.s32 $0xFFFFFF00, s31;
	(pc) =	sbr.rel @p0 .LBB2_4-.Ltmp1, $4  }
0x74: {  	[spmem:s3] =	stream.indirect.scatter.add.f32 [tilespmem:s1], [sflag:$0x2], $0x10, s16, s21, $0xb8;
	[tilespmem:$0x1D100] =	vst v63  }
0x75: {  	s1 =	sadd.s32 $0xFFFFF800, s0;
	s16 =	sadd.s32 $0xFFFFFF80, s31  }
0x76: {  	[spmem:s3] =	stream.indirect.scatter.add.f32 [tilespmem:s1], [sflag:$0x2], $0x10, s16, s21, $0xb8;
	[tilespmem:$0x1D100] =	vst v63  }
0x77: {  	s31 =	sadd.s32 $0x200, s31;
	s0 =	sadd.s32 $0x2000, s0  }
0x78: {  	[spmem:s3] =	stream.indirect.scatter.add.f32 [tilespmem:s29], [sflag:$0x2], $0x10, s25, s21, $0xb8;
	[tilespmem:$0x1D100] =	vst v63  }
0x79: {  	s0 =	simm.s32 $0x15900;
	s1 =	simm.s32 $0x6A80;
	s31 =	simm.s32 $0x6B00  }
0x7a: {  	[tilespmem:s30], [sflag:$0x1] =	stream.indirect.gather [hbm4b:s2+s21], $0x10, s26, s21, $0xb8;
	[tilespmem:$0x1D100] =	vst v63  }
0x7b: {  	s25 =	simm.s32 $0x0;
	s28 =	simm.s32 $0x16900;
	s29 =	simm.s32 $0x6B80  }
0x7c: {  	[tilespmem:s0], [sflag:$0x1] =	stream.indirect.gather [hbm4b:s2+s21], $0x10, s1, s21, $0xb8;
	[tilespmem:$0x1D100] =	vst v63  }
0x7d: {  	s30 =	simm.s32 $0x16100;
	s26 =	simm.s32 $0x17100;
	s0 =	simm.s32 $0x6C00  }
0x7e: {  	[tilespmem:s30], [sflag:$0x1] =	stream.indirect.gather [hbm4b:s2+s21], $0x10, s31, s21, $0xb8;
	[tilespmem:$0x1D100] =	vst v63  }
.LBB2_6:
0x7f: {  	[tilespmem:s28], [sflag:$0x1] =	stream.indirect.gather [hbm4b:s2+s21], $0x10, s29, s21, $0xb8;
	[tilespmem:$0x1D100] =	vst v63  }
0x80: {  	s25 =	sadd.s32 $0x4, s25  }
0x81: {  	s1 =	smov.u32 s0;
	s0 =	sadd.s32 $0x200, s0;
	p0 =	slt.u32 s25, $0xC  }
0x82: {  	[tilespmem:s26], [sflag:$0x1] =	stream.indirect.gather [hbm4b:s2+s21], $0x10, s1, s21, $0xb8;
	[tilespmem:$0x1D100] =	vst v63  }
.Ltmp2:
0x83: {  	s16 =	sadd.s32 $0x800, s26;
	s28 =	sadd.s32 $0x80, s1;
	(pc) =	sbr.rel @p0 .LBB2_6-.Ltmp2, $4  }
0x84: {  	[tilespmem:s16], [sflag:$0x1] =	stream.indirect.gather [hbm4b:s2+s21], $0x10, s28, s21, $0xb8;
	[tilespmem:$0x1D100] =	vst v63  }
0x85: {  	s16 =	sadd.s32 $0x1000, s26;
	s28 =	sadd.s32 $0x100, s1  }
0x86: {  	[tilespmem:s16], [sflag:$0x1] =	stream.indirect.gather [hbm4b:s2+s21], $0x10, s28, s21, $0xb8;
	[tilespmem:$0x1D100] =	vst v63  }
0x87: {  	s29 =	sadd.s32 $0x180, s1;
	s28 =	sadd.s32 $0x1800, s26;
	s26 =	sadd.s32 $0x2000, s26  }
0x88: {  	[tilespmem:s28], [sflag:$0x1] =	stream.indirect.gather [hbm4b:s2+s21], $0x10, s29, s21, $0xb8;
	[tilespmem:$0x1D100] =	vst v63  }
0x89: {  	_ =	swait.ge [sflag:s22], $0x800  }
0x8a: {  	[sflag:s22] =	ssyncset.done $0x0  }
0x8b: {  	[sflag:s22] =	ssyncadd.s32 $0xFFFFF800  }
0x8c: {  	_ =	swait.ge [sflag:s22], $0x800  }
0x8d: {  	[sflag:s22] =	ssyncset.done $0x0  }
0x8e: {  	[sflag:s22] =	ssyncadd.s32 $0xFFFFF800  }
0x8f: {  	_ =	swait.ge [sflag:s22], $0x800  }
0x90: {  	[sflag:s22] =	ssyncset.done $0x0  }
0x91: {  	[sflag:s22] =	ssyncadd.s32 $0xFFFFF800  }
0x92: {  	_ =	swait.ge [sflag:s22], $0x800  }
0x93: {  	[sflag:s22] =	ssyncset.done $0x0  }
0x94: {  	[sflag:s22] =	ssyncadd.s32 $0xFFFFF800  }
0x95: {  	_ =	swait.ge [sflag:s22], $0x800  }
0x96: {  	[sflag:s22] =	ssyncset.done $0x0  }
0x97: {  	[sflag:s22] =	ssyncadd.s32 $0xFFFFF800  }
0x98: {  	_ =	swait.ge [sflag:s22], $0x800  }
0x99: {  	[sflag:s22] =	ssyncset.done $0x0  }
0x9a: {  	[sflag:s22] =	ssyncadd.s32 $0xFFFFF800  }
0x9b: {  	_ =	swait.ge [sflag:s22], $0x800  }
0x9c: {  	[sflag:s22] =	ssyncset.done $0x0  }
0x9d: {  	[sflag:s22] =	ssyncadd.s32 $0xFFFFF800  }
0x9e: {  	_ =	swait.ge [sflag:s22], $0x800  }
0x9f: {  	[sflag:s22] =	ssyncset.done $0x0  }
0xa0: {  	[sflag:s22] =	ssyncadd.s32 $0xFFFFF800  }
0xa1: {  	_ =	swait.ge [sflag:s22], $0x800  }
0xa2: {  	[sflag:s22] =	ssyncset.done $0x0  }
0xa3: {  	[sflag:s22] =	ssyncadd.s32 $0xFFFFF800  }
0xa4: {  	_ =	swait.ge [sflag:s22], $0x800  }
0xa5: {  	[sflag:s22] =	ssyncset.done $0x0  }
0xa6: {  	[sflag:s22] =	ssyncadd.s32 $0xFFFFF800  }
0xa7: {  	_ =	swait.ge [sflag:s22], $0x800  }
0xa8: {  	[sflag:s22] =	ssyncset.done $0x0  }
0xa9: {  	[sflag:s22] =	ssyncadd.s32 $0xFFFFF800  }
0xaa: {  	_ =	swait.ge [sflag:s22], $0x800  }
0xab: {  	[sflag:s22] =	ssyncset.done $0x0  }
0xac: {  	[sflag:s22] =	ssyncadd.s32 $0xFFFFF800  }
0xad: {  	_ =	swait.ge [sflag:s22], $0x800  }
0xae: {  	[sflag:s22] =	ssyncset.done $0x0  }
0xaf: {  	[sflag:s22] =	ssyncadd.s32 $0xFFFFF800  }
0xb0: {  	_ =	swait.ge [sflag:s22], $0x800  }
0xb1: {  	[sflag:s22] =	ssyncset.done $0x0  }
0xb2: {  	[sflag:s22] =	ssyncadd.s32 $0xFFFFF800  }
0xb3: {  	_ =	swait.ge [sflag:s22], $0x800  }
0xb4: {  	[sflag:s22] =	ssyncset.done $0x0  }
0xb5: {  	[sflag:s22] =	ssyncadd.s32 $0xFFFFF800  }
0xb6: {  	s0 =	simm.s32 $0x15100;
	_ =	swait.ge [sflag:s22], $0x800  }
0xb7: {  	s1 =	simm.s32 $0xB400;
	s25 =	simm.s32 $0x15900;
	[sflag:s22] =	ssyncset.done $0x0  }
0xb8: {  	s26 =	simm.s32 $0xB480;
	s30 =	simm.s32 $0x16100;
	[sflag:s22] =	ssyncadd.s32 $0xFFFFF800  }
0xb9: {  	[spmem:s3] =	stream.indirect.scatter.add.f32 [tilespmem:s0], [sflag:$0x2], $0x10, s1, s21, $0xb8;
	[tilespmem:$0x1D100] =	vst v63  }
0xba: {  	s31 =	simm.s32 $0xB500;
	s28 =	simm.s32 $0x16900;
	s29 =	simm.s32 $0xB580  }
0xbb: {  	[spmem:s3] =	stream.indirect.scatter.add.f32 [tilespmem:s25], [sflag:$0x2], $0x10, s26, s21, $0xb8;
	[tilespmem:$0x1D100] =	vst v63  }
0xbc: {  	s0 =	simm.s32 $0xB600;
	s25 =	simm.s32 $0x0;
	s26 =	simm.s32 $0x17100  }
0xbd: {  	[spmem:s3] =	stream.indirect.scatter.add.f32 [tilespmem:s30], [sflag:$0x2], $0x10, s31, s21, $0xb8;
	[tilespmem:$0x1D100] =	vst v63  }
.LBB2_8:
0xbe: {  	[spmem:s3] =	stream.indirect.scatter.add.f32 [tilespmem:s28], [sflag:$0x2], $0x10, s29, s21, $0xb8;
	[tilespmem:$0x1D100] =	vst v63  }
0xbf: {  	s25 =	sadd.s32 $0x4, s25  }
0xc0: {  	s1 =	smov.u32 s0;
	s0 =	sadd.s32 $0x200, s0;
	p0 =	slt.u32 s25, $0xC  }
0xc1: {  	[spmem:s3] =	stream.indirect.scatter.add.f32 [tilespmem:s26], [sflag:$0x2], $0x10, s1, s21, $0xb8;
	[tilespmem:$0x1D100] =	vst v63  }
.Ltmp3:
0xc2: {  	s16 =	sadd.s32 $0x800, s26;
	s28 =	sadd.s32 $0x80, s1;
	(pc) =	sbr.rel @p0 .LBB2_8-.Ltmp3, $4  }
0xc3: {  	[spmem:s3] =	stream.indirect.scatter.add.f32 [tilespmem:s16], [sflag:$0x2], $0x10, s28, s21, $0xb8;
	[tilespmem:$0x1D100] =	vst v63  }
0xc4: {  	s16 =	sadd.s32 $0x1000, s26;
	s28 =	sadd.s32 $0x100, s1  }
0xc5: {  	[spmem:s3] =	stream.indirect.scatter.add.f32 [tilespmem:s16], [sflag:$0x2], $0x10, s28, s21, $0xb8;
	[tilespmem:$0x1D100] =	vst v63  }
0xc6: {  	s29 =	sadd.s32 $0x180, s1;
	s28 =	sadd.s32 $0x1800, s26;
	s26 =	sadd.s32 $0x2000, s26  }
0xc7: {  	[spmem:s3] =	stream.indirect.scatter.add.f32 [tilespmem:s28], [sflag:$0x2], $0x10, s29, s21, $0xb8;
	[tilespmem:$0x1D100] =	vst v63  }
0xc8: {  	_ =	swait.ge [sflag:s23], $0x800  }
0xc9: {  	[sflag:s23] =	ssyncset.done $0x0  }
0xca: {  	[sflag:s23] =	ssyncadd.s32 $0xFFFFF800  }
0xcb: {  	_ =	swait.ge [sflag:s23], $0x800  }
0xcc: {  	[sflag:s23] =	ssyncset.done $0x0  }
0xcd: {  	[sflag:s23] =	ssyncadd.s32 $0xFFFFF800  }
0xce: {  	_ =	swait.ge [sflag:s23], $0x800  }
0xcf: {  	[sflag:s23] =	ssyncset.done $0x0  }
0xd0: {  	[sflag:s23] =	ssyncadd.s32 $0xFFFFF800  }
0xd1: {  	_ =	swait.ge [sflag:s23], $0x800  }
0xd2: {  	[sflag:s23] =	ssyncset.done $0x0  }
0xd3: {  	[sflag:s23] =	ssyncadd.s32 $0xFFFFF800  }
0xd4: {  	_ =	swait.ge [sflag:s23], $0x800  }
0xd5: {  	[sflag:s23] =	ssyncset.done $0x0  }
0xd6: {  	[sflag:s23] =	ssyncadd.s32 $0xFFFFF800  }
0xd7: {  	_ =	swait.ge [sflag:s23], $0x800  }
0xd8: {  	[sflag:s23] =	ssyncset.done $0x0  }
0xd9: {  	[sflag:s23] =	ssyncadd.s32 $0xFFFFF800  }
0xda: {  	_ =	swait.ge [sflag:s23], $0x800  }
0xdb: {  	[sflag:s23] =	ssyncset.done $0x0  }
0xdc: {  	[sflag:s23] =	ssyncadd.s32 $0xFFFFF800  }
0xdd: {  	_ =	swait.ge [sflag:s23], $0x800  }
0xde: {  	[sflag:s23] =	ssyncset.done $0x0  }
0xdf: {  	[sflag:s23] =	ssyncadd.s32 $0xFFFFF800  }
0xe0: {  	_ =	swait.ge [sflag:s23], $0x800  }
0xe1: {  	[sflag:s23] =	ssyncset.done $0x0  }
0xe2: {  	[sflag:s23] =	ssyncadd.s32 $0xFFFFF800  }
0xe3: {  	_ =	swait.ge [sflag:s23], $0x800  }
0xe4: {  	[sflag:s23] =	ssyncset.done $0x0  }
0xe5: {  	[sflag:s23] =	ssyncadd.s32 $0xFFFFF800  }
0xe6: {  	_ =	swait.ge [sflag:s23], $0x800  }
0xe7: {  	[sflag:s23] =	ssyncset.done $0x0  }
0xe8: {  	[sflag:s23] =	ssyncadd.s32 $0xFFFFF800  }
0xe9: {  	_ =	swait.ge [sflag:s23], $0x800  }
0xea: {  	[sflag:s23] =	ssyncset.done $0x0  }
0xeb: {  	[sflag:s23] =	ssyncadd.s32 $0xFFFFF800  }
0xec: {  	_ =	swait.ge [sflag:s23], $0x800  }
0xed: {  	[sflag:s23] =	ssyncset.done $0x0  }
0xee: {  	[sflag:s23] =	ssyncadd.s32 $0xFFFFF800  }
0xef: {  	_ =	swait.ge [sflag:s23], $0x800  }
0xf0: {  	[sflag:s23] =	ssyncset.done $0x0  }
0xf1: {  	[sflag:s23] =	ssyncadd.s32 $0xFFFFF800  }
0xf2: {  	_ =	swait.ge [sflag:s23], $0x800  }
0xf3: {  	[sflag:s23] =	ssyncset.done $0x0  }
0xf4: {  	[sflag:s23] =	ssyncadd.s32 $0xFFFFF800  }
0xf5: {  	s0 =	simm.s32 $0xD100;
	_ =	swait.ge [sflag:s23], $0x800  }
0xf6: {  	s1 =	simm.s32 $0x7200;
	s25 =	simm.s32 $0xD900;
	[sflag:s23] =	ssyncset.done $0x0  }
0xf7: {  	s26 =	simm.s32 $0x7280;
	s30 =	simm.s32 $0xE100;
	[sflag:s23] =	ssyncadd.s32 $0xFFFFF800  }
0xf8: {  	[tilespmem:s0], [sflag:$0x1] =	stream.indirect.gather [hbm4b:s2+s21], $0x10, s1, s21, $0xb8;
	[tilespmem:$0x1D100] =	vst v63  }
0xf9: {  	s31 =	simm.s32 $0x7300;
	s28 =	simm.s32 $0x7580;
	s29 =	simm.s32 $0x10900  }
0xfa: {  	[tilespmem:s25], [sflag:$0x1] =	stream.indirect.gather [hbm4b:s2+s21], $0x10, s26, s21, $0xb8;
	[tilespmem:$0x1D100] =	vst v63  }
0xfb: {  	s0 =	simm.s32 $0x0;
	s25 =	simm.s32 $0x7380;
	s26 =	simm.s32 $0xE900  }
0xfc: {  	[tilespmem:s30], [sflag:$0x1] =	stream.indirect.gather [hbm4b:s2+s21], $0x10, s31, s21, $0xb8;
	[tilespmem:$0x1D100] =	vst v63  }
.LBB2_10:
0xfd: {  	[tilespmem:s26], [sflag:$0x1] =	stream.indirect.gather [hbm4b:s2+s21], $0x10, s25, s21, $0xb8;
	[tilespmem:$0x1D100] =	vst v63  }
0xfe: {  	s25 =	smov.u32 s28;
	s26 =	smov.u32 s29;
	s0 =	sadd.s32 $0x4, s0  }
0xff: {  	s1 =	sadd.s32 $0xFFFFE800, s29;
	s16 =	sadd.s32 $0xFFFFFE80, s28;
	p0 =	slt.u32 s0, $0xC  }
0x100: {  	[tilespmem:s1], [sflag:$0x1] =	stream.indirect.gather [hbm4b:s2+s21], $0x10, s16, s21, $0xb8;
	[tilespmem:$0x1D100] =	vst v63  }
.Ltmp4:
0x101: {  	s1 =	sadd.s32 $0xFFFFF000, s29;
	s16 =	sadd.s32 $0xFFFFFF00, s28;
	(pc) =	sbr.rel @p0 .LBB2_10-.Ltmp4, $4  }
0x102: {  	[tilespmem:s1], [sflag:$0x1] =	stream.indirect.gather [hbm4b:s2+s21], $0x10, s16, s21, $0xb8;
	[tilespmem:$0x1D100] =	vst v63  }
0x103: {  	s1 =	sadd.s32 $0xFFFFF800, s29;
	s16 =	sadd.s32 $0xFFFFFF80, s28  }
0x104: {  	[tilespmem:s1], [sflag:$0x1] =	stream.indirect.gather [hbm4b:s2+s21], $0x10, s16, s21, $0xb8;
	[tilespmem:$0x1D100] =	vst v63  }
0x105: {  	s28 =	sadd.s32 $0x200, s28;
	s29 =	sadd.s32 $0x2000, s29  }
0x106: {  	[tilespmem:s26], [sflag:$0x1] =	stream.indirect.gather [hbm4b:s2+s21], $0x10, s25, s21, $0xb8;
	[tilespmem:$0x1D100] =	vst v63  }
0x107: {  	_ =	swait.ge [sflag:s22], $0x800  }
0x108: {  	[sflag:s22] =	ssyncset.done $0x0  }
0x109: {  	[sflag:s22] =	ssyncadd.s32 $0xFFFFF800  }
0x10a: {  	_ =	swait.ge [sflag:s22], $0x800  }
0x10b: {  	[sflag:s22] =	ssyncset.done $0x0  }
0x10c: {  	[sflag:s22] =	ssyncadd.s32 $0xFFFFF800  }
0x10d: {  	_ =	swait.ge [sflag:s22], $0x800  }
0x10e: {  	[sflag:s22] =	ssyncset.done $0x0  }
0x10f: {  	[sflag:s22] =	ssyncadd.s32 $0xFFFFF800  }
0x110: {  	_ =	swait.ge [sflag:s22], $0x800  }
0x111: {  	[sflag:s22] =	ssyncset.done $0x0  }
0x112: {  	[sflag:s22] =	ssyncadd.s32 $0xFFFFF800  }
0x113: {  	_ =	swait.ge [sflag:s22], $0x800  }
0x114: {  	[sflag:s22] =	ssyncset.done $0x0  }
0x115: {  	[sflag:s22] =	ssyncadd.s32 $0xFFFFF800  }
0x116: {  	_ =	swait.ge [sflag:s22], $0x800  }
0x117: {  	[sflag:s22] =	ssyncset.done $0x0  }
0x118: {  	[sflag:s22] =	ssyncadd.s32 $0xFFFFF800  }
0x119: {  	_ =	swait.ge [sflag:s22], $0x800  }
0x11a: {  	[sflag:s22] =	ssyncset.done $0x0  }
0x11b: {  	[sflag:s22] =	ssyncadd.s32 $0xFFFFF800  }
0x11c: {  	_ =	swait.ge [sflag:s22], $0x800  }
0x11d: {  	[sflag:s22] =	ssyncset.done $0x0  }
0x11e: {  	[sflag:s22] =	ssyncadd.s32 $0xFFFFF800  }
0x11f: {  	_ =	swait.ge [sflag:s22], $0x800  }
0x120: {  	[sflag:s22] =	ssyncset.done $0x0  }
0x121: {  	[sflag:s22] =	ssyncadd.s32 $0xFFFFF800  }
0x122: {  	_ =	swait.ge [sflag:s22], $0x800  }
0x123: {  	[sflag:s22] =	ssyncset.done $0x0  }
0x124: {  	[sflag:s22] =	ssyncadd.s32 $0xFFFFF800  }
0x125: {  	_ =	swait.ge [sflag:s22], $0x800  }
0x126: {  	[sflag:s22] =	ssyncset.done $0x0  }
0x127: {  	[sflag:s22] =	ssyncadd.s32 $0xFFFFF800  }
0x128: {  	_ =	swait.ge [sflag:s22], $0x800  }
0x129: {  	[sflag:s22] =	ssyncset.done $0x0  }
0x12a: {  	[sflag:s22] =	ssyncadd.s32 $0xFFFFF800  }
0x12b: {  	_ =	swait.ge [sflag:s22], $0x800  }
0x12c: {  	[sflag:s22] =	ssyncset.done $0x0  }
0x12d: {  	[sflag:s22] =	ssyncadd.s32 $0xFFFFF800  }
0x12e: {  	_ =	swait.ge [sflag:s22], $0x800  }
0x12f: {  	[sflag:s22] =	ssyncset.done $0x0  }
0x130: {  	[sflag:s22] =	ssyncadd.s32 $0xFFFFF800  }
0x131: {  	_ =	swait.ge [sflag:s22], $0x800  }
0x132: {  	[sflag:s22] =	ssyncset.done $0x0  }
0x133: {  	[sflag:s22] =	ssyncadd.s32 $0xFFFFF800  }
0x134: {  	s0 =	simm.s32 $0xD100;
	_ =	swait.ge [sflag:s22], $0x800  }
0x135: {  	s1 =	simm.s32 $0xBC00;
	s25 =	simm.s32 $0xD900;
	[sflag:s22] =	ssyncset.done $0x0  }
0x136: {  	s26 =	simm.s32 $0xBC80;
	s30 =	simm.s32 $0xE100;
	[sflag:s22] =	ssyncadd.s32 $0xFFFFF800  }
0x137: {  	[spmem:s3] =	stream.indirect.scatter.add.f32 [tilespmem:s0], [sflag:$0x2], $0x10, s1, s21, $0xb8;
	[tilespmem:$0x1D100] =	vst v63  }
0x138: {  	s31 =	simm.s32 $0xBD00;
	s28 =	simm.s32 $0xBF80;
	s29 =	simm.s32 $0x10900  }
0x139: {  	[spmem:s3] =	stream.indirect.scatter.add.f32 [tilespmem:s25], [sflag:$0x2], $0x10, s26, s21, $0xb8;
	[tilespmem:$0x1D100] =	vst v63  }
0x13a: {  	s0 =	simm.s32 $0x0;
	s25 =	simm.s32 $0xBD80;
	s26 =	simm.s32 $0xE900  }
0x13b: {  	[spmem:s3] =	stream.indirect.scatter.add.f32 [tilespmem:s30], [sflag:$0x2], $0x10, s31, s21, $0xb8;
	[tilespmem:$0x1D100] =	vst v63  }
.LBB2_12:
0x13c: {  	[spmem:s3] =	stream.indirect.scatter.add.f32 [tilespmem:s26], [sflag:$0x2], $0x10, s25, s21, $0xb8;
	[tilespmem:$0x1D100] =	vst v63  }
0x13d: {  	s25 =	smov.u32 s28;
	s26 =	smov.u32 s29;
	s0 =	sadd.s32 $0x4, s0  }
0x13e: {  	s1 =	sadd.s32 $0xFFFFE800, s29;
	s16 =	sadd.s32 $0xFFFFFE80, s28;
	p0 =	slt.u32 s0, $0xC  }
0x13f: {  	[spmem:s3] =	stream.indirect.scatter.add.f32 [tilespmem:s1], [sflag:$0x2], $0x10, s16, s21, $0xb8;
	[tilespmem:$0x1D100] =	vst v63  }
.Ltmp5:
0x140: {  	s1 =	sadd.s32 $0xFFFFF000, s29;
	s16 =	sadd.s32 $0xFFFFFF00, s28;
	(pc) =	sbr.rel @p0 .LBB2_12-.Ltmp5, $4  }
0x141: {  	[spmem:s3] =	stream.indirect.scatter.add.f32 [tilespmem:s1], [sflag:$0x2], $0x10, s16, s21, $0xb8;
	[tilespmem:$0x1D100] =	vst v63  }
0x142: {  	s1 =	sadd.s32 $0xFFFFF800, s29;
	s16 =	sadd.s32 $0xFFFFFF80, s28  }
0x143: {  	[spmem:s3] =	stream.indirect.scatter.add.f32 [tilespmem:s1], [sflag:$0x2], $0x10, s16, s21, $0xb8;
	[tilespmem:$0x1D100] =	vst v63  }
0x144: {  	s28 =	sadd.s32 $0x200, s28;
	s29 =	sadd.s32 $0x2000, s29  }
0x145: {  	[spmem:s3] =	stream.indirect.scatter.add.f32 [tilespmem:s26], [sflag:$0x2], $0x10, s25, s21, $0xb8;
	[tilespmem:$0x1D100] =	vst v63  }
0x146: {  	_ =	swait.ge [sflag:s23], $0x800  }
0x147: {  	[sflag:s23] =	ssyncset.done $0x0  }
0x148: {  	[sflag:s23] =	ssyncadd.s32 $0xFFFFF800  }
0x149: {  	_ =	swait.ge [sflag:s23], $0x800  }
0x14a: {  	[sflag:s23] =	ssyncset.done $0x0  }
0x14b: {  	[sflag:s23] =	ssyncadd.s32 $0xFFFFF800  }
0x14c: {  	_ =	swait.ge [sflag:s23], $0x800  }
0x14d: {  	[sflag:s23] =	ssyncset.done $0x0  }
0x14e: {  	[sflag:s23] =	ssyncadd.s32 $0xFFFFF800  }
0x14f: {  	_ =	swait.ge [sflag:s23], $0x800  }
0x150: {  	[sflag:s23] =	ssyncset.done $0x0  }
0x151: {  	[sflag:s23] =	ssyncadd.s32 $0xFFFFF800  }
0x152: {  	_ =	swait.ge [sflag:s23], $0x800  }
0x153: {  	[sflag:s23] =	ssyncset.done $0x0  }
0x154: {  	[sflag:s23] =	ssyncadd.s32 $0xFFFFF800  }
0x155: {  	_ =	swait.ge [sflag:s23], $0x800  }
0x156: {  	[sflag:s23] =	ssyncset.done $0x0  }
0x157: {  	[sflag:s23] =	ssyncadd.s32 $0xFFFFF800  }
0x158: {  	_ =	swait.ge [sflag:s23], $0x800  }
0x159: {  	[sflag:s23] =	ssyncset.done $0x0  }
0x15a: {  	[sflag:s23] =	ssyncadd.s32 $0xFFFFF800  }
0x15b: {  	_ =	swait.ge [sflag:s23], $0x800  }
0x15c: {  	[sflag:s23] =	ssyncset.done $0x0  }
0x15d: {  	[sflag:s23] =	ssyncadd.s32 $0xFFFFF800  }
0x15e: {  	_ =	swait.ge [sflag:s23], $0x800  }
0x15f: {  	[sflag:s23] =	ssyncset.done $0x0  }
0x160: {  	[sflag:s23] =	ssyncadd.s32 $0xFFFFF800  }
0x161: {  	_ =	swait.ge [sflag:s23], $0x800  }
0x162: {  	[sflag:s23] =	ssyncset.done $0x0  }
0x163: {  	[sflag:s23] =	ssyncadd.s32 $0xFFFFF800  }
0x164: {  	_ =	swait.ge [sflag:s23], $0x800  }
0x165: {  	[sflag:s23] =	ssyncset.done $0x0  }
0x166: {  	[sflag:s23] =	ssyncadd.s32 $0xFFFFF800  }
0x167: {  	_ =	swait.ge [sflag:s23], $0x800  }
0x168: {  	[sflag:s23] =	ssyncset.done $0x0  }
0x169: {  	[sflag:s23] =	ssyncadd.s32 $0xFFFFF800  }
0x16a: {  	_ =	swait.ge [sflag:s23], $0x800  }
0x16b: {  	[sflag:s23] =	ssyncset.done $0x0  }
0x16c: {  	[sflag:s23] =	ssyncadd.s32 $0xFFFFF800  }
0x16d: {  	_ =	swait.ge [sflag:s23], $0x800  }
0x16e: {  	[sflag:s23] =	ssyncset.done $0x0  }
0x16f: {  	[sflag:s23] =	ssyncadd.s32 $0xFFFFF800  }
0x170: {  	_ =	swait.ge [sflag:s23], $0x800  }
0x171: {  	[sflag:s23] =	ssyncset.done $0x0  }
0x172: {  	[sflag:s23] =	ssyncadd.s32 $0xFFFFF800  }
0x173: {  	s0 =	simm.s32 $0x15100;
	_ =	swait.ge [sflag:s23], $0x800  }
0x174: {  	s1 =	simm.s32 $0x7A00;
	s25 =	simm.s32 $0x15900;
	[sflag:s23] =	ssyncset.done $0x0  }
0x175: {  	s26 =	simm.s32 $0x7A80;
	s30 =	simm.s32 $0x16100;
	[sflag:s23] =	ssyncadd.s32 $0xFFFFF800  }
0x176: {  	[tilespmem:s0], [sflag:$0x1] =	stream.indirect.gather [hbm4b:s2+s21], $0x10, s1, s21, $0xb8;
	[tilespmem:$0x1D100] =	vst v63  }
0x177: {  	s31 =	simm.s32 $0x7B00;
	s28 =	simm.s32 $0x7D80;
	s29 =	simm.s32 $0x18900  }
0x178: {  	[tilespmem:s25], [sflag:$0x1] =	stream.indirect.gather [hbm4b:s2+s21], $0x10, s26, s21, $0xb8;
	[tilespmem:$0x1D100] =	vst v63  }
0x179: {  	s0 =	simm.s32 $0x0;
	s25 =	simm.s32 $0x7B80;
	s26 =	simm.s32 $0x16900  }
0x17a: {  	[tilespmem:s30], [sflag:$0x1] =	stream.indirect.gather [hbm4b:s2+s21], $0x10, s31, s21, $0xb8;
	[tilespmem:$0x1D100] =	vst v63  }
.LBB2_14:
0x17b: {  	[tilespmem:s26], [sflag:$0x1] =	stream.indirect.gather [hbm4b:s2+s21], $0x10, s25, s21, $0xb8;
	[tilespmem:$0x1D100] =	vst v63  }
0x17c: {  	s25 =	smov.u32 s28;
	s26 =	smov.u32 s29;
	s0 =	sadd.s32 $0x4, s0  }
0x17d: {  	s1 =	sadd.s32 $0xFFFFE800, s29;
	s16 =	sadd.s32 $0xFFFFFE80, s28;
	p0 =	slt.u32 s0, $0xC  }
0x17e: {  	[tilespmem:s1], [sflag:$0x1] =	stream.indirect.gather [hbm4b:s2+s21], $0x10, s16, s21, $0xb8;
	[tilespmem:$0x1D100] =	vst v63  }
.Ltmp6:
0x17f: {  	s1 =	sadd.s32 $0xFFFFF000, s29;
	s16 =	sadd.s32 $0xFFFFFF00, s28;
	(pc) =	sbr.rel @p0 .LBB2_14-.Ltmp6, $4  }
0x180: {  	[tilespmem:s1], [sflag:$0x1] =	stream.indirect.gather [hbm4b:s2+s21], $0x10, s16, s21, $0xb8;
	[tilespmem:$0x1D100] =	vst v63  }
0x181: {  	s1 =	sadd.s32 $0xFFFFF800, s29;
	s16 =	sadd.s32 $0xFFFFFF80, s28  }
0x182: {  	[tilespmem:s1], [sflag:$0x1] =	stream.indirect.gather [hbm4b:s2+s21], $0x10, s16, s21, $0xb8;
	[tilespmem:$0x1D100] =	vst v63  }
0x183: {  	s28 =	sadd.s32 $0x200, s28;
	s29 =	sadd.s32 $0x2000, s29  }
0x184: {  	[tilespmem:s26], [sflag:$0x1] =	stream.indirect.gather [hbm4b:s2+s21], $0x10, s25, s21, $0xb8;
	[tilespmem:$0x1D100] =	vst v63  }
0x185: {  	_ =	swait.ge [sflag:s22], $0x800  }
0x186: {  	[sflag:s22] =	ssyncset.done $0x0  }
0x187: {  	[sflag:s22] =	ssyncadd.s32 $0xFFFFF800  }
0x188: {  	_ =	swait.ge [sflag:s22], $0x800  }
0x189: {  	[sflag:s22] =	ssyncset.done $0x0  }
0x18a: {  	[sflag:s22] =	ssyncadd.s32 $0xFFFFF800  }
0x18b: {  	_ =	swait.ge [sflag:s22], $0x800  }
0x18c: {  	[sflag:s22] =	ssyncset.done $0x0  }
0x18d: {  	[sflag:s22] =	ssyncadd.s32 $0xFFFFF800  }
0x18e: {  	_ =	swait.ge [sflag:s22], $0x800  }
0x18f: {  	[sflag:s22] =	ssyncset.done $0x0  }
0x190: {  	[sflag:s22] =	ssyncadd.s32 $0xFFFFF800  }
0x191: {  	_ =	swait.ge [sflag:s22], $0x800  }
0x192: {  	[sflag:s22] =	ssyncset.done $0x0  }
0x193: {  	[sflag:s22] =	ssyncadd.s32 $0xFFFFF800  }
0x194: {  	_ =	swait.ge [sflag:s22], $0x800  }
0x195: {  	[sflag:s22] =	ssyncset.done $0x0  }
0x196: {  	[sflag:s22] =	ssyncadd.s32 $0xFFFFF800  }
0x197: {  	_ =	swait.ge [sflag:s22], $0x800  }
0x198: {  	[sflag:s22] =	ssyncset.done $0x0  }
0x199: {  	[sflag:s22] =	ssyncadd.s32 $0xFFFFF800  }
0x19a: {  	_ =	swait.ge [sflag:s22], $0x800  }
0x19b: {  	[sflag:s22] =	ssyncset.done $0x0  }
0x19c: {  	[sflag:s22] =	ssyncadd.s32 $0xFFFFF800  }
0x19d: {  	_ =	swait.ge [sflag:s22], $0x800  }
0x19e: {  	[sflag:s22] =	ssyncset.done $0x0  }
0x19f: {  	[sflag:s22] =	ssyncadd.s32 $0xFFFFF800  }
0x1a0: {  	_ =	swait.ge [sflag:s22], $0x800  }
0x1a1: {  	[sflag:s22] =	ssyncset.done $0x0  }
0x1a2: {  	[sflag:s22] =	ssyncadd.s32 $0xFFFFF800  }
0x1a3: {  	_ =	swait.ge [sflag:s22], $0x800  }
0x1a4: {  	[sflag:s22] =	ssyncset.done $0x0  }
0x1a5: {  	[sflag:s22] =	ssyncadd.s32 $0xFFFFF800  }
0x1a6: {  	_ =	swait.ge [sflag:s22], $0x800  }
0x1a7: {  	[sflag:s22] =	ssyncset.done $0x0  }
0x1a8: {  	[sflag:s22] =	ssyncadd.s32 $0xFFFFF800  }
0x1a9: {  	_ =	swait.ge [sflag:s22], $0x800  }
0x1aa: {  	[sflag:s22] =	ssyncset.done $0x0  }
0x1ab: {  	[sflag:s22] =	ssyncadd.s32 $0xFFFFF800  }
0x1ac: {  	_ =	swait.ge [sflag:s22], $0x800  }
0x1ad: {  	[sflag:s22] =	ssyncset.done $0x0  }
0x1ae: {  	[sflag:s22] =	ssyncadd.s32 $0xFFFFF800  }
0x1af: {  	_ =	swait.ge [sflag:s22], $0x800  }
0x1b0: {  	[sflag:s22] =	ssyncset.done $0x0  }
0x1b1: {  	[sflag:s22] =	ssyncadd.s32 $0xFFFFF800  }
0x1b2: {  	s0 =	simm.s32 $0x15100;
	_ =	swait.ge [sflag:s22], $0x800  }
0x1b3: {  	s1 =	simm.s32 $0xC400;
	s25 =	simm.s32 $0x15900;
	[sflag:s22] =	ssyncset.done $0x0  }
0x1b4: {  	s26 =	simm.s32 $0xC480;
	s30 =	simm.s32 $0x16100;
	[sflag:s22] =	ssyncadd.s32 $0xFFFFF800  }
0x1b5: {  	[spmem:s3] =	stream.indirect.scatter.add.f32 [tilespmem:s0], [sflag:$0x2], $0x10, s1, s21, $0xb8;
	[tilespmem:$0x1D100] =	vst v63  }
0x1b6: {  	s31 =	simm.s32 $0xC500;
	s28 =	simm.s32 $0xC780;
	s29 =	simm.s32 $0x18900  }
0x1b7: {  	[spmem:s3] =	stream.indirect.scatter.add.f32 [tilespmem:s25], [sflag:$0x2], $0x10, s26, s21, $0xb8;
	[tilespmem:$0x1D100] =	vst v63  }
0x1b8: {  	s0 =	simm.s32 $0x0;
	s25 =	simm.s32 $0xC580;
	s26 =	simm.s32 $0x16900  }
0x1b9: {  	[spmem:s3] =	stream.indirect.scatter.add.f32 [tilespmem:s30], [sflag:$0x2], $0x10, s31, s21, $0xb8;
	[tilespmem:$0x1D100] =	vst v63  }
.LBB2_16:
0x1ba: {  	[spmem:s3] =	stream.indirect.scatter.add.f32 [tilespmem:s26], [sflag:$0x2], $0x10, s25, s21, $0xb8;
	[tilespmem:$0x1D100] =	vst v63  }
0x1bb: {  	s25 =	smov.u32 s28;
	s26 =	smov.u32 s29;
	s0 =	sadd.s32 $0x4, s0  }
0x1bc: {  	s1 =	sadd.s32 $0xFFFFE800, s29;
	s16 =	sadd.s32 $0xFFFFFE80, s28;
	p0 =	slt.u32 s0, $0xC  }
0x1bd: {  	[spmem:s3] =	stream.indirect.scatter.add.f32 [tilespmem:s1], [sflag:$0x2], $0x10, s16, s21, $0xb8;
	[tilespmem:$0x1D100] =	vst v63  }
.Ltmp7:
0x1be: {  	s1 =	sadd.s32 $0xFFFFF000, s29;
	s16 =	sadd.s32 $0xFFFFFF00, s28;
	(pc) =	sbr.rel @p0 .LBB2_16-.Ltmp7, $4  }
0x1bf: {  	[spmem:s3] =	stream.indirect.scatter.add.f32 [tilespmem:s1], [sflag:$0x2], $0x10, s16, s21, $0xb8;
	[tilespmem:$0x1D100] =	vst v63  }
0x1c0: {  	s1 =	sadd.s32 $0xFFFFF800, s29;
	s16 =	sadd.s32 $0xFFFFFF80, s28  }
0x1c1: {  	[spmem:s3] =	stream.indirect.scatter.add.f32 [tilespmem:s1], [sflag:$0x2], $0x10, s16, s21, $0xb8;
	[tilespmem:$0x1D100] =	vst v63  }
0x1c2: {  	s28 =	sadd.s32 $0x200, s28;
	s29 =	sadd.s32 $0x2000, s29  }
0x1c3: {  	[spmem:s3] =	stream.indirect.scatter.add.f32 [tilespmem:s26], [sflag:$0x2], $0x10, s25, s21, $0xb8;
	[tilespmem:$0x1D100] =	vst v63  }
0x1c4: {  	_ =	swait.ge [sflag:s23], $0x800  }
0x1c5: {  	[sflag:s23] =	ssyncset.done $0x0  }
0x1c6: {  	[sflag:s23] =	ssyncadd.s32 $0xFFFFF800  }
0x1c7: {  	_ =	swait.ge [sflag:s23], $0x800  }
0x1c8: {  	[sflag:s23] =	ssyncset.done $0x0  }
0x1c9: {  	[sflag:s23] =	ssyncadd.s32 $0xFFFFF800  }
0x1ca: {  	_ =	swait.ge [sflag:s23], $0x800  }
0x1cb: {  	[sflag:s23] =	ssyncset.done $0x0  }
0x1cc: {  	[sflag:s23] =	ssyncadd.s32 $0xFFFFF800  }
0x1cd: {  	_ =	swait.ge [sflag:s23], $0x800  }
0x1ce: {  	[sflag:s23] =	ssyncset.done $0x0  }
0x1cf: {  	[sflag:s23] =	ssyncadd.s32 $0xFFFFF800  }
0x1d0: {  	_ =	swait.ge [sflag:s23], $0x800  }
0x1d1: {  	[sflag:s23] =	ssyncset.done $0x0  }
0x1d2: {  	[sflag:s23] =	ssyncadd.s32 $0xFFFFF800  }
0x1d3: {  	_ =	swait.ge [sflag:s23], $0x800  }
0x1d4: {  	[sflag:s23] =	ssyncset.done $0x0  }
0x1d5: {  	[sflag:s23] =	ssyncadd.s32 $0xFFFFF800  }
0x1d6: {  	_ =	swait.ge [sflag:s23], $0x800  }
0x1d7: {  	[sflag:s23] =	ssyncset.done $0x0  }
0x1d8: {  	[sflag:s23] =	ssyncadd.s32 $0xFFFFF800  }
0x1d9: {  	_ =	swait.ge [sflag:s23], $0x800  }
0x1da: {  	[sflag:s23] =	ssyncset.done $0x0  }
0x1db: {  	[sflag:s23] =	ssyncadd.s32 $0xFFFFF800  }
0x1dc: {  	_ =	swait.ge [sflag:s23], $0x800  }
0x1dd: {  	[sflag:s23] =	ssyncset.done $0x0  }
0x1de: {  	[sflag:s23] =	ssyncadd.s32 $0xFFFFF800  }
0x1df: {  	_ =	swait.ge [sflag:s23], $0x800  }
0x1e0: {  	[sflag:s23] =	ssyncset.done $0x0  }
0x1e1: {  	[sflag:s23] =	ssyncadd.s32 $0xFFFFF800  }
0x1e2: {  	_ =	swait.ge [sflag:s23], $0x800  }
0x1e3: {  	[sflag:s23] =	ssyncset.done $0x0  }
0x1e4: {  	[sflag:s23] =	ssyncadd.s32 $0xFFFFF800  }
0x1e5: {  	_ =	swait.ge [sflag:s23], $0x800  }
0x1e6: {  	[sflag:s23] =	ssyncset.done $0x0  }
0x1e7: {  	[sflag:s23] =	ssyncadd.s32 $0xFFFFF800  }
0x1e8: {  	_ =	swait.ge [sflag:s23], $0x800  }
0x1e9: {  	[sflag:s23] =	ssyncset.done $0x0  }
0x1ea: {  	[sflag:s23] =	ssyncadd.s32 $0xFFFFF800  }
0x1eb: {  	_ =	swait.ge [sflag:s23], $0x800  }
0x1ec: {  	[sflag:s23] =	ssyncset.done $0x0  }
0x1ed: {  	[sflag:s23] =	ssyncadd.s32 $0xFFFFF800  }
0x1ee: {  	_ =	swait.ge [sflag:s23], $0x800  }
0x1ef: {  	[sflag:s23] =	ssyncset.done $0x0  }
0x1f0: {  	[sflag:s23] =	ssyncadd.s32 $0xFFFFF800  }
0x1f1: {  	_ =	swait.ge [sflag:s23], $0x800  }
0x1f2: {  	s25 =	simm.s32 $0x0;
	[sflag:s23] =	ssyncset.done $0x0  }
0x1f3: {  	p0 =	por $0x1, $0x1;
	s26 =	simm.s32 $0x0;
	[sflag:s23] =	ssyncadd.s32 $0xFFFFF800  }
.LBB2_18:
0x1f4: {  	s0 =	sshll.u32 s26, $0xB;
	s1 =	sshll.u32 s26, $0x7  }
0x1f5: {  	s0 =	sand.u32 $0x3FFFF800, s0;
	s1 =	sand.u32 $0x3FFFFF80, s1  }
0x1f6: {  	s16 =	sadd.s32 $0xD100, s0;
	s31 =	sadd.s32 $0x8200, s1  }
0x1f7: {  	[tilespmem:s16], [sflag:$0x1] =	stream.indirect.gather [hbm4b:s2+s21], $0x10, s31, s21, $0xb8;
	[tilespmem:$0x1D100] =	vst v63  }
0x1f8: {  	p1 =	por p0, p0;
	s28 =	sadd.s32 $0xD900, s0;
	s29 =	sadd.s32 $0x8280, s1  }
0x1f9: {  	[tilespmem:s28], [sflag:$0x1] =	stream.indirect.gather [hbm4b:s2+s21], $0x10, s29, s21, $0xb8;
	[tilespmem:$0x1D100] =	vst v63  }
.Ltmp8:
0x1fa: {  	s30 =	sadd.s32 $0xE100, s0;
	s31 =	sadd.s32 $0x8300, s1;
	(pc) =	sbr.rel @p1 .LBB2_18-.Ltmp8, $4  }
0x1fb: {  	[tilespmem:s30], [sflag:$0x1] =	stream.indirect.gather [hbm4b:s2+s21], $0x10, s31, s21, $0xb8;
	[tilespmem:$0x1D100] =	vst v63  }
0x1fc: {  	s0 =	sadd.s32 $0xE900, s0;
	s1 =	sadd.s32 $0x8380, s1  }
0x1fd: {  	[tilespmem:s0], [sflag:$0x1] =	stream.indirect.gather [hbm4b:s2+s21], $0x10, s1, s21, $0xb8;
	[tilespmem:$0x1D100] =	vst v63  }
0x1fe: {  	s26 =	simm.s32 $0x4;
	p0 =	por $0x0, $0x0;
	s0 =	simm.s32 $0x11100  }
.LBB2_19:
0x1ff: {  	p0 =	sne.s32 s25, $0x200  }
.Ltmp9:
0x200: {  	_ = 	snop;
	(pc) =	sbr.rel @p0 .LBB2_19-.Ltmp9, $4  }
0x201: {  	s1 =	sshra.s32 s25, $0x2  }
0x202: {  	s1 =	sadd.s32 $0x8600, s1  }
0x203: {  	[tilespmem:s0], [sflag:$0x1] =	stream.indirect.gather [hbm4b:s2+s21], $0x10, s1, s21, $0xb8;
	[tilespmem:$0x1D100] =	vst v63  }
0x204: {  	s25 =	sadd.s32 $0x200, s25;
	s0 =	sadd.s32 $0x800, s0  }
0x205: {  	_ =	swait.ge [sflag:s22], $0x800  }
0x206: {  	[sflag:s22] =	ssyncset.done $0x0  }
0x207: {  	[sflag:s22] =	ssyncadd.s32 $0xFFFFF800  }
0x208: {  	_ =	swait.ge [sflag:s22], $0x800  }
0x209: {  	[sflag:s22] =	ssyncset.done $0x0  }
0x20a: {  	[sflag:s22] =	ssyncadd.s32 $0xFFFFF800  }
0x20b: {  	_ =	swait.ge [sflag:s22], $0x800  }
0x20c: {  	[sflag:s22] =	ssyncset.done $0x0  }
0x20d: {  	[sflag:s22] =	ssyncadd.s32 $0xFFFFF800  }
0x20e: {  	_ =	swait.ge [sflag:s22], $0x800  }
0x20f: {  	[sflag:s22] =	ssyncset.done $0x0  }
0x210: {  	[sflag:s22] =	ssyncadd.s32 $0xFFFFF800  }
0x211: {  	_ =	swait.ge [sflag:s22], $0x800  }
0x212: {  	[sflag:s22] =	ssyncset.done $0x0  }
0x213: {  	[sflag:s22] =	ssyncadd.s32 $0xFFFFF800  }
0x214: {  	_ =	swait.ge [sflag:s22], $0x800  }
0x215: {  	[sflag:s22] =	ssyncset.done $0x0  }
0x216: {  	[sflag:s22] =	ssyncadd.s32 $0xFFFFF800  }
0x217: {  	_ =	swait.ge [sflag:s22], $0x800  }
0x218: {  	[sflag:s22] =	ssyncset.done $0x0  }
0x219: {  	[sflag:s22] =	ssyncadd.s32 $0xFFFFF800  }
0x21a: {  	_ =	swait.ge [sflag:s22], $0x800  }
0x21b: {  	[sflag:s22] =	ssyncset.done $0x0  }
0x21c: {  	[sflag:s22] =	ssyncadd.s32 $0xFFFFF800  }
0x21d: {  	_ =	swait.ge [sflag:s22], $0x800  }
0x21e: {  	[sflag:s22] =	ssyncset.done $0x0  }
0x21f: {  	[sflag:s22] =	ssyncadd.s32 $0xFFFFF800  }
0x220: {  	_ =	swait.ge [sflag:s22], $0x800  }
0x221: {  	s25 =	simm.s32 $0x0;
	[sflag:s22] =	ssyncset.done $0x0  }
0x222: {  	p0 =	por $0x1, $0x1;
	s26 =	simm.s32 $0x0;
	[sflag:s22] =	ssyncadd.s32 $0xFFFFF800  }
.LBB2_21:
0x223: {  	s0 =	sshll.u32 s26, $0xB;
	s1 =	sshll.u32 s26, $0x7  }
0x224: {  	s0 =	sand.u32 $0x3FFFF800, s0;
	s1 =	sand.u32 $0x3FFFFF80, s1  }
0x225: {  	s16 =	sadd.s32 $0xD100, s0;
	s31 =	sadd.s32 $0xCC00, s1  }
0x226: {  	[spmem:s3] =	stream.indirect.scatter.add.f32 [tilespmem:s16], [sflag:$0x2], $0x10, s31, s21, $0xb8;
	[tilespmem:$0x1D100] =	vst v63  }
0x227: {  	p1 =	por p0, p0;
	s28 =	sadd.s32 $0xD900, s0;
	s29 =	sadd.s32 $0xCC80, s1  }
0x228: {  	[spmem:s3] =	stream.indirect.scatter.add.f32 [tilespmem:s28], [sflag:$0x2], $0x10, s29, s21, $0xb8;
	[tilespmem:$0x1D100] =	vst v63  }
.Ltmp10:
0x229: {  	s30 =	sadd.s32 $0xE100, s0;
	s31 =	sadd.s32 $0xCD00, s1;
	(pc) =	sbr.rel @p1 .LBB2_21-.Ltmp10, $4  }
0x22a: {  	[spmem:s3] =	stream.indirect.scatter.add.f32 [tilespmem:s30], [sflag:$0x2], $0x10, s31, s21, $0xb8;
	[tilespmem:$0x1D100] =	vst v63  }
0x22b: {  	s0 =	sadd.s32 $0xE900, s0;
	s1 =	sadd.s32 $0xCD80, s1  }
0x22c: {  	[spmem:s3] =	stream.indirect.scatter.add.f32 [tilespmem:s0], [sflag:$0x2], $0x10, s1, s21, $0xb8;
	[tilespmem:$0x1D100] =	vst v63  }
0x22d: {  	s26 =	simm.s32 $0x4;
	p0 =	por $0x0, $0x0;
	s0 =	simm.s32 $0x11100  }
.LBB2_22:
0x22e: {  	p0 =	sne.s32 s25, $0x200  }
.Ltmp11:
0x22f: {  	_ = 	snop;
	(pc) =	sbr.rel @p0 .LBB2_22-.Ltmp11, $4  }
0x230: {  	s1 =	sshra.s32 s25, $0x2  }
0x231: {  	s1 =	sadd.s32 $0xD000, s1  }
0x232: {  	[spmem:s3] =	stream.indirect.scatter.add.f32 [tilespmem:s0], [sflag:$0x2], $0x10, s1, s21, $0xb8;
	[tilespmem:$0x1D100] =	vst v63  }
0x233: {  	s25 =	sadd.s32 $0x200, s25;
	s0 =	sadd.s32 $0x800, s0  }
0x234: {  	_ =	swait.ge [sflag:s23], $0x800  }
0x235: {  	[sflag:s23] =	ssyncset.done $0x0  }
0x236: {  	[sflag:s23] =	ssyncadd.s32 $0xFFFFF800  }
0x237: {  	_ =	swait.ge [sflag:s23], $0x800  }
0x238: {  	[sflag:s23] =	ssyncset.done $0x0  }
0x239: {  	[sflag:s23] =	ssyncadd.s32 $0xFFFFF800  }
0x23a: {  	_ =	swait.ge [sflag:s23], $0x800  }
0x23b: {  	[sflag:s23] =	ssyncset.done $0x0  }
0x23c: {  	[sflag:s23] =	ssyncadd.s32 $0xFFFFF800  }
0x23d: {  	_ =	swait.ge [sflag:s23], $0x800  }
0x23e: {  	[sflag:s23] =	ssyncset.done $0x0  }
0x23f: {  	[sflag:s23] =	ssyncadd.s32 $0xFFFFF800  }
0x240: {  	_ =	swait.ge [sflag:s23], $0x800  }
0x241: {  	[sflag:s23] =	ssyncset.done $0x0  }
0x242: {  	[sflag:s23] =	ssyncadd.s32 $0xFFFFF800  }
0x243: {  	_ =	swait.ge [sflag:s23], $0x800  }
0x244: {  	[sflag:s23] =	ssyncset.done $0x0  }
0x245: {  	[sflag:s23] =	ssyncadd.s32 $0xFFFFF800  }
0x246: {  	_ =	swait.ge [sflag:s23], $0x800  }
0x247: {  	[sflag:s23] =	ssyncset.done $0x0  }
0x248: {  	[sflag:s23] =	ssyncadd.s32 $0xFFFFF800  }
0x249: {  	_ =	swait.ge [sflag:s23], $0x800  }
0x24a: {  	[sflag:s23] =	ssyncset.done $0x0  }
0x24b: {  	[sflag:s23] =	ssyncadd.s32 $0xFFFFF800  }
0x24c: {  	_ =	swait.ge [sflag:s23], $0x800  }
0x24d: {  	[sflag:s23] =	ssyncset.done $0x0  }
0x24e: {  	[sflag:s23] =	ssyncadd.s32 $0xFFFFF800  }
0x24f: {  	_ =	swait.ge [sflag:s23], $0x800  }
0x250: {  	[sflag:s23] =	ssyncset.done $0x0  }
0x251: {  	[sflag:s23] =	ssyncadd.s32 $0xFFFFF800  }
0x252: {  	_ =	swait.ge [sflag:s23], $0x800  }
0x253: {  	[sflag:s23] =	ssyncset.done $0x0  }
0x254: {  	[sflag:s23] =	ssyncadd.s32 $0xFFFFF800  }
0x255: {  	_ =	swait.ge [sflag:s23], $0x800  }
0x256: {  	[sflag:s23] =	ssyncset.done $0x0  }
0x257: {  	[sflag:s23] =	ssyncadd.s32 $0xFFFFF800  }
0x258: {  	_ =	swait.ge [sflag:s23], $0x800  }
0x259: {  	[sflag:s23] =	ssyncset.done $0x0  }
0x25a: {  	[sflag:s23] =	ssyncadd.s32 $0xFFFFF800  }
0x25b: {  	_ =	swait.ge [sflag:s23], $0x800  }
0x25c: {  	[sflag:s23] =	ssyncset.done $0x0  }
0x25d: {  	[sflag:s23] =	ssyncadd.s32 $0xFFFFF800  }
0x25e: {  	_ =	swait.ge [sflag:s23], $0x800  }
0x25f: {  	[sflag:s23] =	ssyncset.done $0x0  }
0x260: {  	[sflag:s23] =	ssyncadd.s32 $0xFFFFF800  }
0x261: {  	s0 =	simm.s32 $0x15100;
	_ =	swait.ge [sflag:s23], $0x800  }
0x262: {  	s1 =	simm.s32 $0x8700;
	s25 =	simm.s32 $0x15900;
	[sflag:s23] =	ssyncset.done $0x0  }
0x263: {  	s26 =	simm.s32 $0x8780;
	s30 =	simm.s32 $0x16100;
	[sflag:s23] =	ssyncadd.s32 $0xFFFFF800  }
0x264: {  	[tilespmem:s0], [sflag:$0x1] =	stream.indirect.gather [hbm4b:s2+s21], $0x10, s1, s21, $0xb8;
	[tilespmem:$0x1D100] =	vst v63  }
0x265: {  	s31 =	simm.s32 $0x8800;
	s28 =	simm.s32 $0x8A80;
	s29 =	simm.s32 $0x18900  }
0x266: {  	[tilespmem:s25], [sflag:$0x1] =	stream.indirect.gather [hbm4b:s2+s21], $0x10, s26, s21, $0xb8;
	[tilespmem:$0x1D100] =	vst v63  }
0x267: {  	s0 =	simm.s32 $0x0;
	s25 =	simm.s32 $0x8880;
	s26 =	simm.s32 $0x16900  }
0x268: {  	[tilespmem:s30], [sflag:$0x1] =	stream.indirect.gather [hbm4b:s2+s21], $0x10, s31, s21, $0xb8;
	[tilespmem:$0x1D100] =	vst v63  }
.LBB2_24:
0x269: {  	[tilespmem:s26], [sflag:$0x1] =	stream.indirect.gather [hbm4b:s2+s21], $0x10, s25, s21, $0xb8;
	[tilespmem:$0x1D100] =	vst v63  }
0x26a: {  	s25 =	smov.u32 s28;
	s26 =	smov.u32 s29;
	s0 =	sadd.s32 $0x4, s0  }
0x26b: {  	s1 =	sadd.s32 $0xFFFFE800, s29;
	s16 =	sadd.s32 $0xFFFFFE80, s28;
	p0 =	slt.u32 s0, $0xC  }
0x26c: {  	[tilespmem:s1], [sflag:$0x1] =	stream.indirect.gather [hbm4b:s2+s21], $0x10, s16, s21, $0xb8;
	[tilespmem:$0x1D100] =	vst v63  }
.Ltmp12:
0x26d: {  	s1 =	sadd.s32 $0xFFFFF000, s29;
	s16 =	sadd.s32 $0xFFFFFF00, s28;
	(pc) =	sbr.rel @p0 .LBB2_24-.Ltmp12, $4  }
0x26e: {  	[tilespmem:s1], [sflag:$0x1] =	stream.indirect.gather [hbm4b:s2+s21], $0x10, s16, s21, $0xb8;
	[tilespmem:$0x1D100] =	vst v63  }
0x26f: {  	s1 =	sadd.s32 $0xFFFFF800, s29;
	s16 =	sadd.s32 $0xFFFFFF80, s28  }
0x270: {  	[tilespmem:s1], [sflag:$0x1] =	stream.indirect.gather [hbm4b:s2+s21], $0x10, s16, s21, $0xb8;
	[tilespmem:$0x1D100] =	vst v63  }
0x271: {  	s28 =	sadd.s32 $0x200, s28;
	s29 =	sadd.s32 $0x2000, s29  }
0x272: {  	[tilespmem:s26], [sflag:$0x1] =	stream.indirect.gather [hbm4b:s2+s21], $0x10, s25, s21, $0xb8;
	[tilespmem:$0x1D100] =	vst v63  }
0x273: {  	_ =	swait.ge [sflag:s22], $0x800  }
0x274: {  	[sflag:s22] =	ssyncset.done $0x0  }
0x275: {  	[sflag:s22] =	ssyncadd.s32 $0xFFFFF800  }
0x276: {  	_ =	swait.ge [sflag:s22], $0x800  }
0x277: {  	[sflag:s22] =	ssyncset.done $0x0  }
0x278: {  	[sflag:s22] =	ssyncadd.s32 $0xFFFFF800  }
0x279: {  	_ =	swait.ge [sflag:s22], $0x800  }
0x27a: {  	[sflag:s22] =	ssyncset.done $0x0  }
0x27b: {  	[sflag:s22] =	ssyncadd.s32 $0xFFFFF800  }
0x27c: {  	_ =	swait.ge [sflag:s22], $0x800  }
0x27d: {  	[sflag:s22] =	ssyncset.done $0x0  }
0x27e: {  	[sflag:s22] =	ssyncadd.s32 $0xFFFFF800  }
0x27f: {  	_ =	swait.ge [sflag:s22], $0x800  }
0x280: {  	[sflag:s22] =	ssyncset.done $0x0  }
0x281: {  	[sflag:s22] =	ssyncadd.s32 $0xFFFFF800  }
0x282: {  	_ =	swait.ge [sflag:s22], $0x800  }
0x283: {  	[sflag:s22] =	ssyncset.done $0x0  }
0x284: {  	[sflag:s22] =	ssyncadd.s32 $0xFFFFF800  }
0x285: {  	_ =	swait.ge [sflag:s22], $0x800  }
0x286: {  	[sflag:s22] =	ssyncset.done $0x0  }
0x287: {  	[sflag:s22] =	ssyncadd.s32 $0xFFFFF800  }
0x288: {  	_ =	swait.ge [sflag:s22], $0x800  }
0x289: {  	[sflag:s22] =	ssyncset.done $0x0  }
0x28a: {  	[sflag:s22] =	ssyncadd.s32 $0xFFFFF800  }
0x28b: {  	_ =	swait.ge [sflag:s22], $0x800  }
0x28c: {  	[sflag:s22] =	ssyncset.done $0x0  }
0x28d: {  	[sflag:s22] =	ssyncadd.s32 $0xFFFFF800  }
0x28e: {  	_ =	swait.ge [sflag:s22], $0x800  }
0x28f: {  	[sflag:s22] =	ssyncset.done $0x0  }
0x290: {  	[sflag:s22] =	ssyncadd.s32 $0xFFFFF800  }
0x291: {  	_ =	swait.ge [sflag:s22], $0x800  }
0x292: {  	[sflag:s22] =	ssyncset.done $0x0  }
0x293: {  	[sflag:s22] =	ssyncadd.s32 $0xFFFFF800  }
0x294: {  	_ =	swait.ge [sflag:s22], $0x800  }
0x295: {  	[sflag:s22] =	ssyncset.done $0x0  }
0x296: {  	[sflag:s22] =	ssyncadd.s32 $0xFFFFF800  }
0x297: {  	_ =	swait.ge [sflag:s22], $0x800  }
0x298: {  	[sflag:s22] =	ssyncset.done $0x0  }
0x299: {  	[sflag:s22] =	ssyncadd.s32 $0xFFFFF800  }
0x29a: {  	_ =	swait.ge [sflag:s22], $0x800  }
0x29b: {  	[sflag:s22] =	ssyncset.done $0x0  }
0x29c: {  	[sflag:s22] =	ssyncadd.s32 $0xFFFFF800  }
0x29d: {  	_ =	swait.ge [sflag:s22], $0x800  }
0x29e: {  	[sflag:s22] =	ssyncset.done $0x0  }
0x29f: {  	[sflag:s22] =	ssyncadd.s32 $0xFFFFF800  }
0x2a0: {  	s0 =	simm.s32 $0x15100;
	_ =	swait.ge [sflag:s22], $0x800  }
0x2a1: {  	s1 =	simm.s32 $0xAC00;
	s25 =	simm.s32 $0x15900;
	[sflag:s22] =	ssyncset.done $0x0  }
0x2a2: {  	s26 =	simm.s32 $0xAC80;
	s30 =	simm.s32 $0x16100;
	[sflag:s22] =	ssyncadd.s32 $0xFFFFF800  }
0x2a3: {  	[spmem:s7] =	stream.indirect.scatter.add.f32 [tilespmem:s0], [sflag:$0x2], $0x10, s1, s21, $0xb8;
	[tilespmem:$0x1D100] =	vst v63  }
0x2a4: {  	s31 =	simm.s32 $0xAD00;
	s28 =	simm.s32 $0xAF80;
	s29 =	simm.s32 $0x18900  }
0x2a5: {  	[spmem:s7] =	stream.indirect.scatter.add.f32 [tilespmem:s25], [sflag:$0x2], $0x10, s26, s21, $0xb8;
	[tilespmem:$0x1D100] =	vst v63  }
0x2a6: {  	s0 =	simm.s32 $0x0;
	s25 =	simm.s32 $0xAD80;
	s26 =	simm.s32 $0x16900  }
0x2a7: {  	[spmem:s7] =	stream.indirect.scatter.add.f32 [tilespmem:s30], [sflag:$0x2], $0x10, s31, s21, $0xb8;
	[tilespmem:$0x1D100] =	vst v63  }
.LBB2_26:
0x2a8: {  	[spmem:s7] =	stream.indirect.scatter.add.f32 [tilespmem:s26], [sflag:$0x2], $0x10, s25, s21, $0xb8;
	[tilespmem:$0x1D100] =	vst v63  }
0x2a9: {  	s25 =	smov.u32 s28;
	s26 =	smov.u32 s29;
	s0 =	sadd.s32 $0x4, s0  }
0x2aa: {  	s1 =	sadd.s32 $0xFFFFE800, s29;
	s16 =	sadd.s32 $0xFFFFFE80, s28;
	p0 =	slt.u32 s0, $0xC  }
0x2ab: {  	[spmem:s7] =	stream.indirect.scatter.add.f32 [tilespmem:s1], [sflag:$0x2], $0x10, s16, s21, $0xb8;
	[tilespmem:$0x1D100] =	vst v63  }
.Ltmp13:
0x2ac: {  	s1 =	sadd.s32 $0xFFFFF000, s29;
	s16 =	sadd.s32 $0xFFFFFF00, s28;
	(pc) =	sbr.rel @p0 .LBB2_26-.Ltmp13, $4  }
0x2ad: {  	[spmem:s7] =	stream.indirect.scatter.add.f32 [tilespmem:s1], [sflag:$0x2], $0x10, s16, s21, $0xb8;
	[tilespmem:$0x1D100] =	vst v63  }
0x2ae: {  	s1 =	sadd.s32 $0xFFFFF800, s29;
	s16 =	sadd.s32 $0xFFFFFF80, s28  }
0x2af: {  	[spmem:s7] =	stream.indirect.scatter.add.f32 [tilespmem:s1], [sflag:$0x2], $0x10, s16, s21, $0xb8;
	[tilespmem:$0x1D100] =	vst v63  }
0x2b0: {  	s28 =	sadd.s32 $0x200, s28;
	s29 =	sadd.s32 $0x2000, s29  }
0x2b1: {  	[spmem:s7] =	stream.indirect.scatter.add.f32 [tilespmem:s26], [sflag:$0x2], $0x10, s25, s21, $0xb8;
	[tilespmem:$0x1D100] =	vst v63  }
0x2b2: {  	_ =	swait.ge [sflag:s23], $0x800  }
0x2b3: {  	[sflag:s23] =	ssyncset.done $0x0  }
0x2b4: {  	[sflag:s23] =	ssyncadd.s32 $0xFFFFF800  }
0x2b5: {  	_ =	swait.ge [sflag:s23], $0x800  }
0x2b6: {  	[sflag:s23] =	ssyncset.done $0x0  }
0x2b7: {  	[sflag:s23] =	ssyncadd.s32 $0xFFFFF800  }
0x2b8: {  	_ =	swait.ge [sflag:s23], $0x800  }
0x2b9: {  	[sflag:s23] =	ssyncset.done $0x0  }
0x2ba: {  	[sflag:s23] =	ssyncadd.s32 $0xFFFFF800  }
0x2bb: {  	_ =	swait.ge [sflag:s23], $0x800  }
0x2bc: {  	[sflag:s23] =	ssyncset.done $0x0  }
0x2bd: {  	[sflag:s23] =	ssyncadd.s32 $0xFFFFF800  }
0x2be: {  	_ =	swait.ge [sflag:s23], $0x800  }
0x2bf: {  	[sflag:s23] =	ssyncset.done $0x0  }
0x2c0: {  	[sflag:s23] =	ssyncadd.s32 $0xFFFFF800  }
0x2c1: {  	_ =	swait.ge [sflag:s23], $0x800  }
0x2c2: {  	[sflag:s23] =	ssyncset.done $0x0  }
0x2c3: {  	[sflag:s23] =	ssyncadd.s32 $0xFFFFF800  }
0x2c4: {  	_ =	swait.ge [sflag:s23], $0x800  }
0x2c5: {  	[sflag:s23] =	ssyncset.done $0x0  }
0x2c6: {  	[sflag:s23] =	ssyncadd.s32 $0xFFFFF800  }
0x2c7: {  	_ =	swait.ge [sflag:s23], $0x800  }
0x2c8: {  	[sflag:s23] =	ssyncset.done $0x0  }
0x2c9: {  	[sflag:s23] =	ssyncadd.s32 $0xFFFFF800  }
0x2ca: {  	_ =	swait.ge [sflag:s23], $0x800  }
0x2cb: {  	[sflag:s23] =	ssyncset.done $0x0  }
0x2cc: {  	[sflag:s23] =	ssyncadd.s32 $0xFFFFF800  }
0x2cd: {  	s0 =	simm.s32 $0xD100;
	_ =	swait.ge [sflag:s23], $0x800  }
0x2ce: {  	s1 =	simm.s32 $0x8F00;
	s25 =	simm.s32 $0xD900;
	[sflag:s23] =	ssyncset.done $0x0  }
0x2cf: {  	s26 =	simm.s32 $0x8F80;
	s30 =	simm.s32 $0xE100;
	[sflag:s23] =	ssyncadd.s32 $0xFFFFF800  }
0x2d0: {  	[tilespmem:s0], [sflag:$0x1] =	stream.indirect.gather [hbm4b:s2+s21], $0x10, s1, s21, $0xb8;
	[tilespmem:$0x1D100] =	vst v63  }
0x2d1: {  	s31 =	simm.s32 $0x9000;
	s28 =	simm.s32 $0x9280;
	s29 =	simm.s32 $0x10900  }
0x2d2: {  	[tilespmem:s25], [sflag:$0x1] =	stream.indirect.gather [hbm4b:s2+s21], $0x10, s26, s21, $0xb8;
	[tilespmem:$0x1D100] =	vst v63  }
0x2d3: {  	s0 =	simm.s32 $0x0;
	s25 =	simm.s32 $0x9080;
	s26 =	simm.s32 $0xE900  }
0x2d4: {  	[tilespmem:s30], [sflag:$0x1] =	stream.indirect.gather [hbm4b:s2+s21], $0x10, s31, s21, $0xb8;
	[tilespmem:$0x1D100] =	vst v63  }
.LBB2_28:
0x2d5: {  	[tilespmem:s26], [sflag:$0x1] =	stream.indirect.gather [hbm4b:s2+s21], $0x10, s25, s21, $0xb8;
	[tilespmem:$0x1D100] =	vst v63  }
0x2d6: {  	s25 =	smov.u32 s28;
	s26 =	smov.u32 s29;
	s0 =	sadd.s32 $0x4, s0  }
0x2d7: {  	s1 =	sadd.s32 $0xFFFFE800, s29;
	s16 =	sadd.s32 $0xFFFFFE80, s28;
	p0 =	slt.u32 s0, $0xC  }
0x2d8: {  	[tilespmem:s1], [sflag:$0x1] =	stream.indirect.gather [hbm4b:s2+s21], $0x10, s16, s21, $0xb8;
	[tilespmem:$0x1D100] =	vst v63  }
.Ltmp14:
0x2d9: {  	s1 =	sadd.s32 $0xFFFFF000, s29;
	s16 =	sadd.s32 $0xFFFFFF00, s28;
	(pc) =	sbr.rel @p0 .LBB2_28-.Ltmp14, $4  }
0x2da: {  	[tilespmem:s1], [sflag:$0x1] =	stream.indirect.gather [hbm4b:s2+s21], $0x10, s16, s21, $0xb8;
	[tilespmem:$0x1D100] =	vst v63  }
0x2db: {  	s1 =	sadd.s32 $0xFFFFF800, s29;
	s16 =	sadd.s32 $0xFFFFFF80, s28  }
0x2dc: {  	[tilespmem:s1], [sflag:$0x1] =	stream.indirect.gather [hbm4b:s2+s21], $0x10, s16, s21, $0xb8;
	[tilespmem:$0x1D100] =	vst v63  }
0x2dd: {  	s28 =	sadd.s32 $0x200, s28;
	s29 =	sadd.s32 $0x2000, s29  }
0x2de: {  	[tilespmem:s26], [sflag:$0x1] =	stream.indirect.gather [hbm4b:s2+s21], $0x10, s25, s21, $0xb8;
	[tilespmem:$0x1D100] =	vst v63  }
0x2df: {  	_ =	swait.ge [sflag:s22], $0x800  }
0x2e0: {  	[sflag:s22] =	ssyncset.done $0x0  }
0x2e1: {  	[sflag:s22] =	ssyncadd.s32 $0xFFFFF800  }
0x2e2: {  	_ =	swait.ge [sflag:s22], $0x800  }
0x2e3: {  	[sflag:s22] =	ssyncset.done $0x0  }
0x2e4: {  	[sflag:s22] =	ssyncadd.s32 $0xFFFFF800  }
0x2e5: {  	_ =	swait.ge [sflag:s22], $0x800  }
0x2e6: {  	[sflag:s22] =	ssyncset.done $0x0  }
0x2e7: {  	[sflag:s22] =	ssyncadd.s32 $0xFFFFF800  }
0x2e8: {  	_ =	swait.ge [sflag:s22], $0x800  }
0x2e9: {  	[sflag:s22] =	ssyncset.done $0x0  }
0x2ea: {  	[sflag:s22] =	ssyncadd.s32 $0xFFFFF800  }
0x2eb: {  	_ =	swait.ge [sflag:s22], $0x800  }
0x2ec: {  	[sflag:s22] =	ssyncset.done $0x0  }
0x2ed: {  	[sflag:s22] =	ssyncadd.s32 $0xFFFFF800  }
0x2ee: {  	_ =	swait.ge [sflag:s22], $0x800  }
0x2ef: {  	[sflag:s22] =	ssyncset.done $0x0  }
0x2f0: {  	[sflag:s22] =	ssyncadd.s32 $0xFFFFF800  }
0x2f1: {  	_ =	swait.ge [sflag:s22], $0x800  }
0x2f2: {  	[sflag:s22] =	ssyncset.done $0x0  }
0x2f3: {  	[sflag:s22] =	ssyncadd.s32 $0xFFFFF800  }
0x2f4: {  	_ =	swait.ge [sflag:s22], $0x800  }
0x2f5: {  	[sflag:s22] =	ssyncset.done $0x0  }
0x2f6: {  	[sflag:s22] =	ssyncadd.s32 $0xFFFFF800  }
0x2f7: {  	_ =	swait.ge [sflag:s22], $0x800  }
0x2f8: {  	[sflag:s22] =	ssyncset.done $0x0  }
0x2f9: {  	[sflag:s22] =	ssyncadd.s32 $0xFFFFF800  }
0x2fa: {  	_ =	swait.ge [sflag:s22], $0x800  }
0x2fb: {  	[sflag:s22] =	ssyncset.done $0x0  }
0x2fc: {  	[sflag:s22] =	ssyncadd.s32 $0xFFFFF800  }
0x2fd: {  	_ =	swait.ge [sflag:s22], $0x800  }
0x2fe: {  	[sflag:s22] =	ssyncset.done $0x0  }
0x2ff: {  	[sflag:s22] =	ssyncadd.s32 $0xFFFFF800  }
0x300: {  	_ =	swait.ge [sflag:s22], $0x800  }
0x301: {  	[sflag:s22] =	ssyncset.done $0x0  }
0x302: {  	[sflag:s22] =	ssyncadd.s32 $0xFFFFF800  }
0x303: {  	_ =	swait.ge [sflag:s22], $0x800  }
0x304: {  	[sflag:s22] =	ssyncset.done $0x0  }
0x305: {  	[sflag:s22] =	ssyncadd.s32 $0xFFFFF800  }
0x306: {  	_ =	swait.ge [sflag:s22], $0x800  }
0x307: {  	[sflag:s22] =	ssyncset.done $0x0  }
0x308: {  	[sflag:s22] =	ssyncadd.s32 $0xFFFFF800  }
0x309: {  	_ =	swait.ge [sflag:s22], $0x800  }
0x30a: {  	[sflag:s22] =	ssyncset.done $0x0  }
0x30b: {  	[sflag:s22] =	ssyncadd.s32 $0xFFFFF800  }
0x30c: {  	s0 =	simm.s32 $0xD100;
	_ =	swait.ge [sflag:s22], $0x800  }
0x30d: {  	s1 =	simm.s32 $0xB400;
	s25 =	simm.s32 $0xD900;
	[sflag:s22] =	ssyncset.done $0x0  }
0x30e: {  	s26 =	simm.s32 $0xB480;
	s30 =	simm.s32 $0xE100;
	[sflag:s22] =	ssyncadd.s32 $0xFFFFF800  }
0x30f: {  	[spmem:s7] =	stream.indirect.scatter.add.f32 [tilespmem:s0], [sflag:$0x2], $0x10, s1, s21, $0xb8;
	[tilespmem:$0x1D100] =	vst v63  }
0x310: {  	s31 =	simm.s32 $0xB500;
	s28 =	simm.s32 $0xB780;
	s29 =	simm.s32 $0x10900  }
0x311: {  	[spmem:s7] =	stream.indirect.scatter.add.f32 [tilespmem:s25], [sflag:$0x2], $0x10, s26, s21, $0xb8;
	[tilespmem:$0x1D100] =	vst v63  }
0x312: {  	s0 =	simm.s32 $0x0;
	s25 =	simm.s32 $0xB580;
	s26 =	simm.s32 $0xE900  }
0x313: {  	[spmem:s7] =	stream.indirect.scatter.add.f32 [tilespmem:s30], [sflag:$0x2], $0x10, s31, s21, $0xb8;
	[tilespmem:$0x1D100] =	vst v63  }
.LBB2_30:
0x314: {  	[spmem:s7] =	stream.indirect.scatter.add.f32 [tilespmem:s26], [sflag:$0x2], $0x10, s25, s21, $0xb8;
	[tilespmem:$0x1D100] =	vst v63  }
0x315: {  	s25 =	smov.u32 s28;
	s26 =	smov.u32 s29;
	s0 =	sadd.s32 $0x4, s0  }
0x316: {  	s1 =	sadd.s32 $0xFFFFE800, s29;
	s16 =	sadd.s32 $0xFFFFFE80, s28;
	p0 =	slt.u32 s0, $0xC  }
0x317: {  	[spmem:s7] =	stream.indirect.scatter.add.f32 [tilespmem:s1], [sflag:$0x2], $0x10, s16, s21, $0xb8;
	[tilespmem:$0x1D100] =	vst v63  }
.Ltmp15:
0x318: {  	s1 =	sadd.s32 $0xFFFFF000, s29;
	s16 =	sadd.s32 $0xFFFFFF00, s28;
	(pc) =	sbr.rel @p0 .LBB2_30-.Ltmp15, $4  }
0x319: {  	[spmem:s7] =	stream.indirect.scatter.add.f32 [tilespmem:s1], [sflag:$0x2], $0x10, s16, s21, $0xb8;
	[tilespmem:$0x1D100] =	vst v63  }
0x31a: {  	s1 =	sadd.s32 $0xFFFFF800, s29;
	s16 =	sadd.s32 $0xFFFFFF80, s28  }
0x31b: {  	[spmem:s7] =	stream.indirect.scatter.add.f32 [tilespmem:s1], [sflag:$0x2], $0x10, s16, s21, $0xb8;
	[tilespmem:$0x1D100] =	vst v63  }
0x31c: {  	s28 =	sadd.s32 $0x200, s28;
	s29 =	sadd.s32 $0x2000, s29  }
0x31d: {  	[spmem:s7] =	stream.indirect.scatter.add.f32 [tilespmem:s26], [sflag:$0x2], $0x10, s25, s21, $0xb8;
	[tilespmem:$0x1D100] =	vst v63  }
0x31e: {  	_ =	swait.ge [sflag:s23], $0x800  }
0x31f: {  	[sflag:s23] =	ssyncset.done $0x0  }
0x320: {  	[sflag:s23] =	ssyncadd.s32 $0xFFFFF800  }
0x321: {  	_ =	swait.ge [sflag:s23], $0x800  }
0x322: {  	[sflag:s23] =	ssyncset.done $0x0  }
0x323: {  	[sflag:s23] =	ssyncadd.s32 $0xFFFFF800  }
0x324: {  	_ =	swait.ge [sflag:s23], $0x800  }
0x325: {  	[sflag:s23] =	ssyncset.done $0x0  }
0x326: {  	[sflag:s23] =	ssyncadd.s32 $0xFFFFF800  }
0x327: {  	_ =	swait.ge [sflag:s23], $0x800  }
0x328: {  	[sflag:s23] =	ssyncset.done $0x0  }
0x329: {  	[sflag:s23] =	ssyncadd.s32 $0xFFFFF800  }
0x32a: {  	_ =	swait.ge [sflag:s23], $0x800  }
0x32b: {  	[sflag:s23] =	ssyncset.done $0x0  }
0x32c: {  	[sflag:s23] =	ssyncadd.s32 $0xFFFFF800  }
0x32d: {  	_ =	swait.ge [sflag:s23], $0x800  }
0x32e: {  	[sflag:s23] =	ssyncset.done $0x0  }
0x32f: {  	[sflag:s23] =	ssyncadd.s32 $0xFFFFF800  }
0x330: {  	_ =	swait.ge [sflag:s23], $0x800  }
0x331: {  	[sflag:s23] =	ssyncset.done $0x0  }
0x332: {  	[sflag:s23] =	ssyncadd.s32 $0xFFFFF800  }
0x333: {  	_ =	swait.ge [sflag:s23], $0x800  }
0x334: {  	[sflag:s23] =	ssyncset.done $0x0  }
0x335: {  	[sflag:s23] =	ssyncadd.s32 $0xFFFFF800  }
0x336: {  	_ =	swait.ge [sflag:s23], $0x800  }
0x337: {  	[sflag:s23] =	ssyncset.done $0x0  }
0x338: {  	[sflag:s23] =	ssyncadd.s32 $0xFFFFF800  }
0x339: {  	_ =	swait.ge [sflag:s23], $0x800  }
0x33a: {  	[sflag:s23] =	ssyncset.done $0x0  }
0x33b: {  	[sflag:s23] =	ssyncadd.s32 $0xFFFFF800  }
0x33c: {  	_ =	swait.ge [sflag:s23], $0x800  }
0x33d: {  	[sflag:s23] =	ssyncset.done $0x0  }
0x33e: {  	[sflag:s23] =	ssyncadd.s32 $0xFFFFF800  }
0x33f: {  	_ =	swait.ge [sflag:s23], $0x800  }
0x340: {  	[sflag:s23] =	ssyncset.done $0x0  }
0x341: {  	[sflag:s23] =	ssyncadd.s32 $0xFFFFF800  }
0x342: {  	_ =	swait.ge [sflag:s23], $0x800  }
0x343: {  	[sflag:s23] =	ssyncset.done $0x0  }
0x344: {  	[sflag:s23] =	ssyncadd.s32 $0xFFFFF800  }
0x345: {  	_ =	swait.ge [sflag:s23], $0x800  }
0x346: {  	[sflag:s23] =	ssyncset.done $0x0  }
0x347: {  	[sflag:s23] =	ssyncadd.s32 $0xFFFFF800  }
0x348: {  	_ =	swait.ge [sflag:s23], $0x800  }
0x349: {  	[sflag:s23] =	ssyncset.done $0x0  }
0x34a: {  	[sflag:s23] =	ssyncadd.s32 $0xFFFFF800  }
0x34b: {  	s0 =	simm.s32 $0x15100;
	_ =	swait.ge [sflag:s23], $0x800  }
0x34c: {  	s1 =	simm.s32 $0x9700;
	s25 =	simm.s32 $0x15900;
	[sflag:s23] =	ssyncset.done $0x0  }
0x34d: {  	s26 =	simm.s32 $0x9780;
	s30 =	simm.s32 $0x16100;
	[sflag:s23] =	ssyncadd.s32 $0xFFFFF800  }
0x34e: {  	[tilespmem:s0], [sflag:$0x1] =	stream.indirect.gather [hbm4b:s2+s21], $0x10, s1, s21, $0xb8;
	[tilespmem:$0x1D100] =	vst v63  }
0x34f: {  	s31 =	simm.s32 $0x9800;
	s28 =	simm.s32 $0x9A80;
	s29 =	simm.s32 $0x18900  }
0x350: {  	[tilespmem:s25], [sflag:$0x1] =	stream.indirect.gather [hbm4b:s2+s21], $0x10, s26, s21, $0xb8;
	[tilespmem:$0x1D100] =	vst v63  }
0x351: {  	s0 =	simm.s32 $0x0;
	s25 =	simm.s32 $0x9880;
	s26 =	simm.s32 $0x16900  }
0x352: {  	[tilespmem:s30], [sflag:$0x1] =	stream.indirect.gather [hbm4b:s2+s21], $0x10, s31, s21, $0xb8;
	[tilespmem:$0x1D100] =	vst v63  }
.LBB2_32:
0x353: {  	[tilespmem:s26], [sflag:$0x1] =	stream.indirect.gather [hbm4b:s2+s21], $0x10, s25, s21, $0xb8;
	[tilespmem:$0x1D100] =	vst v63  }
0x354: {  	s25 =	smov.u32 s28;
	s26 =	smov.u32 s29;
	s0 =	sadd.s32 $0x4, s0  }
0x355: {  	s1 =	sadd.s32 $0xFFFFE800, s29;
	s16 =	sadd.s32 $0xFFFFFE80, s28;
	p0 =	slt.u32 s0, $0xC  }
0x356: {  	[tilespmem:s1], [sflag:$0x1] =	stream.indirect.gather [hbm4b:s2+s21], $0x10, s16, s21, $0xb8;
	[tilespmem:$0x1D100] =	vst v63  }
.Ltmp16:
0x357: {  	s1 =	sadd.s32 $0xFFFFF000, s29;
	s16 =	sadd.s32 $0xFFFFFF00, s28;
	(pc) =	sbr.rel @p0 .LBB2_32-.Ltmp16, $4  }
0x358: {  	[tilespmem:s1], [sflag:$0x1] =	stream.indirect.gather [hbm4b:s2+s21], $0x10, s16, s21, $0xb8;
	[tilespmem:$0x1D100] =	vst v63  }
0x359: {  	s1 =	sadd.s32 $0xFFFFF800, s29;
	s16 =	sadd.s32 $0xFFFFFF80, s28  }
0x35a: {  	[tilespmem:s1], [sflag:$0x1] =	stream.indirect.gather [hbm4b:s2+s21], $0x10, s16, s21, $0xb8;
	[tilespmem:$0x1D100] =	vst v63  }
0x35b: {  	s28 =	sadd.s32 $0x200, s28;
	s29 =	sadd.s32 $0x2000, s29  }
0x35c: {  	[tilespmem:s26], [sflag:$0x1] =	stream.indirect.gather [hbm4b:s2+s21], $0x10, s25, s21, $0xb8;
	[tilespmem:$0x1D100] =	vst v63  }
0x35d: {  	_ =	swait.ge [sflag:s22], $0x800  }
0x35e: {  	[sflag:s22] =	ssyncset.done $0x0  }
0x35f: {  	[sflag:s22] =	ssyncadd.s32 $0xFFFFF800  }
0x360: {  	_ =	swait.ge [sflag:s22], $0x800  }
0x361: {  	[sflag:s22] =	ssyncset.done $0x0  }
0x362: {  	[sflag:s22] =	ssyncadd.s32 $0xFFFFF800  }
0x363: {  	_ =	swait.ge [sflag:s22], $0x800  }
0x364: {  	[sflag:s22] =	ssyncset.done $0x0  }
0x365: {  	[sflag:s22] =	ssyncadd.s32 $0xFFFFF800  }
0x366: {  	_ =	swait.ge [sflag:s22], $0x800  }
0x367: {  	[sflag:s22] =	ssyncset.done $0x0  }
0x368: {  	[sflag:s22] =	ssyncadd.s32 $0xFFFFF800  }
0x369: {  	_ =	swait.ge [sflag:s22], $0x800  }
0x36a: {  	[sflag:s22] =	ssyncset.done $0x0  }
0x36b: {  	[sflag:s22] =	ssyncadd.s32 $0xFFFFF800  }
0x36c: {  	_ =	swait.ge [sflag:s22], $0x800  }
0x36d: {  	[sflag:s22] =	ssyncset.done $0x0  }
0x36e: {  	[sflag:s22] =	ssyncadd.s32 $0xFFFFF800  }
0x36f: {  	_ =	swait.ge [sflag:s22], $0x800  }
0x370: {  	[sflag:s22] =	ssyncset.done $0x0  }
0x371: {  	[sflag:s22] =	ssyncadd.s32 $0xFFFFF800  }
0x372: {  	_ =	swait.ge [sflag:s22], $0x800  }
0x373: {  	[sflag:s22] =	ssyncset.done $0x0  }
0x374: {  	[sflag:s22] =	ssyncadd.s32 $0xFFFFF800  }
0x375: {  	_ =	swait.ge [sflag:s22], $0x800  }
0x376: {  	[sflag:s22] =	ssyncset.done $0x0  }
0x377: {  	[sflag:s22] =	ssyncadd.s32 $0xFFFFF800  }
0x378: {  	_ =	swait.ge [sflag:s22], $0x800  }
0x379: {  	[sflag:s22] =	ssyncset.done $0x0  }
0x37a: {  	[sflag:s22] =	ssyncadd.s32 $0xFFFFF800  }
0x37b: {  	_ =	swait.ge [sflag:s22], $0x800  }
0x37c: {  	[sflag:s22] =	ssyncset.done $0x0  }
0x37d: {  	[sflag:s22] =	ssyncadd.s32 $0xFFFFF800  }
0x37e: {  	_ =	swait.ge [sflag:s22], $0x800  }
0x37f: {  	[sflag:s22] =	ssyncset.done $0x0  }
0x380: {  	[sflag:s22] =	ssyncadd.s32 $0xFFFFF800  }
0x381: {  	_ =	swait.ge [sflag:s22], $0x800  }
0x382: {  	[sflag:s22] =	ssyncset.done $0x0  }
0x383: {  	[sflag:s22] =	ssyncadd.s32 $0xFFFFF800  }
0x384: {  	_ =	swait.ge [sflag:s22], $0x800  }
0x385: {  	[sflag:s22] =	ssyncset.done $0x0  }
0x386: {  	[sflag:s22] =	ssyncadd.s32 $0xFFFFF800  }
0x387: {  	_ =	swait.ge [sflag:s22], $0x800  }
0x388: {  	[sflag:s22] =	ssyncset.done $0x0  }
0x389: {  	[sflag:s22] =	ssyncadd.s32 $0xFFFFF800  }
0x38a: {  	s0 =	simm.s32 $0x15100;
	_ =	swait.ge [sflag:s22], $0x800  }
0x38b: {  	s1 =	simm.s32 $0xBC00;
	s25 =	simm.s32 $0x15900;
	[sflag:s22] =	ssyncset.done $0x0  }
0x38c: {  	s26 =	simm.s32 $0xBC80;
	s30 =	simm.s32 $0x16100;
	[sflag:s22] =	ssyncadd.s32 $0xFFFFF800  }
0x38d: {  	[spmem:s7] =	stream.indirect.scatter.add.f32 [tilespmem:s0], [sflag:$0x2], $0x10, s1, s21, $0xb8;
	[tilespmem:$0x1D100] =	vst v63  }
0x38e: {  	s31 =	simm.s32 $0xBD00;
	s28 =	simm.s32 $0xBF80;
	s29 =	simm.s32 $0x18900  }
0x38f: {  	[spmem:s7] =	stream.indirect.scatter.add.f32 [tilespmem:s25], [sflag:$0x2], $0x10, s26, s21, $0xb8;
	[tilespmem:$0x1D100] =	vst v63  }
0x390: {  	s0 =	simm.s32 $0x0;
	s25 =	simm.s32 $0xBD80;
	s26 =	simm.s32 $0x16900  }
0x391: {  	[spmem:s7] =	stream.indirect.scatter.add.f32 [tilespmem:s30], [sflag:$0x2], $0x10, s31, s21, $0xb8;
	[tilespmem:$0x1D100] =	vst v63  }
.LBB2_34:
0x392: {  	[spmem:s7] =	stream.indirect.scatter.add.f32 [tilespmem:s26], [sflag:$0x2], $0x10, s25, s21, $0xb8;
	[tilespmem:$0x1D100] =	vst v63  }
0x393: {  	s25 =	smov.u32 s28;
	s26 =	smov.u32 s29;
	s0 =	sadd.s32 $0x4, s0  }
0x394: {  	s1 =	sadd.s32 $0xFFFFE800, s29;
	s16 =	sadd.s32 $0xFFFFFE80, s28;
	p0 =	slt.u32 s0, $0xC  }
0x395: {  	[spmem:s7] =	stream.indirect.scatter.add.f32 [tilespmem:s1], [sflag:$0x2], $0x10, s16, s21, $0xb8;
	[tilespmem:$0x1D100] =	vst v63  }
.Ltmp17:
0x396: {  	s1 =	sadd.s32 $0xFFFFF000, s29;
	s16 =	sadd.s32 $0xFFFFFF00, s28;
	(pc) =	sbr.rel @p0 .LBB2_34-.Ltmp17, $4  }
0x397: {  	[spmem:s7] =	stream.indirect.scatter.add.f32 [tilespmem:s1], [sflag:$0x2], $0x10, s16, s21, $0xb8;
	[tilespmem:$0x1D100] =	vst v63  }
0x398: {  	s1 =	sadd.s32 $0xFFFFF800, s29;
	s16 =	sadd.s32 $0xFFFFFF80, s28  }
0x399: {  	[spmem:s7] =	stream.indirect.scatter.add.f32 [tilespmem:s1], [sflag:$0x2], $0x10, s16, s21, $0xb8;
	[tilespmem:$0x1D100] =	vst v63  }
0x39a: {  	s28 =	sadd.s32 $0x200, s28;
	s29 =	sadd.s32 $0x2000, s29  }
0x39b: {  	[spmem:s7] =	stream.indirect.scatter.add.f32 [tilespmem:s26], [sflag:$0x2], $0x10, s25, s21, $0xb8;
	[tilespmem:$0x1D100] =	vst v63  }
0x39c: {  	_ =	swait.ge [sflag:s23], $0x800  }
0x39d: {  	[sflag:s23] =	ssyncset.done $0x0  }
0x39e: {  	[sflag:s23] =	ssyncadd.s32 $0xFFFFF800  }
0x39f: {  	_ =	swait.ge [sflag:s23], $0x800  }
0x3a0: {  	[sflag:s23] =	ssyncset.done $0x0  }
0x3a1: {  	[sflag:s23] =	ssyncadd.s32 $0xFFFFF800  }
0x3a2: {  	_ =	swait.ge [sflag:s23], $0x800  }
0x3a3: {  	[sflag:s23] =	ssyncset.done $0x0  }
0x3a4: {  	[sflag:s23] =	ssyncadd.s32 $0xFFFFF800  }
0x3a5: {  	_ =	swait.ge [sflag:s23], $0x800  }
0x3a6: {  	[sflag:s23] =	ssyncset.done $0x0  }
0x3a7: {  	[sflag:s23] =	ssyncadd.s32 $0xFFFFF800  }
0x3a8: {  	_ =	swait.ge [sflag:s23], $0x800  }
0x3a9: {  	[sflag:s23] =	ssyncset.done $0x0  }
0x3aa: {  	[sflag:s23] =	ssyncadd.s32 $0xFFFFF800  }
0x3ab: {  	_ =	swait.ge [sflag:s23], $0x800  }
0x3ac: {  	[sflag:s23] =	ssyncset.done $0x0  }
0x3ad: {  	[sflag:s23] =	ssyncadd.s32 $0xFFFFF800  }
0x3ae: {  	_ =	swait.ge [sflag:s23], $0x800  }
0x3af: {  	[sflag:s23] =	ssyncset.done $0x0  }
0x3b0: {  	[sflag:s23] =	ssyncadd.s32 $0xFFFFF800  }
0x3b1: {  	_ =	swait.ge [sflag:s23], $0x800  }
0x3b2: {  	[sflag:s23] =	ssyncset.done $0x0  }
0x3b3: {  	[sflag:s23] =	ssyncadd.s32 $0xFFFFF800  }
0x3b4: {  	_ =	swait.ge [sflag:s23], $0x800  }
0x3b5: {  	[sflag:s23] =	ssyncset.done $0x0  }
0x3b6: {  	[sflag:s23] =	ssyncadd.s32 $0xFFFFF800  }
0x3b7: {  	_ =	swait.ge [sflag:s23], $0x800  }
0x3b8: {  	[sflag:s23] =	ssyncset.done $0x0  }
0x3b9: {  	[sflag:s23] =	ssyncadd.s32 $0xFFFFF800  }
0x3ba: {  	_ =	swait.ge [sflag:s23], $0x800  }
0x3bb: {  	[sflag:s23] =	ssyncset.done $0x0  }
0x3bc: {  	[sflag:s23] =	ssyncadd.s32 $0xFFFFF800  }
0x3bd: {  	_ =	swait.ge [sflag:s23], $0x800  }
0x3be: {  	[sflag:s23] =	ssyncset.done $0x0  }
0x3bf: {  	[sflag:s23] =	ssyncadd.s32 $0xFFFFF800  }
0x3c0: {  	_ =	swait.ge [sflag:s23], $0x800  }
0x3c1: {  	[sflag:s23] =	ssyncset.done $0x0  }
0x3c2: {  	[sflag:s23] =	ssyncadd.s32 $0xFFFFF800  }
0x3c3: {  	_ =	swait.ge [sflag:s23], $0x800  }
0x3c4: {  	[sflag:s23] =	ssyncset.done $0x0  }
0x3c5: {  	[sflag:s23] =	ssyncadd.s32 $0xFFFFF800  }
0x3c6: {  	_ =	swait.ge [sflag:s23], $0x800  }
0x3c7: {  	[sflag:s23] =	ssyncset.done $0x0  }
0x3c8: {  	[sflag:s23] =	ssyncadd.s32 $0xFFFFF800  }
0x3c9: {  	s0 =	simm.s32 $0xD100;
	_ =	swait.ge [sflag:s23], $0x800  }
0x3ca: {  	s1 =	simm.s32 $0x9F00;
	s25 =	simm.s32 $0xD900;
	[sflag:s23] =	ssyncset.done $0x0  }
0x3cb: {  	s26 =	simm.s32 $0x9F80;
	s30 =	simm.s32 $0xE100;
	[sflag:s23] =	ssyncadd.s32 $0xFFFFF800  }
0x3cc: {  	[tilespmem:s0], [sflag:$0x1] =	stream.indirect.gather [hbm4b:s2+s21], $0x10, s1, s21, $0xb8;
	[tilespmem:$0x1D100] =	vst v63  }
0x3cd: {  	s31 =	simm.s32 $0xA000;
	s28 =	simm.s32 $0xA280;
	s29 =	simm.s32 $0x10900  }
0x3ce: {  	[tilespmem:s25], [sflag:$0x1] =	stream.indirect.gather [hbm4b:s2+s21], $0x10, s26, s21, $0xb8;
	[tilespmem:$0x1D100] =	vst v63  }
0x3cf: {  	s0 =	simm.s32 $0x0;
	s25 =	simm.s32 $0xA080;
	s26 =	simm.s32 $0xE900  }
0x3d0: {  	[tilespmem:s30], [sflag:$0x1] =	stream.indirect.gather [hbm4b:s2+s21], $0x10, s31, s21, $0xb8;
	[tilespmem:$0x1D100] =	vst v63  }
.LBB2_36:
0x3d1: {  	[tilespmem:s26], [sflag:$0x1] =	stream.indirect.gather [hbm4b:s2+s21], $0x10, s25, s21, $0xb8;
	[tilespmem:$0x1D100] =	vst v63  }
0x3d2: {  	s25 =	smov.u32 s28;
	s26 =	smov.u32 s29;
	s0 =	sadd.s32 $0x4, s0  }
0x3d3: {  	s1 =	sadd.s32 $0xFFFFE800, s29;
	s16 =	sadd.s32 $0xFFFFFE80, s28;
	p0 =	slt.u32 s0, $0xC  }
0x3d4: {  	[tilespmem:s1], [sflag:$0x1] =	stream.indirect.gather [hbm4b:s2+s21], $0x10, s16, s21, $0xb8;
	[tilespmem:$0x1D100] =	vst v63  }
.Ltmp18:
0x3d5: {  	s1 =	sadd.s32 $0xFFFFF000, s29;
	s16 =	sadd.s32 $0xFFFFFF00, s28;
	(pc) =	sbr.rel @p0 .LBB2_36-.Ltmp18, $4  }
0x3d6: {  	[tilespmem:s1], [sflag:$0x1] =	stream.indirect.gather [hbm4b:s2+s21], $0x10, s16, s21, $0xb8;
	[tilespmem:$0x1D100] =	vst v63  }
0x3d7: {  	s1 =	sadd.s32 $0xFFFFF800, s29;
	s16 =	sadd.s32 $0xFFFFFF80, s28  }
0x3d8: {  	[tilespmem:s1], [sflag:$0x1] =	stream.indirect.gather [hbm4b:s2+s21], $0x10, s16, s21, $0xb8;
	[tilespmem:$0x1D100] =	vst v63  }
0x3d9: {  	s28 =	sadd.s32 $0x200, s28;
	s29 =	sadd.s32 $0x2000, s29  }
0x3da: {  	[tilespmem:s26], [sflag:$0x1] =	stream.indirect.gather [hbm4b:s2+s21], $0x10, s25, s21, $0xb8;
	[tilespmem:$0x1D100] =	vst v63  }
0x3db: {  	_ =	swait.ge [sflag:s22], $0x800  }
0x3dc: {  	[sflag:s22] =	ssyncset.done $0x0  }
0x3dd: {  	[sflag:s22] =	ssyncadd.s32 $0xFFFFF800  }
0x3de: {  	_ =	swait.ge [sflag:s22], $0x800  }
0x3df: {  	[sflag:s22] =	ssyncset.done $0x0  }
0x3e0: {  	[sflag:s22] =	ssyncadd.s32 $0xFFFFF800  }
0x3e1: {  	_ =	swait.ge [sflag:s22], $0x800  }
0x3e2: {  	[sflag:s22] =	ssyncset.done $0x0  }
0x3e3: {  	[sflag:s22] =	ssyncadd.s32 $0xFFFFF800  }
0x3e4: {  	_ =	swait.ge [sflag:s22], $0x800  }
0x3e5: {  	[sflag:s22] =	ssyncset.done $0x0  }
0x3e6: {  	[sflag:s22] =	ssyncadd.s32 $0xFFFFF800  }
0x3e7: {  	_ =	swait.ge [sflag:s22], $0x800  }
0x3e8: {  	[sflag:s22] =	ssyncset.done $0x0  }
0x3e9: {  	[sflag:s22] =	ssyncadd.s32 $0xFFFFF800  }
0x3ea: {  	_ =	swait.ge [sflag:s22], $0x800  }
0x3eb: {  	[sflag:s22] =	ssyncset.done $0x0  }
0x3ec: {  	[sflag:s22] =	ssyncadd.s32 $0xFFFFF800  }
0x3ed: {  	_ =	swait.ge [sflag:s22], $0x800  }
0x3ee: {  	[sflag:s22] =	ssyncset.done $0x0  }
0x3ef: {  	[sflag:s22] =	ssyncadd.s32 $0xFFFFF800  }
0x3f0: {  	_ =	swait.ge [sflag:s22], $0x800  }
0x3f1: {  	[sflag:s22] =	ssyncset.done $0x0  }
0x3f2: {  	[sflag:s22] =	ssyncadd.s32 $0xFFFFF800  }
0x3f3: {  	_ =	swait.ge [sflag:s22], $0x800  }
0x3f4: {  	[sflag:s22] =	ssyncset.done $0x0  }
0x3f5: {  	[sflag:s22] =	ssyncadd.s32 $0xFFFFF800  }
0x3f6: {  	_ =	swait.ge [sflag:s22], $0x800  }
0x3f7: {  	[sflag:s22] =	ssyncset.done $0x0  }
0x3f8: {  	[sflag:s22] =	ssyncadd.s32 $0xFFFFF800  }
0x3f9: {  	_ =	swait.ge [sflag:s22], $0x800  }
0x3fa: {  	[sflag:s22] =	ssyncset.done $0x0  }
0x3fb: {  	[sflag:s22] =	ssyncadd.s32 $0xFFFFF800  }
0x3fc: {  	_ =	swait.ge [sflag:s22], $0x800  }
0x3fd: {  	[sflag:s22] =	ssyncset.done $0x0  }
0x3fe: {  	[sflag:s22] =	ssyncadd.s32 $0xFFFFF800  }
0x3ff: {  	_ =	swait.ge [sflag:s22], $0x800  }
0x400: {  	[sflag:s22] =	ssyncset.done $0x0  }
0x401: {  	[sflag:s22] =	ssyncadd.s32 $0xFFFFF800  }
0x402: {  	_ =	swait.ge [sflag:s22], $0x800  }
0x403: {  	[sflag:s22] =	ssyncset.done $0x0  }
0x404: {  	[sflag:s22] =	ssyncadd.s32 $0xFFFFF800  }
0x405: {  	_ =	swait.ge [sflag:s22], $0x800  }
0x406: {  	[sflag:s22] =	ssyncset.done $0x0  }
0x407: {  	[sflag:s22] =	ssyncadd.s32 $0xFFFFF800  }
0x408: {  	s0 =	simm.s32 $0xD100;
	_ =	swait.ge [sflag:s22], $0x800  }
0x409: {  	s1 =	simm.s32 $0xC400;
	s25 =	simm.s32 $0xD900;
	[sflag:s22] =	ssyncset.done $0x0  }
0x40a: {  	s26 =	simm.s32 $0xC480;
	s30 =	simm.s32 $0xE100;
	[sflag:s22] =	ssyncadd.s32 $0xFFFFF800  }
0x40b: {  	[spmem:s7] =	stream.indirect.scatter.add.f32 [tilespmem:s0], [sflag:$0x2], $0x10, s1, s21, $0xb8;
	[tilespmem:$0x1D100] =	vst v63  }
0x40c: {  	s31 =	simm.s32 $0xC500;
	s28 =	simm.s32 $0xC780;
	s29 =	simm.s32 $0x10900  }
0x40d: {  	[spmem:s7] =	stream.indirect.scatter.add.f32 [tilespmem:s25], [sflag:$0x2], $0x10, s26, s21, $0xb8;
	[tilespmem:$0x1D100] =	vst v63  }
0x40e: {  	s0 =	simm.s32 $0x0;
	s25 =	simm.s32 $0xC580;
	s26 =	simm.s32 $0xE900  }
0x40f: {  	[spmem:s7] =	stream.indirect.scatter.add.f32 [tilespmem:s30], [sflag:$0x2], $0x10, s31, s21, $0xb8;
	[tilespmem:$0x1D100] =	vst v63  }
.LBB2_38:
0x410: {  	[spmem:s7] =	stream.indirect.scatter.add.f32 [tilespmem:s26], [sflag:$0x2], $0x10, s25, s21, $0xb8;
	[tilespmem:$0x1D100] =	vst v63  }
0x411: {  	s25 =	smov.u32 s28;
	s26 =	smov.u32 s29;
	s0 =	sadd.s32 $0x4, s0  }
0x412: {  	s1 =	sadd.s32 $0xFFFFE800, s29;
	s16 =	sadd.s32 $0xFFFFFE80, s28;
	p0 =	slt.u32 s0, $0xC  }
0x413: {  	[spmem:s7] =	stream.indirect.scatter.add.f32 [tilespmem:s1], [sflag:$0x2], $0x10, s16, s21, $0xb8;
	[tilespmem:$0x1D100] =	vst v63  }
.Ltmp19:
0x414: {  	s1 =	sadd.s32 $0xFFFFF000, s29;
	s16 =	sadd.s32 $0xFFFFFF00, s28;
	(pc) =	sbr.rel @p0 .LBB2_38-.Ltmp19, $4  }
0x415: {  	[spmem:s7] =	stream.indirect.scatter.add.f32 [tilespmem:s1], [sflag:$0x2], $0x10, s16, s21, $0xb8;
	[tilespmem:$0x1D100] =	vst v63  }
0x416: {  	s1 =	sadd.s32 $0xFFFFF800, s29;
	s16 =	sadd.s32 $0xFFFFFF80, s28  }
0x417: {  	[spmem:s7] =	stream.indirect.scatter.add.f32 [tilespmem:s1], [sflag:$0x2], $0x10, s16, s21, $0xb8;
	[tilespmem:$0x1D100] =	vst v63  }
0x418: {  	s28 =	sadd.s32 $0x200, s28;
	s29 =	sadd.s32 $0x2000, s29  }
0x419: {  	[spmem:s7] =	stream.indirect.scatter.add.f32 [tilespmem:s26], [sflag:$0x2], $0x10, s25, s21, $0xb8;
	[tilespmem:$0x1D100] =	vst v63  }
0x41a: {  	_ =	swait.ge [sflag:s23], $0x800  }
0x41b: {  	[sflag:s23] =	ssyncset.done $0x0  }
0x41c: {  	[sflag:s23] =	ssyncadd.s32 $0xFFFFF800  }
0x41d: {  	_ =	swait.ge [sflag:s23], $0x800  }
0x41e: {  	[sflag:s23] =	ssyncset.done $0x0  }
0x41f: {  	[sflag:s23] =	ssyncadd.s32 $0xFFFFF800  }
0x420: {  	_ =	swait.ge [sflag:s23], $0x800  }
0x421: {  	[sflag:s23] =	ssyncset.done $0x0  }
0x422: {  	[sflag:s23] =	ssyncadd.s32 $0xFFFFF800  }
0x423: {  	_ =	swait.ge [sflag:s23], $0x800  }
0x424: {  	[sflag:s23] =	ssyncset.done $0x0  }
0x425: {  	[sflag:s23] =	ssyncadd.s32 $0xFFFFF800  }
0x426: {  	_ =	swait.ge [sflag:s23], $0x800  }
0x427: {  	[sflag:s23] =	ssyncset.done $0x0  }
0x428: {  	[sflag:s23] =	ssyncadd.s32 $0xFFFFF800  }
0x429: {  	_ =	swait.ge [sflag:s23], $0x800  }
0x42a: {  	[sflag:s23] =	ssyncset.done $0x0  }
0x42b: {  	[sflag:s23] =	ssyncadd.s32 $0xFFFFF800  }
0x42c: {  	_ =	swait.ge [sflag:s23], $0x800  }
0x42d: {  	[sflag:s23] =	ssyncset.done $0x0  }
0x42e: {  	[sflag:s23] =	ssyncadd.s32 $0xFFFFF800  }
0x42f: {  	_ =	swait.ge [sflag:s23], $0x800  }
0x430: {  	[sflag:s23] =	ssyncset.done $0x0  }
0x431: {  	[sflag:s23] =	ssyncadd.s32 $0xFFFFF800  }
0x432: {  	_ =	swait.ge [sflag:s23], $0x800  }
0x433: {  	[sflag:s23] =	ssyncset.done $0x0  }
0x434: {  	[sflag:s23] =	ssyncadd.s32 $0xFFFFF800  }
0x435: {  	_ =	swait.ge [sflag:s23], $0x800  }
0x436: {  	[sflag:s23] =	ssyncset.done $0x0  }
0x437: {  	[sflag:s23] =	ssyncadd.s32 $0xFFFFF800  }
0x438: {  	_ =	swait.ge [sflag:s23], $0x800  }
0x439: {  	[sflag:s23] =	ssyncset.done $0x0  }
0x43a: {  	[sflag:s23] =	ssyncadd.s32 $0xFFFFF800  }
0x43b: {  	_ =	swait.ge [sflag:s23], $0x800  }
0x43c: {  	[sflag:s23] =	ssyncset.done $0x0  }
0x43d: {  	[sflag:s23] =	ssyncadd.s32 $0xFFFFF800  }
0x43e: {  	_ =	swait.ge [sflag:s23], $0x800  }
0x43f: {  	[sflag:s23] =	ssyncset.done $0x0  }
0x440: {  	[sflag:s23] =	ssyncadd.s32 $0xFFFFF800  }
0x441: {  	_ =	swait.ge [sflag:s23], $0x800  }
0x442: {  	[sflag:s23] =	ssyncset.done $0x0  }
0x443: {  	[sflag:s23] =	ssyncadd.s32 $0xFFFFF800  }
0x444: {  	_ =	swait.ge [sflag:s23], $0x800  }
0x445: {  	[sflag:s23] =	ssyncset.done $0x0  }
0x446: {  	[sflag:s23] =	ssyncadd.s32 $0xFFFFF800  }
0x447: {  	_ =	swait.ge [sflag:s23], $0x800  }
0x448: {  	s25 =	simm.s32 $0x0;
	[sflag:s23] =	ssyncset.done $0x0  }
0x449: {  	p0 =	por $0x1, $0x1;
	s26 =	simm.s32 $0x0;
	[sflag:s23] =	ssyncadd.s32 $0xFFFFF800  }
.LBB2_40:
0x44a: {  	s0 =	sshll.u32 s26, $0xB;
	s1 =	sshll.u32 s26, $0x7  }
0x44b: {  	s0 =	sand.u32 $0x3FFFF800, s0;
	s1 =	sand.u32 $0x3FFFFF80, s1  }
0x44c: {  	s16 =	sadd.s32 $0x15100, s0;
	s31 =	sadd.s32 $0xA700, s1  }
0x44d: {  	[tilespmem:s16], [sflag:$0x1] =	stream.indirect.gather [hbm4b:s2+s21], $0x10, s31, s21, $0xb8;
	[tilespmem:$0x1D100] =	vst v63  }
0x44e: {  	p1 =	por p0, p0;
	s28 =	sadd.s32 $0x15900, s0;
	s29 =	sadd.s32 $0xA780, s1  }
0x44f: {  	[tilespmem:s28], [sflag:$0x1] =	stream.indirect.gather [hbm4b:s2+s21], $0x10, s29, s21, $0xb8;
	[tilespmem:$0x1D100] =	vst v63  }
.Ltmp20:
0x450: {  	s30 =	sadd.s32 $0x16100, s0;
	s31 =	sadd.s32 $0xA800, s1;
	(pc) =	sbr.rel @p1 .LBB2_40-.Ltmp20, $4  }
0x451: {  	[tilespmem:s30], [sflag:$0x1] =	stream.indirect.gather [hbm4b:s2+s21], $0x10, s31, s21, $0xb8;
	[tilespmem:$0x1D100] =	vst v63  }
0x452: {  	s0 =	sadd.s32 $0x16900, s0;
	s1 =	sadd.s32 $0xA880, s1  }
0x453: {  	[tilespmem:s0], [sflag:$0x1] =	stream.indirect.gather [hbm4b:s2+s21], $0x10, s1, s21, $0xb8;
	[tilespmem:$0x1D100] =	vst v63  }
0x454: {  	s26 =	simm.s32 $0x4;
	p0 =	por $0x0, $0x0;
	s0 =	simm.s32 $0x19100  }
.LBB2_41:
0x455: {  	p0 =	sne.s32 s25, $0x200  }
.Ltmp21:
0x456: {  	_ = 	snop;
	(pc) =	sbr.rel @p0 .LBB2_41-.Ltmp21, $4  }
0x457: {  	s1 =	sshra.s32 s25, $0x2  }
0x458: {  	s1 =	sadd.s32 $0xAB00, s1  }
0x459: {  	[tilespmem:s0], [sflag:$0x1] =	stream.indirect.gather [hbm4b:s2+s21], $0x10, s1, s21, $0xb8;
	[tilespmem:$0x1D100] =	vst v63  }
0x45a: {  	s25 =	sadd.s32 $0x200, s25;
	s0 =	sadd.s32 $0x800, s0  }
0x45b: {  	_ =	swait.ge [sflag:s22], $0x800  }
0x45c: {  	[sflag:s22] =	ssyncset.done $0x0  }
0x45d: {  	[sflag:s22] =	ssyncadd.s32 $0xFFFFF800  }
0x45e: {  	_ =	swait.ge [sflag:s22], $0x800  }
0x45f: {  	[sflag:s22] =	ssyncset.done $0x0  }
0x460: {  	[sflag:s22] =	ssyncadd.s32 $0xFFFFF800  }
0x461: {  	_ =	swait.ge [sflag:s22], $0x800  }
0x462: {  	[sflag:s22] =	ssyncset.done $0x0  }
0x463: {  	[sflag:s22] =	ssyncadd.s32 $0xFFFFF800  }
0x464: {  	_ =	swait.ge [sflag:s22], $0x800  }
0x465: {  	[sflag:s22] =	ssyncset.done $0x0  }
0x466: {  	[sflag:s22] =	ssyncadd.s32 $0xFFFFF800  }
0x467: {  	_ =	swait.ge [sflag:s22], $0x800  }
0x468: {  	[sflag:s22] =	ssyncset.done $0x0  }
0x469: {  	[sflag:s22] =	ssyncadd.s32 $0xFFFFF800  }
0x46a: {  	_ =	swait.ge [sflag:s22], $0x800  }
0x46b: {  	[sflag:s22] =	ssyncset.done $0x0  }
0x46c: {  	[sflag:s22] =	ssyncadd.s32 $0xFFFFF800  }
0x46d: {  	_ =	swait.ge [sflag:s22], $0x800  }
0x46e: {  	[sflag:s22] =	ssyncset.done $0x0  }
0x46f: {  	[sflag:s22] =	ssyncadd.s32 $0xFFFFF800  }
0x470: {  	_ =	swait.ge [sflag:s22], $0x800  }
0x471: {  	[sflag:s22] =	ssyncset.done $0x0  }
0x472: {  	[sflag:s22] =	ssyncadd.s32 $0xFFFFF800  }
0x473: {  	_ =	swait.ge [sflag:s22], $0x800  }
0x474: {  	[sflag:s22] =	ssyncset.done $0x0  }
0x475: {  	[sflag:s22] =	ssyncadd.s32 $0xFFFFF800  }
0x476: {  	_ =	swait.ge [sflag:s22], $0x800  }
0x477: {  	s25 =	simm.s32 $0x0;
	[sflag:s22] =	ssyncset.done $0x0  }
0x478: {  	p0 =	por $0x1, $0x1;
	s26 =	simm.s32 $0x0;
	[sflag:s22] =	ssyncadd.s32 $0xFFFFF800  }
.LBB2_43:
0x479: {  	s0 =	sshll.u32 s26, $0xB;
	s1 =	sshll.u32 s26, $0x7  }
0x47a: {  	s0 =	sand.u32 $0x3FFFF800, s0;
	s1 =	sand.u32 $0x3FFFFF80, s1  }
0x47b: {  	s16 =	sadd.s32 $0x15100, s0;
	s31 =	sadd.s32 $0xCC00, s1  }
0x47c: {  	[spmem:s7] =	stream.indirect.scatter.add.f32 [tilespmem:s16], [sflag:$0x2], $0x10, s31, s21, $0xb8;
	[tilespmem:$0x1D100] =	vst v63  }
0x47d: {  	p1 =	por p0, p0;
	s28 =	sadd.s32 $0x15900, s0;
	s29 =	sadd.s32 $0xCC80, s1  }
0x47e: {  	[spmem:s7] =	stream.indirect.scatter.add.f32 [tilespmem:s28], [sflag:$0x2], $0x10, s29, s21, $0xb8;
	[tilespmem:$0x1D100] =	vst v63  }
.Ltmp22:
0x47f: {  	s30 =	sadd.s32 $0x16100, s0;
	s31 =	sadd.s32 $0xCD00, s1;
	(pc) =	sbr.rel @p1 .LBB2_43-.Ltmp22, $4  }
0x480: {  	[spmem:s7] =	stream.indirect.scatter.add.f32 [tilespmem:s30], [sflag:$0x2], $0x10, s31, s21, $0xb8;
	[tilespmem:$0x1D100] =	vst v63  }
0x481: {  	s0 =	sadd.s32 $0x16900, s0;
	s1 =	sadd.s32 $0xCD80, s1  }
0x482: {  	[spmem:s7] =	stream.indirect.scatter.add.f32 [tilespmem:s0], [sflag:$0x2], $0x10, s1, s21, $0xb8;
	[tilespmem:$0x1D100] =	vst v63  }
0x483: {  	s26 =	simm.s32 $0x4;
	p0 =	por $0x0, $0x0;
	s0 =	simm.s32 $0x19100  }
.LBB2_44:
0x484: {  	p0 =	sne.s32 s25, $0x200  }
.Ltmp23:
0x485: {  	_ = 	snop;
	(pc) =	sbr.rel @p0 .LBB2_44-.Ltmp23, $4  }
0x486: {  	s1 =	sshra.s32 s25, $0x2  }
0x487: {  	s1 =	sadd.s32 $0xD000, s1  }
0x488: {  	[spmem:s7] =	stream.indirect.scatter.add.f32 [tilespmem:s0], [sflag:$0x2], $0x10, s1, s21, $0xb8;
	[tilespmem:$0x1D100] =	vst v63  }
0x489: {  	s25 =	sadd.s32 $0x200, s25;
	s0 =	sadd.s32 $0x800, s0  }
0x48a: {  	_ =	swait.ge [sflag:s23], $0x800  }
0x48b: {  	[sflag:s23] =	ssyncset.done $0x0  }
0x48c: {  	[sflag:s23] =	ssyncadd.s32 $0xFFFFF800  }
0x48d: {  	_ =	swait.ge [sflag:s23], $0x800  }
0x48e: {  	[sflag:s23] =	ssyncset.done $0x0  }
0x48f: {  	[sflag:s23] =	ssyncadd.s32 $0xFFFFF800  }
0x490: {  	_ =	swait.ge [sflag:s23], $0x800  }
0x491: {  	[sflag:s23] =	ssyncset.done $0x0  }
0x492: {  	[sflag:s23] =	ssyncadd.s32 $0xFFFFF800  }
0x493: {  	_ =	swait.ge [sflag:s23], $0x800  }
0x494: {  	[sflag:s23] =	ssyncset.done $0x0  }
0x495: {  	[sflag:s23] =	ssyncadd.s32 $0xFFFFF800  }
0x496: {  	_ =	swait.ge [sflag:s23], $0x800  }
0x497: {  	[sflag:s23] =	ssyncset.done $0x0  }
0x498: {  	[sflag:s23] =	ssyncadd.s32 $0xFFFFF800  }
0x499: {  	_ =	swait.ge [sflag:s23], $0x800  }
0x49a: {  	[sflag:s23] =	ssyncset.done $0x0  }
0x49b: {  	[sflag:s23] =	ssyncadd.s32 $0xFFFFF800  }
0x49c: {  	_ =	swait.ge [sflag:s23], $0x800  }
0x49d: {  	[sflag:s23] =	ssyncset.done $0x0  }
0x49e: {  	[sflag:s23] =	ssyncadd.s32 $0xFFFFF800  }
0x49f: {  	_ =	swait.ge [sflag:s23], $0x800  }
0x4a0: {  	[sflag:s23] =	ssyncset.done $0x0  }
0x4a1: {  	[sflag:s23] =	ssyncadd.s32 $0xFFFFF800  }
0x4a2: {  	_ =	swait.ge [sflag:s23], $0x800  }
0x4a3: {  	[sflag:s23] =	ssyncset.done $0x0  }
0x4a4: {  	[sflag:s23] =	ssyncadd.s32 $0xFFFFF800  }
0x4a5: {  	_ =	swait.ge [sflag:s23], $0x800  }
0x4a6: {  	[sflag:s23] =	ssyncset.done $0x0  }
0x4a7: {  	[sflag:s23] =	ssyncadd.s32 $0xFFFFF800  }
0x4a8: {  	_ =	swait.ge [sflag:s23], $0x800  }
0x4a9: {  	[sflag:s23] =	ssyncset.done $0x0  }
0x4aa: {  	[sflag:s23] =	ssyncadd.s32 $0xFFFFF800  }
0x4ab: {  	_ =	swait.ge [sflag:s23], $0x800  }
0x4ac: {  	[sflag:s23] =	ssyncset.done $0x0  }
0x4ad: {  	[sflag:s23] =	ssyncadd.s32 $0xFFFFF800  }
0x4ae: {  	_ =	swait.ge [sflag:s23], $0x800  }
0x4af: {  	[sflag:s23] =	ssyncset.done $0x0  }
0x4b0: {  	[sflag:s23] =	ssyncadd.s32 $0xFFFFF800  }
0x4b1: {  	_ =	swait.ge [sflag:s23], $0x800  }
0x4b2: {  	[sflag:s23] =	ssyncset.done $0x0  }
0x4b3: {  	[sflag:s23] =	ssyncadd.s32 $0xFFFFF800  }
0x4b4: {  	_ =	swait.ge [sflag:s23], $0x800  }
0x4b5: {  	[sflag:s23] =	ssyncset.done $0x0  }
0x4b6: {  	[sflag:s23] =	ssyncadd.s32 $0xFFFFF800  }
0x4b7: {  	_ =	swait.ge [sflag:s23], $0x800  }
0x4b8: {  	[sflag:s23] =	ssyncset.done $0x0  }
0x4b9: {  	[sflag:s23] =	ssyncadd.s32 $0xFFFFF800  }
0x4ba: {  	_ =	swait.ge [sflag:s23], $0x800  }
0x4bb: {  	[sflag:s23] =	ssyncset.done $0x0  }
0x4bc: {  	[sflag:s23] =	ssyncadd.s32 $0xFFFFF800  }
0x4bd: {  	_ =	swait.ge [sflag:s23], $0x800  }
0x4be: {  	[sflag:s23] =	ssyncset.done $0x0  }
0x4bf: {  	[sflag:s23] =	ssyncadd.s32 $0xFFFFF800  }
0x4c0: {  	_ =	swait.ge [sflag:s23], $0x800  }
0x4c1: {  	[sflag:s23] =	ssyncset.done $0x0  }
0x4c2: {  	[sflag:s23] =	ssyncadd.s32 $0xFFFFF800  }
0x4c3: {  	_ =	swait.ge [sflag:s23], $0x800  }
0x4c4: {  	[sflag:s23] =	ssyncset.done $0x0  }
0x4c5: {  	[sflag:s23] =	ssyncadd.s32 $0xFFFFF800  }
0x4c6: {  	_ =	swait.ge [sflag:s23], $0x800  }
0x4c7: {  	[sflag:s23] =	ssyncset.done $0x0  }
0x4c8: {  	[sflag:s23] =	ssyncadd.s32 $0xFFFFF800  }
0x4c9: {  	_ =	swait.ge [sflag:s23], $0x800  }
0x4ca: {  	[sflag:s23] =	ssyncset.done $0x0  }
0x4cb: {  	[sflag:s23] =	ssyncadd.s32 $0xFFFFF800  }
0x4cc: {  	_ =	swait.ge [sflag:s23], $0x800  }
0x4cd: {  	[sflag:s23] =	ssyncset.done $0x0  }
0x4ce: {  	[sflag:s23] =	ssyncadd.s32 $0xFFFFF800  }
0x4cf: {  	_ =	swait.ge [sflag:s23], $0x800  }
0x4d0: {  	[sflag:s23] =	ssyncset.done $0x0  }
0x4d1: {  	[sflag:s23] =	ssyncadd.s32 $0xFFFFF800  }
0x4d2: {  	_ =	swait.ge [sflag:s23], $0x800  }
0x4d3: {  	[sflag:s23] =	ssyncset.done $0x0  }
0x4d4: {  	[sflag:s23] =	ssyncadd.s32 $0xFFFFF800  }
0x4d5: {  	_ =	swait.ge [sflag:s23], $0x800  }
0x4d6: {  	[sflag:s23] =	ssyncset.done $0x0  }
0x4d7: {  	[sflag:s23] =	ssyncadd.s32 $0xFFFFF800  }
0x4d8: {  	s24 =	sadd.s32 $0x1, s24;
	[bflag:$0x0] =	sbarrier.arrive $0xFFFF  }
0x4d9: {  	[hbm:s12], [sflag:s6] =	dma.local [spmem:s15], $0x620  }
0x4da: {  	[hbm:s13], [sflag:s6] =	dma.local [spmem:s17], $0x620  }
0x4db: {  	p0 =	sne.s32 s24, s14;
	_ =	swait.ge [sflag:s20], $0x620  }
.Ltmp24:
0x4dc: {  	[sflag:s20] =	ssyncset.done $0x0;
	(pc) =	sbr.rel @p0 .LBB2_1-.Ltmp24, $4  }
0x4dd: {  	[sflag:s20] =	ssyncadd.s32 $0xFFFFF9E0  }
0x4de: {  	_ =	swait.ge [sflag:s20], $0x620  }
0x4df: {  	[sflag:s20] =	ssyncset.done $0x0  }
0x4e0: {  	[sflag:s20] =	ssyncadd.s32 $0xFFFFF9E0  }
0x4e1: {  	_ =	sfence.sel $0x180000  }
0x4e2: {  	[bflag:$0x0] =	sbarrier.arrive $0xFFFF  }
0x4e3: {  	_ =	strace $0x9000004A  }
0x4e4: {  	s0 =	stileid.u32;
	[bflag:$0x2] =	sbarrier.arrive $0xFFFF  }
0x4e5: {  	p0 =	sne.s32 s0, $0x0;
	s0 =	rddreg [dreg:$0x3]  }
0x4e6: {  	s0 =	sadd.s32 @!p0 $0x100000, s0  }
0x4e7: {  	[sflag:s0] =	ssyncadd.tile.s32 @!p0 $0x1;
	_ =	shalt  }
.Lfunc_end2:
_tile_overlayer_lowered:
.L_overlay_start_2:
0x4e8: {  	(tag) =	ssettag $0x2  }
0x4e9: {  	s0 =	rddreg [dreg:$0x0];
	s2 =	stileid.u32  }
0x4ea: {  	s1 =	rddreg [dreg:$0x1];
	p0 =	sne.s32 s2, $0x0  }
0x4eb: {  	s3 =	rddreg [dreg:$0x2];
	[bflag:$0x3] =	sbarrier.arrive $0xFFFF;
	s2 =	simm.s32 @!p0 $0x1C04  }
0x4ec: {  	[timem:s3], [sflag:s2] =	dma.local @!p0 [hbm:s0], s1  }
0x4ed: {  	s0 =	simm.s32 @!p0 $0x4  }
0x4ee: {  	_ =	swait.ge @!p0 [sflag:s0], s1  }
0x4ef: {  	s1 =	ssub.s32 @!p0 $0x0, s1;
	[sflag:s0] =	ssyncset.done @!p0 $0x0  }
0x4f0: {  	[sflag:s0] =	ssyncadd.s32 @!p0 s1  }
0x4f1: {  	[bflag:$0x3] =	sbarrier.arrive $0xFFFF  }
0x4f2: {  	_ =	shalt  }

// kernel: kernel.14.cloned.1.call-start
scs
__scs_entry_jumppad:
0x0: {  	(pc) =	sbr.rel $0x88, $3  }
0x1: {  	(tag) =	ssettag $0x0;
	lr =	simm.s32 $0x1  }
0x2: {  	[smem:$0x3F94] =	sst lr;
	_ =	strace $0xD0000000  }
0x3: {  	_ = 	snop  }
0x4: {  	_ = 	snop  }
0x5: {  	_ = 	snop  }
0x6: {  	_ = 	snop  }
0x7: {  	_ = 	snop  }
__scs_overlays_trampoline_lowered:
0x8: {  	[smem:$0x3FA3] =	sst s0  }
0x9: {  	[smem:$0x3FA4] =	sst s1  }
0xa: {  	[smem:$0x3FA5] =	sst s2  }
0xb: {  	[smem:$0x3FA6] =	sst s3  }
0xc: {  	[smem:$0x3FA7] =	sst s4  }
0xd: {  	[smem:$0x3FA8] =	sst s5  }
0xe: {  	[smem:$0x3FA9] =	sst s6  }
0xf: {  	[smem:$0x3FAA] =	sst s7  }
0x10: {  	[smem:$0x3FAB] =	sst s8  }
0x11: {  	[smem:$0x3FAC] =	sst s9;
	s0 =	simm.s32 @!p0 $0x0  }
0x12: {  	s1 =	sld [smem:$0x3F92];
	s0 =	simm.s32 @p0 $0x1  }
0x13: {  	[smem:$0x3FAD] =	sst s0;
	s0 =	simm.s32 @!p1 $0x0  }
0x14: {  	s2 =	sld [smem:$0x3F91];
	s0 =	simm.s32 @p1 $0x1  }
0x15: {  	[smem:$0x3FAE] =	sst s0;
	s0 =	simm.s32 @!p2 $0x0  }
0x16: {  	s3 =	sld [smem:$0x3FDB];
	s0 =	simm.s32 @p2 $0x1  }
0x17: {  	s4 =	simm.s32 $0x1BF5;
	[smem:$0x3FB0] =	sst s0  }
0x18: {  	s0 =	sld [smem:$0x3F93];
	_ =	swait.ge [sflag:s4], $0x0  }
0x19: {  	s7 =	sld [smem:$0x3F94]  }
0x1a: {  	s8 =	sadd.s32 $0xFFFFE003, lr  }
0x1b: {  	s9 =	sadd.s32 $0xFFFFFEF7, lr;
	s5 =	simm.s32 $0xFFFFFFFF;
	p2 =	slt.u32 s8, $0xFFFFF086  }
0x1c: {  	p1 =	slt.u32 s9, $0xF7A;
	s5 =	simm.s32 @!p2 $0x0  }
0x1d: {  	s5 =	simm.s32 @p1 $0x1;
	p0 =	seq.s32 s7, s2  }
0x1e: {  	s7 =	smul.u32 @!p0 $0xF7A, s2;
	p2 =	seq.s32 @!p0 s5, $0x0  }
0x1f: {  	s9 =	smul.u32 $0xF7A, s1;
	s8 =	simm.s32 @!p0 $0x1BF5;
	p2 =	por !p2, p0  }
0x20: {  	[sflag:s8] =	ssyncset.s32 @!p0 $0xFFFFF086;
	s6 =	sadd.s32 @!p0 s3, s7;
	s7 =	simm.s32 @!p0 $0x108  }
0x21: {  	s3 =	sadd.s32 s3, s9;
	s6 =	sadd.s32 @!p0 $0x88, s6;
	s7 =	simm.s32 @p2 $0x1082  }
0x22: {  	[simem:s7], [sflag:s8] =	dma.local @!p0 [hbm:s6], $0xF7A  }
0x23: {  	s9 =	sor.u32 $0xD0000000, s2;
	s6 =	simm.s32 $0x108;
	_ =	swait.ge @!p0 [sflag:s8], $0x0  }
0x24: {  	s3 =	sadd.s32 $0x88, s3;
	s6 =	simm.s32 @!p1 $0x1082;
	[sflag:s4] =	ssyncset.s32 $0xFFFFF086  }
0x25: {  	[simem:s6], [sflag:s4] =	dma.local [hbm:s3], $0xF7A  }
0x26: {  	[smem:$0x3F94] =	sst s1;
	(tag) =	ssettag s2;
	_ =	strace s9  }
0x27: {  	s1 =	sld [smem:$0x3FA4]  }
0x28: {  	s2 =	sld [smem:$0x3FA5]  }
0x29: {  	s4 =	sld [smem:$0x3FA7]  }
0x2a: {  	p0 =	seq.s32 s5, $0x0;
	s5 =	sld [smem:$0x3FA8]  }
0x2b: {  	s6 =	sld [smem:$0x3FA9]  }
0x2c: {  	s7 =	sld [smem:$0x3FAA]  }
0x2d: {  	s3 =	simm.s32 $0x108;
	s8 =	sld [smem:$0x3FAB]  }
0x2e: {  	s3 =	simm.s32 @!p0 $0x1082;
	s9 =	sld [smem:$0x3FAC]  }
0x2f: {  	lr =	sadd.s32 s0, s3;
	s0 =	sld [smem:$0x3FA3]  }
0x30: {  	s3 =	sld [smem:$0x3FA6]  }
0x31: {  	[smem:$0x3FAF] =	sst s10  }
0x32: {  	s10 =	sld [smem:$0x3FAD];
	_ =	sdelay $0x3  }
0x33: {  	p0 =	seq.s32 s10, $0x1;
	s10 =	sld [smem:$0x3FAF];
	_ =	sdelay $0x3  }
0x34: {  	[smem:$0x3FAF] =	sst s10  }
0x35: {  	s10 =	sld [smem:$0x3FAE];
	_ =	sdelay $0x3  }
0x36: {  	p1 =	seq.s32 s10, $0x1;
	s10 =	sld [smem:$0x3FAF];
	_ =	sdelay $0x3  }
0x37: {  	[smem:$0x3FAF] =	sst s10  }
0x38: {  	s10 =	sld [smem:$0x3FB0]  }
0x39: {  	_ = 	snop;
	(pc) =	sbr.ind lr, $3  }
0x3a: {  	_ = 	snop  }
0x3b: {  	_ = 	snop  }
0x3c: {  	p2 =	seq.s32 s10, $0x1;
	s10 =	sld [smem:$0x3FAF]  }
0x3d: {  	_ =	shalt  }
0x3e: {  	_ =	shalt  }
0x3f: {  	_ =	shalt  }
0x40: {  	_ =	shalt  }
0x41: {  	_ =	shalt  }
0x42: {  	_ =	shalt  }
0x43: {  	_ =	shalt  }
0x44: {  	_ =	shalt  }
0x45: {  	_ =	shalt  }
0x46: {  	_ =	shalt  }
0x47: {  	_ =	shalt  }
0x48: {  	_ =	shalt  }
0x49: {  	_ =	shalt  }
0x4a: {  	_ =	shalt  }
0x4b: {  	_ =	shalt  }
0x4c: {  	_ =	shalt  }
0x4d: {  	_ =	shalt  }
0x4e: {  	_ =	shalt  }
0x4f: {  	_ =	shalt  }
0x50: {  	_ =	shalt  }
0x51: {  	_ =	shalt  }
0x52: {  	_ =	shalt  }
0x53: {  	_ =	shalt  }
0x54: {  	_ =	shalt  }
0x55: {  	_ =	shalt  }
0x56: {  	_ =	shalt  }
0x57: {  	_ =	shalt  }
0x58: {  	_ =	shalt  }
0x59: {  	_ =	shalt  }
0x5a: {  	_ =	shalt  }
0x5b: {  	_ =	shalt  }
0x5c: {  	_ =	shalt  }
0x5d: {  	_ =	shalt  }
0x5e: {  	_ =	shalt  }
0x5f: {  	_ =	shalt  }
0x60: {  	_ =	shalt  }
0x61: {  	_ =	shalt  }
0x62: {  	_ =	shalt  }
0x63: {  	_ =	shalt  }
0x64: {  	_ =	shalt  }
0x65: {  	_ =	shalt  }
0x66: {  	_ =	shalt  }
0x67: {  	_ =	shalt  }
0x68: {  	_ =	shalt  }
0x69: {  	_ =	shalt  }
0x6a: {  	_ =	shalt  }
0x6b: {  	_ =	shalt  }
0x6c: {  	_ =	shalt  }
0x6d: {  	_ =	shalt  }
0x6e: {  	_ =	shalt  }
0x6f: {  	_ =	shalt  }
0x70: {  	_ =	shalt  }
0x71: {  	_ =	shalt  }
0x72: {  	_ =	shalt  }
0x73: {  	_ =	shalt  }
0x74: {  	_ =	shalt  }
0x75: {  	_ =	shalt  }
0x76: {  	_ =	shalt  }
0x77: {  	_ =	shalt  }
0x78: {  	_ =	shalt  }
0x79: {  	_ =	shalt  }
0x7a: {  	_ =	shalt  }
0x7b: {  	_ =	shalt  }
0x7c: {  	_ =	shalt  }
0x7d: {  	_ =	shalt  }
0x7e: {  	_ =	shalt  }
0x7f: {  	_ =	shalt  }
0x80: {  	_ =	shalt  }
0x81: {  	_ =	shalt  }
0x82: {  	_ =	shalt  }
0x83: {  	_ =	shalt  }
0x84: {  	_ =	shalt  }
0x85: {  	_ =	shalt  }
0x86: {  	_ =	shalt  }
0x87: {  	_ =	shalt  }
.Lfunc_end0:
.L_simem_size_0:
called_computation.2_lowered:
.L_overlay_start_0:
0x88: {  	s2 =	sld [smem:$0x3FD9]  }
0x89: {  	s3 =	sld [smem:$0x3FFE];
	_ =	sdelay $0x1  }
0x8a: {  	s1 =	srdreg.scid  }
0x8b: {  	s0 =	sand.u32 $0x1, s1  }
0x8c: {  	s17 =	sshll.u32 s0, $0xA;
	s2 =	sadd.s32 s3, s2  }
0x8d: {  	s2 =	sadd.s32 s2, s17  }
0x8e: {  	[smem:$0x3FBB] =	sst s2  }
0x8f: {  	_ = 	snop  }
0x90: {  	s2 =	sld [smem:$0x3FD0];
	(tm) =	ssettm $0x1  }
0x91: {  	s18 =	sld [smem:$0x3FFB];
	_ =	sdelay $0x3  }
0x92: {  	_ =	strace s18  }
0x93: {  	s3 =	sld [smem:$0x3FFC];
	_ =	sdelay $0x3  }
0x94: {  	_ =	strace s3  }
0x95: {  	s3 =	sld [smem:$0x3FFD];
	_ =	sdelay $0x3  }
0x96: {  	_ =	strace s3  }
0x97: {  	_ =	strace $0x8FFFFFFF  }
0x98: {  	s19 =	sld [smem:$0x3FDB];
	_ =	sdelay $0x1  }
0x99: {  	s4 =	simm.s32 $_scs_section_size  }
0x9a: {  	s5 =	simm.s32 $_size__tile_overlayer_lowered;
	s6 =	simm.s32 $_tile_overlayer_lowered  }
0x9b: {  	s22 =	simm.s32 $0x1BFF;
	s21 =	sshll.u32 s6, $0x1;
	s3 =	sadd.s32 s4, s19  }
0x9c: {  	s7 =	simm.s32 $0x0;
	s20 =	sshll.u32 s5, $0x1;
	s5 =	sadd.s32 s21, s3  }
0x9d: {  	[timem:s7], [sflag:s22] =	dma.local [hbm:s5], s20  }
0x9e: {  	_ =	swait.ge [sflag:s22], s20  }
0x9f: {  	s4 =	ssub.s32 $0x0, s20;
	[sflag:s22] =	ssyncset.done $0x0  }
0xa0: {  	[sflag:s22] =	ssyncadd.s32 s4;
	_ =	sdelay $0x1  }
0xa1: {  	s23 =	simm.s32 $0x1B8B  }
0xa2: {  	_ =	swait.ge [sflag:s23], $0x1  }
0xa3: {  	[sflag:s23] =	ssyncset.done $0x0  }
0xa4: {  	s25 =	simm.s32 $0x1B8E;
	s24 =	sld [smem:$0x3FFE];
	[sflag:s23] =	ssyncadd.s32 $0xFFFFFFFF  }
0xa5: {  	s26 =	simm.s32 $execute0_lowered;
	[smem:$0x3FD2] =	sst s25  }
0xa6: {  	s5 =	sshll.u32 s26, $0x1;
	_ =	strace $0x8000004C;
	[dreg:$0x1] =	wrdreg $0xFFFFFFFF  }
0xa7: {  	s28 =	simm.s32 $_size_execute0_lowered;
	s3 =	sadd.s32 s3, s5;
	[dreg:$0x0] =	wrdreg $0x0  }
0xa8: {  	s5 =	sshll.u32 s28, $0x1;
	[dreg:$0x2] =	wrdreg s3  }
0xa9: {  	[dreg:$0x3] =	wrdreg s5  }
0xaa: {  	[dreg:$0x4] =	wrdreg $0xC0  }
0xab: {  	_ =	task [dreg:s7], $0x5FFFF  }
0xac: {  	[dreg:$0x1] =	wrdreg $0xFFFFFFFF  }
0xad: {  	[dreg:$0x0] =	wrdreg $0x60  }
0xae: {  	[dreg:$0x2] =	wrdreg s2  }
0xaf: {  	[dreg:$0x3] =	wrdreg s24  }
0xb0: {  	[dreg:$0x4] =	wrdreg $0x0  }
0xb1: {  	[dreg:$0x5] =	wrdreg $0x9  }
0xb2: {  	_ =	task.clear_ibuf [dreg:s7], $0x6FFFF;
	_ =	strace $0x9000004C  }
0xb3: {  	s29 =	simm.s32 $0x9;
	_ =	strace $0x8000004E  }
0xb4: {  	_ =	swait.ge [sflag:s29], $0x1  }
0xb5: {  	[sflag:s29] =	ssyncadd.s32 $0xFFFFFFFF  }
0xb6: {  	_ =	strace $0x9000004E  }
0xb7: {  	_ =	sfence  }
0xb8: {  	s30 =	sld [smem:$0x0];
	_ =	sdelay $0x2  }
0xb9: {  	s31 =	sshll.u32 s1, $0xD;
	s1 =	sshrl.u32 s1, $0x2  }
0xba: {  	s3 =	sand.u32 $0x4000, s31;
	s1 =	sadd.s32 s1, s30  }
0xbb: {  	s0 =	sor.u32 s3, s0;
	s1 =	sshll.u32 s1, $0x11  }
0xbc: {  	s0 =	sor.u32 s1, s0  }
0xbd: {  	s0 =	sadd.s32 $0x8F2B, s0  }
0xbe: {  	[sflag:s0] =	ssyncadd.remote.s32 $0x1  }
0xbf: {  	_ =	sfence.sel $0xFFFF  }
0xc0: {  	[dreg:$0x0] =	wrdreg $0xFFFFFFFF;
	(pc) =	sbr.abs _section_cstart, $3  }
0xc1: {  	[dreg:$0x1] =	wrdreg $0xFFFFFFFF  }
0xc2: {  	_ =	task.clear_ibuf [dreg:s7], $0x2FFFF;
	_ =	strace $0x9FFFFFFF  }
0xc3: {  	(tm) =	ssettm $0x7FFFFFFF  }
tec
execute0_lowered:
.L_overlay_start_1:
0x0: {  	(tag) =	ssettag $0x1  }
0x1: {  	s2 =	rddreg [dreg:$0x0]  }
0x2: {  	s0 =	rddreg [dreg:$0x1]  }
0x3: {  	s3 =	rddreg [dreg:$0x2];
	s1 =	stileid.u32;
	s4 =	simm.s32 $0x0  }
0x4: {  	s6 =	srdreg.scid;
	s19 =	simm.s32 $0xAC00;
	s20 =	simm.s32 $0x3  }
0x5: {  	s21 =	simm.s32 $0x80;
	s22 =	simm.s32 $0x1;
	s23 =	simm.s32 $0x2  }
0x6: {  	s24 =	simm.s32 $0x0;
	s5 =	smul.u32 $0x4A0, s1;
	[smem:$0x7FF] =	sst s4  }
0x7: {  	s6 =	sand.u32 $0x1, s6;
	s7 =	smul.u32 $0x310, s1;
	s10 =	sadd.s32 $0xCFA00, s0  }
0x8: {  	s12 =	smul.u32 $0x3100, s1;
	s28 =	sshll.u32 s1, $0x6;
	_ =	strace $0x8000004D  }
0x9: {  	s8 =	smul.u32 $0x6200, s6;
	s25 =	ssub.s32 $0x2, s6;
	s26 =	sshllo.u32 s6, $0x1  }
0xa: {  	s16 =	sshll.u32 s6, $0x5;
	s6 =	sor.u32 $0x1C03, s28;
	s11 =	sadd.s32 s5, s0  }
0xb: {  	s9 =	sshrl.u32 s25, $0x1;
	s0 =	sadd.s32 $0x6000, s0;
	s15 =	sadd.s32 s12, s3  }
0xc: {  	s17 =	smul.u32 $0x3100, s26;
	s29 =	sor.u32 s1, s16;
	s8 =	sadd.s32 s7, s8  }
0xd: {  	s14 =	ssub.s32 s25, s9;
	s9 =	smul.u32 $0x4A0, s29;
	s11 =	sadd.s32 $0x1600, s11  }
0xe: {  	s15 =	sshrl.u32 s15, $0x3;
	s13 =	sshll.u32 s8, $0x1;
	s8 =	sshll.u32 s26, $0x4  }
0xf: {  	s30 =	sadd.s32 s7, s17;
	s7 =	sadd.s32 $0x31000, s3;
	s14 =	smax.u32 s14, $0x1  }
0x10: {  	s5 =	sadd.s32 s2, s13;
	s8 =	sor.u32 s1, s8;
	s16 =	sshll.u32 s30, $0x1  }
0x11: {  	s18 =	sadd.s32 s12, s7;
	s12 =	sadd.s32 s0, s13;
	s31 =	smul.u32 $0x4A0, s8  }
0x12: {  	s8 =	sadd.s32 s10, s9;
	s9 =	sadd.s32 s2, s16;
	s13 =	sadd.s32 s0, s16  }
0x13: {  	s17 =	sshrl.u32 s18, $0x3;
	s18 =	simm.s32 $0x8700;
	s10 =	sadd.s32 s10, s31  }
.LBB2_1:
0x14: {  	[spmem:s15], [sflag:s6] =	dma.local [hbm:s5], $0x620  }
0x15: {  	s0 =	simm.s32 $0x6200  }
0x16: {  	[tilespmem:s0], [sflag:$0x3] =	stream.linear.gather [hbm4b:s8+s4], $0x2500, $0x38;
	[tilespmem:$0x1D100] =	vst v63  }
0x17: {  	[spmem:s17], [sflag:s6] =	dma.local [hbm:s9], $0x620  }
0x18: {  	[tilespmem:s18], [sflag:$0x3] =	stream.linear.gather [hbm4b:s10+s4], $0x2500, $0x38;
	[tilespmem:$0x1D100] =	vst v63  }
0x19: {  	_ = 	snop  }
0x1a: {  	[tilespmem:s19], [sflag:$0x3] =	stream.linear.gather [hbm4b:s11+s4], $0x2500, $0x38;
	[tilespmem:$0x1D100] =	vst v63  }
0x1b: {  	_ =	swait.ge [sflag:s20], $0x620  }
0x1c: {  	[sflag:s20] =	ssyncset.done $0x0  }
0x1d: {  	[sflag:s20] =	ssyncadd.s32 $0xFFFFF9E0  }
0x1e: {  	_ =	swait.ge [sflag:s20], $0x2500  }
0x1f: {  	[sflag:s20] =	ssyncset.done $0x0  }
0x20: {  	[sflag:s20] =	ssyncadd.s32 $0xFFFFDB00  }
0x21: {  	_ =	swait.ge [sflag:s20], $0x620  }
0x22: {  	[sflag:s20] =	ssyncset.done $0x0  }
0x23: {  	[sflag:s20] =	ssyncadd.s32 $0xFFFFF9E0  }
0x24: {  	_ =	swait.ge [sflag:s20], $0x2500  }
0x25: {  	[sflag:s20] =	ssyncset.done $0x0  }
0x26: {  	[sflag:s20] =	ssyncadd.s32 $0xFFFFDB00  }
0x27: {  	_ =	swait.ge [sflag:s20], $0x2500  }
0x28: {  	s16 =	simm.s32 $0xD100;
	[sflag:s20] =	ssyncset.done $0x0  }
0x29: {  	s25 =	simm.s32 $0x6200;
	s26 =	simm.s32 $0x6280;
	[sflag:s20] =	ssyncadd.s32 $0xFFFFDB00  }
0x2a: {  	s30 =	simm.s32 $0xE100;
	s31 =	simm.s32 $0x6300;
	[bflag:$0x0] =	sbarrier.arrive $0xFFFF  }
0x2b: {  	[tilespmem:s16], [sflag:$0x1] =	stream.indirect.gather [hbm4b:s2+s21], $0x10, s25, s21, $0xb8;
	[tilespmem:$0x1D100] =	vst v63  }
0x2c: {  	s28 =	simm.s32 $0x0;
	s29 =	simm.s32 $0x10900;
	s25 =	simm.s32 $0xD900  }
0x2d: {  	[tilespmem:s25], [sflag:$0x1] =	stream.indirect.gather [hbm4b:s2+s21], $0x10, s26, s21, $0xb8;
	[tilespmem:$0x1D100] =	vst v63  }
0x2e: {  	s0 =	simm.s32 $0x6580;
	s25 =	simm.s32 $0x6380;
	s26 =	simm.s32 $0xE900  }
0x2f: {  	[tilespmem:s30], [sflag:$0x1] =	stream.indirect.gather [hbm4b:s2+s21], $0x10, s31, s21, $0xb8;
	[tilespmem:$0x1D100] =	vst v63  }
.LBB2_2:
0x30: {  	[tilespmem:s26], [sflag:$0x1] =	stream.indirect.gather [hbm4b:s2+s21], $0x10, s25, s21, $0xb8;
	[tilespmem:$0x1D100] =	vst v63  }
0x31: {  	s25 =	smov.u32 s0;
	s26 =	smov.u32 s29;
	s28 =	sadd.s32 $0x4, s28  }
0x32: {  	s30 =	sadd.s32 $0xFFFFE800, s29;
	s31 =	sadd.s32 $0xFFFFFE80, s0;
	p0 =	slt.u32 s28, $0xC  }
0x33: {  	[tilespmem:s30], [sflag:$0x1] =	stream.indirect.gather [hbm4b:s2+s21], $0x10, s31, s21, $0xb8;
	[tilespmem:$0x1D100] =	vst v63  }
.Ltmp0:
0x34: {  	s30 =	sadd.s32 $0xFFFFF000, s29;
	s31 =	sadd.s32 $0xFFFFFF00, s0;
	(pc) =	sbr.rel @p0 .LBB2_2-.Ltmp0, $4  }
0x35: {  	[tilespmem:s30], [sflag:$0x1] =	stream.indirect.gather [hbm4b:s2+s21], $0x10, s31, s21, $0xb8;
	[tilespmem:$0x1D100] =	vst v63  }
0x36: {  	s30 =	sadd.s32 $0xFFFFF800, s29;
	s31 =	sadd.s32 $0xFFFFFF80, s0  }
0x37: {  	[tilespmem:s30], [sflag:$0x1] =	stream.indirect.gather [hbm4b:s2+s21], $0x10, s31, s21, $0xb8;
	[tilespmem:$0x1D100] =	vst v63  }
0x38: {  	s0 =	sadd.s32 $0x200, s0;
	s29 =	sadd.s32 $0x2000, s29  }
0x39: {  	[tilespmem:s26], [sflag:$0x1] =	stream.indirect.gather [hbm4b:s2+s21], $0x10, s25, s21, $0xb8;
	[tilespmem:$0x1D100] =	vst v63  }
0x3a: {  	_ =	swait.ge [sflag:s22], $0x800  }
0x3b: {  	[sflag:s22] =	ssyncset.done $0x0  }
0x3c: {  	[sflag:s22] =	ssyncadd.s32 $0xFFFFF800  }
0x3d: {  	_ =	swait.ge [sflag:s22], $0x800  }
0x3e: {  	[sflag:s22] =	ssyncset.done $0x0  }
0x3f: {  	[sflag:s22] =	ssyncadd.s32 $0xFFFFF800  }
0x40: {  	_ =	swait.ge [sflag:s22], $0x800  }
0x41: {  	[sflag:s22] =	ssyncset.done $0x0  }
0x42: {  	[sflag:s22] =	ssyncadd.s32 $0xFFFFF800  }
0x43: {  	_ =	swait.ge [sflag:s22], $0x800  }
0x44: {  	[sflag:s22] =	ssyncset.done $0x0  }
0x45: {  	[sflag:s22] =	ssyncadd.s32 $0xFFFFF800  }
0x46: {  	_ =	swait.ge [sflag:s22], $0x800  }
0x47: {  	[sflag:s22] =	ssyncset.done $0x0  }
0x48: {  	[sflag:s22] =	ssyncadd.s32 $0xFFFFF800  }
0x49: {  	_ =	swait.ge [sflag:s22], $0x800  }
0x4a: {  	[sflag:s22] =	ssyncset.done $0x0  }
0x4b: {  	[sflag:s22] =	ssyncadd.s32 $0xFFFFF800  }
0x4c: {  	_ =	swait.ge [sflag:s22], $0x800  }
0x4d: {  	[sflag:s22] =	ssyncset.done $0x0  }
0x4e: {  	[sflag:s22] =	ssyncadd.s32 $0xFFFFF800  }
0x4f: {  	_ =	swait.ge [sflag:s22], $0x800  }
0x50: {  	[sflag:s22] =	ssyncset.done $0x0  }
0x51: {  	[sflag:s22] =	ssyncadd.s32 $0xFFFFF800  }
0x52: {  	_ =	swait.ge [sflag:s22], $0x800  }
0x53: {  	[sflag:s22] =	ssyncset.done $0x0  }
0x54: {  	[sflag:s22] =	ssyncadd.s32 $0xFFFFF800  }
0x55: {  	_ =	swait.ge [sflag:s22], $0x800  }
0x56: {  	[sflag:s22] =	ssyncset.done $0x0  }
0x57: {  	[sflag:s22] =	ssyncadd.s32 $0xFFFFF800  }
0x58: {  	_ =	swait.ge [sflag:s22], $0x800  }
0x59: {  	[sflag:s22] =	ssyncset.done $0x0  }
0x5a: {  	[sflag:s22] =	ssyncadd.s32 $0xFFFFF800  }
0x5b: {  	_ =	swait.ge [sflag:s22], $0x800  }
0x5c: {  	[sflag:s22] =	ssyncset.done $0x0  }
0x5d: {  	[sflag:s22] =	ssyncadd.s32 $0xFFFFF800  }
0x5e: {  	_ =	swait.ge [sflag:s22], $0x800  }
0x5f: {  	[sflag:s22] =	ssyncset.done $0x0  }
0x60: {  	[sflag:s22] =	ssyncadd.s32 $0xFFFFF800  }
0x61: {  	_ =	swait.ge [sflag:s22], $0x800  }
0x62: {  	[sflag:s22] =	ssyncset.done $0x0  }
0x63: {  	[sflag:s22] =	ssyncadd.s32 $0xFFFFF800  }
0x64: {  	_ =	swait.ge [sflag:s22], $0x800  }
0x65: {  	[sflag:s22] =	ssyncset.done $0x0  }
0x66: {  	s0 =	simm.s32 $0xD100;
	[sflag:s22] =	ssyncadd.s32 $0xFFFFF800  }
0x67: {  	s16 =	simm.s32 $0xAC00;
	s25 =	simm.s32 $0xD900;
	_ =	swait.ge [sflag:s22], $0x800  }
0x68: {  	s26 =	simm.s32 $0xAC80;
	s1 =	simm.s32 $0xE100;
	[sflag:s22] =	ssyncset.done $0x0  }
0x69: {  	s29 =	simm.s32 $0xE900;
	s28 =	simm.s32 $0x0;
	[sflag:s22] =	ssyncadd.s32 $0xFFFFF800  }
0x6a: {  	[spmem:s3] =	stream.indirect.scatter.add.f32 [tilespmem:s0], [sflag:$0x2], $0x10, s16, s21, $0xb8;
	[tilespmem:$0x1D100] =	vst v63  }
0x6b: {  	s31 =	simm.s32 $0xAF80;
	s30 =	simm.s32 $0x15100;
	s16 =	simm.s32 $0xAD00  }
0x6c: {  	[spmem:s3] =	stream.indirect.scatter.add.f32 [tilespmem:s25], [sflag:$0x2], $0x10, s26, s21, $0xb8;
	[tilespmem:$0x1D100] =	vst v63  }
0x6d: {  	s0 =	simm.s32 $0x10900;
	s25 =	simm.s32 $0xAD80;
	s26 =	simm.s32 $0x6A00  }
0x6e: {  	[spmem:s3] =	stream.indirect.scatter.add.f32 [tilespmem:s1], [sflag:$0x2], $0x10, s16, s21, $0xb8;
	[tilespmem:$0x1D100] =	vst v63  }
.LBB2_4:
0x6f: {  	[spmem:s3] =	stream.indirect.scatter.add.f32 [tilespmem:s29], [sflag:$0x2], $0x10, s25, s21, $0xb8;
	[tilespmem:$0x1D100] =	vst v63  }
0x70: {  	s28 =	sadd.s32 $0x4, s28;
	s25 =	smov.u32 s31;
	s29 =	smov.u32 s0  }
0x71: {  	s1 =	sadd.s32 $0xFFFFE800, s0;
	s16 =	sadd.s32 $0xFFFFFE80, s31;
	p0 =	slt.u32 s28, $0xC  }
0x72: {  	[spmem:s3] =	stream.indirect.scatter.add.f32 [tilespmem:s1], [sflag:$0x2], $0x10, s16, s21, $0xb8;
	[tilespmem:$0x1D100] =	vst v63  }
.Ltmp1:
0x73: {  	s1 =	sadd.s32 $0xFFFFF000, s0;
	s16 =	sadd.s32 $0xFFFFFF00, s31;
	(pc) =	sbr.rel @p0 .LBB2_4-.Ltmp1, $4  }
0x74: {  	[spmem:s3] =	stream.indirect.scatter.add.f32 [tilespmem:s1], [sflag:$0x2], $0x10, s16, s21, $0xb8;
	[tilespmem:$0x1D100] =	vst v63  }
0x75: {  	s1 =	sadd.s32 $0xFFFFF800, s0;
	s16 =	sadd.s32 $0xFFFFFF80, s31  }
0x76: {  	[spmem:s3] =	stream.indirect.scatter.add.f32 [tilespmem:s1], [sflag:$0x2], $0x10, s16, s21, $0xb8;
	[tilespmem:$0x1D100] =	vst v63  }
0x77: {  	s31 =	sadd.s32 $0x200, s31;
	s0 =	sadd.s32 $0x2000, s0  }
0x78: {  	[spmem:s3] =	stream.indirect.scatter.add.f32 [tilespmem:s29], [sflag:$0x2], $0x10, s25, s21, $0xb8;
	[tilespmem:$0x1D100] =	vst v63  }
0x79: {  	s0 =	simm.s32 $0x15900;
	s1 =	simm.s32 $0x6A80;
	s31 =	simm.s32 $0x6B00  }
0x7a: {  	[tilespmem:s30], [sflag:$0x1] =	stream.indirect.gather [hbm4b:s2+s21], $0x10, s26, s21, $0xb8;
	[tilespmem:$0x1D100] =	vst v63  }
0x7b: {  	s25 =	simm.s32 $0x0;
	s28 =	simm.s32 $0x16900;
	s29 =	simm.s32 $0x6B80  }
0x7c: {  	[tilespmem:s0], [sflag:$0x1] =	stream.indirect.gather [hbm4b:s2+s21], $0x10, s1, s21, $0xb8;
	[tilespmem:$0x1D100] =	vst v63  }
0x7d: {  	s30 =	simm.s32 $0x16100;
	s26 =	simm.s32 $0x17100;
	s0 =	simm.s32 $0x6C00  }
0x7e: {  	[tilespmem:s30], [sflag:$0x1] =	stream.indirect.gather [hbm4b:s2+s21], $0x10, s31, s21, $0xb8;
	[tilespmem:$0x1D100] =	vst v63  }
.LBB2_6:
0x7f: {  	[tilespmem:s28], [sflag:$0x1] =	stream.indirect.gather [hbm4b:s2+s21], $0x10, s29, s21, $0xb8;
	[tilespmem:$0x1D100] =	vst v63  }
0x80: {  	s25 =	sadd.s32 $0x4, s25  }
0x81: {  	s1 =	smov.u32 s0;
	s0 =	sadd.s32 $0x200, s0;
	p0 =	slt.u32 s25, $0xC  }
0x82: {  	[tilespmem:s26], [sflag:$0x1] =	stream.indirect.gather [hbm4b:s2+s21], $0x10, s1, s21, $0xb8;
	[tilespmem:$0x1D100] =	vst v63  }
.Ltmp2:
0x83: {  	s16 =	sadd.s32 $0x800, s26;
	s28 =	sadd.s32 $0x80, s1;
	(pc) =	sbr.rel @p0 .LBB2_6-.Ltmp2, $4  }
0x84: {  	[tilespmem:s16], [sflag:$0x1] =	stream.indirect.gather [hbm4b:s2+s21], $0x10, s28, s21, $0xb8;
	[tilespmem:$0x1D100] =	vst v63  }
0x85: {  	s16 =	sadd.s32 $0x1000, s26;
	s28 =	sadd.s32 $0x100, s1  }
0x86: {  	[tilespmem:s16], [sflag:$0x1] =	stream.indirect.gather [hbm4b:s2+s21], $0x10, s28, s21, $0xb8;
	[tilespmem:$0x1D100] =	vst v63  }
0x87: {  	s29 =	sadd.s32 $0x180, s1;
	s28 =	sadd.s32 $0x1800, s26;
	s26 =	sadd.s32 $0x2000, s26  }
0x88: {  	[tilespmem:s28], [sflag:$0x1] =	stream.indirect.gather [hbm4b:s2+s21], $0x10, s29, s21, $0xb8;
	[tilespmem:$0x1D100] =	vst v63  }
0x89: {  	_ =	swait.ge [sflag:s22], $0x800  }
0x8a: {  	[sflag:s22] =	ssyncset.done $0x0  }
0x8b: {  	[sflag:s22] =	ssyncadd.s32 $0xFFFFF800  }
0x8c: {  	_ =	swait.ge [sflag:s22], $0x800  }
0x8d: {  	[sflag:s22] =	ssyncset.done $0x0  }
0x8e: {  	[sflag:s22] =	ssyncadd.s32 $0xFFFFF800  }
0x8f: {  	_ =	swait.ge [sflag:s22], $0x800  }
0x90: {  	[sflag:s22] =	ssyncset.done $0x0  }
0x91: {  	[sflag:s22] =	ssyncadd.s32 $0xFFFFF800  }
0x92: {  	_ =	swait.ge [sflag:s22], $0x800  }
0x93: {  	[sflag:s22] =	ssyncset.done $0x0  }
0x94: {  	[sflag:s22] =	ssyncadd.s32 $0xFFFFF800  }
0x95: {  	_ =	swait.ge [sflag:s22], $0x800  }
0x96: {  	[sflag:s22] =	ssyncset.done $0x0  }
0x97: {  	[sflag:s22] =	ssyncadd.s32 $0xFFFFF800  }
0x98: {  	_ =	swait.ge [sflag:s22], $0x800  }
0x99: {  	[sflag:s22] =	ssyncset.done $0x0  }
0x9a: {  	[sflag:s22] =	ssyncadd.s32 $0xFFFFF800  }
0x9b: {  	_ =	swait.ge [sflag:s22], $0x800  }
0x9c: {  	[sflag:s22] =	ssyncset.done $0x0  }
0x9d: {  	[sflag:s22] =	ssyncadd.s32 $0xFFFFF800  }
0x9e: {  	_ =	swait.ge [sflag:s22], $0x800  }
0x9f: {  	[sflag:s22] =	ssyncset.done $0x0  }
0xa0: {  	[sflag:s22] =	ssyncadd.s32 $0xFFFFF800  }
0xa1: {  	_ =	swait.ge [sflag:s22], $0x800  }
0xa2: {  	[sflag:s22] =	ssyncset.done $0x0  }
0xa3: {  	[sflag:s22] =	ssyncadd.s32 $0xFFFFF800  }
0xa4: {  	_ =	swait.ge [sflag:s22], $0x800  }
0xa5: {  	[sflag:s22] =	ssyncset.done $0x0  }
0xa6: {  	[sflag:s22] =	ssyncadd.s32 $0xFFFFF800  }
0xa7: {  	_ =	swait.ge [sflag:s22], $0x800  }
0xa8: {  	[sflag:s22] =	ssyncset.done $0x0  }
0xa9: {  	[sflag:s22] =	ssyncadd.s32 $0xFFFFF800  }
0xaa: {  	_ =	swait.ge [sflag:s22], $0x800  }
0xab: {  	[sflag:s22] =	ssyncset.done $0x0  }
0xac: {  	[sflag:s22] =	ssyncadd.s32 $0xFFFFF800  }
0xad: {  	_ =	swait.ge [sflag:s22], $0x800  }
0xae: {  	[sflag:s22] =	ssyncset.done $0x0  }
0xaf: {  	[sflag:s22] =	ssyncadd.s32 $0xFFFFF800  }
0xb0: {  	_ =	swait.ge [sflag:s22], $0x800  }
0xb1: {  	[sflag:s22] =	ssyncset.done $0x0  }
0xb2: {  	[sflag:s22] =	ssyncadd.s32 $0xFFFFF800  }
0xb3: {  	_ =	swait.ge [sflag:s22], $0x800  }
0xb4: {  	[sflag:s22] =	ssyncset.done $0x0  }
0xb5: {  	[sflag:s22] =	ssyncadd.s32 $0xFFFFF800  }
0xb6: {  	s0 =	simm.s32 $0x15100;
	_ =	swait.ge [sflag:s22], $0x800  }
0xb7: {  	s1 =	simm.s32 $0xB400;
	s25 =	simm.s32 $0x15900;
	[sflag:s22] =	ssyncset.done $0x0  }
0xb8: {  	s26 =	simm.s32 $0xB480;
	s30 =	simm.s32 $0x16100;
	[sflag:s22] =	ssyncadd.s32 $0xFFFFF800  }
0xb9: {  	[spmem:s3] =	stream.indirect.scatter.add.f32 [tilespmem:s0], [sflag:$0x2], $0x10, s1, s21, $0xb8;
	[tilespmem:$0x1D100] =	vst v63  }
0xba: {  	s31 =	simm.s32 $0xB500;
	s28 =	simm.s32 $0x16900;
	s29 =	simm.s32 $0xB580  }
0xbb: {  	[spmem:s3] =	stream.indirect.scatter.add.f32 [tilespmem:s25], [sflag:$0x2], $0x10, s26, s21, $0xb8;
	[tilespmem:$0x1D100] =	vst v63  }
0xbc: {  	s0 =	simm.s32 $0xB600;
	s25 =	simm.s32 $0x0;
	s26 =	simm.s32 $0x17100  }
0xbd: {  	[spmem:s3] =	stream.indirect.scatter.add.f32 [tilespmem:s30], [sflag:$0x2], $0x10, s31, s21, $0xb8;
	[tilespmem:$0x1D100] =	vst v63  }
.LBB2_8:
0xbe: {  	[spmem:s3] =	stream.indirect.scatter.add.f32 [tilespmem:s28], [sflag:$0x2], $0x10, s29, s21, $0xb8;
	[tilespmem:$0x1D100] =	vst v63  }
0xbf: {  	s25 =	sadd.s32 $0x4, s25  }
0xc0: {  	s1 =	smov.u32 s0;
	s0 =	sadd.s32 $0x200, s0;
	p0 =	slt.u32 s25, $0xC  }
0xc1: {  	[spmem:s3] =	stream.indirect.scatter.add.f32 [tilespmem:s26], [sflag:$0x2], $0x10, s1, s21, $0xb8;
	[tilespmem:$0x1D100] =	vst v63  }
.Ltmp3:
0xc2: {  	s16 =	sadd.s32 $0x800, s26;
	s28 =	sadd.s32 $0x80, s1;
	(pc) =	sbr.rel @p0 .LBB2_8-.Ltmp3, $4  }
0xc3: {  	[spmem:s3] =	stream.indirect.scatter.add.f32 [tilespmem:s16], [sflag:$0x2], $0x10, s28, s21, $0xb8;
	[tilespmem:$0x1D100] =	vst v63  }
0xc4: {  	s16 =	sadd.s32 $0x1000, s26;
	s28 =	sadd.s32 $0x100, s1  }
0xc5: {  	[spmem:s3] =	stream.indirect.scatter.add.f32 [tilespmem:s16], [sflag:$0x2], $0x10, s28, s21, $0xb8;
	[tilespmem:$0x1D100] =	vst v63  }
0xc6: {  	s29 =	sadd.s32 $0x180, s1;
	s28 =	sadd.s32 $0x1800, s26;
	s26 =	sadd.s32 $0x2000, s26  }
0xc7: {  	[spmem:s3] =	stream.indirect.scatter.add.f32 [tilespmem:s28], [sflag:$0x2], $0x10, s29, s21, $0xb8;
	[tilespmem:$0x1D100] =	vst v63  }
0xc8: {  	_ =	swait.ge [sflag:s23], $0x800  }
0xc9: {  	[sflag:s23] =	ssyncset.done $0x0  }
0xca: {  	[sflag:s23] =	ssyncadd.s32 $0xFFFFF800  }
0xcb: {  	_ =	swait.ge [sflag:s23], $0x800  }
0xcc: {  	[sflag:s23] =	ssyncset.done $0x0  }
0xcd: {  	[sflag:s23] =	ssyncadd.s32 $0xFFFFF800  }
0xce: {  	_ =	swait.ge [sflag:s23], $0x800  }
0xcf: {  	[sflag:s23] =	ssyncset.done $0x0  }
0xd0: {  	[sflag:s23] =	ssyncadd.s32 $0xFFFFF800  }
0xd1: {  	_ =	swait.ge [sflag:s23], $0x800  }
0xd2: {  	[sflag:s23] =	ssyncset.done $0x0  }
0xd3: {  	[sflag:s23] =	ssyncadd.s32 $0xFFFFF800  }
0xd4: {  	_ =	swait.ge [sflag:s23], $0x800  }
0xd5: {  	[sflag:s23] =	ssyncset.done $0x0  }
0xd6: {  	[sflag:s23] =	ssyncadd.s32 $0xFFFFF800  }
0xd7: {  	_ =	swait.ge [sflag:s23], $0x800  }
0xd8: {  	[sflag:s23] =	ssyncset.done $0x0  }
0xd9: {  	[sflag:s23] =	ssyncadd.s32 $0xFFFFF800  }
0xda: {  	_ =	swait.ge [sflag:s23], $0x800  }
0xdb: {  	[sflag:s23] =	ssyncset.done $0x0  }
0xdc: {  	[sflag:s23] =	ssyncadd.s32 $0xFFFFF800  }
0xdd: {  	_ =	swait.ge [sflag:s23], $0x800  }
0xde: {  	[sflag:s23] =	ssyncset.done $0x0  }
0xdf: {  	[sflag:s23] =	ssyncadd.s32 $0xFFFFF800  }
0xe0: {  	_ =	swait.ge [sflag:s23], $0x800  }
0xe1: {  	[sflag:s23] =	ssyncset.done $0x0  }
0xe2: {  	[sflag:s23] =	ssyncadd.s32 $0xFFFFF800  }
0xe3: {  	_ =	swait.ge [sflag:s23], $0x800  }
0xe4: {  	[sflag:s23] =	ssyncset.done $0x0  }
0xe5: {  	[sflag:s23] =	ssyncadd.s32 $0xFFFFF800  }
0xe6: {  	_ =	swait.ge [sflag:s23], $0x800  }
0xe7: {  	[sflag:s23] =	ssyncset.done $0x0  }
0xe8: {  	[sflag:s23] =	ssyncadd.s32 $0xFFFFF800  }
0xe9: {  	_ =	swait.ge [sflag:s23], $0x800  }
0xea: {  	[sflag:s23] =	ssyncset.done $0x0  }
0xeb: {  	[sflag:s23] =	ssyncadd.s32 $0xFFFFF800  }
0xec: {  	_ =	swait.ge [sflag:s23], $0x800  }
0xed: {  	[sflag:s23] =	ssyncset.done $0x0  }
0xee: {  	[sflag:s23] =	ssyncadd.s32 $0xFFFFF800  }
0xef: {  	_ =	swait.ge [sflag:s23], $0x800  }
0xf0: {  	[sflag:s23] =	ssyncset.done $0x0  }
0xf1: {  	[sflag:s23] =	ssyncadd.s32 $0xFFFFF800  }
0xf2: {  	_ =	swait.ge [sflag:s23], $0x800  }
0xf3: {  	[sflag:s23] =	ssyncset.done $0x0  }
0xf4: {  	[sflag:s23] =	ssyncadd.s32 $0xFFFFF800  }
0xf5: {  	s0 =	simm.s32 $0xD100;
	_ =	swait.ge [sflag:s23], $0x800  }
0xf6: {  	s1 =	simm.s32 $0x7200;
	s25 =	simm.s32 $0xD900;
	[sflag:s23] =	ssyncset.done $0x0  }
0xf7: {  	s26 =	simm.s32 $0x7280;
	s30 =	simm.s32 $0xE100;
	[sflag:s23] =	ssyncadd.s32 $0xFFFFF800  }
0xf8: {  	[tilespmem:s0], [sflag:$0x1] =	stream.indirect.gather [hbm4b:s2+s21], $0x10, s1, s21, $0xb8;
	[tilespmem:$0x1D100] =	vst v63  }
0xf9: {  	s31 =	simm.s32 $0x7300;
	s28 =	simm.s32 $0x7580;
	s29 =	simm.s32 $0x10900  }
0xfa: {  	[tilespmem:s25], [sflag:$0x1] =	stream.indirect.gather [hbm4b:s2+s21], $0x10, s26, s21, $0xb8;
	[tilespmem:$0x1D100] =	vst v63  }
0xfb: {  	s0 =	simm.s32 $0x0;
	s25 =	simm.s32 $0x7380;
	s26 =	simm.s32 $0xE900  }
0xfc: {  	[tilespmem:s30], [sflag:$0x1] =	stream.indirect.gather [hbm4b:s2+s21], $0x10, s31, s21, $0xb8;
	[tilespmem:$0x1D100] =	vst v63  }
.LBB2_10:
0xfd: {  	[tilespmem:s26], [sflag:$0x1] =	stream.indirect.gather [hbm4b:s2+s21], $0x10, s25, s21, $0xb8;
	[tilespmem:$0x1D100] =	vst v63  }
0xfe: {  	s25 =	smov.u32 s28;
	s26 =	smov.u32 s29;
	s0 =	sadd.s32 $0x4, s0  }
0xff: {  	s1 =	sadd.s32 $0xFFFFE800, s29;
	s16 =	sadd.s32 $0xFFFFFE80, s28;
	p0 =	slt.u32 s0, $0xC  }
0x100: {  	[tilespmem:s1], [sflag:$0x1] =	stream.indirect.gather [hbm4b:s2+s21], $0x10, s16, s21, $0xb8;
	[tilespmem:$0x1D100] =	vst v63  }
.Ltmp4:
0x101: {  	s1 =	sadd.s32 $0xFFFFF000, s29;
	s16 =	sadd.s32 $0xFFFFFF00, s28;
	(pc) =	sbr.rel @p0 .LBB2_10-.Ltmp4, $4  }
0x102: {  	[tilespmem:s1], [sflag:$0x1] =	stream.indirect.gather [hbm4b:s2+s21], $0x10, s16, s21, $0xb8;
	[tilespmem:$0x1D100] =	vst v63  }
0x103: {  	s1 =	sadd.s32 $0xFFFFF800, s29;
	s16 =	sadd.s32 $0xFFFFFF80, s28  }
0x104: {  	[tilespmem:s1], [sflag:$0x1] =	stream.indirect.gather [hbm4b:s2+s21], $0x10, s16, s21, $0xb8;
	[tilespmem:$0x1D100] =	vst v63  }
0x105: {  	s28 =	sadd.s32 $0x200, s28;
	s29 =	sadd.s32 $0x2000, s29  }
0x106: {  	[tilespmem:s26], [sflag:$0x1] =	stream.indirect.gather [hbm4b:s2+s21], $0x10, s25, s21, $0xb8;
	[tilespmem:$0x1D100] =	vst v63  }
0x107: {  	_ =	swait.ge [sflag:s22], $0x800  }
0x108: {  	[sflag:s22] =	ssyncset.done $0x0  }
0x109: {  	[sflag:s22] =	ssyncadd.s32 $0xFFFFF800  }
0x10a: {  	_ =	swait.ge [sflag:s22], $0x800  }
0x10b: {  	[sflag:s22] =	ssyncset.done $0x0  }
0x10c: {  	[sflag:s22] =	ssyncadd.s32 $0xFFFFF800  }
0x10d: {  	_ =	swait.ge [sflag:s22], $0x800  }
0x10e: {  	[sflag:s22] =	ssyncset.done $0x0  }
0x10f: {  	[sflag:s22] =	ssyncadd.s32 $0xFFFFF800  }
0x110: {  	_ =	swait.ge [sflag:s22], $0x800  }
0x111: {  	[sflag:s22] =	ssyncset.done $0x0  }
0x112: {  	[sflag:s22] =	ssyncadd.s32 $0xFFFFF800  }
0x113: {  	_ =	swait.ge [sflag:s22], $0x800  }
0x114: {  	[sflag:s22] =	ssyncset.done $0x0  }
0x115: {  	[sflag:s22] =	ssyncadd.s32 $0xFFFFF800  }
0x116: {  	_ =	swait.ge [sflag:s22], $0x800  }
0x117: {  	[sflag:s22] =	ssyncset.done $0x0  }
0x118: {  	[sflag:s22] =	ssyncadd.s32 $0xFFFFF800  }
0x119: {  	_ =	swait.ge [sflag:s22], $0x800  }
0x11a: {  	[sflag:s22] =	ssyncset.done $0x0  }
0x11b: {  	[sflag:s22] =	ssyncadd.s32 $0xFFFFF800  }
0x11c: {  	_ =	swait.ge [sflag:s22], $0x800  }
0x11d: {  	[sflag:s22] =	ssyncset.done $0x0  }
0x11e: {  	[sflag:s22] =	ssyncadd.s32 $0xFFFFF800  }
0x11f: {  	_ =	swait.ge [sflag:s22], $0x800  }
0x120: {  	[sflag:s22] =	ssyncset.done $0x0  }
0x121: {  	[sflag:s22] =	ssyncadd.s32 $0xFFFFF800  }
0x122: {  	_ =	swait.ge [sflag:s22], $0x800  }
0x123: {  	[sflag:s22] =	ssyncset.done $0x0  }
0x124: {  	[sflag:s22] =	ssyncadd.s32 $0xFFFFF800  }
0x125: {  	_ =	swait.ge [sflag:s22], $0x800  }
0x126: {  	[sflag:s22] =	ssyncset.done $0x0  }
0x127: {  	[sflag:s22] =	ssyncadd.s32 $0xFFFFF800  }
0x128: {  	_ =	swait.ge [sflag:s22], $0x800  }
0x129: {  	[sflag:s22] =	ssyncset.done $0x0  }
0x12a: {  	[sflag:s22] =	ssyncadd.s32 $0xFFFFF800  }
0x12b: {  	_ =	swait.ge [sflag:s22], $0x800  }
0x12c: {  	[sflag:s22] =	ssyncset.done $0x0  }
0x12d: {  	[sflag:s22] =	ssyncadd.s32 $0xFFFFF800  }
0x12e: {  	_ =	swait.ge [sflag:s22], $0x800  }
0x12f: {  	[sflag:s22] =	ssyncset.done $0x0  }
0x130: {  	[sflag:s22] =	ssyncadd.s32 $0xFFFFF800  }
0x131: {  	_ =	swait.ge [sflag:s22], $0x800  }
0x132: {  	[sflag:s22] =	ssyncset.done $0x0  }
0x133: {  	[sflag:s22] =	ssyncadd.s32 $0xFFFFF800  }
0x134: {  	s0 =	simm.s32 $0xD100;
	_ =	swait.ge [sflag:s22], $0x800  }
0x135: {  	s1 =	simm.s32 $0xBC00;
	s25 =	simm.s32 $0xD900;
	[sflag:s22] =	ssyncset.done $0x0  }
0x136: {  	s26 =	simm.s32 $0xBC80;
	s30 =	simm.s32 $0xE100;
	[sflag:s22] =	ssyncadd.s32 $0xFFFFF800  }
0x137: {  	[spmem:s3] =	stream.indirect.scatter.add.f32 [tilespmem:s0], [sflag:$0x2], $0x10, s1, s21, $0xb8;
	[tilespmem:$0x1D100] =	vst v63  }
0x138: {  	s31 =	simm.s32 $0xBD00;
	s28 =	simm.s32 $0xBF80;
	s29 =	simm.s32 $0x10900  }
0x139: {  	[spmem:s3] =	stream.indirect.scatter.add.f32 [tilespmem:s25], [sflag:$0x2], $0x10, s26, s21, $0xb8;
	[tilespmem:$0x1D100] =	vst v63  }
0x13a: {  	s0 =	simm.s32 $0x0;
	s25 =	simm.s32 $0xBD80;
	s26 =	simm.s32 $0xE900  }
0x13b: {  	[spmem:s3] =	stream.indirect.scatter.add.f32 [tilespmem:s30], [sflag:$0x2], $0x10, s31, s21, $0xb8;
	[tilespmem:$0x1D100] =	vst v63  }
.LBB2_12:
0x13c: {  	[spmem:s3] =	stream.indirect.scatter.add.f32 [tilespmem:s26], [sflag:$0x2], $0x10, s25, s21, $0xb8;
	[tilespmem:$0x1D100] =	vst v63  }
0x13d: {  	s25 =	smov.u32 s28;
	s26 =	smov.u32 s29;
	s0 =	sadd.s32 $0x4, s0  }
0x13e: {  	s1 =	sadd.s32 $0xFFFFE800, s29;
	s16 =	sadd.s32 $0xFFFFFE80, s28;
	p0 =	slt.u32 s0, $0xC  }
0x13f: {  	[spmem:s3] =	stream.indirect.scatter.add.f32 [tilespmem:s1], [sflag:$0x2], $0x10, s16, s21, $0xb8;
	[tilespmem:$0x1D100] =	vst v63  }
.Ltmp5:
0x140: {  	s1 =	sadd.s32 $0xFFFFF000, s29;
	s16 =	sadd.s32 $0xFFFFFF00, s28;
	(pc) =	sbr.rel @p0 .LBB2_12-.Ltmp5, $4  }
0x141: {  	[spmem:s3] =	stream.indirect.scatter.add.f32 [tilespmem:s1], [sflag:$0x2], $0x10, s16, s21, $0xb8;
	[tilespmem:$0x1D100] =	vst v63  }
0x142: {  	s1 =	sadd.s32 $0xFFFFF800, s29;
	s16 =	sadd.s32 $0xFFFFFF80, s28  }
0x143: {  	[spmem:s3] =	stream.indirect.scatter.add.f32 [tilespmem:s1], [sflag:$0x2], $0x10, s16, s21, $0xb8;
	[tilespmem:$0x1D100] =	vst v63  }
0x144: {  	s28 =	sadd.s32 $0x200, s28;
	s29 =	sadd.s32 $0x2000, s29  }
0x145: {  	[spmem:s3] =	stream.indirect.scatter.add.f32 [tilespmem:s26], [sflag:$0x2], $0x10, s25, s21, $0xb8;
	[tilespmem:$0x1D100] =	vst v63  }
0x146: {  	_ =	swait.ge [sflag:s23], $0x800  }
0x147: {  	[sflag:s23] =	ssyncset.done $0x0  }
0x148: {  	[sflag:s23] =	ssyncadd.s32 $0xFFFFF800  }
0x149: {  	_ =	swait.ge [sflag:s23], $0x800  }
0x14a: {  	[sflag:s23] =	ssyncset.done $0x0  }
0x14b: {  	[sflag:s23] =	ssyncadd.s32 $0xFFFFF800  }
0x14c: {  	_ =	swait.ge [sflag:s23], $0x800  }
0x14d: {  	[sflag:s23] =	ssyncset.done $0x0  }
0x14e: {  	[sflag:s23] =	ssyncadd.s32 $0xFFFFF800  }
0x14f: {  	_ =	swait.ge [sflag:s23], $0x800  }
0x150: {  	[sflag:s23] =	ssyncset.done $0x0  }
0x151: {  	[sflag:s23] =	ssyncadd.s32 $0xFFFFF800  }
0x152: {  	_ =	swait.ge [sflag:s23], $0x800  }
0x153: {  	[sflag:s23] =	ssyncset.done $0x0  }
0x154: {  	[sflag:s23] =	ssyncadd.s32 $0xFFFFF800  }
0x155: {  	_ =	swait.ge [sflag:s23], $0x800  }
0x156: {  	[sflag:s23] =	ssyncset.done $0x0  }
0x157: {  	[sflag:s23] =	ssyncadd.s32 $0xFFFFF800  }
0x158: {  	_ =	swait.ge [sflag:s23], $0x800  }
0x159: {  	[sflag:s23] =	ssyncset.done $0x0  }
0x15a: {  	[sflag:s23] =	ssyncadd.s32 $0xFFFFF800  }
0x15b: {  	_ =	swait.ge [sflag:s23], $0x800  }
0x15c: {  	[sflag:s23] =	ssyncset.done $0x0  }
0x15d: {  	[sflag:s23] =	ssyncadd.s32 $0xFFFFF800  }
0x15e: {  	_ =	swait.ge [sflag:s23], $0x800  }
0x15f: {  	[sflag:s23] =	ssyncset.done $0x0  }
0x160: {  	[sflag:s23] =	ssyncadd.s32 $0xFFFFF800  }
0x161: {  	_ =	swait.ge [sflag:s23], $0x800  }
0x162: {  	[sflag:s23] =	ssyncset.done $0x0  }
0x163: {  	[sflag:s23] =	ssyncadd.s32 $0xFFFFF800  }
0x164: {  	_ =	swait.ge [sflag:s23], $0x800  }
0x165: {  	[sflag:s23] =	ssyncset.done $0x0  }
0x166: {  	[sflag:s23] =	ssyncadd.s32 $0xFFFFF800  }
0x167: {  	_ =	swait.ge [sflag:s23], $0x800  }
0x168: {  	[sflag:s23] =	ssyncset.done $0x0  }
0x169: {  	[sflag:s23] =	ssyncadd.s32 $0xFFFFF800  }
0x16a: {  	_ =	swait.ge [sflag:s23], $0x800  }
0x16b: {  	[sflag:s23] =	ssyncset.done $0x0  }
0x16c: {  	[sflag:s23] =	ssyncadd.s32 $0xFFFFF800  }
0x16d: {  	_ =	swait.ge [sflag:s23], $0x800  }
0x16e: {  	[sflag:s23] =	ssyncset.done $0x0  }
0x16f: {  	[sflag:s23] =	ssyncadd.s32 $0xFFFFF800  }
0x170: {  	_ =	swait.ge [sflag:s23], $0x800  }
0x171: {  	[sflag:s23] =	ssyncset.done $0x0  }
0x172: {  	[sflag:s23] =	ssyncadd.s32 $0xFFFFF800  }
0x173: {  	s0 =	simm.s32 $0x15100;
	_ =	swait.ge [sflag:s23], $0x800  }
0x174: {  	s1 =	simm.s32 $0x7A00;
	s25 =	simm.s32 $0x15900;
	[sflag:s23] =	ssyncset.done $0x0  }
0x175: {  	s26 =	simm.s32 $0x7A80;
	s30 =	simm.s32 $0x16100;
	[sflag:s23] =	ssyncadd.s32 $0xFFFFF800  }
0x176: {  	[tilespmem:s0], [sflag:$0x1] =	stream.indirect.gather [hbm4b:s2+s21], $0x10, s1, s21, $0xb8;
	[tilespmem:$0x1D100] =	vst v63  }
0x177: {  	s31 =	simm.s32 $0x7B00;
	s28 =	simm.s32 $0x7D80;
	s29 =	simm.s32 $0x18900  }
0x178: {  	[tilespmem:s25], [sflag:$0x1] =	stream.indirect.gather [hbm4b:s2+s21], $0x10, s26, s21, $0xb8;
	[tilespmem:$0x1D100] =	vst v63  }
0x179: {  	s0 =	simm.s32 $0x0;
	s25 =	simm.s32 $0x7B80;
	s26 =	simm.s32 $0x16900  }
0x17a: {  	[tilespmem:s30], [sflag:$0x1] =	stream.indirect.gather [hbm4b:s2+s21], $0x10, s31, s21, $0xb8;
	[tilespmem:$0x1D100] =	vst v63  }
.LBB2_14:
0x17b: {  	[tilespmem:s26], [sflag:$0x1] =	stream.indirect.gather [hbm4b:s2+s21], $0x10, s25, s21, $0xb8;
	[tilespmem:$0x1D100] =	vst v63  }
0x17c: {  	s25 =	smov.u32 s28;
	s26 =	smov.u32 s29;
	s0 =	sadd.s32 $0x4, s0  }
0x17d: {  	s1 =	sadd.s32 $0xFFFFE800, s29;
	s16 =	sadd.s32 $0xFFFFFE80, s28;
	p0 =	slt.u32 s0, $0xC  }
0x17e: {  	[tilespmem:s1], [sflag:$0x1] =	stream.indirect.gather [hbm4b:s2+s21], $0x10, s16, s21, $0xb8;
	[tilespmem:$0x1D100] =	vst v63  }
.Ltmp6:
0x17f: {  	s1 =	sadd.s32 $0xFFFFF000, s29;
	s16 =	sadd.s32 $0xFFFFFF00, s28;
	(pc) =	sbr.rel @p0 .LBB2_14-.Ltmp6, $4  }
0x180: {  	[tilespmem:s1], [sflag:$0x1] =	stream.indirect.gather [hbm4b:s2+s21], $0x10, s16, s21, $0xb8;
	[tilespmem:$0x1D100] =	vst v63  }
0x181: {  	s1 =	sadd.s32 $0xFFFFF800, s29;
	s16 =	sadd.s32 $0xFFFFFF80, s28  }
0x182: {  	[tilespmem:s1], [sflag:$0x1] =	stream.indirect.gather [hbm4b:s2+s21], $0x10, s16, s21, $0xb8;
	[tilespmem:$0x1D100] =	vst v63  }
0x183: {  	s28 =	sadd.s32 $0x200, s28;
	s29 =	sadd.s32 $0x2000, s29  }
0x184: {  	[tilespmem:s26], [sflag:$0x1] =	stream.indirect.gather [hbm4b:s2+s21], $0x10, s25, s21, $0xb8;
	[tilespmem:$0x1D100] =	vst v63  }
0x185: {  	_ =	swait.ge [sflag:s22], $0x800  }
0x186: {  	[sflag:s22] =	ssyncset.done $0x0  }
0x187: {  	[sflag:s22] =	ssyncadd.s32 $0xFFFFF800  }
0x188: {  	_ =	swait.ge [sflag:s22], $0x800  }
0x189: {  	[sflag:s22] =	ssyncset.done $0x0  }
0x18a: {  	[sflag:s22] =	ssyncadd.s32 $0xFFFFF800  }
0x18b: {  	_ =	swait.ge [sflag:s22], $0x800  }
0x18c: {  	[sflag:s22] =	ssyncset.done $0x0  }
0x18d: {  	[sflag:s22] =	ssyncadd.s32 $0xFFFFF800  }
0x18e: {  	_ =	swait.ge [sflag:s22], $0x800  }
0x18f: {  	[sflag:s22] =	ssyncset.done $0x0  }
0x190: {  	[sflag:s22] =	ssyncadd.s32 $0xFFFFF800  }
0x191: {  	_ =	swait.ge [sflag:s22], $0x800  }
0x192: {  	[sflag:s22] =	ssyncset.done $0x0  }
0x193: {  	[sflag:s22] =	ssyncadd.s32 $0xFFFFF800  }
0x194: {  	_ =	swait.ge [sflag:s22], $0x800  }
0x195: {  	[sflag:s22] =	ssyncset.done $0x0  }
0x196: {  	[sflag:s22] =	ssyncadd.s32 $0xFFFFF800  }
0x197: {  	_ =	swait.ge [sflag:s22], $0x800  }
0x198: {  	[sflag:s22] =	ssyncset.done $0x0  }
0x199: {  	[sflag:s22] =	ssyncadd.s32 $0xFFFFF800  }
0x19a: {  	_ =	swait.ge [sflag:s22], $0x800  }
0x19b: {  	[sflag:s22] =	ssyncset.done $0x0  }
0x19c: {  	[sflag:s22] =	ssyncadd.s32 $0xFFFFF800  }
0x19d: {  	_ =	swait.ge [sflag:s22], $0x800  }
0x19e: {  	[sflag:s22] =	ssyncset.done $0x0  }
0x19f: {  	[sflag:s22] =	ssyncadd.s32 $0xFFFFF800  }
0x1a0: {  	_ =	swait.ge [sflag:s22], $0x800  }
0x1a1: {  	[sflag:s22] =	ssyncset.done $0x0  }
0x1a2: {  	[sflag:s22] =	ssyncadd.s32 $0xFFFFF800  }
0x1a3: {  	_ =	swait.ge [sflag:s22], $0x800  }
0x1a4: {  	[sflag:s22] =	ssyncset.done $0x0  }
0x1a5: {  	[sflag:s22] =	ssyncadd.s32 $0xFFFFF800  }
0x1a6: {  	_ =	swait.ge [sflag:s22], $0x800  }
0x1a7: {  	[sflag:s22] =	ssyncset.done $0x0  }
0x1a8: {  	[sflag:s22] =	ssyncadd.s32 $0xFFFFF800  }
0x1a9: {  	_ =	swait.ge [sflag:s22], $0x800  }
0x1aa: {  	[sflag:s22] =	ssyncset.done $0x0  }
0x1ab: {  	[sflag:s22] =	ssyncadd.s32 $0xFFFFF800  }
0x1ac: {  	_ =	swait.ge [sflag:s22], $0x800  }
0x1ad: {  	[sflag:s22] =	ssyncset.done $0x0  }
0x1ae: {  	[sflag:s22] =	ssyncadd.s32 $0xFFFFF800  }
0x1af: {  	_ =	swait.ge [sflag:s22], $0x800  }
0x1b0: {  	[sflag:s22] =	ssyncset.done $0x0  }
0x1b1: {  	[sflag:s22] =	ssyncadd.s32 $0xFFFFF800  }
0x1b2: {  	s0 =	simm.s32 $0x15100;
	_ =	swait.ge [sflag:s22], $0x800  }
0x1b3: {  	s1 =	simm.s32 $0xC400;
	s25 =	simm.s32 $0x15900;
	[sflag:s22] =	ssyncset.done $0x0  }
0x1b4: {  	s26 =	simm.s32 $0xC480;
	s30 =	simm.s32 $0x16100;
	[sflag:s22] =	ssyncadd.s32 $0xFFFFF800  }
0x1b5: {  	[spmem:s3] =	stream.indirect.scatter.add.f32 [tilespmem:s0], [sflag:$0x2], $0x10, s1, s21, $0xb8;
	[tilespmem:$0x1D100] =	vst v63  }
0x1b6: {  	s31 =	simm.s32 $0xC500;
	s28 =	simm.s32 $0xC780;
	s29 =	simm.s32 $0x18900  }
0x1b7: {  	[spmem:s3] =	stream.indirect.scatter.add.f32 [tilespmem:s25], [sflag:$0x2], $0x10, s26, s21, $0xb8;
	[tilespmem:$0x1D100] =	vst v63  }
0x1b8: {  	s0 =	simm.s32 $0x0;
	s25 =	simm.s32 $0xC580;
	s26 =	simm.s32 $0x16900  }
0x1b9: {  	[spmem:s3] =	stream.indirect.scatter.add.f32 [tilespmem:s30], [sflag:$0x2], $0x10, s31, s21, $0xb8;
	[tilespmem:$0x1D100] =	vst v63  }
.LBB2_16:
0x1ba: {  	[spmem:s3] =	stream.indirect.scatter.add.f32 [tilespmem:s26], [sflag:$0x2], $0x10, s25, s21, $0xb8;
	[tilespmem:$0x1D100] =	vst v63  }
0x1bb: {  	s25 =	smov.u32 s28;
	s26 =	smov.u32 s29;
	s0 =	sadd.s32 $0x4, s0  }
0x1bc: {  	s1 =	sadd.s32 $0xFFFFE800, s29;
	s16 =	sadd.s32 $0xFFFFFE80, s28;
	p0 =	slt.u32 s0, $0xC  }
0x1bd: {  	[spmem:s3] =	stream.indirect.scatter.add.f32 [tilespmem:s1], [sflag:$0x2], $0x10, s16, s21, $0xb8;
	[tilespmem:$0x1D100] =	vst v63  }
.Ltmp7:
0x1be: {  	s1 =	sadd.s32 $0xFFFFF000, s29;
	s16 =	sadd.s32 $0xFFFFFF00, s28;
	(pc) =	sbr.rel @p0 .LBB2_16-.Ltmp7, $4  }
0x1bf: {  	[spmem:s3] =	stream.indirect.scatter.add.f32 [tilespmem:s1], [sflag:$0x2], $0x10, s16, s21, $0xb8;
	[tilespmem:$0x1D100] =	vst v63  }
0x1c0: {  	s1 =	sadd.s32 $0xFFFFF800, s29;
	s16 =	sadd.s32 $0xFFFFFF80, s28  }
0x1c1: {  	[spmem:s3] =	stream.indirect.scatter.add.f32 [tilespmem:s1], [sflag:$0x2], $0x10, s16, s21, $0xb8;
	[tilespmem:$0x1D100] =	vst v63  }
0x1c2: {  	s28 =	sadd.s32 $0x200, s28;
	s29 =	sadd.s32 $0x2000, s29  }
0x1c3: {  	[spmem:s3] =	stream.indirect.scatter.add.f32 [tilespmem:s26], [sflag:$0x2], $0x10, s25, s21, $0xb8;
	[tilespmem:$0x1D100] =	vst v63  }
0x1c4: {  	_ =	swait.ge [sflag:s23], $0x800  }
0x1c5: {  	[sflag:s23] =	ssyncset.done $0x0  }
0x1c6: {  	[sflag:s23] =	ssyncadd.s32 $0xFFFFF800  }
0x1c7: {  	_ =	swait.ge [sflag:s23], $0x800  }
0x1c8: {  	[sflag:s23] =	ssyncset.done $0x0  }
0x1c9: {  	[sflag:s23] =	ssyncadd.s32 $0xFFFFF800  }
0x1ca: {  	_ =	swait.ge [sflag:s23], $0x800  }
0x1cb: {  	[sflag:s23] =	ssyncset.done $0x0  }
0x1cc: {  	[sflag:s23] =	ssyncadd.s32 $0xFFFFF800  }
0x1cd: {  	_ =	swait.ge [sflag:s23], $0x800  }
0x1ce: {  	[sflag:s23] =	ssyncset.done $0x0  }
0x1cf: {  	[sflag:s23] =	ssyncadd.s32 $0xFFFFF800  }
0x1d0: {  	_ =	swait.ge [sflag:s23], $0x800  }
0x1d1: {  	[sflag:s23] =	ssyncset.done $0x0  }
0x1d2: {  	[sflag:s23] =	ssyncadd.s32 $0xFFFFF800  }
0x1d3: {  	_ =	swait.ge [sflag:s23], $0x800  }
0x1d4: {  	[sflag:s23] =	ssyncset.done $0x0  }
0x1d5: {  	[sflag:s23] =	ssyncadd.s32 $0xFFFFF800  }
0x1d6: {  	_ =	swait.ge [sflag:s23], $0x800  }
0x1d7: {  	[sflag:s23] =	ssyncset.done $0x0  }
0x1d8: {  	[sflag:s23] =	ssyncadd.s32 $0xFFFFF800  }
0x1d9: {  	_ =	swait.ge [sflag:s23], $0x800  }
0x1da: {  	[sflag:s23] =	ssyncset.done $0x0  }
0x1db: {  	[sflag:s23] =	ssyncadd.s32 $0xFFFFF800  }
0x1dc: {  	_ =	swait.ge [sflag:s23], $0x800  }
0x1dd: {  	[sflag:s23] =	ssyncset.done $0x0  }
0x1de: {  	[sflag:s23] =	ssyncadd.s32 $0xFFFFF800  }
0x1df: {  	_ =	swait.ge [sflag:s23], $0x800  }
0x1e0: {  	[sflag:s23] =	ssyncset.done $0x0  }
0x1e1: {  	[sflag:s23] =	ssyncadd.s32 $0xFFFFF800  }
0x1e2: {  	_ =	swait.ge [sflag:s23], $0x800  }
0x1e3: {  	[sflag:s23] =	ssyncset.done $0x0  }
0x1e4: {  	[sflag:s23] =	ssyncadd.s32 $0xFFFFF800  }
0x1e5: {  	_ =	swait.ge [sflag:s23], $0x800  }
0x1e6: {  	[sflag:s23] =	ssyncset.done $0x0  }
0x1e7: {  	[sflag:s23] =	ssyncadd.s32 $0xFFFFF800  }
0x1e8: {  	_ =	swait.ge [sflag:s23], $0x800  }
0x1e9: {  	[sflag:s23] =	ssyncset.done $0x0  }
0x1ea: {  	[sflag:s23] =	ssyncadd.s32 $0xFFFFF800  }
0x1eb: {  	_ =	swait.ge [sflag:s23], $0x800  }
0x1ec: {  	[sflag:s23] =	ssyncset.done $0x0  }
0x1ed: {  	[sflag:s23] =	ssyncadd.s32 $0xFFFFF800  }
0x1ee: {  	_ =	swait.ge [sflag:s23], $0x800  }
0x1ef: {  	[sflag:s23] =	ssyncset.done $0x0  }
0x1f0: {  	[sflag:s23] =	ssyncadd.s32 $0xFFFFF800  }
0x1f1: {  	_ =	swait.ge [sflag:s23], $0x800  }
0x1f2: {  	s25 =	simm.s32 $0x0;
	[sflag:s23] =	ssyncset.done $0x0  }
0x1f3: {  	p0 =	por $0x1, $0x1;
	s26 =	simm.s32 $0x0;
	[sflag:s23] =	ssyncadd.s32 $0xFFFFF800  }
.LBB2_18:
0x1f4: {  	s0 =	sshll.u32 s26, $0xB;
	s1 =	sshll.u32 s26, $0x7  }
0x1f5: {  	s0 =	sand.u32 $0x3FFFF800, s0;
	s1 =	sand.u32 $0x3FFFFF80, s1  }
0x1f6: {  	s16 =	sadd.s32 $0xD100, s0;
	s31 =	sadd.s32 $0x8200, s1  }
0x1f7: {  	[tilespmem:s16], [sflag:$0x1] =	stream.indirect.gather [hbm4b:s2+s21], $0x10, s31, s21, $0xb8;
	[tilespmem:$0x1D100] =	vst v63  }
0x1f8: {  	p1 =	por p0, p0;
	s28 =	sadd.s32 $0xD900, s0;
	s29 =	sadd.s32 $0x8280, s1  }
0x1f9: {  	[tilespmem:s28], [sflag:$0x1] =	stream.indirect.gather [hbm4b:s2+s21], $0x10, s29, s21, $0xb8;
	[tilespmem:$0x1D100] =	vst v63  }
.Ltmp8:
0x1fa: {  	s30 =	sadd.s32 $0xE100, s0;
	s31 =	sadd.s32 $0x8300, s1;
	(pc) =	sbr.rel @p1 .LBB2_18-.Ltmp8, $4  }
0x1fb: {  	[tilespmem:s30], [sflag:$0x1] =	stream.indirect.gather [hbm4b:s2+s21], $0x10, s31, s21, $0xb8;
	[tilespmem:$0x1D100] =	vst v63  }
0x1fc: {  	s0 =	sadd.s32 $0xE900, s0;
	s1 =	sadd.s32 $0x8380, s1  }
0x1fd: {  	[tilespmem:s0], [sflag:$0x1] =	stream.indirect.gather [hbm4b:s2+s21], $0x10, s1, s21, $0xb8;
	[tilespmem:$0x1D100] =	vst v63  }
0x1fe: {  	s26 =	simm.s32 $0x4;
	p0 =	por $0x0, $0x0;
	s0 =	simm.s32 $0x11100  }
.LBB2_19:
0x1ff: {  	p0 =	sne.s32 s25, $0x200  }
.Ltmp9:
0x200: {  	_ = 	snop;
	(pc) =	sbr.rel @p0 .LBB2_19-.Ltmp9, $4  }
0x201: {  	s1 =	sshra.s32 s25, $0x2  }
0x202: {  	s1 =	sadd.s32 $0x8600, s1  }
0x203: {  	[tilespmem:s0], [sflag:$0x1] =	stream.indirect.gather [hbm4b:s2+s21], $0x10, s1, s21, $0xb8;
	[tilespmem:$0x1D100] =	vst v63  }
0x204: {  	s25 =	sadd.s32 $0x200, s25;
	s0 =	sadd.s32 $0x800, s0  }
0x205: {  	_ =	swait.ge [sflag:s22], $0x800  }
0x206: {  	[sflag:s22] =	ssyncset.done $0x0  }
0x207: {  	[sflag:s22] =	ssyncadd.s32 $0xFFFFF800  }
0x208: {  	_ =	swait.ge [sflag:s22], $0x800  }
0x209: {  	[sflag:s22] =	ssyncset.done $0x0  }
0x20a: {  	[sflag:s22] =	ssyncadd.s32 $0xFFFFF800  }
0x20b: {  	_ =	swait.ge [sflag:s22], $0x800  }
0x20c: {  	[sflag:s22] =	ssyncset.done $0x0  }
0x20d: {  	[sflag:s22] =	ssyncadd.s32 $0xFFFFF800  }
0x20e: {  	_ =	swait.ge [sflag:s22], $0x800  }
0x20f: {  	[sflag:s22] =	ssyncset.done $0x0  }
0x210: {  	[sflag:s22] =	ssyncadd.s32 $0xFFFFF800  }
0x211: {  	_ =	swait.ge [sflag:s22], $0x800  }
0x212: {  	[sflag:s22] =	ssyncset.done $0x0  }
0x213: {  	[sflag:s22] =	ssyncadd.s32 $0xFFFFF800  }
0x214: {  	_ =	swait.ge [sflag:s22], $0x800  }
0x215: {  	[sflag:s22] =	ssyncset.done $0x0  }
0x216: {  	[sflag:s22] =	ssyncadd.s32 $0xFFFFF800  }
0x217: {  	_ =	swait.ge [sflag:s22], $0x800  }
0x218: {  	[sflag:s22] =	ssyncset.done $0x0  }
0x219: {  	[sflag:s22] =	ssyncadd.s32 $0xFFFFF800  }
0x21a: {  	_ =	swait.ge [sflag:s22], $0x800  }
0x21b: {  	[sflag:s22] =	ssyncset.done $0x0  }
0x21c: {  	[sflag:s22] =	ssyncadd.s32 $0xFFFFF800  }
0x21d: {  	_ =	swait.ge [sflag:s22], $0x800  }
0x21e: {  	[sflag:s22] =	ssyncset.done $0x0  }
0x21f: {  	[sflag:s22] =	ssyncadd.s32 $0xFFFFF800  }
0x220: {  	_ =	swait.ge [sflag:s22], $0x800  }
0x221: {  	s25 =	simm.s32 $0x0;
	[sflag:s22] =	ssyncset.done $0x0  }
0x222: {  	p0 =	por $0x1, $0x1;
	s26 =	simm.s32 $0x0;
	[sflag:s22] =	ssyncadd.s32 $0xFFFFF800  }
.LBB2_21:
0x223: {  	s0 =	sshll.u32 s26, $0xB;
	s1 =	sshll.u32 s26, $0x7  }
0x224: {  	s0 =	sand.u32 $0x3FFFF800, s0;
	s1 =	sand.u32 $0x3FFFFF80, s1  }
0x225: {  	s16 =	sadd.s32 $0xD100, s0;
	s31 =	sadd.s32 $0xCC00, s1  }
0x226: {  	[spmem:s3] =	stream.indirect.scatter.add.f32 [tilespmem:s16], [sflag:$0x2], $0x10, s31, s21, $0xb8;
	[tilespmem:$0x1D100] =	vst v63  }
0x227: {  	p1 =	por p0, p0;
	s28 =	sadd.s32 $0xD900, s0;
	s29 =	sadd.s32 $0xCC80, s1  }
0x228: {  	[spmem:s3] =	stream.indirect.scatter.add.f32 [tilespmem:s28], [sflag:$0x2], $0x10, s29, s21, $0xb8;
	[tilespmem:$0x1D100] =	vst v63  }
.Ltmp10:
0x229: {  	s30 =	sadd.s32 $0xE100, s0;
	s31 =	sadd.s32 $0xCD00, s1;
	(pc) =	sbr.rel @p1 .LBB2_21-.Ltmp10, $4  }
0x22a: {  	[spmem:s3] =	stream.indirect.scatter.add.f32 [tilespmem:s30], [sflag:$0x2], $0x10, s31, s21, $0xb8;
	[tilespmem:$0x1D100] =	vst v63  }
0x22b: {  	s0 =	sadd.s32 $0xE900, s0;
	s1 =	sadd.s32 $0xCD80, s1  }
0x22c: {  	[spmem:s3] =	stream.indirect.scatter.add.f32 [tilespmem:s0], [sflag:$0x2], $0x10, s1, s21, $0xb8;
	[tilespmem:$0x1D100] =	vst v63  }
0x22d: {  	s26 =	simm.s32 $0x4;
	p0 =	por $0x0, $0x0;
	s0 =	simm.s32 $0x11100  }
.LBB2_22:
0x22e: {  	p0 =	sne.s32 s25, $0x200  }
.Ltmp11:
0x22f: {  	_ = 	snop;
	(pc) =	sbr.rel @p0 .LBB2_22-.Ltmp11, $4  }
0x230: {  	s1 =	sshra.s32 s25, $0x2  }
0x231: {  	s1 =	sadd.s32 $0xD000, s1  }
0x232: {  	[spmem:s3] =	stream.indirect.scatter.add.f32 [tilespmem:s0], [sflag:$0x2], $0x10, s1, s21, $0xb8;
	[tilespmem:$0x1D100] =	vst v63  }
0x233: {  	s25 =	sadd.s32 $0x200, s25;
	s0 =	sadd.s32 $0x800, s0  }
0x234: {  	_ =	swait.ge [sflag:s23], $0x800  }
0x235: {  	[sflag:s23] =	ssyncset.done $0x0  }
0x236: {  	[sflag:s23] =	ssyncadd.s32 $0xFFFFF800  }
0x237: {  	_ =	swait.ge [sflag:s23], $0x800  }
0x238: {  	[sflag:s23] =	ssyncset.done $0x0  }
0x239: {  	[sflag:s23] =	ssyncadd.s32 $0xFFFFF800  }
0x23a: {  	_ =	swait.ge [sflag:s23], $0x800  }
0x23b: {  	[sflag:s23] =	ssyncset.done $0x0  }
0x23c: {  	[sflag:s23] =	ssyncadd.s32 $0xFFFFF800  }
0x23d: {  	_ =	swait.ge [sflag:s23], $0x800  }
0x23e: {  	[sflag:s23] =	ssyncset.done $0x0  }
0x23f: {  	[sflag:s23] =	ssyncadd.s32 $0xFFFFF800  }
0x240: {  	_ =	swait.ge [sflag:s23], $0x800  }
0x241: {  	[sflag:s23] =	ssyncset.done $0x0  }
0x242: {  	[sflag:s23] =	ssyncadd.s32 $0xFFFFF800  }
0x243: {  	_ =	swait.ge [sflag:s23], $0x800  }
0x244: {  	[sflag:s23] =	ssyncset.done $0x0  }
0x245: {  	[sflag:s23] =	ssyncadd.s32 $0xFFFFF800  }
0x246: {  	_ =	swait.ge [sflag:s23], $0x800  }
0x247: {  	[sflag:s23] =	ssyncset.done $0x0  }
0x248: {  	[sflag:s23] =	ssyncadd.s32 $0xFFFFF800  }
0x249: {  	_ =	swait.ge [sflag:s23], $0x800  }
0x24a: {  	[sflag:s23] =	ssyncset.done $0x0  }
0x24b: {  	[sflag:s23] =	ssyncadd.s32 $0xFFFFF800  }
0x24c: {  	_ =	swait.ge [sflag:s23], $0x800  }
0x24d: {  	[sflag:s23] =	ssyncset.done $0x0  }
0x24e: {  	[sflag:s23] =	ssyncadd.s32 $0xFFFFF800  }
0x24f: {  	_ =	swait.ge [sflag:s23], $0x800  }
0x250: {  	[sflag:s23] =	ssyncset.done $0x0  }
0x251: {  	[sflag:s23] =	ssyncadd.s32 $0xFFFFF800  }
0x252: {  	_ =	swait.ge [sflag:s23], $0x800  }
0x253: {  	[sflag:s23] =	ssyncset.done $0x0  }
0x254: {  	[sflag:s23] =	ssyncadd.s32 $0xFFFFF800  }
0x255: {  	_ =	swait.ge [sflag:s23], $0x800  }
0x256: {  	[sflag:s23] =	ssyncset.done $0x0  }
0x257: {  	[sflag:s23] =	ssyncadd.s32 $0xFFFFF800  }
0x258: {  	_ =	swait.ge [sflag:s23], $0x800  }
0x259: {  	[sflag:s23] =	ssyncset.done $0x0  }
0x25a: {  	[sflag:s23] =	ssyncadd.s32 $0xFFFFF800  }
0x25b: {  	_ =	swait.ge [sflag:s23], $0x800  }
0x25c: {  	[sflag:s23] =	ssyncset.done $0x0  }
0x25d: {  	[sflag:s23] =	ssyncadd.s32 $0xFFFFF800  }
0x25e: {  	_ =	swait.ge [sflag:s23], $0x800  }
0x25f: {  	[sflag:s23] =	ssyncset.done $0x0  }
0x260: {  	[sflag:s23] =	ssyncadd.s32 $0xFFFFF800  }
0x261: {  	s0 =	simm.s32 $0x15100;
	_ =	swait.ge [sflag:s23], $0x800  }
0x262: {  	s1 =	simm.s32 $0x8700;
	s25 =	simm.s32 $0x15900;
	[sflag:s23] =	ssyncset.done $0x0  }
0x263: {  	s26 =	simm.s32 $0x8780;
	s30 =	simm.s32 $0x16100;
	[sflag:s23] =	ssyncadd.s32 $0xFFFFF800  }
0x264: {  	[tilespmem:s0], [sflag:$0x1] =	stream.indirect.gather [hbm4b:s2+s21], $0x10, s1, s21, $0xb8;
	[tilespmem:$0x1D100] =	vst v63  }
0x265: {  	s31 =	simm.s32 $0x8800;
	s28 =	simm.s32 $0x8A80;
	s29 =	simm.s32 $0x18900  }
0x266: {  	[tilespmem:s25], [sflag:$0x1] =	stream.indirect.gather [hbm4b:s2+s21], $0x10, s26, s21, $0xb8;
	[tilespmem:$0x1D100] =	vst v63  }
0x267: {  	s0 =	simm.s32 $0x0;
	s25 =	simm.s32 $0x8880;
	s26 =	simm.s32 $0x16900  }
0x268: {  	[tilespmem:s30], [sflag:$0x1] =	stream.indirect.gather [hbm4b:s2+s21], $0x10, s31, s21, $0xb8;
	[tilespmem:$0x1D100] =	vst v63  }
.LBB2_24:
0x269: {  	[tilespmem:s26], [sflag:$0x1] =	stream.indirect.gather [hbm4b:s2+s21], $0x10, s25, s21, $0xb8;
	[tilespmem:$0x1D100] =	vst v63  }
0x26a: {  	s25 =	smov.u32 s28;
	s26 =	smov.u32 s29;
	s0 =	sadd.s32 $0x4, s0  }
0x26b: {  	s1 =	sadd.s32 $0xFFFFE800, s29;
	s16 =	sadd.s32 $0xFFFFFE80, s28;
	p0 =	slt.u32 s0, $0xC  }
0x26c: {  	[tilespmem:s1], [sflag:$0x1] =	stream.indirect.gather [hbm4b:s2+s21], $0x10, s16, s21, $0xb8;
	[tilespmem:$0x1D100] =	vst v63  }
.Ltmp12:
0x26d: {  	s1 =	sadd.s32 $0xFFFFF000, s29;
	s16 =	sadd.s32 $0xFFFFFF00, s28;
	(pc) =	sbr.rel @p0 .LBB2_24-.Ltmp12, $4  }
0x26e: {  	[tilespmem:s1], [sflag:$0x1] =	stream.indirect.gather [hbm4b:s2+s21], $0x10, s16, s21, $0xb8;
	[tilespmem:$0x1D100] =	vst v63  }
0x26f: {  	s1 =	sadd.s32 $0xFFFFF800, s29;
	s16 =	sadd.s32 $0xFFFFFF80, s28  }
0x270: {  	[tilespmem:s1], [sflag:$0x1] =	stream.indirect.gather [hbm4b:s2+s21], $0x10, s16, s21, $0xb8;
	[tilespmem:$0x1D100] =	vst v63  }
0x271: {  	s28 =	sadd.s32 $0x200, s28;
	s29 =	sadd.s32 $0x2000, s29  }
0x272: {  	[tilespmem:s26], [sflag:$0x1] =	stream.indirect.gather [hbm4b:s2+s21], $0x10, s25, s21, $0xb8;
	[tilespmem:$0x1D100] =	vst v63  }
0x273: {  	_ =	swait.ge [sflag:s22], $0x800  }
0x274: {  	[sflag:s22] =	ssyncset.done $0x0  }
0x275: {  	[sflag:s22] =	ssyncadd.s32 $0xFFFFF800  }
0x276: {  	_ =	swait.ge [sflag:s22], $0x800  }
0x277: {  	[sflag:s22] =	ssyncset.done $0x0  }
0x278: {  	[sflag:s22] =	ssyncadd.s32 $0xFFFFF800  }
0x279: {  	_ =	swait.ge [sflag:s22], $0x800  }
0x27a: {  	[sflag:s22] =	ssyncset.done $0x0  }
0x27b: {  	[sflag:s22] =	ssyncadd.s32 $0xFFFFF800  }
0x27c: {  	_ =	swait.ge [sflag:s22], $0x800  }
0x27d: {  	[sflag:s22] =	ssyncset.done $0x0  }
0x27e: {  	[sflag:s22] =	ssyncadd.s32 $0xFFFFF800  }
0x27f: {  	_ =	swait.ge [sflag:s22], $0x800  }
0x280: {  	[sflag:s22] =	ssyncset.done $0x0  }
0x281: {  	[sflag:s22] =	ssyncadd.s32 $0xFFFFF800  }
0x282: {  	_ =	swait.ge [sflag:s22], $0x800  }
0x283: {  	[sflag:s22] =	ssyncset.done $0x0  }
0x284: {  	[sflag:s22] =	ssyncadd.s32 $0xFFFFF800  }
0x285: {  	_ =	swait.ge [sflag:s22], $0x800  }
0x286: {  	[sflag:s22] =	ssyncset.done $0x0  }
0x287: {  	[sflag:s22] =	ssyncadd.s32 $0xFFFFF800  }
0x288: {  	_ =	swait.ge [sflag:s22], $0x800  }
0x289: {  	[sflag:s22] =	ssyncset.done $0x0  }
0x28a: {  	[sflag:s22] =	ssyncadd.s32 $0xFFFFF800  }
0x28b: {  	_ =	swait.ge [sflag:s22], $0x800  }
0x28c: {  	[sflag:s22] =	ssyncset.done $0x0  }
0x28d: {  	[sflag:s22] =	ssyncadd.s32 $0xFFFFF800  }
0x28e: {  	_ =	swait.ge [sflag:s22], $0x800  }
0x28f: {  	[sflag:s22] =	ssyncset.done $0x0  }
0x290: {  	[sflag:s22] =	ssyncadd.s32 $0xFFFFF800  }
0x291: {  	_ =	swait.ge [sflag:s22], $0x800  }
0x292: {  	[sflag:s22] =	ssyncset.done $0x0  }
0x293: {  	[sflag:s22] =	ssyncadd.s32 $0xFFFFF800  }
0x294: {  	_ =	swait.ge [sflag:s22], $0x800  }
0x295: {  	[sflag:s22] =	ssyncset.done $0x0  }
0x296: {  	[sflag:s22] =	ssyncadd.s32 $0xFFFFF800  }
0x297: {  	_ =	swait.ge [sflag:s22], $0x800  }
0x298: {  	[sflag:s22] =	ssyncset.done $0x0  }
0x299: {  	[sflag:s22] =	ssyncadd.s32 $0xFFFFF800  }
0x29a: {  	_ =	swait.ge [sflag:s22], $0x800  }
0x29b: {  	[sflag:s22] =	ssyncset.done $0x0  }
0x29c: {  	[sflag:s22] =	ssyncadd.s32 $0xFFFFF800  }
0x29d: {  	_ =	swait.ge [sflag:s22], $0x800  }
0x29e: {  	[sflag:s22] =	ssyncset.done $0x0  }
0x29f: {  	[sflag:s22] =	ssyncadd.s32 $0xFFFFF800  }
0x2a0: {  	s0 =	simm.s32 $0x15100;
	_ =	swait.ge [sflag:s22], $0x800  }
0x2a1: {  	s1 =	simm.s32 $0xAC00;
	s25 =	simm.s32 $0x15900;
	[sflag:s22] =	ssyncset.done $0x0  }
0x2a2: {  	s26 =	simm.s32 $0xAC80;
	s30 =	simm.s32 $0x16100;
	[sflag:s22] =	ssyncadd.s32 $0xFFFFF800  }
0x2a3: {  	[spmem:s7] =	stream.indirect.scatter.add.f32 [tilespmem:s0], [sflag:$0x2], $0x10, s1, s21, $0xb8;
	[tilespmem:$0x1D100] =	vst v63  }
0x2a4: {  	s31 =	simm.s32 $0xAD00;
	s28 =	simm.s32 $0xAF80;
	s29 =	simm.s32 $0x18900  }
0x2a5: {  	[spmem:s7] =	stream.indirect.scatter.add.f32 [tilespmem:s25], [sflag:$0x2], $0x10, s26, s21, $0xb8;
	[tilespmem:$0x1D100] =	vst v63  }
0x2a6: {  	s0 =	simm.s32 $0x0;
	s25 =	simm.s32 $0xAD80;
	s26 =	simm.s32 $0x16900  }
0x2a7: {  	[spmem:s7] =	stream.indirect.scatter.add.f32 [tilespmem:s30], [sflag:$0x2], $0x10, s31, s21, $0xb8;
	[tilespmem:$0x1D100] =	vst v63  }
.LBB2_26:
0x2a8: {  	[spmem:s7] =	stream.indirect.scatter.add.f32 [tilespmem:s26], [sflag:$0x2], $0x10, s25, s21, $0xb8;
	[tilespmem:$0x1D100] =	vst v63  }
0x2a9: {  	s25 =	smov.u32 s28;
	s26 =	smov.u32 s29;
	s0 =	sadd.s32 $0x4, s0  }
0x2aa: {  	s1 =	sadd.s32 $0xFFFFE800, s29;
	s16 =	sadd.s32 $0xFFFFFE80, s28;
	p0 =	slt.u32 s0, $0xC  }
0x2ab: {  	[spmem:s7] =	stream.indirect.scatter.add.f32 [tilespmem:s1], [sflag:$0x2], $0x10, s16, s21, $0xb8;
	[tilespmem:$0x1D100] =	vst v63  }
.Ltmp13:
0x2ac: {  	s1 =	sadd.s32 $0xFFFFF000, s29;
	s16 =	sadd.s32 $0xFFFFFF00, s28;
	(pc) =	sbr.rel @p0 .LBB2_26-.Ltmp13, $4  }
0x2ad: {  	[spmem:s7] =	stream.indirect.scatter.add.f32 [tilespmem:s1], [sflag:$0x2], $0x10, s16, s21, $0xb8;
	[tilespmem:$0x1D100] =	vst v63  }
0x2ae: {  	s1 =	sadd.s32 $0xFFFFF800, s29;
	s16 =	sadd.s32 $0xFFFFFF80, s28  }
0x2af: {  	[spmem:s7] =	stream.indirect.scatter.add.f32 [tilespmem:s1], [sflag:$0x2], $0x10, s16, s21, $0xb8;
	[tilespmem:$0x1D100] =	vst v63  }
0x2b0: {  	s28 =	sadd.s32 $0x200, s28;
	s29 =	sadd.s32 $0x2000, s29  }
0x2b1: {  	[spmem:s7] =	stream.indirect.scatter.add.f32 [tilespmem:s26], [sflag:$0x2], $0x10, s25, s21, $0xb8;
	[tilespmem:$0x1D100] =	vst v63  }
0x2b2: {  	_ =	swait.ge [sflag:s23], $0x800  }
0x2b3: {  	[sflag:s23] =	ssyncset.done $0x0  }
0x2b4: {  	[sflag:s23] =	ssyncadd.s32 $0xFFFFF800  }
0x2b5: {  	_ =	swait.ge [sflag:s23], $0x800  }
0x2b6: {  	[sflag:s23] =	ssyncset.done $0x0  }
0x2b7: {  	[sflag:s23] =	ssyncadd.s32 $0xFFFFF800  }
0x2b8: {  	_ =	swait.ge [sflag:s23], $0x800  }
0x2b9: {  	[sflag:s23] =	ssyncset.done $0x0  }
0x2ba: {  	[sflag:s23] =	ssyncadd.s32 $0xFFFFF800  }
0x2bb: {  	_ =	swait.ge [sflag:s23], $0x800  }
0x2bc: {  	[sflag:s23] =	ssyncset.done $0x0  }
0x2bd: {  	[sflag:s23] =	ssyncadd.s32 $0xFFFFF800  }
0x2be: {  	_ =	swait.ge [sflag:s23], $0x800  }
0x2bf: {  	[sflag:s23] =	ssyncset.done $0x0  }
0x2c0: {  	[sflag:s23] =	ssyncadd.s32 $0xFFFFF800  }
0x2c1: {  	_ =	swait.ge [sflag:s23], $0x800  }
0x2c2: {  	[sflag:s23] =	ssyncset.done $0x0  }
0x2c3: {  	[sflag:s23] =	ssyncadd.s32 $0xFFFFF800  }
0x2c4: {  	_ =	swait.ge [sflag:s23], $0x800  }
0x2c5: {  	[sflag:s23] =	ssyncset.done $0x0  }
0x2c6: {  	[sflag:s23] =	ssyncadd.s32 $0xFFFFF800  }
0x2c7: {  	_ =	swait.ge [sflag:s23], $0x800  }
0x2c8: {  	[sflag:s23] =	ssyncset.done $0x0  }
0x2c9: {  	[sflag:s23] =	ssyncadd.s32 $0xFFFFF800  }
0x2ca: {  	_ =	swait.ge [sflag:s23], $0x800  }
0x2cb: {  	[sflag:s23] =	ssyncset.done $0x0  }
0x2cc: {  	[sflag:s23] =	ssyncadd.s32 $0xFFFFF800  }
0x2cd: {  	s0 =	simm.s32 $0xD100;
	_ =	swait.ge [sflag:s23], $0x800  }
0x2ce: {  	s1 =	simm.s32 $0x8F00;
	s25 =	simm.s32 $0xD900;
	[sflag:s23] =	ssyncset.done $0x0  }
0x2cf: {  	s26 =	simm.s32 $0x8F80;
	s30 =	simm.s32 $0xE100;
	[sflag:s23] =	ssyncadd.s32 $0xFFFFF800  }
0x2d0: {  	[tilespmem:s0], [sflag:$0x1] =	stream.indirect.gather [hbm4b:s2+s21], $0x10, s1, s21, $0xb8;
	[tilespmem:$0x1D100] =	vst v63  }
0x2d1: {  	s31 =	simm.s32 $0x9000;
	s28 =	simm.s32 $0x9280;
	s29 =	simm.s32 $0x10900  }
0x2d2: {  	[tilespmem:s25], [sflag:$0x1] =	stream.indirect.gather [hbm4b:s2+s21], $0x10, s26, s21, $0xb8;
	[tilespmem:$0x1D100] =	vst v63  }
0x2d3: {  	s0 =	simm.s32 $0x0;
	s25 =	simm.s32 $0x9080;
	s26 =	simm.s32 $0xE900  }
0x2d4: {  	[tilespmem:s30], [sflag:$0x1] =	stream.indirect.gather [hbm4b:s2+s21], $0x10, s31, s21, $0xb8;
	[tilespmem:$0x1D100] =	vst v63  }
.LBB2_28:
0x2d5: {  	[tilespmem:s26], [sflag:$0x1] =	stream.indirect.gather [hbm4b:s2+s21], $0x10, s25, s21, $0xb8;
	[tilespmem:$0x1D100] =	vst v63  }
0x2d6: {  	s25 =	smov.u32 s28;
	s26 =	smov.u32 s29;
	s0 =	sadd.s32 $0x4, s0  }
0x2d7: {  	s1 =	sadd.s32 $0xFFFFE800, s29;
	s16 =	sadd.s32 $0xFFFFFE80, s28;
	p0 =	slt.u32 s0, $0xC  }
0x2d8: {  	[tilespmem:s1], [sflag:$0x1] =	stream.indirect.gather [hbm4b:s2+s21], $0x10, s16, s21, $0xb8;
	[tilespmem:$0x1D100] =	vst v63  }
.Ltmp14:
0x2d9: {  	s1 =	sadd.s32 $0xFFFFF000, s29;
	s16 =	sadd.s32 $0xFFFFFF00, s28;
	(pc) =	sbr.rel @p0 .LBB2_28-.Ltmp14, $4  }
0x2da: {  	[tilespmem:s1], [sflag:$0x1] =	stream.indirect.gather [hbm4b:s2+s21], $0x10, s16, s21, $0xb8;
	[tilespmem:$0x1D100] =	vst v63  }
0x2db: {  	s1 =	sadd.s32 $0xFFFFF800, s29;
	s16 =	sadd.s32 $0xFFFFFF80, s28  }
0x2dc: {  	[tilespmem:s1], [sflag:$0x1] =	stream.indirect.gather [hbm4b:s2+s21], $0x10, s16, s21, $0xb8;
	[tilespmem:$0x1D100] =	vst v63  }
0x2dd: {  	s28 =	sadd.s32 $0x200, s28;
	s29 =	sadd.s32 $0x2000, s29  }
0x2de: {  	[tilespmem:s26], [sflag:$0x1] =	stream.indirect.gather [hbm4b:s2+s21], $0x10, s25, s21, $0xb8;
	[tilespmem:$0x1D100] =	vst v63  }
0x2df: {  	_ =	swait.ge [sflag:s22], $0x800  }
0x2e0: {  	[sflag:s22] =	ssyncset.done $0x0  }
0x2e1: {  	[sflag:s22] =	ssyncadd.s32 $0xFFFFF800  }
0x2e2: {  	_ =	swait.ge [sflag:s22], $0x800  }
0x2e3: {  	[sflag:s22] =	ssyncset.done $0x0  }
0x2e4: {  	[sflag:s22] =	ssyncadd.s32 $0xFFFFF800  }
0x2e5: {  	_ =	swait.ge [sflag:s22], $0x800  }
0x2e6: {  	[sflag:s22] =	ssyncset.done $0x0  }
0x2e7: {  	[sflag:s22] =	ssyncadd.s32 $0xFFFFF800  }
0x2e8: {  	_ =	swait.ge [sflag:s22], $0x800  }
0x2e9: {  	[sflag:s22] =	ssyncset.done $0x0  }
0x2ea: {  	[sflag:s22] =	ssyncadd.s32 $0xFFFFF800  }
0x2eb: {  	_ =	swait.ge [sflag:s22], $0x800  }
0x2ec: {  	[sflag:s22] =	ssyncset.done $0x0  }
0x2ed: {  	[sflag:s22] =	ssyncadd.s32 $0xFFFFF800  }
0x2ee: {  	_ =	swait.ge [sflag:s22], $0x800  }
0x2ef: {  	[sflag:s22] =	ssyncset.done $0x0  }
0x2f0: {  	[sflag:s22] =	ssyncadd.s32 $0xFFFFF800  }
0x2f1: {  	_ =	swait.ge [sflag:s22], $0x800  }
0x2f2: {  	[sflag:s22] =	ssyncset.done $0x0  }
0x2f3: {  	[sflag:s22] =	ssyncadd.s32 $0xFFFFF800  }
0x2f4: {  	_ =	swait.ge [sflag:s22], $0x800  }
0x2f5: {  	[sflag:s22] =	ssyncset.done $0x0  }
0x2f6: {  	[sflag:s22] =	ssyncadd.s32 $0xFFFFF800  }
0x2f7: {  	_ =	swait.ge [sflag:s22], $0x800  }
0x2f8: {  	[sflag:s22] =	ssyncset.done $0x0  }
0x2f9: {  	[sflag:s22] =	ssyncadd.s32 $0xFFFFF800  }
0x2fa: {  	_ =	swait.ge [sflag:s22], $0x800  }
0x2fb: {  	[sflag:s22] =	ssyncset.done $0x0  }
0x2fc: {  	[sflag:s22] =	ssyncadd.s32 $0xFFFFF800  }
0x2fd: {  	_ =	swait.ge [sflag:s22], $0x800  }
0x2fe: {  	[sflag:s22] =	ssyncset.done $0x0  }
0x2ff: {  	[sflag:s22] =	ssyncadd.s32 $0xFFFFF800  }
0x300: {  	_ =	swait.ge [sflag:s22], $0x800  }
0x301: {  	[sflag:s22] =	ssyncset.done $0x0  }
0x302: {  	[sflag:s22] =	ssyncadd.s32 $0xFFFFF800  }
0x303: {  	_ =	swait.ge [sflag:s22], $0x800  }
0x304: {  	[sflag:s22] =	ssyncset.done $0x0  }
0x305: {  	[sflag:s22] =	ssyncadd.s32 $0xFFFFF800  }
0x306: {  	_ =	swait.ge [sflag:s22], $0x800  }
0x307: {  	[sflag:s22] =	ssyncset.done $0x0  }
0x308: {  	[sflag:s22] =	ssyncadd.s32 $0xFFFFF800  }
0x309: {  	_ =	swait.ge [sflag:s22], $0x800  }
0x30a: {  	[sflag:s22] =	ssyncset.done $0x0  }
0x30b: {  	[sflag:s22] =	ssyncadd.s32 $0xFFFFF800  }
0x30c: {  	s0 =	simm.s32 $0xD100;
	_ =	swait.ge [sflag:s22], $0x800  }
0x30d: {  	s1 =	simm.s32 $0xB400;
	s25 =	simm.s32 $0xD900;
	[sflag:s22] =	ssyncset.done $0x0  }
0x30e: {  	s26 =	simm.s32 $0xB480;
	s30 =	simm.s32 $0xE100;
	[sflag:s22] =	ssyncadd.s32 $0xFFFFF800  }
0x30f: {  	[spmem:s7] =	stream.indirect.scatter.add.f32 [tilespmem:s0], [sflag:$0x2], $0x10, s1, s21, $0xb8;
	[tilespmem:$0x1D100] =	vst v63  }
0x310: {  	s31 =	simm.s32 $0xB500;
	s28 =	simm.s32 $0xB780;
	s29 =	simm.s32 $0x10900  }
0x311: {  	[spmem:s7] =	stream.indirect.scatter.add.f32 [tilespmem:s25], [sflag:$0x2], $0x10, s26, s21, $0xb8;
	[tilespmem:$0x1D100] =	vst v63  }
0x312: {  	s0 =	simm.s32 $0x0;
	s25 =	simm.s32 $0xB580;
	s26 =	simm.s32 $0xE900  }
0x313: {  	[spmem:s7] =	stream.indirect.scatter.add.f32 [tilespmem:s30], [sflag:$0x2], $0x10, s31, s21, $0xb8;
	[tilespmem:$0x1D100] =	vst v63  }
.LBB2_30:
0x314: {  	[spmem:s7] =	stream.indirect.scatter.add.f32 [tilespmem:s26], [sflag:$0x2], $0x10, s25, s21, $0xb8;
	[tilespmem:$0x1D100] =	vst v63  }
0x315: {  	s25 =	smov.u32 s28;
	s26 =	smov.u32 s29;
	s0 =	sadd.s32 $0x4, s0  }
0x316: {  	s1 =	sadd.s32 $0xFFFFE800, s29;
	s16 =	sadd.s32 $0xFFFFFE80, s28;
	p0 =	slt.u32 s0, $0xC  }
0x317: {  	[spmem:s7] =	stream.indirect.scatter.add.f32 [tilespmem:s1], [sflag:$0x2], $0x10, s16, s21, $0xb8;
	[tilespmem:$0x1D100] =	vst v63  }
.Ltmp15:
0x318: {  	s1 =	sadd.s32 $0xFFFFF000, s29;
	s16 =	sadd.s32 $0xFFFFFF00, s28;
	(pc) =	sbr.rel @p0 .LBB2_30-.Ltmp15, $4  }
0x319: {  	[spmem:s7] =	stream.indirect.scatter.add.f32 [tilespmem:s1], [sflag:$0x2], $0x10, s16, s21, $0xb8;
	[tilespmem:$0x1D100] =	vst v63  }
0x31a: {  	s1 =	sadd.s32 $0xFFFFF800, s29;
	s16 =	sadd.s32 $0xFFFFFF80, s28  }
0x31b: {  	[spmem:s7] =	stream.indirect.scatter.add.f32 [tilespmem:s1], [sflag:$0x2], $0x10, s16, s21, $0xb8;
	[tilespmem:$0x1D100] =	vst v63  }
0x31c: {  	s28 =	sadd.s32 $0x200, s28;
	s29 =	sadd.s32 $0x2000, s29  }
0x31d: {  	[spmem:s7] =	stream.indirect.scatter.add.f32 [tilespmem:s26], [sflag:$0x2], $0x10, s25, s21, $0xb8;
	[tilespmem:$0x1D100] =	vst v63  }
0x31e: {  	_ =	swait.ge [sflag:s23], $0x800  }
0x31f: {  	[sflag:s23] =	ssyncset.done $0x0  }
0x320: {  	[sflag:s23] =	ssyncadd.s32 $0xFFFFF800  }
0x321: {  	_ =	swait.ge [sflag:s23], $0x800  }
0x322: {  	[sflag:s23] =	ssyncset.done $0x0  }
0x323: {  	[sflag:s23] =	ssyncadd.s32 $0xFFFFF800  }
0x324: {  	_ =	swait.ge [sflag:s23], $0x800  }
0x325: {  	[sflag:s23] =	ssyncset.done $0x0  }
0x326: {  	[sflag:s23] =	ssyncadd.s32 $0xFFFFF800  }
0x327: {  	_ =	swait.ge [sflag:s23], $0x800  }
0x328: {  	[sflag:s23] =	ssyncset.done $0x0  }
0x329: {  	[sflag:s23] =	ssyncadd.s32 $0xFFFFF800  }
0x32a: {  	_ =	swait.ge [sflag:s23], $0x800  }
0x32b: {  	[sflag:s23] =	ssyncset.done $0x0  }
0x32c: {  	[sflag:s23] =	ssyncadd.s32 $0xFFFFF800  }
0x32d: {  	_ =	swait.ge [sflag:s23], $0x800  }
0x32e: {  	[sflag:s23] =	ssyncset.done $0x0  }
0x32f: {  	[sflag:s23] =	ssyncadd.s32 $0xFFFFF800  }
0x330: {  	_ =	swait.ge [sflag:s23], $0x800  }
0x331: {  	[sflag:s23] =	ssyncset.done $0x0  }
0x332: {  	[sflag:s23] =	ssyncadd.s32 $0xFFFFF800  }
0x333: {  	_ =	swait.ge [sflag:s23], $0x800  }
0x334: {  	[sflag:s23] =	ssyncset.done $0x0  }
0x335: {  	[sflag:s23] =	ssyncadd.s32 $0xFFFFF800  }
0x336: {  	_ =	swait.ge [sflag:s23], $0x800  }
0x337: {  	[sflag:s23] =	ssyncset.done $0x0  }
0x338: {  	[sflag:s23] =	ssyncadd.s32 $0xFFFFF800  }
0x339: {  	_ =	swait.ge [sflag:s23], $0x800  }
0x33a: {  	[sflag:s23] =	ssyncset.done $0x0  }
0x33b: {  	[sflag:s23] =	ssyncadd.s32 $0xFFFFF800  }
0x33c: {  	_ =	swait.ge [sflag:s23], $0x800  }
0x33d: {  	[sflag:s23] =	ssyncset.done $0x0  }
0x33e: {  	[sflag:s23] =	ssyncadd.s32 $0xFFFFF800  }
0x33f: {  	_ =	swait.ge [sflag:s23], $0x800  }
0x340: {  	[sflag:s23] =	ssyncset.done $0x0  }
0x341: {  	[sflag:s23] =	ssyncadd.s32 $0xFFFFF800  }
0x342: {  	_ =	swait.ge [sflag:s23], $0x800  }
0x343: {  	[sflag:s23] =	ssyncset.done $0x0  }
0x344: {  	[sflag:s23] =	ssyncadd.s32 $0xFFFFF800  }
0x345: {  	_ =	swait.ge [sflag:s23], $0x800  }
0x346: {  	[sflag:s23] =	ssyncset.done $0x0  }
0x347: {  	[sflag:s23] =	ssyncadd.s32 $0xFFFFF800  }
0x348: {  	_ =	swait.ge [sflag:s23], $0x800  }
0x349: {  	[sflag:s23] =	ssyncset.done $0x0  }
0x34a: {  	[sflag:s23] =	ssyncadd.s32 $0xFFFFF800  }
0x34b: {  	s0 =	simm.s32 $0x15100;
	_ =	swait.ge [sflag:s23], $0x800  }
0x34c: {  	s1 =	simm.s32 $0x9700;
	s25 =	simm.s32 $0x15900;
	[sflag:s23] =	ssyncset.done $0x0  }
0x34d: {  	s26 =	simm.s32 $0x9780;
	s30 =	simm.s32 $0x16100;
	[sflag:s23] =	ssyncadd.s32 $0xFFFFF800  }
0x34e: {  	[tilespmem:s0], [sflag:$0x1] =	stream.indirect.gather [hbm4b:s2+s21], $0x10, s1, s21, $0xb8;
	[tilespmem:$0x1D100] =	vst v63  }
0x34f: {  	s31 =	simm.s32 $0x9800;
	s28 =	simm.s32 $0x9A80;
	s29 =	simm.s32 $0x18900  }
0x350: {  	[tilespmem:s25], [sflag:$0x1] =	stream.indirect.gather [hbm4b:s2+s21], $0x10, s26, s21, $0xb8;
	[tilespmem:$0x1D100] =	vst v63  }
0x351: {  	s0 =	simm.s32 $0x0;
	s25 =	simm.s32 $0x9880;
	s26 =	simm.s32 $0x16900  }
0x352: {  	[tilespmem:s30], [sflag:$0x1] =	stream.indirect.gather [hbm4b:s2+s21], $0x10, s31, s21, $0xb8;
	[tilespmem:$0x1D100] =	vst v63  }
.LBB2_32:
0x353: {  	[tilespmem:s26], [sflag:$0x1] =	stream.indirect.gather [hbm4b:s2+s21], $0x10, s25, s21, $0xb8;
	[tilespmem:$0x1D100] =	vst v63  }
0x354: {  	s25 =	smov.u32 s28;
	s26 =	smov.u32 s29;
	s0 =	sadd.s32 $0x4, s0  }
0x355: {  	s1 =	sadd.s32 $0xFFFFE800, s29;
	s16 =	sadd.s32 $0xFFFFFE80, s28;
	p0 =	slt.u32 s0, $0xC  }
0x356: {  	[tilespmem:s1], [sflag:$0x1] =	stream.indirect.gather [hbm4b:s2+s21], $0x10, s16, s21, $0xb8;
	[tilespmem:$0x1D100] =	vst v63  }
.Ltmp16:
0x357: {  	s1 =	sadd.s32 $0xFFFFF000, s29;
	s16 =	sadd.s32 $0xFFFFFF00, s28;
	(pc) =	sbr.rel @p0 .LBB2_32-.Ltmp16, $4  }
0x358: {  	[tilespmem:s1], [sflag:$0x1] =	stream.indirect.gather [hbm4b:s2+s21], $0x10, s16, s21, $0xb8;
	[tilespmem:$0x1D100] =	vst v63  }
0x359: {  	s1 =	sadd.s32 $0xFFFFF800, s29;
	s16 =	sadd.s32 $0xFFFFFF80, s28  }
0x35a: {  	[tilespmem:s1], [sflag:$0x1] =	stream.indirect.gather [hbm4b:s2+s21], $0x10, s16, s21, $0xb8;
	[tilespmem:$0x1D100] =	vst v63  }
0x35b: {  	s28 =	sadd.s32 $0x200, s28;
	s29 =	sadd.s32 $0x2000, s29  }
0x35c: {  	[tilespmem:s26], [sflag:$0x1] =	stream.indirect.gather [hbm4b:s2+s21], $0x10, s25, s21, $0xb8;
	[tilespmem:$0x1D100] =	vst v63  }
0x35d: {  	_ =	swait.ge [sflag:s22], $0x800  }
0x35e: {  	[sflag:s22] =	ssyncset.done $0x0  }
0x35f: {  	[sflag:s22] =	ssyncadd.s32 $0xFFFFF800  }
0x360: {  	_ =	swait.ge [sflag:s22], $0x800  }
0x361: {  	[sflag:s22] =	ssyncset.done $0x0  }
0x362: {  	[sflag:s22] =	ssyncadd.s32 $0xFFFFF800  }
0x363: {  	_ =	swait.ge [sflag:s22], $0x800  }
0x364: {  	[sflag:s22] =	ssyncset.done $0x0  }
0x365: {  	[sflag:s22] =	ssyncadd.s32 $0xFFFFF800  }
0x366: {  	_ =	swait.ge [sflag:s22], $0x800  }
0x367: {  	[sflag:s22] =	ssyncset.done $0x0  }
0x368: {  	[sflag:s22] =	ssyncadd.s32 $0xFFFFF800  }
0x369: {  	_ =	swait.ge [sflag:s22], $0x800  }
0x36a: {  	[sflag:s22] =	ssyncset.done $0x0  }
0x36b: {  	[sflag:s22] =	ssyncadd.s32 $0xFFFFF800  }
0x36c: {  	_ =	swait.ge [sflag:s22], $0x800  }
0x36d: {  	[sflag:s22] =	ssyncset.done $0x0  }
0x36e: {  	[sflag:s22] =	ssyncadd.s32 $0xFFFFF800  }
0x36f: {  	_ =	swait.ge [sflag:s22], $0x800  }
0x370: {  	[sflag:s22] =	ssyncset.done $0x0  }
0x371: {  	[sflag:s22] =	ssyncadd.s32 $0xFFFFF800  }
0x372: {  	_ =	swait.ge [sflag:s22], $0x800  }
0x373: {  	[sflag:s22] =	ssyncset.done $0x0  }
0x374: {  	[sflag:s22] =	ssyncadd.s32 $0xFFFFF800  }
0x375: {  	_ =	swait.ge [sflag:s22], $0x800  }
0x376: {  	[sflag:s22] =	ssyncset.done $0x0  }
0x377: {  	[sflag:s22] =	ssyncadd.s32 $0xFFFFF800  }
0x378: {  	_ =	swait.ge [sflag:s22], $0x800  }
0x379: {  	[sflag:s22] =	ssyncset.done $0x0  }
0x37a: {  	[sflag:s22] =	ssyncadd.s32 $0xFFFFF800  }
0x37b: {  	_ =	swait.ge [sflag:s22], $0x800  }
0x37c: {  	[sflag:s22] =	ssyncset.done $0x0  }
0x37d: {  	[sflag:s22] =	ssyncadd.s32 $0xFFFFF800  }
0x37e: {  	_ =	swait.ge [sflag:s22], $0x800  }
0x37f: {  	[sflag:s22] =	ssyncset.done $0x0  }
0x380: {  	[sflag:s22] =	ssyncadd.s32 $0xFFFFF800  }
0x381: {  	_ =	swait.ge [sflag:s22], $0x800  }
0x382: {  	[sflag:s22] =	ssyncset.done $0x0  }
0x383: {  	[sflag:s22] =	ssyncadd.s32 $0xFFFFF800  }
0x384: {  	_ =	swait.ge [sflag:s22], $0x800  }
0x385: {  	[sflag:s22] =	ssyncset.done $0x0  }
0x386: {  	[sflag:s22] =	ssyncadd.s32 $0xFFFFF800  }
0x387: {  	_ =	swait.ge [sflag:s22], $0x800  }
0x388: {  	[sflag:s22] =	ssyncset.done $0x0  }
0x389: {  	[sflag:s22] =	ssyncadd.s32 $0xFFFFF800  }
0x38a: {  	s0 =	simm.s32 $0x15100;
	_ =	swait.ge [sflag:s22], $0x800  }
0x38b: {  	s1 =	simm.s32 $0xBC00;
	s25 =	simm.s32 $0x15900;
	[sflag:s22] =	ssyncset.done $0x0  }
0x38c: {  	s26 =	simm.s32 $0xBC80;
	s30 =	simm.s32 $0x16100;
	[sflag:s22] =	ssyncadd.s32 $0xFFFFF800  }
0x38d: {  	[spmem:s7] =	stream.indirect.scatter.add.f32 [tilespmem:s0], [sflag:$0x2], $0x10, s1, s21, $0xb8;
	[tilespmem:$0x1D100] =	vst v63  }
0x38e: {  	s31 =	simm.s32 $0xBD00;
	s28 =	simm.s32 $0xBF80;
	s29 =	simm.s32 $0x18900  }
0x38f: {  	[spmem:s7] =	stream.indirect.scatter.add.f32 [tilespmem:s25], [sflag:$0x2], $0x10, s26, s21, $0xb8;
	[tilespmem:$0x1D100] =	vst v63  }
0x390: {  	s0 =	simm.s32 $0x0;
	s25 =	simm.s32 $0xBD80;
	s26 =	simm.s32 $0x16900  }
0x391: {  	[spmem:s7] =	stream.indirect.scatter.add.f32 [tilespmem:s30], [sflag:$0x2], $0x10, s31, s21, $0xb8;
	[tilespmem:$0x1D100] =	vst v63  }
.LBB2_34:
0x392: {  	[spmem:s7] =	stream.indirect.scatter.add.f32 [tilespmem:s26], [sflag:$0x2], $0x10, s25, s21, $0xb8;
	[tilespmem:$0x1D100] =	vst v63  }
0x393: {  	s25 =	smov.u32 s28;
	s26 =	smov.u32 s29;
	s0 =	sadd.s32 $0x4, s0  }
0x394: {  	s1 =	sadd.s32 $0xFFFFE800, s29;
	s16 =	sadd.s32 $0xFFFFFE80, s28;
	p0 =	slt.u32 s0, $0xC  }
0x395: {  	[spmem:s7] =	stream.indirect.scatter.add.f32 [tilespmem:s1], [sflag:$0x2], $0x10, s16, s21, $0xb8;
	[tilespmem:$0x1D100] =	vst v63  }
.Ltmp17:
0x396: {  	s1 =	sadd.s32 $0xFFFFF000, s29;
	s16 =	sadd.s32 $0xFFFFFF00, s28;
	(pc) =	sbr.rel @p0 .LBB2_34-.Ltmp17, $4  }
0x397: {  	[spmem:s7] =	stream.indirect.scatter.add.f32 [tilespmem:s1], [sflag:$0x2], $0x10, s16, s21, $0xb8;
	[tilespmem:$0x1D100] =	vst v63  }
0x398: {  	s1 =	sadd.s32 $0xFFFFF800, s29;
	s16 =	sadd.s32 $0xFFFFFF80, s28  }
0x399: {  	[spmem:s7] =	stream.indirect.scatter.add.f32 [tilespmem:s1], [sflag:$0x2], $0x10, s16, s21, $0xb8;
	[tilespmem:$0x1D100] =	vst v63  }
0x39a: {  	s28 =	sadd.s32 $0x200, s28;
	s29 =	sadd.s32 $0x2000, s29  }
0x39b: {  	[spmem:s7] =	stream.indirect.scatter.add.f32 [tilespmem:s26], [sflag:$0x2], $0x10, s25, s21, $0xb8;
	[tilespmem:$0x1D100] =	vst v63  }
0x39c: {  	_ =	swait.ge [sflag:s23], $0x800  }
0x39d: {  	[sflag:s23] =	ssyncset.done $0x0  }
0x39e: {  	[sflag:s23] =	ssyncadd.s32 $0xFFFFF800  }
0x39f: {  	_ =	swait.ge [sflag:s23], $0x800  }
0x3a0: {  	[sflag:s23] =	ssyncset.done $0x0  }
0x3a1: {  	[sflag:s23] =	ssyncadd.s32 $0xFFFFF800  }
0x3a2: {  	_ =	swait.ge [sflag:s23], $0x800  }
0x3a3: {  	[sflag:s23] =	ssyncset.done $0x0  }
0x3a4: {  	[sflag:s23] =	ssyncadd.s32 $0xFFFFF800  }
0x3a5: {  	_ =	swait.ge [sflag:s23], $0x800  }
0x3a6: {  	[sflag:s23] =	ssyncset.done $0x0  }
0x3a7: {  	[sflag:s23] =	ssyncadd.s32 $0xFFFFF800  }
0x3a8: {  	_ =	swait.ge [sflag:s23], $0x800  }
0x3a9: {  	[sflag:s23] =	ssyncset.done $0x0  }
0x3aa: {  	[sflag:s23] =	ssyncadd.s32 $0xFFFFF800  }
0x3ab: {  	_ =	swait.ge [sflag:s23], $0x800  }
0x3ac: {  	[sflag:s23] =	ssyncset.done $0x0  }
0x3ad: {  	[sflag:s23] =	ssyncadd.s32 $0xFFFFF800  }
0x3ae: {  	_ =	swait.ge [sflag:s23], $0x800  }
0x3af: {  	[sflag:s23] =	ssyncset.done $0x0  }
0x3b0: {  	[sflag:s23] =	ssyncadd.s32 $0xFFFFF800  }
0x3b1: {  	_ =	swait.ge [sflag:s23], $0x800  }
0x3b2: {  	[sflag:s23] =	ssyncset.done $0x0  }
0x3b3: {  	[sflag:s23] =	ssyncadd.s32 $0xFFFFF800  }
0x3b4: {  	_ =	swait.ge [sflag:s23], $0x800  }
0x3b5: {  	[sflag:s23] =	ssyncset.done $0x0  }
0x3b6: {  	[sflag:s23] =	ssyncadd.s32 $0xFFFFF800  }
0x3b7: {  	_ =	swait.ge [sflag:s23], $0x800  }
0x3b8: {  	[sflag:s23] =	ssyncset.done $0x0  }
0x3b9: {  	[sflag:s23] =	ssyncadd.s32 $0xFFFFF800  }
0x3ba: {  	_ =	swait.ge [sflag:s23], $0x800  }
0x3bb: {  	[sflag:s23] =	ssyncset.done $0x0  }
0x3bc: {  	[sflag:s23] =	ssyncadd.s32 $0xFFFFF800  }
0x3bd: {  	_ =	swait.ge [sflag:s23], $0x800  }
0x3be: {  	[sflag:s23] =	ssyncset.done $0x0  }
0x3bf: {  	[sflag:s23] =	ssyncadd.s32 $0xFFFFF800  }
0x3c0: {  	_ =	swait.ge [sflag:s23], $0x800  }
0x3c1: {  	[sflag:s23] =	ssyncset.done $0x0  }
0x3c2: {  	[sflag:s23] =	ssyncadd.s32 $0xFFFFF800  }
0x3c3: {  	_ =	swait.ge [sflag:s23], $0x800  }
0x3c4: {  	[sflag:s23] =	ssyncset.done $0x0  }
0x3c5: {  	[sflag:s23] =	ssyncadd.s32 $0xFFFFF800  }
0x3c6: {  	_ =	swait.ge [sflag:s23], $0x800  }
0x3c7: {  	[sflag:s23] =	ssyncset.done $0x0  }
0x3c8: {  	[sflag:s23] =	ssyncadd.s32 $0xFFFFF800  }
0x3c9: {  	s0 =	simm.s32 $0xD100;
	_ =	swait.ge [sflag:s23], $0x800  }
0x3ca: {  	s1 =	simm.s32 $0x9F00;
	s25 =	simm.s32 $0xD900;
	[sflag:s23] =	ssyncset.done $0x0  }
0x3cb: {  	s26 =	simm.s32 $0x9F80;
	s30 =	simm.s32 $0xE100;
	[sflag:s23] =	ssyncadd.s32 $0xFFFFF800  }
0x3cc: {  	[tilespmem:s0], [sflag:$0x1] =	stream.indirect.gather [hbm4b:s2+s21], $0x10, s1, s21, $0xb8;
	[tilespmem:$0x1D100] =	vst v63  }
0x3cd: {  	s31 =	simm.s32 $0xA000;
	s28 =	simm.s32 $0xA280;
	s29 =	simm.s32 $0x10900  }
0x3ce: {  	[tilespmem:s25], [sflag:$0x1] =	stream.indirect.gather [hbm4b:s2+s21], $0x10, s26, s21, $0xb8;
	[tilespmem:$0x1D100] =	vst v63  }
0x3cf: {  	s0 =	simm.s32 $0x0;
	s25 =	simm.s32 $0xA080;
	s26 =	simm.s32 $0xE900  }
0x3d0: {  	[tilespmem:s30], [sflag:$0x1] =	stream.indirect.gather [hbm4b:s2+s21], $0x10, s31, s21, $0xb8;
	[tilespmem:$0x1D100] =	vst v63  }
.LBB2_36:
0x3d1: {  	[tilespmem:s26], [sflag:$0x1] =	stream.indirect.gather [hbm4b:s2+s21], $0x10, s25, s21, $0xb8;
	[tilespmem:$0x1D100] =	vst v63  }
0x3d2: {  	s25 =	smov.u32 s28;
	s26 =	smov.u32 s29;
	s0 =	sadd.s32 $0x4, s0  }
0x3d3: {  	s1 =	sadd.s32 $0xFFFFE800, s29;
	s16 =	sadd.s32 $0xFFFFFE80, s28;
	p0 =	slt.u32 s0, $0xC  }
0x3d4: {  	[tilespmem:s1], [sflag:$0x1] =	stream.indirect.gather [hbm4b:s2+s21], $0x10, s16, s21, $0xb8;
	[tilespmem:$0x1D100] =	vst v63  }
.Ltmp18:
0x3d5: {  	s1 =	sadd.s32 $0xFFFFF000, s29;
	s16 =	sadd.s32 $0xFFFFFF00, s28;
	(pc) =	sbr.rel @p0 .LBB2_36-.Ltmp18, $4  }
0x3d6: {  	[tilespmem:s1], [sflag:$0x1] =	stream.indirect.gather [hbm4b:s2+s21], $0x10, s16, s21, $0xb8;
	[tilespmem:$0x1D100] =	vst v63  }
0x3d7: {  	s1 =	sadd.s32 $0xFFFFF800, s29;
	s16 =	sadd.s32 $0xFFFFFF80, s28  }
0x3d8: {  	[tilespmem:s1], [sflag:$0x1] =	stream.indirect.gather [hbm4b:s2+s21], $0x10, s16, s21, $0xb8;
	[tilespmem:$0x1D100] =	vst v63  }
0x3d9: {  	s28 =	sadd.s32 $0x200, s28;
	s29 =	sadd.s32 $0x2000, s29  }
0x3da: {  	[tilespmem:s26], [sflag:$0x1] =	stream.indirect.gather [hbm4b:s2+s21], $0x10, s25, s21, $0xb8;
	[tilespmem:$0x1D100] =	vst v63  }
0x3db: {  	_ =	swait.ge [sflag:s22], $0x800  }
0x3dc: {  	[sflag:s22] =	ssyncset.done $0x0  }
0x3dd: {  	[sflag:s22] =	ssyncadd.s32 $0xFFFFF800  }
0x3de: {  	_ =	swait.ge [sflag:s22], $0x800  }
0x3df: {  	[sflag:s22] =	ssyncset.done $0x0  }
0x3e0: {  	[sflag:s22] =	ssyncadd.s32 $0xFFFFF800  }
0x3e1: {  	_ =	swait.ge [sflag:s22], $0x800  }
0x3e2: {  	[sflag:s22] =	ssyncset.done $0x0  }
0x3e3: {  	[sflag:s22] =	ssyncadd.s32 $0xFFFFF800  }
0x3e4: {  	_ =	swait.ge [sflag:s22], $0x800  }
0x3e5: {  	[sflag:s22] =	ssyncset.done $0x0  }
0x3e6: {  	[sflag:s22] =	ssyncadd.s32 $0xFFFFF800  }
0x3e7: {  	_ =	swait.ge [sflag:s22], $0x800  }
0x3e8: {  	[sflag:s22] =	ssyncset.done $0x0  }
0x3e9: {  	[sflag:s22] =	ssyncadd.s32 $0xFFFFF800  }
0x3ea: {  	_ =	swait.ge [sflag:s22], $0x800  }
0x3eb: {  	[sflag:s22] =	ssyncset.done $0x0  }
0x3ec: {  	[sflag:s22] =	ssyncadd.s32 $0xFFFFF800  }
0x3ed: {  	_ =	swait.ge [sflag:s22], $0x800  }
0x3ee: {  	[sflag:s22] =	ssyncset.done $0x0  }
0x3ef: {  	[sflag:s22] =	ssyncadd.s32 $0xFFFFF800  }
0x3f0: {  	_ =	swait.ge [sflag:s22], $0x800  }
0x3f1: {  	[sflag:s22] =	ssyncset.done $0x0  }
0x3f2: {  	[sflag:s22] =	ssyncadd.s32 $0xFFFFF800  }
0x3f3: {  	_ =	swait.ge [sflag:s22], $0x800  }
0x3f4: {  	[sflag:s22] =	ssyncset.done $0x0  }
0x3f5: {  	[sflag:s22] =	ssyncadd.s32 $0xFFFFF800  }
0x3f6: {  	_ =	swait.ge [sflag:s22], $0x800  }
0x3f7: {  	[sflag:s22] =	ssyncset.done $0x0  }
0x3f8: {  	[sflag:s22] =	ssyncadd.s32 $0xFFFFF800  }
0x3f9: {  	_ =	swait.ge [sflag:s22], $0x800  }
0x3fa: {  	[sflag:s22] =	ssyncset.done $0x0  }
0x3fb: {  	[sflag:s22] =	ssyncadd.s32 $0xFFFFF800  }
0x3fc: {  	_ =	swait.ge [sflag:s22], $0x800  }
0x3fd: {  	[sflag:s22] =	ssyncset.done $0x0  }
0x3fe: {  	[sflag:s22] =	ssyncadd.s32 $0xFFFFF800  }
0x3ff: {  	_ =	swait.ge [sflag:s22], $0x800  }
0x400: {  	[sflag:s22] =	ssyncset.done $0x0  }
0x401: {  	[sflag:s22] =	ssyncadd.s32 $0xFFFFF800  }
0x402: {  	_ =	swait.ge [sflag:s22], $0x800  }
0x403: {  	[sflag:s22] =	ssyncset.done $0x0  }
0x404: {  	[sflag:s22] =	ssyncadd.s32 $0xFFFFF800  }
0x405: {  	_ =	swait.ge [sflag:s22], $0x800  }
0x406: {  	[sflag:s22] =	ssyncset.done $0x0  }
0x407: {  	[sflag:s22] =	ssyncadd.s32 $0xFFFFF800  }
0x408: {  	s0 =	simm.s32 $0xD100;
	_ =	swait.ge [sflag:s22], $0x800  }
0x409: {  	s1 =	simm.s32 $0xC400;
	s25 =	simm.s32 $0xD900;
	[sflag:s22] =	ssyncset.done $0x0  }
0x40a: {  	s26 =	simm.s32 $0xC480;
	s30 =	simm.s32 $0xE100;
	[sflag:s22] =	ssyncadd.s32 $0xFFFFF800  }
0x40b: {  	[spmem:s7] =	stream.indirect.scatter.add.f32 [tilespmem:s0], [sflag:$0x2], $0x10, s1, s21, $0xb8;
	[tilespmem:$0x1D100] =	vst v63  }
0x40c: {  	s31 =	simm.s32 $0xC500;
	s28 =	simm.s32 $0xC780;
	s29 =	simm.s32 $0x10900  }
0x40d: {  	[spmem:s7] =	stream.indirect.scatter.add.f32 [tilespmem:s25], [sflag:$0x2], $0x10, s26, s21, $0xb8;
	[tilespmem:$0x1D100] =	vst v63  }
0x40e: {  	s0 =	simm.s32 $0x0;
	s25 =	simm.s32 $0xC580;
	s26 =	simm.s32 $0xE900  }
0x40f: {  	[spmem:s7] =	stream.indirect.scatter.add.f32 [tilespmem:s30], [sflag:$0x2], $0x10, s31, s21, $0xb8;
	[tilespmem:$0x1D100] =	vst v63  }
.LBB2_38:
0x410: {  	[spmem:s7] =	stream.indirect.scatter.add.f32 [tilespmem:s26], [sflag:$0x2], $0x10, s25, s21, $0xb8;
	[tilespmem:$0x1D100] =	vst v63  }
0x411: {  	s25 =	smov.u32 s28;
	s26 =	smov.u32 s29;
	s0 =	sadd.s32 $0x4, s0  }
0x412: {  	s1 =	sadd.s32 $0xFFFFE800, s29;
	s16 =	sadd.s32 $0xFFFFFE80, s28;
	p0 =	slt.u32 s0, $0xC  }
0x413: {  	[spmem:s7] =	stream.indirect.scatter.add.f32 [tilespmem:s1], [sflag:$0x2], $0x10, s16, s21, $0xb8;
	[tilespmem:$0x1D100] =	vst v63  }
.Ltmp19:
0x414: {  	s1 =	sadd.s32 $0xFFFFF000, s29;
	s16 =	sadd.s32 $0xFFFFFF00, s28;
	(pc) =	sbr.rel @p0 .LBB2_38-.Ltmp19, $4  }
0x415: {  	[spmem:s7] =	stream.indirect.scatter.add.f32 [tilespmem:s1], [sflag:$0x2], $0x10, s16, s21, $0xb8;
	[tilespmem:$0x1D100] =	vst v63  }
0x416: {  	s1 =	sadd.s32 $0xFFFFF800, s29;
	s16 =	sadd.s32 $0xFFFFFF80, s28  }
0x417: {  	[spmem:s7] =	stream.indirect.scatter.add.f32 [tilespmem:s1], [sflag:$0x2], $0x10, s16, s21, $0xb8;
	[tilespmem:$0x1D100] =	vst v63  }
0x418: {  	s28 =	sadd.s32 $0x200, s28;
	s29 =	sadd.s32 $0x2000, s29  }
0x419: {  	[spmem:s7] =	stream.indirect.scatter.add.f32 [tilespmem:s26], [sflag:$0x2], $0x10, s25, s21, $0xb8;
	[tilespmem:$0x1D100] =	vst v63  }
0x41a: {  	_ =	swait.ge [sflag:s23], $0x800  }
0x41b: {  	[sflag:s23] =	ssyncset.done $0x0  }
0x41c: {  	[sflag:s23] =	ssyncadd.s32 $0xFFFFF800  }
0x41d: {  	_ =	swait.ge [sflag:s23], $0x800  }
0x41e: {  	[sflag:s23] =	ssyncset.done $0x0  }
0x41f: {  	[sflag:s23] =	ssyncadd.s32 $0xFFFFF800  }
0x420: {  	_ =	swait.ge [sflag:s23], $0x800  }
0x421: {  	[sflag:s23] =	ssyncset.done $0x0  }
0x422: {  	[sflag:s23] =	ssyncadd.s32 $0xFFFFF800  }
0x423: {  	_ =	swait.ge [sflag:s23], $0x800  }
0x424: {  	[sflag:s23] =	ssyncset.done $0x0  }
0x425: {  	[sflag:s23] =	ssyncadd.s32 $0xFFFFF800  }
0x426: {  	_ =	swait.ge [sflag:s23], $0x800  }
0x427: {  	[sflag:s23] =	ssyncset.done $0x0  }
0x428: {  	[sflag:s23] =	ssyncadd.s32 $0xFFFFF800  }
0x429: {  	_ =	swait.ge [sflag:s23], $0x800  }
0x42a: {  	[sflag:s23] =	ssyncset.done $0x0  }
0x42b: {  	[sflag:s23] =	ssyncadd.s32 $0xFFFFF800  }
0x42c: {  	_ =	swait.ge [sflag:s23], $0x800  }
0x42d: {  	[sflag:s23] =	ssyncset.done $0x0  }
0x42e: {  	[sflag:s23] =	ssyncadd.s32 $0xFFFFF800  }
0x42f: {  	_ =	swait.ge [sflag:s23], $0x800  }
0x430: {  	[sflag:s23] =	ssyncset.done $0x0  }
0x431: {  	[sflag:s23] =	ssyncadd.s32 $0xFFFFF800  }
0x432: {  	_ =	swait.ge [sflag:s23], $0x800  }
0x433: {  	[sflag:s23] =	ssyncset.done $0x0  }
0x434: {  	[sflag:s23] =	ssyncadd.s32 $0xFFFFF800  }
0x435: {  	_ =	swait.ge [sflag:s23], $0x800  }
0x436: {  	[sflag:s23] =	ssyncset.done $0x0  }
0x437: {  	[sflag:s23] =	ssyncadd.s32 $0xFFFFF800  }
0x438: {  	_ =	swait.ge [sflag:s23], $0x800  }
0x439: {  	[sflag:s23] =	ssyncset.done $0x0  }
0x43a: {  	[sflag:s23] =	ssyncadd.s32 $0xFFFFF800  }
0x43b: {  	_ =	swait.ge [sflag:s23], $0x800  }
0x43c: {  	[sflag:s23] =	ssyncset.done $0x0  }
0x43d: {  	[sflag:s23] =	ssyncadd.s32 $0xFFFFF800  }
0x43e: {  	_ =	swait.ge [sflag:s23], $0x800  }
0x43f: {  	[sflag:s23] =	ssyncset.done $0x0  }
0x440: {  	[sflag:s23] =	ssyncadd.s32 $0xFFFFF800  }
0x441: {  	_ =	swait.ge [sflag:s23], $0x800  }
0x442: {  	[sflag:s23] =	ssyncset.done $0x0  }
0x443: {  	[sflag:s23] =	ssyncadd.s32 $0xFFFFF800  }
0x444: {  	_ =	swait.ge [sflag:s23], $0x800  }
0x445: {  	[sflag:s23] =	ssyncset.done $0x0  }
0x446: {  	[sflag:s23] =	ssyncadd.s32 $0xFFFFF800  }
0x447: {  	_ =	swait.ge [sflag:s23], $0x800  }
0x448: {  	s25 =	simm.s32 $0x0;
	[sflag:s23] =	ssyncset.done $0x0  }
0x449: {  	p0 =	por $0x1, $0x1;
	s26 =	simm.s32 $0x0;
	[sflag:s23] =	ssyncadd.s32 $0xFFFFF800  }
.LBB2_40:
0x44a: {  	s0 =	sshll.u32 s26, $0xB;
	s1 =	sshll.u32 s26, $0x7  }
0x44b: {  	s0 =	sand.u32 $0x3FFFF800, s0;
	s1 =	sand.u32 $0x3FFFFF80, s1  }
0x44c: {  	s16 =	sadd.s32 $0x15100, s0;
	s31 =	sadd.s32 $0xA700, s1  }
0x44d: {  	[tilespmem:s16], [sflag:$0x1] =	stream.indirect.gather [hbm4b:s2+s21], $0x10, s31, s21, $0xb8;
	[tilespmem:$0x1D100] =	vst v63  }
0x44e: {  	p1 =	por p0, p0;
	s28 =	sadd.s32 $0x15900, s0;
	s29 =	sadd.s32 $0xA780, s1  }
0x44f: {  	[tilespmem:s28], [sflag:$0x1] =	stream.indirect.gather [hbm4b:s2+s21], $0x10, s29, s21, $0xb8;
	[tilespmem:$0x1D100] =	vst v63  }
.Ltmp20:
0x450: {  	s30 =	sadd.s32 $0x16100, s0;
	s31 =	sadd.s32 $0xA800, s1;
	(pc) =	sbr.rel @p1 .LBB2_40-.Ltmp20, $4  }
0x451: {  	[tilespmem:s30], [sflag:$0x1] =	stream.indirect.gather [hbm4b:s2+s21], $0x10, s31, s21, $0xb8;
	[tilespmem:$0x1D100] =	vst v63  }
0x452: {  	s0 =	sadd.s32 $0x16900, s0;
	s1 =	sadd.s32 $0xA880, s1  }
0x453: {  	[tilespmem:s0], [sflag:$0x1] =	stream.indirect.gather [hbm4b:s2+s21], $0x10, s1, s21, $0xb8;
	[tilespmem:$0x1D100] =	vst v63  }
0x454: {  	s26 =	simm.s32 $0x4;
	p0 =	por $0x0, $0x0;
	s0 =	simm.s32 $0x19100  }
.LBB2_41:
0x455: {  	p0 =	sne.s32 s25, $0x200  }
.Ltmp21:
0x456: {  	_ = 	snop;
	(pc) =	sbr.rel @p0 .LBB2_41-.Ltmp21, $4  }
0x457: {  	s1 =	sshra.s32 s25, $0x2  }
0x458: {  	s1 =	sadd.s32 $0xAB00, s1  }
0x459: {  	[tilespmem:s0], [sflag:$0x1] =	stream.indirect.gather [hbm4b:s2+s21], $0x10, s1, s21, $0xb8;
	[tilespmem:$0x1D100] =	vst v63  }
0x45a: {  	s25 =	sadd.s32 $0x200, s25;
	s0 =	sadd.s32 $0x800, s0  }
0x45b: {  	_ =	swait.ge [sflag:s22], $0x800  }
0x45c: {  	[sflag:s22] =	ssyncset.done $0x0  }
0x45d: {  	[sflag:s22] =	ssyncadd.s32 $0xFFFFF800  }
0x45e: {  	_ =	swait.ge [sflag:s22], $0x800  }
0x45f: {  	[sflag:s22] =	ssyncset.done $0x0  }
0x460: {  	[sflag:s22] =	ssyncadd.s32 $0xFFFFF800  }
0x461: {  	_ =	swait.ge [sflag:s22], $0x800  }
0x462: {  	[sflag:s22] =	ssyncset.done $0x0  }
0x463: {  	[sflag:s22] =	ssyncadd.s32 $0xFFFFF800  }
0x464: {  	_ =	swait.ge [sflag:s22], $0x800  }
0x465: {  	[sflag:s22] =	ssyncset.done $0x0  }
0x466: {  	[sflag:s22] =	ssyncadd.s32 $0xFFFFF800  }
0x467: {  	_ =	swait.ge [sflag:s22], $0x800  }
0x468: {  	[sflag:s22] =	ssyncset.done $0x0  }
0x469: {  	[sflag:s22] =	ssyncadd.s32 $0xFFFFF800  }
0x46a: {  	_ =	swait.ge [sflag:s22], $0x800  }
0x46b: {  	[sflag:s22] =	ssyncset.done $0x0  }
0x46c: {  	[sflag:s22] =	ssyncadd.s32 $0xFFFFF800  }
0x46d: {  	_ =	swait.ge [sflag:s22], $0x800  }
0x46e: {  	[sflag:s22] =	ssyncset.done $0x0  }
0x46f: {  	[sflag:s22] =	ssyncadd.s32 $0xFFFFF800  }
0x470: {  	_ =	swait.ge [sflag:s22], $0x800  }
0x471: {  	[sflag:s22] =	ssyncset.done $0x0  }
0x472: {  	[sflag:s22] =	ssyncadd.s32 $0xFFFFF800  }
0x473: {  	_ =	swait.ge [sflag:s22], $0x800  }
0x474: {  	[sflag:s22] =	ssyncset.done $0x0  }
0x475: {  	[sflag:s22] =	ssyncadd.s32 $0xFFFFF800  }
0x476: {  	_ =	swait.ge [sflag:s22], $0x800  }
0x477: {  	s25 =	simm.s32 $0x0;
	[sflag:s22] =	ssyncset.done $0x0  }
0x478: {  	p0 =	por $0x1, $0x1;
	s26 =	simm.s32 $0x0;
	[sflag:s22] =	ssyncadd.s32 $0xFFFFF800  }
.LBB2_43:
0x479: {  	s0 =	sshll.u32 s26, $0xB;
	s1 =	sshll.u32 s26, $0x7  }
0x47a: {  	s0 =	sand.u32 $0x3FFFF800, s0;
	s1 =	sand.u32 $0x3FFFFF80, s1  }
0x47b: {  	s16 =	sadd.s32 $0x15100, s0;
	s31 =	sadd.s32 $0xCC00, s1  }
0x47c: {  	[spmem:s7] =	stream.indirect.scatter.add.f32 [tilespmem:s16], [sflag:$0x2], $0x10, s31, s21, $0xb8;
	[tilespmem:$0x1D100] =	vst v63  }
0x47d: {  	p1 =	por p0, p0;
	s28 =	sadd.s32 $0x15900, s0;
	s29 =	sadd.s32 $0xCC80, s1  }
0x47e: {  	[spmem:s7] =	stream.indirect.scatter.add.f32 [tilespmem:s28], [sflag:$0x2], $0x10, s29, s21, $0xb8;
	[tilespmem:$0x1D100] =	vst v63  }
.Ltmp22:
0x47f: {  	s30 =	sadd.s32 $0x16100, s0;
	s31 =	sadd.s32 $0xCD00, s1;
	(pc) =	sbr.rel @p1 .LBB2_43-.Ltmp22, $4  }
0x480: {  	[spmem:s7] =	stream.indirect.scatter.add.f32 [tilespmem:s30], [sflag:$0x2], $0x10, s31, s21, $0xb8;
	[tilespmem:$0x1D100] =	vst v63  }
0x481: {  	s0 =	sadd.s32 $0x16900, s0;
	s1 =	sadd.s32 $0xCD80, s1  }
0x482: {  	[spmem:s7] =	stream.indirect.scatter.add.f32 [tilespmem:s0], [sflag:$0x2], $0x10, s1, s21, $0xb8;
	[tilespmem:$0x1D100] =	vst v63  }
0x483: {  	s26 =	simm.s32 $0x4;
	p0 =	por $0x0, $0x0;
	s0 =	simm.s32 $0x19100  }
.LBB2_44:
0x484: {  	p0 =	sne.s32 s25, $0x200  }
.Ltmp23:
0x485: {  	_ = 	snop;
	(pc) =	sbr.rel @p0 .LBB2_44-.Ltmp23, $4  }
0x486: {  	s1 =	sshra.s32 s25, $0x2  }
0x487: {  	s1 =	sadd.s32 $0xD000, s1  }
0x488: {  	[spmem:s7] =	stream.indirect.scatter.add.f32 [tilespmem:s0], [sflag:$0x2], $0x10, s1, s21, $0xb8;
	[tilespmem:$0x1D100] =	vst v63  }
0x489: {  	s25 =	sadd.s32 $0x200, s25;
	s0 =	sadd.s32 $0x800, s0  }
0x48a: {  	_ =	swait.ge [sflag:s23], $0x800  }
0x48b: {  	[sflag:s23] =	ssyncset.done $0x0  }
0x48c: {  	[sflag:s23] =	ssyncadd.s32 $0xFFFFF800  }
0x48d: {  	_ =	swait.ge [sflag:s23], $0x800  }
0x48e: {  	[sflag:s23] =	ssyncset.done $0x0  }
0x48f: {  	[sflag:s23] =	ssyncadd.s32 $0xFFFFF800  }
0x490: {  	_ =	swait.ge [sflag:s23], $0x800  }
0x491: {  	[sflag:s23] =	ssyncset.done $0x0  }
0x492: {  	[sflag:s23] =	ssyncadd.s32 $0xFFFFF800  }
0x493: {  	_ =	swait.ge [sflag:s23], $0x800  }
0x494: {  	[sflag:s23] =	ssyncset.done $0x0  }
0x495: {  	[sflag:s23] =	ssyncadd.s32 $0xFFFFF800  }
0x496: {  	_ =	swait.ge [sflag:s23], $0x800  }
0x497: {  	[sflag:s23] =	ssyncset.done $0x0  }
0x498: {  	[sflag:s23] =	ssyncadd.s32 $0xFFFFF800  }
0x499: {  	_ =	swait.ge [sflag:s23], $0x800  }
0x49a: {  	[sflag:s23] =	ssyncset.done $0x0  }
0x49b: {  	[sflag:s23] =	ssyncadd.s32 $0xFFFFF800  }
0x49c: {  	_ =	swait.ge [sflag:s23], $0x800  }
0x49d: {  	[sflag:s23] =	ssyncset.done $0x0  }
0x49e: {  	[sflag:s23] =	ssyncadd.s32 $0xFFFFF800  }
0x49f: {  	_ =	swait.ge [sflag:s23], $0x800  }
0x4a0: {  	[sflag:s23] =	ssyncset.done $0x0  }
0x4a1: {  	[sflag:s23] =	ssyncadd.s32 $0xFFFFF800  }
0x4a2: {  	_ =	swait.ge [sflag:s23], $0x800  }
0x4a3: {  	[sflag:s23] =	ssyncset.done $0x0  }
0x4a4: {  	[sflag:s23] =	ssyncadd.s32 $0xFFFFF800  }
0x4a5: {  	_ =	swait.ge [sflag:s23], $0x800  }
0x4a6: {  	[sflag:s23] =	ssyncset.done $0x0  }
0x4a7: {  	[sflag:s23] =	ssyncadd.s32 $0xFFFFF800  }
0x4a8: {  	_ =	swait.ge [sflag:s23], $0x800  }
0x4a9: {  	[sflag:s23] =	ssyncset.done $0x0  }
0x4aa: {  	[sflag:s23] =	ssyncadd.s32 $0xFFFFF800  }
0x4ab: {  	_ =	swait.ge [sflag:s23], $0x800  }
0x4ac: {  	[sflag:s23] =	ssyncset.done $0x0  }
0x4ad: {  	[sflag:s23] =	ssyncadd.s32 $0xFFFFF800  }
0x4ae: {  	_ =	swait.ge [sflag:s23], $0x800  }
0x4af: {  	[sflag:s23] =	ssyncset.done $0x0  }
0x4b0: {  	[sflag:s23] =	ssyncadd.s32 $0xFFFFF800  }
0x4b1: {  	_ =	swait.ge [sflag:s23], $0x800  }
0x4b2: {  	[sflag:s23] =	ssyncset.done $0x0  }
0x4b3: {  	[sflag:s23] =	ssyncadd.s32 $0xFFFFF800  }
0x4b4: {  	_ =	swait.ge [sflag:s23], $0x800  }
0x4b5: {  	[sflag:s23] =	ssyncset.done $0x0  }
0x4b6: {  	[sflag:s23] =	ssyncadd.s32 $0xFFFFF800  }
0x4b7: {  	_ =	swait.ge [sflag:s23], $0x800  }
0x4b8: {  	[sflag:s23] =	ssyncset.done $0x0  }
0x4b9: {  	[sflag:s23] =	ssyncadd.s32 $0xFFFFF800  }
0x4ba: {  	_ =	swait.ge [sflag:s23], $0x800  }
0x4bb: {  	[sflag:s23] =	ssyncset.done $0x0  }
0x4bc: {  	[sflag:s23] =	ssyncadd.s32 $0xFFFFF800  }
0x4bd: {  	_ =	swait.ge [sflag:s23], $0x800  }
0x4be: {  	[sflag:s23] =	ssyncset.done $0x0  }
0x4bf: {  	[sflag:s23] =	ssyncadd.s32 $0xFFFFF800  }
0x4c0: {  	_ =	swait.ge [sflag:s23], $0x800  }
0x4c1: {  	[sflag:s23] =	ssyncset.done $0x0  }
0x4c2: {  	[sflag:s23] =	ssyncadd.s32 $0xFFFFF800  }
0x4c3: {  	_ =	swait.ge [sflag:s23], $0x800  }
0x4c4: {  	[sflag:s23] =	ssyncset.done $0x0  }
0x4c5: {  	[sflag:s23] =	ssyncadd.s32 $0xFFFFF800  }
0x4c6: {  	_ =	swait.ge [sflag:s23], $0x800  }
0x4c7: {  	[sflag:s23] =	ssyncset.done $0x0  }
0x4c8: {  	[sflag:s23] =	ssyncadd.s32 $0xFFFFF800  }
0x4c9: {  	_ =	swait.ge [sflag:s23], $0x800  }
0x4ca: {  	[sflag:s23] =	ssyncset.done $0x0  }
0x4cb: {  	[sflag:s23] =	ssyncadd.s32 $0xFFFFF800  }
0x4cc: {  	_ =	swait.ge [sflag:s23], $0x800  }
0x4cd: {  	[sflag:s23] =	ssyncset.done $0x0  }
0x4ce: {  	[sflag:s23] =	ssyncadd.s32 $0xFFFFF800  }
0x4cf: {  	_ =	swait.ge [sflag:s23], $0x800  }
0x4d0: {  	[sflag:s23] =	ssyncset.done $0x0  }
0x4d1: {  	[sflag:s23] =	ssyncadd.s32 $0xFFFFF800  }
0x4d2: {  	_ =	swait.ge [sflag:s23], $0x800  }
0x4d3: {  	[sflag:s23] =	ssyncset.done $0x0  }
0x4d4: {  	[sflag:s23] =	ssyncadd.s32 $0xFFFFF800  }
0x4d5: {  	_ =	swait.ge [sflag:s23], $0x800  }
0x4d6: {  	[sflag:s23] =	ssyncset.done $0x0  }
0x4d7: {  	[sflag:s23] =	ssyncadd.s32 $0xFFFFF800  }
0x4d8: {  	s24 =	sadd.s32 $0x1, s24;
	[bflag:$0x0] =	sbarrier.arrive $0xFFFF  }
0x4d9: {  	[hbm:s12], [sflag:s6] =	dma.local [spmem:s15], $0x620  }
0x4da: {  	[hbm:s13], [sflag:s6] =	dma.local [spmem:s17], $0x620  }
0x4db: {  	p0 =	sne.s32 s24, s14;
	_ =	swait.ge [sflag:s20], $0x620  }
.Ltmp24:
0x4dc: {  	[sflag:s20] =	ssyncset.done $0x0;
	(pc) =	sbr.rel @p0 .LBB2_1-.Ltmp24, $4  }
0x4dd: {  	[sflag:s20] =	ssyncadd.s32 $0xFFFFF9E0  }
0x4de: {  	_ =	swait.ge [sflag:s20], $0x620  }
0x4df: {  	[sflag:s20] =	ssyncset.done $0x0  }
0x4e0: {  	[sflag:s20] =	ssyncadd.s32 $0xFFFFF9E0  }
0x4e1: {  	_ =	sfence.sel $0x180000  }
0x4e2: {  	[bflag:$0x0] =	sbarrier.arrive $0xFFFF  }
0x4e3: {  	_ =	strace $0x9000004D  }
0x4e4: {  	s0 =	stileid.u32;
	[bflag:$0x2] =	sbarrier.arrive $0xFFFF  }
0x4e5: {  	p0 =	sne.s32 s0, $0x0;
	s0 =	rddreg [dreg:$0x3]  }
0x4e6: {  	s0 =	sadd.s32 @!p0 $0x100000, s0  }
0x4e7: {  	[sflag:s0] =	ssyncadd.tile.s32 @!p0 $0x1;
	_ =	shalt  }
.Lfunc_end2:
_tile_overlayer_lowered:
.L_overlay_start_2:
0x4e8: {  	(tag) =	ssettag $0x2  }
0x4e9: {  	s0 =	rddreg [dreg:$0x0];
	s2 =	stileid.u32  }
0x4ea: {  	s1 =	rddreg [dreg:$0x1];
	p0 =	sne.s32 s2, $0x0  }
0x4eb: {  	s3 =	rddreg [dreg:$0x2];
	[bflag:$0x3] =	sbarrier.arrive $0xFFFF;
	s2 =	simm.s32 @!p0 $0x1C04  }
0x4ec: {  	[timem:s3], [sflag:s2] =	dma.local @!p0 [hbm:s0], s1  }
0x4ed: {  	s0 =	simm.s32 @!p0 $0x4  }
0x4ee: {  	_ =	swait.ge @!p0 [sflag:s0], s1  }
0x4ef: {  	s1 =	ssub.s32 @!p0 $0x0, s1;
	[sflag:s0] =	ssyncset.done @!p0 $0x0  }
0x4f0: {  	[sflag:s0] =	ssyncadd.s32 @!p0 s1  }
0x4f1: {  	[bflag:$0x3] =	sbarrier.arrive $0xFFFF  }
0x4f2: {  	_ =	shalt  }

// kernel: kernel.8.cloned.1.call-start
scs
__scs_entry_jumppad:
0x0: {  	(pc) =	sbr.rel $0x88, $3  }
0x1: {  	(tag) =	ssettag $0x0;
	lr =	simm.s32 $0x1  }
0x2: {  	[smem:$0x3F94] =	sst lr;
	_ =	strace $0xD0000000  }
0x3: {  	_ = 	snop  }
0x4: {  	_ = 	snop  }
0x5: {  	_ = 	snop  }
0x6: {  	_ = 	snop  }
0x7: {  	_ = 	snop  }
__scs_overlays_trampoline_lowered:
0x8: {  	[smem:$0x3FA3] =	sst s0  }
0x9: {  	[smem:$0x3FA4] =	sst s1  }
0xa: {  	[smem:$0x3FA5] =	sst s2  }
0xb: {  	[smem:$0x3FA6] =	sst s3  }
0xc: {  	[smem:$0x3FA7] =	sst s4  }
0xd: {  	[smem:$0x3FA8] =	sst s5  }
0xe: {  	[smem:$0x3FA9] =	sst s6  }
0xf: {  	[smem:$0x3FAA] =	sst s7  }
0x10: {  	[smem:$0x3FAB] =	sst s8  }
0x11: {  	[smem:$0x3FAC] =	sst s9;
	s0 =	simm.s32 @!p0 $0x0  }
0x12: {  	s1 =	sld [smem:$0x3F92];
	s0 =	simm.s32 @p0 $0x1  }
0x13: {  	[smem:$0x3FAD] =	sst s0;
	s0 =	simm.s32 @!p1 $0x0  }
0x14: {  	s2 =	sld [smem:$0x3F91];
	s0 =	simm.s32 @p1 $0x1  }
0x15: {  	[smem:$0x3FAE] =	sst s0;
	s0 =	simm.s32 @!p2 $0x0  }
0x16: {  	s3 =	sld [smem:$0x3FDB];
	s0 =	simm.s32 @p2 $0x1  }
0x17: {  	s4 =	simm.s32 $0x1BF5;
	[smem:$0x3FB0] =	sst s0  }
0x18: {  	s0 =	sld [smem:$0x3F93];
	_ =	swait.ge [sflag:s4], $0x0  }
0x19: {  	s7 =	sld [smem:$0x3F94]  }
0x1a: {  	s8 =	sadd.s32 $0xFFFFE003, lr  }
0x1b: {  	s9 =	sadd.s32 $0xFFFFFEF7, lr;
	s5 =	simm.s32 $0xFFFFFFFF;
	p2 =	slt.u32 s8, $0xFFFFF086  }
0x1c: {  	p1 =	slt.u32 s9, $0xF7A;
	s5 =	simm.s32 @!p2 $0x0  }
0x1d: {  	s5 =	simm.s32 @p1 $0x1;
	p0 =	seq.s32 s7, s2  }
0x1e: {  	s7 =	smul.u32 @!p0 $0xF7A, s2;
	p2 =	seq.s32 @!p0 s5, $0x0  }
0x1f: {  	s9 =	smul.u32 $0xF7A, s1;
	s8 =	simm.s32 @!p0 $0x1BF5;
	p2 =	por !p2, p0  }
0x20: {  	[sflag:s8] =	ssyncset.s32 @!p0 $0xFFFFF086;
	s6 =	sadd.s32 @!p0 s3, s7;
	s7 =	simm.s32 @!p0 $0x108  }
0x21: {  	s3 =	sadd.s32 s3, s9;
	s6 =	sadd.s32 @!p0 $0x88, s6;
	s7 =	simm.s32 @p2 $0x1082  }
0x22: {  	[simem:s7], [sflag:s8] =	dma.local @!p0 [hbm:s6], $0xF7A  }
0x23: {  	s9 =	sor.u32 $0xD0000000, s2;
	s6 =	simm.s32 $0x108;
	_ =	swait.ge @!p0 [sflag:s8], $0x0  }
0x24: {  	s3 =	sadd.s32 $0x88, s3;
	s6 =	simm.s32 @!p1 $0x1082;
	[sflag:s4] =	ssyncset.s32 $0xFFFFF086  }
0x25: {  	[simem:s6], [sflag:s4] =	dma.local [hbm:s3], $0xF7A  }
0x26: {  	[smem:$0x3F94] =	sst s1;
	(tag) =	ssettag s2;
	_ =	strace s9  }
0x27: {  	s1 =	sld [smem:$0x3FA4]  }
0x28: {  	s2 =	sld [smem:$0x3FA5]  }
0x29: {  	s4 =	sld [smem:$0x3FA7]  }
0x2a: {  	p0 =	seq.s32 s5, $0x0;
	s5 =	sld [smem:$0x3FA8]  }
0x2b: {  	s6 =	sld [smem:$0x3FA9]  }
0x2c: {  	s7 =	sld [smem:$0x3FAA]  }
0x2d: {  	s3 =	simm.s32 $0x108;
	s8 =	sld [smem:$0x3FAB]  }
0x2e: {  	s3 =	simm.s32 @!p0 $0x1082;
	s9 =	sld [smem:$0x3FAC]  }
0x2f: {  	lr =	sadd.s32 s0, s3;
	s0 =	sld [smem:$0x3FA3]  }
0x30: {  	s3 =	sld [smem:$0x3FA6]  }
0x31: {  	[smem:$0x3FAF] =	sst s10  }
0x32: {  	s10 =	sld [smem:$0x3FAD];
	_ =	sdelay $0x3  }
0x33: {  	p0 =	seq.s32 s10, $0x1;
	s10 =	sld [smem:$0x3FAF];
	_ =	sdelay $0x3  }
0x34: {  	[smem:$0x3FAF] =	sst s10  }
0x35: {  	s10 =	sld [smem:$0x3FAE];
	_ =	sdelay $0x3  }
0x36: {  	p1 =	seq.s32 s10, $0x1;
	s10 =	sld [smem:$0x3FAF];
	_ =	sdelay $0x3  }
0x37: {  	[smem:$0x3FAF] =	sst s10  }
0x38: {  	s10 =	sld [smem:$0x3FB0]  }
0x39: {  	_ = 	snop;
	(pc) =	sbr.ind lr, $3  }
0x3a: {  	_ = 	snop  }
0x3b: {  	_ = 	snop  }
0x3c: {  	p2 =	seq.s32 s10, $0x1;
	s10 =	sld [smem:$0x3FAF]  }
0x3d: {  	_ =	shalt  }
0x3e: {  	_ =	shalt  }
0x3f: {  	_ =	shalt  }
0x40: {  	_ =	shalt  }
0x41: {  	_ =	shalt  }
0x42: {  	_ =	shalt  }
0x43: {  	_ =	shalt  }
0x44: {  	_ =	shalt  }
0x45: {  	_ =	shalt  }
0x46: {  	_ =	shalt  }
0x47: {  	_ =	shalt  }
0x48: {  	_ =	shalt  }
0x49: {  	_ =	shalt  }
0x4a: {  	_ =	shalt  }
0x4b: {  	_ =	shalt  }
0x4c: {  	_ =	shalt  }
0x4d: {  	_ =	shalt  }
0x4e: {  	_ =	shalt  }
0x4f: {  	_ =	shalt  }
0x50: {  	_ =	shalt  }
0x51: {  	_ =	shalt  }
0x52: {  	_ =	shalt  }
0x53: {  	_ =	shalt  }
0x54: {  	_ =	shalt  }
0x55: {  	_ =	shalt  }
0x56: {  	_ =	shalt  }
0x57: {  	_ =	shalt  }
0x58: {  	_ =	shalt  }
0x59: {  	_ =	shalt  }
0x5a: {  	_ =	shalt  }
0x5b: {  	_ =	shalt  }
0x5c: {  	_ =	shalt  }
0x5d: {  	_ =	shalt  }
0x5e: {  	_ =	shalt  }
0x5f: {  	_ =	shalt  }
0x60: {  	_ =	shalt  }
0x61: {  	_ =	shalt  }
0x62: {  	_ =	shalt  }
0x63: {  	_ =	shalt  }
0x64: {  	_ =	shalt  }
0x65: {  	_ =	shalt  }
0x66: {  	_ =	shalt  }
0x67: {  	_ =	shalt  }
0x68: {  	_ =	shalt  }
0x69: {  	_ =	shalt  }
0x6a: {  	_ =	shalt  }
0x6b: {  	_ =	shalt  }
0x6c: {  	_ =	shalt  }
0x6d: {  	_ =	shalt  }
0x6e: {  	_ =	shalt  }
0x6f: {  	_ =	shalt  }
0x70: {  	_ =	shalt  }
0x71: {  	_ =	shalt  }
0x72: {  	_ =	shalt  }
0x73: {  	_ =	shalt  }
0x74: {  	_ =	shalt  }
0x75: {  	_ =	shalt  }
0x76: {  	_ =	shalt  }
0x77: {  	_ =	shalt  }
0x78: {  	_ =	shalt  }
0x79: {  	_ =	shalt  }
0x7a: {  	_ =	shalt  }
0x7b: {  	_ =	shalt  }
0x7c: {  	_ =	shalt  }
0x7d: {  	_ =	shalt  }
0x7e: {  	_ =	shalt  }
0x7f: {  	_ =	shalt  }
0x80: {  	_ =	shalt  }
0x81: {  	_ =	shalt  }
0x82: {  	_ =	shalt  }
0x83: {  	_ =	shalt  }
0x84: {  	_ =	shalt  }
0x85: {  	_ =	shalt  }
0x86: {  	_ =	shalt  }
0x87: {  	_ =	shalt  }
.Lfunc_end0:
.L_simem_size_0:
called_computation_lowered:
.L_overlay_start_0:
0x88: {  	s2 =	sld [smem:$0x3FD9]  }
0x89: {  	s3 =	sld [smem:$0x3FFE];
	_ =	sdelay $0x1  }
0x8a: {  	s1 =	srdreg.scid  }
0x8b: {  	s0 =	sand.u32 $0x1, s1  }
0x8c: {  	s17 =	sshll.u32 s0, $0xA;
	s2 =	sadd.s32 s3, s2  }
0x8d: {  	s2 =	sadd.s32 s2, s17  }
0x8e: {  	[smem:$0x3FBB] =	sst s2  }
0x8f: {  	_ = 	snop  }
0x90: {  	s2 =	sld [smem:$0x3FD0];
	(tm) =	ssettm $0x1  }
0x91: {  	s18 =	sld [smem:$0x3FFB];
	_ =	sdelay $0x3  }
0x92: {  	_ =	strace s18  }
0x93: {  	s3 =	sld [smem:$0x3FFC];
	_ =	sdelay $0x3  }
0x94: {  	_ =	strace s3  }
0x95: {  	s3 =	sld [smem:$0x3FFD];
	_ =	sdelay $0x3  }
0x96: {  	_ =	strace s3  }
0x97: {  	_ =	strace $0x8FFFFFFF  }
0x98: {  	s19 =	sld [smem:$0x3FDB];
	_ =	sdelay $0x1  }
0x99: {  	s4 =	simm.s32 $_scs_section_size  }
0x9a: {  	s5 =	simm.s32 $_size__tile_overlayer_lowered;
	s6 =	simm.s32 $_tile_overlayer_lowered  }
0x9b: {  	s22 =	simm.s32 $0x1BFF;
	s21 =	sshll.u32 s6, $0x1;
	s3 =	sadd.s32 s4, s19  }
0x9c: {  	s7 =	simm.s32 $0x0;
	s20 =	sshll.u32 s5, $0x1;
	s5 =	sadd.s32 s21, s3  }
0x9d: {  	[timem:s7], [sflag:s22] =	dma.local [hbm:s5], s20  }
0x9e: {  	_ =	swait.ge [sflag:s22], s20  }
0x9f: {  	s4 =	ssub.s32 $0x0, s20;
	[sflag:s22] =	ssyncset.done $0x0  }
0xa0: {  	[sflag:s22] =	ssyncadd.s32 s4;
	_ =	sdelay $0x1  }
0xa1: {  	s23 =	simm.s32 $0x1B8B  }
0xa2: {  	_ =	swait.ge [sflag:s23], $0x1  }
0xa3: {  	[sflag:s23] =	ssyncset.done $0x0  }
0xa4: {  	s25 =	simm.s32 $0x1B8E;
	s24 =	sld [smem:$0x3FFE];
	[sflag:s23] =	ssyncadd.s32 $0xFFFFFFFF  }
0xa5: {  	s26 =	simm.s32 $execute0_lowered;
	[smem:$0x3FD2] =	sst s25  }
0xa6: {  	s5 =	sshll.u32 s26, $0x1;
	_ =	strace $0x80000046;
	[dreg:$0x1] =	wrdreg $0xFFFFFFFF  }
0xa7: {  	s28 =	simm.s32 $_size_execute0_lowered;
	s3 =	sadd.s32 s3, s5;
	[dreg:$0x0] =	wrdreg $0x0  }
0xa8: {  	s5 =	sshll.u32 s28, $0x1;
	[dreg:$0x2] =	wrdreg s3  }
0xa9: {  	[dreg:$0x3] =	wrdreg s5  }
0xaa: {  	[dreg:$0x4] =	wrdreg $0xC0  }
0xab: {  	_ =	task [dreg:s7], $0x5FFFF  }
0xac: {  	[dreg:$0x1] =	wrdreg $0xFFFFFFFF  }
0xad: {  	[dreg:$0x0] =	wrdreg $0x60  }
0xae: {  	[dreg:$0x2] =	wrdreg s24  }
0xaf: {  	[dreg:$0x3] =	wrdreg s2  }
0xb0: {  	[dreg:$0x4] =	wrdreg $0x0  }
0xb1: {  	[dreg:$0x5] =	wrdreg $0x9  }
0xb2: {  	_ =	task.clear_ibuf [dreg:s7], $0x6FFFF;
	_ =	strace $0x90000046  }
0xb3: {  	s29 =	simm.s32 $0x9;
	_ =	strace $0x80000048  }
0xb4: {  	_ =	swait.ge [sflag:s29], $0x1  }
0xb5: {  	[sflag:s29] =	ssyncadd.s32 $0xFFFFFFFF  }
0xb6: {  	_ =	strace $0x90000048  }
0xb7: {  	_ =	sfence  }
0xb8: {  	s30 =	sld [smem:$0x0];
	_ =	sdelay $0x2  }
0xb9: {  	s31 =	sshll.u32 s1, $0xD;
	s1 =	sshrl.u32 s1, $0x2  }
0xba: {  	s3 =	sand.u32 $0x4000, s31;
	s1 =	sadd.s32 s1, s30  }
0xbb: {  	s0 =	sor.u32 s3, s0;
	s1 =	sshll.u32 s1, $0x11  }
0xbc: {  	s0 =	sor.u32 s1, s0  }
0xbd: {  	s0 =	sadd.s32 $0x8F2B, s0  }
0xbe: {  	[sflag:s0] =	ssyncadd.remote.s32 $0x1  }
0xbf: {  	_ =	sfence.sel $0xFFFF  }
0xc0: {  	[dreg:$0x0] =	wrdreg $0xFFFFFFFF;
	(pc) =	sbr.abs _section_cstart, $3  }
0xc1: {  	[dreg:$0x1] =	wrdreg $0xFFFFFFFF  }
0xc2: {  	_ =	task.clear_ibuf [dreg:s7], $0x2FFFF;
	_ =	strace $0x9FFFFFFF  }
0xc3: {  	(tm) =	ssettm $0x7FFFFFFF  }
tec
execute0_lowered:
.L_overlay_start_1:
0x0: {  	(tag) =	ssettag $0x1  }
0x1: {  	s5 =	rddreg [dreg:$0x0]  }
0x2: {  	s10 =	rddreg [dreg:$0x1]  }
0x3: {  	s2 =	rddreg [dreg:$0x2]  }
0x4: {  	s0 =	rddreg [dreg:$0x3]  }
0x5: {  	s3 =	simm.s32 $0x0;
	s1 =	stileid.u32;
	s7 =	srdreg.scid  }
0x6: {  	s15 =	simm.s32 $0x5600;
	s16 =	simm.s32 $0x80;
	s4 =	smul.u32 $0x4A0, s1  }
0x7: {  	s17 =	simm.s32 $0x1;
	s18 =	simm.s32 $0x0;
	s6 =	smul.u32 $0x3100, s1  }
0x8: {  	[smem:$0x7FF] =	sst s3;
	s7 =	sand.u32 $0x1, s7;
	s12 =	smul.u32 $0x620, s1  }
0x9: {  	s31 =	sshll.u32 s1, $0x6;
	_ =	strace $0x80000047;
	s30 =	smul.u32 $0x4A00, s7  }
0xa: {  	s11 =	ssub.s32 $0x2, s7;
	s14 =	smul.u32 $0x6200, s7;
	s8 =	sadd.s32 s4, s5  }
0xb: {  	s4 =	sadd.s32 $0xC200, s5;
	s9 =	sshrl.u32 s6, $0x3;
	s29 =	sshrl.u32 s11, $0x1  }
0xc: {  	s13 =	sadd.s32 s6, s2;
	s6 =	sor.u32 $0x1C02, s31;
	s5 =	sadd.s32 s9, s5  }
0xd: {  	s11 =	ssub.s32 s11, s29;
	s7 =	sadd.s32 $0x1600, s8;
	s9 =	sshrl.u32 s30, $0x2  }
0xe: {  	s12 =	sadd.s32 s12, s14;
	s14 =	simm.s32 $0x3100;
	s5 =	sadd.s32 $0x6000, s5  }
0xf: {  	s8 =	sadd.s32 $0x3100, s9;
	s9 =	sadd.s32 $0x4300, s9;
	s10 =	sadd.s32 s10, s12  }
0x10: {  	s11 =	smax.u32 s11, $0x1;
	s12 =	sshrl.u32 s13, $0x3;
	s13 =	simm.s32 $0x2  }
.LBB2_1:
0x11: {  	[spmem:s12], [sflag:s6] =	dma.local [hbm:s5], $0x620  }
0x12: {  	_ =	swait.ge [sflag:s13], $0x620  }
0x13: {  	[sflag:s13] =	ssyncset.done $0x0  }
0x14: {  	[sflag:s13] =	ssyncadd.s32 $0xFFFFF9E0  }
0x15: {  	[tilespmem:s14], [sflag:$0x2] =	stream.linear.gather [hbm4b:s7+s3], $0x2500, $0x38;
	[tilespmem:$0x5E00] =	vst v63  }
0x16: {  	_ =	swait.ge [sflag:s13], $0x2500  }
0x17: {  	[sflag:s13] =	ssyncset.done $0x0  }
0x18: {  	[sflag:s13] =	ssyncadd.s32 $0xFFFFDB00  }
0x19: {  	[tilespmem:s15], [sflag:$0x2] =	stream.linear.gather [hbm4b:s4+s3], $0x800, $0x38;
	[tilespmem:$0x5E00] =	vst v63  }
0x1a: {  	_ =	swait.ge [sflag:s13], $0x800  }
0x1b: {  	[sflag:s13] =	ssyncset.done $0x0  }
0x1c: {  	[sflag:s13] =	ssyncadd.s32 $0xFFFFF800  }
0x1d: {  	[bflag:$0x0] =	sbarrier.arrive $0xFFFF  }
0x1e: {  	[spmem:s2] =	stream.indirect.scatter.add.f32 [tilespmem:s15], [sflag:$0x1], $0x10, s8, s16, $0xb8;
	[tilespmem:$0x5E00] =	vst v63  }
0x1f: {  	s19 =	sadd.s32 $0x80, s8;
	s31 =	sadd.s32 $0x100, s8  }
0x20: {  	[spmem:s2] =	stream.indirect.scatter.add.f32 [tilespmem:s15], [sflag:$0x1], $0x10, s19, s16, $0xb8;
	[tilespmem:$0x5E00] =	vst v63  }
0x21: {  	s21 =	sadd.s32 $0x180, s8;
	s20 =	sadd.s32 $0x200, s8;
	s19 =	simm.s32 $0x0  }
0x22: {  	[spmem:s2] =	stream.indirect.scatter.add.f32 [tilespmem:s15], [sflag:$0x1], $0x10, s31, s16, $0xb8;
	[tilespmem:$0x5E00] =	vst v63  }
.LBB2_2:
0x23: {  	[spmem:s2] =	stream.indirect.scatter.add.f32 [tilespmem:s15], [sflag:$0x1], $0x10, s21, s16, $0xb8;
	[tilespmem:$0x5E00] =	vst v63  }
0x24: {  	s19 =	sadd.s32 $0x4, s19  }
0x25: {  	p0 =	slt.u32 s19, $0x20  }
0x26: {  	[spmem:s2] =	stream.indirect.scatter.add.f32 [tilespmem:s15], [sflag:$0x1], $0x10, s20, s16, $0xb8;
	[tilespmem:$0x5E00] =	vst v63  }
.Ltmp0:
0x27: {  	s21 =	sadd.s32 $0x80, s20;
	(pc) =	sbr.rel @p0 .LBB2_2-.Ltmp0, $4  }
0x28: {  	[spmem:s2] =	stream.indirect.scatter.add.f32 [tilespmem:s15], [sflag:$0x1], $0x10, s21, s16, $0xb8;
	[tilespmem:$0x5E00] =	vst v63  }
0x29: {  	s21 =	sadd.s32 $0x100, s20  }
0x2a: {  	[spmem:s2] =	stream.indirect.scatter.add.f32 [tilespmem:s15], [sflag:$0x1], $0x10, s21, s16, $0xb8;
	[tilespmem:$0x5E00] =	vst v63  }
0x2b: {  	s21 =	sadd.s32 $0x180, s20;
	s20 =	sadd.s32 $0x200, s20  }
0x2c: {  	[spmem:s2] =	stream.indirect.scatter.add.f32 [tilespmem:s15], [sflag:$0x1], $0x10, s21, s16, $0xb8;
	[tilespmem:$0x5E00] =	vst v63  }
0x2d: {  	_ = 	snop  }
0x2e: {  	[spmem:s2] =	stream.indirect.scatter.add.f32 [tilespmem:s15], [sflag:$0x1], $0x10, s9, s16, $0xb8;
	[tilespmem:$0x5E00] =	vst v63  }
0x2f: {  	_ =	swait.ge [sflag:s17], $0x800  }
0x30: {  	s19 =	simm.s32 $0x24;
	[sflag:s17] =	ssyncset.done $0x0  }
.LBB2_4:
0x31: {  	p0 =	sne.s32 s19, $0x1;
	s19 =	sadd.s32 $0xFFFFFFFF, s19;
	[sflag:s17] =	ssyncadd.s32 $0xFFFFF800  }
.Ltmp1:
0x32: {  	(pc) =	sbr.rel @p0 .LBB2_4-.Ltmp1, $3  }
0x33: {  	_ =	sdelay $0x1  }
0x34: {  	_ =	swait.ge [sflag:s17], $0x800  }
0x35: {  	[sflag:s17] =	ssyncset.done $0x0  }
0x36: {  	s18 =	sadd.s32 $0x1, s18  }
0x37: {  	[sflag:s17] =	ssyncadd.s32 $0xFFFFF800;
	p0 =	sne.s32 s18, s11  }
.Ltmp2:
0x38: {  	[bflag:$0x0] =	sbarrier.arrive $0xFFFF;
	(pc) =	sbr.rel @p0 .LBB2_1-.Ltmp2, $4  }
0x39: {  	[hbm:s10], [sflag:s6] =	dma.local [spmem:s12], $0x620  }
0x3a: {  	_ =	swait.ge [sflag:s13], $0x620  }
0x3b: {  	[sflag:s13] =	ssyncset.done $0x0  }
0x3c: {  	[sflag:s13] =	ssyncadd.s32 $0xFFFFF9E0  }
0x3d: {  	_ =	sfence.sel $0x180000  }
0x3e: {  	[bflag:$0x0] =	sbarrier.arrive $0xFFFF  }
0x3f: {  	p0 =	sne.s32 s1, $0x0;
	_ =	strace $0x90000047  }
0x40: {  	s0 =	sadd.s32 @!p0 $0x100000, s0;
	[bflag:$0x2] =	sbarrier.arrive $0xFFFF  }
0x41: {  	[sflag:s0] =	ssyncadd.tile.s32 @!p0 $0x1;
	_ =	shalt  }
.Lfunc_end2:
_tile_overlayer_lowered:
.L_overlay_start_2:
0x42: {  	(tag) =	ssettag $0x2  }
0x43: {  	s0 =	rddreg [dreg:$0x0];
	s2 =	stileid.u32  }
0x44: {  	s1 =	rddreg [dreg:$0x1];
	p0 =	sne.s32 s2, $0x0  }
0x45: {  	s3 =	rddreg [dreg:$0x2];
	[bflag:$0x3] =	sbarrier.arrive $0xFFFF;
	s2 =	simm.s32 @!p0 $0x1C02  }
0x46: {  	[timem:s3], [sflag:s2] =	dma.local @!p0 [hbm:s0], s1  }
0x47: {  	s0 =	simm.s32 @!p0 $0x2  }
0x48: {  	_ =	swait.ge @!p0 [sflag:s0], s1  }
0x49: {  	s1 =	ssub.s32 @!p0 $0x0, s1;
	[sflag:s0] =	ssyncset.done @!p0 $0x0  }
0x4a: {  	[sflag:s0] =	ssyncadd.s32 @!p0 s1  }
0x4b: {  	[bflag:$0x3] =	sbarrier.arrive $0xFFFF  }
0x4c: {  	_ =	shalt  }

</sc_bundles>
